<compile_context>
chip_gen: v7x
topology: tpu7x:2x2x1
jax: 0.10.2.dev20260603
libtpu: 0.0.44.dev20260713+nightly
codegen_flags: <defaults>
</compile_context>

<pallas_src>
import functools

import jax
import jax.numpy as jnp
from jax import lax
from jax.experimental import pallas as pl
from jax.experimental.pallas import tpu as pltpu
from jax.experimental.pallas import tpu_sc as plsc

VOCAB = 1000000
DIM = 64
N_SAMP = 16384
N_TOK = 50
B_TOTAL = N_SAMP * N_TOK
NC, NS = 2, 16
NW = NC * NS
B_PER_W = B_TOTAL // NW
S_PER_W = N_SAMP // NW
S_CHUNK = 16
CHUNK = S_CHUNK * N_TOK
G_SIZES = (128, 128, 128, 128, 128, 128, 32)
N_CHUNKS = S_PER_W // S_CHUNK
NBUF = 2

_mesh = plsc.VectorSubcoreMesh(core_axis_name="c", subcore_axis_name="s")


@functools.partial(
    pl.kernel,
    mesh=_mesh,
    compiler_params=pltpu.CompilerParams(use_tc_tiling_on_sc=False),
    out_type=jax.ShapeDtypeStruct((N_SAMP, 56, 128), jnp.float32),
    scratch_types=[
        pltpu.VMEM((B_PER_W,), jnp.int32),
        pltpu.VMEM((NBUF, CHUNK, DIM), jnp.float32),
        pltpu.SemaphoreType.DMA,
        pltpu.SemaphoreType.DMA,
        pltpu.SemaphoreType.DMA,
    ],
)
def _gather(idx_hbm, table_hbm, out_hbm, idx_v, rows_v, sem_g, sem_w0,
            sem_w1):
    wid = lax.axis_index("s") * NC + lax.axis_index("c")
    s_base = wid * S_PER_W
    sem_w = (sem_w0, sem_w1)

    k0 = pl.multiple_of(wid * B_PER_W, 8)
    pltpu.sync_copy(idx_hbm.at[pl.ds(k0, B_PER_W)], idx_v)

    def wb_copies(g, b):
        s0 = s_base + g * S_CHUNK
        return [
            pltpu.make_async_copy(
                rows_v.at[b, pl.ds(i * N_TOK, N_TOK)],
                out_hbm.at[s0 + i, pl.ds(0, N_TOK), pl.ds(0, DIM)],
                sem_w[b],
            )
            for i in range(S_CHUNK)
        ]

    def step(g, b):
        buf = rows_v.at[b]

        @pl.when(g >= NBUF)
        def _():
            for c in wb_copies(g - NBUF, b):
                c.wait()

        off = 0
        copies = []
        for n in G_SIZES:
            copies.append(
                pltpu.async_copy(
                    table_hbm.at[idx_v.at[pl.ds(g * CHUNK + off, n)]],
                    buf.at[pl.ds(off, n)],
                    sem_g,
                )
            )
            off += n
        for c in copies:
            c.wait()

        for c in wb_copies(g, b):
            c.start()

    def body(i, _):
        go = i * NBUF
        for b in range(NBUF):
            step(go + b, b)
        return ()

    lax.fori_loop(0, N_CHUNKS // NBUF, body, (), unroll=False)

    for b in range(NBUF):
        for c in wb_copies(N_CHUNKS - NBUF + b, b):
            c.wait()


def kernel(x, embedding):
    idx = x.reshape(B_TOTAL).astype(jnp.int32)
    out = _gather(idx, embedding)
    return out[:, :N_TOK, :DIM]

# --- scband reference (transcript-rebuilt; emitter-appended) ---
"""Pipeline reference for scband-embedding-layer-7103875908171 (READ-ONLY COPY).

The authoritative reference and input builder live on the scoring server;
editing this copy changes nothing except your own understanding.
"""

import jax, jax.numpy as jnp
import numpy as np
import math

VOCAB = 1000000
DIM = 64

def setup_inputs(seed: int = 0) -> dict:
    key = jax.random.key(seed)
    k_idx, k_emb = jax.random.split(key)
    x = jax.random.randint(k_idx, (16384, 50), 0, VOCAB, dtype=jnp.int64 if jax.config.jax_enable_x64 else jnp.int32)
    # kaiming_uniform_ with a=sqrt(5): bound = sqrt(6 / ((1 + a^2) * fan_in)) = sqrt(6/(6*fan_in)) = 1/sqrt(fan_in)
    fan_in = DIM
    bound = 1.0 / math.sqrt(fan_in)
    embedding = jax.random.uniform(k_emb, (VOCAB, DIM), dtype=jnp.float32, minval=-bound, maxval=bound)
    return {"x": x, "embedding": embedding}

def reference(x, embedding):
    # EmbeddingLayer.forward: self.embedding[x]
    return jnp.take(embedding, x, axis=0)

if __name__ == "__main__":
    import jax
    _d = setup_inputs()
    print(jax.jit(kernel)(*tuple(_d.values())))

</pallas_src>

<mosaic_0001>
#map = affine_map<(d0, d1) -> (0)>
#map1 = affine_map<(d0, d1) -> (0, 0)>
#map2 = affine_map<(d0, d1) -> (0, 0, 0)>
module attributes {stable_mosaic.version = 14 : i64} {
  func.func @_gather(%arg0: i32, %arg1: i32, %arg2: memref<819200xi32, #tpu.memory_space<hbm>>, %arg3: memref<1000000x64xf32, #tpu.memory_space<hbm>>, %arg4: memref<16384x56x128xf32, #tpu.memory_space<hbm>>, %arg5: memref<25600xi32, #tpu.memory_space<vmem>>, %arg6: memref<2x800x64xf32, #tpu.memory_space<vmem>>, %arg7: memref<!tpu.dma_semaphore, #tpu.memory_space<semaphore_mem>>, %arg8: memref<!tpu.dma_semaphore, #tpu.memory_space<semaphore_mem>>, %arg9: memref<!tpu.dma_semaphore, #tpu.memory_space<semaphore_mem>>) attributes {dimension_semantics = [#tpu.dimension_semantics<core_parallel>, #tpu.dimension_semantics<subcore_parallel>], iteration_bounds = array<i64: 2, 16>, scalar_prefetch = 0 : i64, scratch_operands = 5 : i64, tpu.core_type = #tpu.core_type<sc_vector_subcore>, window_params = [{transform_indices = #map}, {transform_indices = #map1}, {transform_indices = #map2}]} {
    %mul3A = arith.constant 2 : i32
    %mul3A_0 = arith.muli %arg1, %mul3A : i32
    %add3A = arith.addi %mul3A_0, %arg0 : i32
    %mul3A_1 = arith.constant 512 : i32
    %mul3A_2 = arith.muli %add3A, %mul3A_1 : i32
    %mul3A_3 = arith.constant 25600 : i32
    %mul3A_4 = arith.muli %add3A, %mul3A_3 : i32
    %multiple_of3A = tpu.assume_multiple %mul3A_4, 8 : i32
    "tpu.region"() ({
      %run_scoped3A = tpu.sem_alloc : memref<!tpu.dma_semaphore, #tpu.memory_space<semaphore_mem>>
      %dma_start3A = tpu.memref_slice %arg2[%multiple_of3A] : memref<819200xi32, #tpu.memory_space<hbm>> -> memref<25600xi32, #tpu.memory_space<hbm>>
      %dma_start3A_620 = tpu.memref_slice %arg2[%multiple_of3A] : memref<819200xi32, #tpu.memory_space<hbm>> -> memref<25600xi32, #tpu.memory_space<hbm>>
      tpu.enqueue_dma source(%dma_start3A_620 : memref<25600xi32, #tpu.memory_space<hbm>>) target(%arg5 : memref<25600xi32, #tpu.memory_space<vmem>>) target_semaphore(%run_scoped3A : memref<!tpu.dma_semaphore, #tpu.memory_space<semaphore_mem>>)
      %dma_wait3A_621 = tpu.memref_slice %arg2[%multiple_of3A] : memref<819200xi32, #tpu.memory_space<hbm>> -> memref<25600xi32, #tpu.memory_space<hbm>>
      %dma_wait3A_622 = tpu.memref_slice %arg2[%multiple_of3A] : memref<819200xi32, #tpu.memory_space<hbm>> -> memref<25600xi32, #tpu.memory_space<hbm>>
      tpu.wait_dma2 semaphore(%run_scoped3A : memref<!tpu.dma_semaphore, #tpu.memory_space<semaphore_mem>>) src(%dma_wait3A_622 : memref<25600xi32, #tpu.memory_space<hbm>>) dst(%arg5 : memref<25600xi32, #tpu.memory_space<vmem>>)
      tpu.yield
    }) : () -> ()
    %scan3A = arith.constant 0 : i32
    %scan3A_5 = arith.constant 16 : i32
    %scan3A_6 = arith.addi %scan3A, %scan3A_5 : i32
    %scan3A_7 = arith.constant 1 : i32
    scf.for %scan3A_620 = %scan3A to %scan3A_6 step %scan3A_7  : i32 {
      %mul3A_621 = arith.constant 2 : i32
      %mul3A_622 = arith.muli %scan3A_620, %mul3A_621 : i32
      %add3A_623 = arith.constant 0 : i32
      %add3A_624 = arith.addi %mul3A_622, %add3A_623 : i32
      %ge3A = arith.constant 2 : i32
      %ge3A_625 = arith.cmpi sge, %add3A_624, %ge3A : i32
      %convert_element_type3A = arith.extui %ge3A_625 : i1 to i32
      %cond3A = arith.constant 0 : i32
      %cond3A_626 = arith.cmpi ne, %convert_element_type3A, %cond3A : i32
      scf.if %cond3A_626 {
        %sub3A = arith.constant 2 : i32
        %sub3A_1639 = arith.subi %add3A_624, %sub3A : i32
        %mul3A_1640 = arith.constant 16 : i32
        %mul3A_1641 = arith.muli %sub3A_1639, %mul3A_1640 : i32
        %add3A_1642 = arith.addi %mul3A_2, %mul3A_1641 : i32
        %add3A_1643 = arith.constant 0 : i32
        %add3A_1644 = arith.addi %add3A_1642, %add3A_1643 : i32
        %add3A_1645 = arith.constant 1 : i32
        %add3A_1646 = arith.addi %add3A_1642, %add3A_1645 : i32
        %add3A_1647 = arith.constant 2 : i32
        %add3A_1648 = arith.addi %add3A_1642, %add3A_1647 : i32
        %add3A_1649 = arith.constant 3 : i32
        %add3A_1650 = arith.addi %add3A_1642, %add3A_1649 : i32
        %add3A_1651 = arith.constant 4 : i32
        %add3A_1652 = arith.addi %add3A_1642, %add3A_1651 : i32
        %add3A_1653 = arith.constant 5 : i32
        %add3A_1654 = arith.addi %add3A_1642, %add3A_1653 : i32
        %add3A_1655 = arith.constant 6 : i32
        %add3A_1656 = arith.addi %add3A_1642, %add3A_1655 : i32
        %add3A_1657 = arith.constant 7 : i32
        %add3A_1658 = arith.addi %add3A_1642, %add3A_1657 : i32
        %add3A_1659 = arith.constant 8 : i32
        %add3A_1660 = arith.addi %add3A_1642, %add3A_1659 : i32
        %add3A_1661 = arith.constant 9 : i32
        %add3A_1662 = arith.addi %add3A_1642, %add3A_1661 : i32
        %add3A_1663 = arith.constant 10 : i32
        %add3A_1664 = arith.addi %add3A_1642, %add3A_1663 : i32
        %add3A_1665 = arith.constant 11 : i32
        %add3A_1666 = arith.addi %add3A_1642, %add3A_1665 : i32
        %add3A_1667 = arith.constant 12 : i32
        %add3A_1668 = arith.addi %add3A_1642, %add3A_1667 : i32
        %add3A_1669 = arith.constant 13 : i32
        %add3A_1670 = arith.addi %add3A_1642, %add3A_1669 : i32
        %add3A_1671 = arith.constant 14 : i32
        %add3A_1672 = arith.addi %add3A_1642, %add3A_1671 : i32
        %add3A_1673 = arith.constant 15 : i32
        %add3A_1674 = arith.addi %add3A_1642, %add3A_1673 : i32
        %dma_wait3A_1675 = arith.constant 0 : i32
        %dma_wait3A_1676 = arith.constant 0 : i32
        %dma_wait3A_1677 = arith.constant 0 : i32
        %dma_wait3A_1678 = tpu.memref_slice %arg6[%dma_wait3A_1675, %dma_wait3A_1676, %dma_wait3A_1677] : memref<2x800x64xf32, #tpu.memory_space<vmem>> -> memref<1x50x64xf32, #tpu.memory_space<vmem>>
        %dma_wait3A_1679 = tpu.memref_squeeze %dma_wait3A_1678 : memref<1x50x64xf32, #tpu.memory_space<vmem>> -> memref<50x64xf32, #tpu.memory_space<vmem>>
        %dma_wait3A_1680 = arith.constant 0 : i32
        %dma_wait3A_1681 = arith.constant 0 : i32
        %dma_wait3A_1682 = tpu.memref_slice %arg4[%add3A_1644, %dma_wait3A_1680, %dma_wait3A_1681] : memref<16384x56x128xf32, #tpu.memory_space<hbm>> -> memref<1x50x64xf32, #tpu.memory_space<hbm>>
        %dma_wait3A_1683 = tpu.memref_squeeze %dma_wait3A_1682 : memref<1x50x64xf32, #tpu.memory_space<hbm>> -> memref<50x64xf32, #tpu.memory_space<hbm>>
        %dma_wait3A_1684 = arith.constant 0 : i32
        %dma_wait3A_1685 = arith.constant 0 : i32
        %dma_wait3A_1686 = tpu.memref_slice %arg4[%add3A_1644, %dma_wait3A_1684, %dma_wait3A_1685] : memref<16384x56x128xf32, #tpu.memory_space<hbm>> -> memref<1x50x64xf32, #tpu.memory_space<hbm>>
        %dma_wait3A_1687 = tpu.memref_squeeze %dma_wait3A_1686 : memref<1x50x64xf32, #tpu.memory_space<hbm>> -> memref<50x64xf32, #tpu.memory_space<hbm>>
        %dma_wait3A_1688 = arith.constant 0 : i32
        %dma_wait3A_1689 = arith.constant 0 : i32
        %dma_wait3A_1690 = tpu.memref_slice %arg6[%dma_wait3A_1675, %dma_wait3A_1688, %dma_wait3A_1689] : memref<2x800x64xf32, #tpu.memory_space<vmem>> -> memref<1x50x64xf32, #tpu.memory_space<vmem>>
        %dma_wait3A_1691 = tpu.memref_squeeze %dma_wait3A_1690 : memref<1x50x64xf32, #tpu.memory_space<vmem>> -> memref<50x64xf32, #tpu.memory_space<vmem>>
        tpu.wait_dma2 semaphore(%arg8 : memref<!tpu.dma_semaphore, #tpu.memory_space<semaphore_mem>>) src(%dma_wait3A_1691 : memref<50x64xf32, #tpu.memory_space<vmem>>) dst(%dma_wait3A_1687 : memref<50x64xf32, #tpu.memory_space<hbm>>)
        %dma_wait3A_1692 = arith.constant 0 : i32
        %dma_wait3A_1693 = arith.constant 50 : i32
        %dma_wait3A_1694 = arith.constant 0 : i32
        %dma_wait3A_1695 = tpu.memref_slice %arg6[%dma_wait3A_1692, %dma_wait3A_1693, %dma_wait3A_1694] : memref<2x800x64xf32, #tpu.memory_space<vmem>> -> memref<1x50x64xf32, #tpu.memory_space<vmem>>
        %dma_wait3A_1696 = tpu.memref_squeeze %dma_wait3A_1695 : memref<1x50x64xf32, #tpu.memory_space<vmem>> -> memref<50x64xf32, #tpu.memory_space<vmem>>
        %dma_wait3A_1697 = arith.constant 0 : i32
        %dma_wait3A_1698 = arith.constant 0 : i32
        %dma_wait3A_1699 = tpu.memref_slice %arg4[%add3A_1646, %dma_wait3A_1697, %dma_wait3A_1698] : memref<16384x56x128xf32, #tpu.memory_space<hbm>> -> memref<1x50x64xf32, #tpu.memory_space<hbm>>
        %dma_wait3A_1700 = tpu.memref_squeeze %dma_wait3A_1699 : memref<1x50x64xf32, #tpu.memory_space<hbm>> -> memref<50x64xf32, #tpu.memory_space<hbm>>
        %dma_wait3A_1701 = arith.constant 0 : i32
        %dma_wait3A_1702 = arith.constant 0 : i32
        %dma_wait3A_1703 = tpu.memref_slice %arg4[%add3A_1646, %dma_wait3A_1701, %dma_wait3A_1702] : memref<16384x56x128xf32, #tpu.memory_space<hbm>> -> memref<1x50x64xf32, #tpu.memory_space<hbm>>
        %dma_wait3A_1704 = tpu.memref_squeeze %dma_wait3A_1703 : memref<1x50x64xf32, #tpu.memory_space<hbm>> -> memref<50x64xf32, #tpu.memory_space<hbm>>
        %dma_wait3A_1705 = arith.constant 50 : i32
        %dma_wait3A_1706 = arith.constant 0 : i32
        %dma_wait3A_1707 = tpu.memref_slice %arg6[%dma_wait3A_1692, %dma_wait3A_1705, %dma_wait3A_1706] : memref<2x800x64xf32, #tpu.memory_space<vmem>> -> memref<1x50x64xf32, #tpu.memory_space<vmem>>
        %dma_wait3A_1708 = tpu.memref_squeeze %dma_wait3A_1707 : memref<1x50x64xf32, #tpu.memory_space<vmem>> -> memref<50x64xf32, #tpu.memory_space<vmem>>
        tpu.wait_dma2 semaphore(%arg8 : memref<!tpu.dma_semaphore, #tpu.memory_space<semaphore_mem>>) src(%dma_wait3A_1708 : memref<50x64xf32, #tpu.memory_space<vmem>>) dst(%dma_wait3A_1704 : memref<50x64xf32, #tpu.memory_space<hbm>>)
        %dma_wait3A_1709 = arith.constant 0 : i32
        %dma_wait3A_1710 = arith.constant 100 : i32
        %dma_wait3A_1711 = arith.constant 0 : i32
        %dma_wait3A_1712 = tpu.memref_slice %arg6[%dma_wait3A_1709, %dma_wait3A_1710, %dma_wait3A_1711] : memref<2x800x64xf32, #tpu.memory_space<vmem>> -> memref<1x50x64xf32, #tpu.memory_space<vmem>>
        %dma_wait3A_1713 = tpu.memref_squeeze %dma_wait3A_1712 : memref<1x50x64xf32, #tpu.memory_space<vmem>> -> memref<50x64xf32, #tpu.memory_space<vmem>>
        %dma_wait3A_1714 = arith.constant 0 : i32
        %dma_wait3A_1715 = arith.constant 0 : i32
        %dma_wait3A_1716 = tpu.memref_slice %arg4[%add3A_1648, %dma_wait3A_1714, %dma_wait3A_1715] : memref<16384x56x128xf32, #tpu.memory_space<hbm>> -> memref<1x50x64xf32, #tpu.memory_space<hbm>>
        %dma_wait3A_1717 = tpu.memref_squeeze %dma_wait3A_1716 : memref<1x50x64xf32, #tpu.memory_space<hbm>> -> memref<50x64xf32, #tpu.memory_space<hbm>>
        %dma_wait3A_1718 = arith.constant 0 : i32
        %dma_wait3A_1719 = arith.constant 0 : i32
        %dma_wait3A_1720 = tpu.memref_slice %arg4[%add3A_1648, %dma_wait3A_1718, %dma_wait3A_1719] : memref<16384x56x128xf32, #tpu.memory_space<hbm>> -> memref<1x50x64xf32, #tpu.memory_space<hbm>>
        %dma_wait3A_1721 = tpu.memref_squeeze %dma_wait3A_1720 : memref<1x50x64xf32, #tpu.memory_space<hbm>> -> memref<50x64xf32, #tpu.memory_space<hbm>>
        %dma_wait3A_1722 = arith.constant 100 : i32
        %dma_wait3A_1723 = arith.constant 0 : i32
        %dma_wait3A_1724 = tpu.memref_slice %arg6[%dma_wait3A_1709, %dma_wait3A_1722, %dma_wait3A_1723] : memref<2x800x64xf32, #tpu.memory_space<vmem>> -> memref<1x50x64xf32, #tpu.memory_space<vmem>>
        %dma_wait3A_1725 = tpu.memref_squeeze %dma_wait3A_1724 : memref<1x50x64xf32, #tpu.memory_space<vmem>> -> memref<50x64xf32, #tpu.memory_space<vmem>>
        tpu.wait_dma2 semaphore(%arg8 : memref<!tpu.dma_semaphore, #tpu.memory_space<semaphore_mem>>) src(%dma_wait3A_1725 : memref<50x64xf32, #tpu.memory_space<vmem>>) dst(%dma_wait3A_1721 : memref<50x64xf32, #tpu.memory_space<hbm>>)
        %dma_wait3A_1726 = arith.constant 0 : i32
        %dma_wait3A_1727 = arith.constant 150 : i32
        %dma_wait3A_1728 = arith.constant 0 : i32
        %dma_wait3A_1729 = tpu.memref_slice %arg6[%dma_wait3A_1726, %dma_wait3A_1727, %dma_wait3A_1728] : memref<2x800x64xf32, #tpu.memory_space<vmem>> -> memref<1x50x64xf32, #tpu.memory_space<vmem>>
        %dma_wait3A_1730 = tpu.memref_squeeze %dma_wait3A_1729 : memref<1x50x64xf32, #tpu.memory_space<vmem>> -> memref<50x64xf32, #tpu.memory_space<vmem>>
        %dma_wait3A_1731 = arith.constant 0 : i32
        %dma_wait3A_1732 = arith.constant 0 : i32
        %dma_wait3A_1733 = tpu.memref_slice %arg4[%add3A_1650, %dma_wait3A_1731, %dma_wait3A_1732] : memref<16384x56x128xf32, #tpu.memory_space<hbm>> -> memref<1x50x64xf32, #tpu.memory_space<hbm>>
        %dma_wait3A_1734 = tpu.memref_squeeze %dma_wait3A_1733 : memref<1x50x64xf32, #tpu.memory_space<hbm>> -> memref<50x64xf32, #tpu.memory_space<hbm>>
        %dma_wait3A_1735 = arith.constant 0 : i32
        %dma_wait3A_1736 = arith.constant 0 : i32
        %dma_wait3A_1737 = tpu.memref_slice %arg4[%add3A_1650, %dma_wait3A_1735, %dma_wait3A_1736] : memref<16384x56x128xf32, #tpu.memory_space<hbm>> -> memref<1x50x64xf32, #tpu.memory_space<hbm>>
        %dma_wait3A_1738 = tpu.memref_squeeze %dma_wait3A_1737 : memref<1x50x64xf32, #tpu.memory_space<hbm>> -> memref<50x64xf32, #tpu.memory_space<hbm>>
        %dma_wait3A_1739 = arith.constant 150 : i32
        %dma_wait3A_1740 = arith.constant 0 : i32
        %dma_wait3A_1741 = tpu.memref_slice %arg6[%dma_wait3A_1726, %dma_wait3A_1739, %dma_wait3A_1740] : memref<2x800x64xf32, #tpu.memory_space<vmem>> -> memref<1x50x64xf32, #tpu.memory_space<vmem>>
        %dma_wait3A_1742 = tpu.memref_squeeze %dma_wait3A_1741 : memref<1x50x64xf32, #tpu.memory_space<vmem>> -> memref<50x64xf32, #tpu.memory_space<vmem>>
        tpu.wait_dma2 semaphore(%arg8 : memref<!tpu.dma_semaphore, #tpu.memory_space<semaphore_mem>>) src(%dma_wait3A_1742 : memref<50x64xf32, #tpu.memory_space<vmem>>) dst(%dma_wait3A_1738 : memref<50x64xf32, #tpu.memory_space<hbm>>)
        %dma_wait3A_1743 = arith.constant 0 : i32
        %dma_wait3A_1744 = arith.constant 200 : i32
        %dma_wait3A_1745 = arith.constant 0 : i32
        %dma_wait3A_1746 = tpu.memref_slice %arg6[%dma_wait3A_1743, %dma_wait3A_1744, %dma_wait3A_1745] : memref<2x800x64xf32, #tpu.memory_space<vmem>> -> memref<1x50x64xf32, #tpu.memory_space<vmem>>
        %dma_wait3A_1747 = tpu.memref_squeeze %dma_wait3A_1746 : memref<1x50x64xf32, #tpu.memory_space<vmem>> -> memref<50x64xf32, #tpu.memory_space<vmem>>
        %dma_wait3A_1748 = arith.constant 0 : i32
        %dma_wait3A_1749 = arith.constant 0 : i32
        %dma_wait3A_1750 = tpu.memref_slice %arg4[%add3A_1652, %dma_wait3A_1748, %dma_wait3A_1749] : memref<16384x56x128xf32, #tpu.memory_space<hbm>> -> memref<1x50x64xf32, #tpu.memory_space<hbm>>
        %dma_wait3A_1751 = tpu.memref_squeeze %dma_wait3A_1750 : memref<1x50x64xf32, #tpu.memory_space<hbm>> -> memref<50x64xf32, #tpu.memory_space<hbm>>
        %dma_wait3A_1752 = arith.constant 0 : i32
        %dma_wait3A_1753 = arith.constant 0 : i32
        %dma_wait3A_1754 = tpu.memref_slice %arg4[%add3A_1652, %dma_wait3A_1752, %dma_wait3A_1753] : memref<16384x56x128xf32, #tpu.memory_space<hbm>> -> memref<1x50x64xf32, #tpu.memory_space<hbm>>
        %dma_wait3A_1755 = tpu.memref_squeeze %dma_wait3A_1754 : memref<1x50x64xf32, #tpu.memory_space<hbm>> -> memref<50x64xf32, #tpu.memory_space<hbm>>
        %dma_wait3A_1756 = arith.constant 200 : i32
        %dma_wait3A_1757 = arith.constant 0 : i32
        %dma_wait3A_1758 = tpu.memref_slice %arg6[%dma_wait3A_1743, %dma_wait3A_1756, %dma_wait3A_1757] : memref<2x800x64xf32, #tpu.memory_space<vmem>> -> memref<1x50x64xf32, #tpu.memory_space<vmem>>
        %dma_wait3A_1759 = tpu.memref_squeeze %dma_wait3A_1758 : memref<1x50x64xf32, #tpu.memory_space<vmem>> -> memref<50x64xf32, #tpu.memory_space<vmem>>
        tpu.wait_dma2 semaphore(%arg8 : memref<!tpu.dma_semaphore, #tpu.memory_space<semaphore_mem>>) src(%dma_wait3A_1759 : memref<50x64xf32, #tpu.memory_space<vmem>>) dst(%dma_wait3A_1755 : memref<50x64xf32, #tpu.memory_space<hbm>>)
        %dma_wait3A_1760 = arith.constant 0 : i32
        %dma_wait3A_1761 = arith.constant 250 : i32
        %dma_wait3A_1762 = arith.constant 0 : i32
        %dma_wait3A_1763 = tpu.memref_slice %arg6[%dma_wait3A_1760, %dma_wait3A_1761, %dma_wait3A_1762] : memref<2x800x64xf32, #tpu.memory_space<vmem>> -> memref<1x50x64xf32, #tpu.memory_space<vmem>>
        %dma_wait3A_1764 = tpu.memref_squeeze %dma_wait3A_1763 : memref<1x50x64xf32, #tpu.memory_space<vmem>> -> memref<50x64xf32, #tpu.memory_space<vmem>>
        %dma_wait3A_1765 = arith.constant 0 : i32
        %dma_wait3A_1766 = arith.constant 0 : i32
        %dma_wait3A_1767 = tpu.memref_slice %arg4[%add3A_1654, %dma_wait3A_1765, %dma_wait3A_1766] : memref<16384x56x128xf32, #tpu.memory_space<hbm>> -> memref<1x50x64xf32, #tpu.memory_space<hbm>>
        %dma_wait3A_1768 = tpu.memref_squeeze %dma_wait3A_1767 : memref<1x50x64xf32, #tpu.memory_space<hbm>> -> memref<50x64xf32, #tpu.memory_space<hbm>>
        %dma_wait3A_1769 = arith.constant 0 : i32
        %dma_wait3A_1770 = arith.constant 0 : i32
        %dma_wait3A_1771 = tpu.memref_slice %arg4[%add3A_1654, %dma_wait3A_1769, %dma_wait3A_1770] : memref<16384x56x128xf32, #tpu.memory_space<hbm>> -> memref<1x50x64xf32, #tpu.memory_space<hbm>>
        %dma_wait3A_1772 = tpu.memref_squeeze %dma_wait3A_1771 : memref<1x50x64xf32, #tpu.memory_space<hbm>> -> memref<50x64xf32, #tpu.memory_space<hbm>>
        %dma_wait3A_1773 = arith.constant 250 : i32
        %dma_wait3A_1774 = arith.constant 0 : i32
        %dma_wait3A_1775 = tpu.memref_slice %arg6[%dma_wait3A_1760, %dma_wait3A_1773, %dma_wait3A_1774] : memref<2x800x64xf32, #tpu.memory_space<vmem>> -> memref<1x50x64xf32, #tpu.memory_space<vmem>>
        %dma_wait3A_1776 = tpu.memref_squeeze %dma_wait3A_1775 : memref<1x50x64xf32, #tpu.memory_space<vmem>> -> memref<50x64xf32, #tpu.memory_space<vmem>>
        tpu.wait_dma2 semaphore(%arg8 : memref<!tpu.dma_semaphore, #tpu.memory_space<semaphore_mem>>) src(%dma_wait3A_1776 : memref<50x64xf32, #tpu.memory_space<vmem>>) dst(%dma_wait3A_1772 : memref<50x64xf32, #tpu.memory_space<hbm>>)
        %dma_wait3A_1777 = arith.constant 0 : i32
        %dma_wait3A_1778 = arith.constant 300 : i32
        %dma_wait3A_1779 = arith.constant 0 : i32
        %dma_wait3A_1780 = tpu.memref_slice %arg6[%dma_wait3A_1777, %dma_wait3A_1778, %dma_wait3A_1779] : memref<2x800x64xf32, #tpu.memory_space<vmem>> -> memref<1x50x64xf32, #tpu.memory_space<vmem>>
        %dma_wait3A_1781 = tpu.memref_squeeze %dma_wait3A_1780 : memref<1x50x64xf32, #tpu.memory_space<vmem>> -> memref<50x64xf32, #tpu.memory_space<vmem>>
        %dma_wait3A_1782 = arith.constant 0 : i32
        %dma_wait3A_1783 = arith.constant 0 : i32
        %dma_wait3A_1784 = tpu.memref_slice %arg4[%add3A_1656, %dma_wait3A_1782, %dma_wait3A_1783] : memref<16384x56x128xf32, #tpu.memory_space<hbm>> -> memref<1x50x64xf32, #tpu.memory_space<hbm>>
        %dma_wait3A_1785 = tpu.memref_squeeze %dma_wait3A_1784 : memref<1x50x64xf32, #tpu.memory_space<hbm>> -> memref<50x64xf32, #tpu.memory_space<hbm>>
        %dma_wait3A_1786 = arith.constant 0 : i32
        %dma_wait3A_1787 = arith.constant 0 : i32
        %dma_wait3A_1788 = tpu.memref_slice %arg4[%add3A_1656, %dma_wait3A_1786, %dma_wait3A_1787] : memref<16384x56x128xf32, #tpu.memory_space<hbm>> -> memref<1x50x64xf32, #tpu.memory_space<hbm>>
        %dma_wait3A_1789 = tpu.memref_squeeze %dma_wait3A_1788 : memref<1x50x64xf32, #tpu.memory_space<hbm>> -> memref<50x64xf32, #tpu.memory_space<hbm>>
        %dma_wait3A_1790 = arith.constant 300 : i32
        %dma_wait3A_1791 = arith.constant 0 : i32
        %dma_wait3A_1792 = tpu.memref_slice %arg6[%dma_wait3A_1777, %dma_wait3A_1790, %dma_wait3A_1791] : memref<2x800x64xf32, #tpu.memory_space<vmem>> -> memref<1x50x64xf32, #tpu.memory_space<vmem>>
        %dma_wait3A_1793 = tpu.memref_squeeze %dma_wait3A_1792 : memref<1x50x64xf32, #tpu.memory_space<vmem>> -> memref<50x64xf32, #tpu.memory_space<vmem>>
        tpu.wait_dma2 semaphore(%arg8 : memref<!tpu.dma_semaphore, #tpu.memory_space<semaphore_mem>>) src(%dma_wait3A_1793 : memref<50x64xf32, #tpu.memory_space<vmem>>) dst(%dma_wait3A_1789 : memref<50x64xf32, #tpu.memory_space<hbm>>)
        %dma_wait3A_1794 = arith.constant 0 : i32
        %dma_wait3A_1795 = arith.constant 350 : i32
        %dma_wait3A_1796 = arith.constant 0 : i32
        %dma_wait3A_1797 = tpu.memref_slice %arg6[%dma_wait3A_1794, %dma_wait3A_1795, %dma_wait3A_1796] : memref<2x800x64xf32, #tpu.memory_space<vmem>> -> memref<1x50x64xf32, #tpu.memory_space<vmem>>
        %dma_wait3A_1798 = tpu.memref_squeeze %dma_wait3A_1797 : memref<1x50x64xf32, #tpu.memory_space<vmem>> -> memref<50x64xf32, #tpu.memory_space<vmem>>
        %dma_wait3A_1799 = arith.constant 0 : i32
        %dma_wait3A_1800 = arith.constant 0 : i32
        %dma_wait3A_1801 = tpu.memref_slice %arg4[%add3A_1658, %dma_wait3A_1799, %dma_wait3A_1800] : memref<16384x56x128xf32, #tpu.memory_space<hbm>> -> memref<1x50x64xf32, #tpu.memory_space<hbm>>
        %dma_wait3A_1802 = tpu.memref_squeeze %dma_wait3A_1801 : memref<1x50x64xf32, #tpu.memory_space<hbm>> -> memref<50x64xf32, #tpu.memory_space<hbm>>
        %dma_wait3A_1803 = arith.constant 0 : i32
        %dma_wait3A_1804 = arith.constant 0 : i32
        %dma_wait3A_1805 = tpu.memref_slice %arg4[%add3A_1658, %dma_wait3A_1803, %dma_wait3A_1804] : memref<16384x56x128xf32, #tpu.memory_space<hbm>> -> memref<1x50x64xf32, #tpu.memory_space<hbm>>
        %dma_wait3A_1806 = tpu.memref_squeeze %dma_wait3A_1805 : memref<1x50x64xf32, #tpu.memory_space<hbm>> -> memref<50x64xf32, #tpu.memory_space<hbm>>
        %dma_wait3A_1807 = arith.constant 350 : i32
        %dma_wait3A_1808 = arith.constant 0 : i32
        %dma_wait3A_1809 = tpu.memref_slice %arg6[%dma_wait3A_1794, %dma_wait3A_1807, %dma_wait3A_1808] : memref<2x800x64xf32, #tpu.memory_space<vmem>> -> memref<1x50x64xf32, #tpu.memory_space<vmem>>
        %dma_wait3A_1810 = tpu.memref_squeeze %dma_wait3A_1809 : memref<1x50x64xf32, #tpu.memory_space<vmem>> -> memref<50x64xf32, #tpu.memory_space<vmem>>
        tpu.wait_dma2 semaphore(%arg8 : memref<!tpu.dma_semaphore, #tpu.memory_space<semaphore_mem>>) src(%dma_wait3A_1810 : memref<50x64xf32, #tpu.memory_space<vmem>>) dst(%dma_wait3A_1806 : memref<50x64xf32, #tpu.memory_space<hbm>>)
        %dma_wait3A_1811 = arith.constant 0 : i32
        %dma_wait3A_1812 = arith.constant 400 : i32
        %dma_wait3A_1813 = arith.constant 0 : i32
        %dma_wait3A_1814 = tpu.memref_slice %arg6[%dma_wait3A_1811, %dma_wait3A_1812, %dma_wait3A_1813] : memref<2x800x64xf32, #tpu.memory_space<vmem>> -> memref<1x50x64xf32, #tpu.memory_space<vmem>>
        %dma_wait3A_1815 = tpu.memref_squeeze %dma_wait3A_1814 : memref<1x50x64xf32, #tpu.memory_space<vmem>> -> memref<50x64xf32, #tpu.memory_space<vmem>>
        %dma_wait3A_1816 = arith.constant 0 : i32
        %dma_wait3A_1817 = arith.constant 0 : i32
        %dma_wait3A_1818 = tpu.memref_slice %arg4[%add3A_1660, %dma_wait3A_1816, %dma_wait3A_1817] : memref<16384x56x128xf32, #tpu.memory_space<hbm>> -> memref<1x50x64xf32, #tpu.memory_space<hbm>>
        %dma_wait3A_1819 = tpu.memref_squeeze %dma_wait3A_1818 : memref<1x50x64xf32, #tpu.memory_space<hbm>> -> memref<50x64xf32, #tpu.memory_space<hbm>>
        %dma_wait3A_1820 = arith.constant 0 : i32
        %dma_wait3A_1821 = arith.constant 0 : i32
        %dma_wait3A_1822 = tpu.memref_slice %arg4[%add3A_1660, %dma_wait3A_1820, %dma_wait3A_1821] : memref<16384x56x128xf32, #tpu.memory_space<hbm>> -> memref<1x50x64xf32, #tpu.memory_space<hbm>>
        %dma_wait3A_1823 = tpu.memref_squeeze %dma_wait3A_1822 : memref<1x50x64xf32, #tpu.memory_space<hbm>> -> memref<50x64xf32, #tpu.memory_space<hbm>>
        %dma_wait3A_1824 = arith.constant 400 : i32
        %dma_wait3A_1825 = arith.constant 0 : i32
        %dma_wait3A_1826 = tpu.memref_slice %arg6[%dma_wait3A_1811, %dma_wait3A_1824, %dma_wait3A_1825] : memref<2x800x64xf32, #tpu.memory_space<vmem>> -> memref<1x50x64xf32, #tpu.memory_space<vmem>>
        %dma_wait3A_1827 = tpu.memref_squeeze %dma_wait3A_1826 : memref<1x50x64xf32, #tpu.memory_space<vmem>> -> memref<50x64xf32, #tpu.memory_space<vmem>>
        tpu.wait_dma2 semaphore(%arg8 : memref<!tpu.dma_semaphore, #tpu.memory_space<semaphore_mem>>) src(%dma_wait3A_1827 : memref<50x64xf32, #tpu.memory_space<vmem>>) dst(%dma_wait3A_1823 : memref<50x64xf32, #tpu.memory_space<hbm>>)
        %dma_wait3A_1828 = arith.constant 0 : i32
        %dma_wait3A_1829 = arith.constant 450 : i32
        %dma_wait3A_1830 = arith.constant 0 : i32
        %dma_wait3A_1831 = tpu.memref_slice %arg6[%dma_wait3A_1828, %dma_wait3A_1829, %dma_wait3A_1830] : memref<2x800x64xf32, #tpu.memory_space<vmem>> -> memref<1x50x64xf32, #tpu.memory_space<vmem>>
        %dma_wait3A_1832 = tpu.memref_squeeze %dma_wait3A_1831 : memref<1x50x64xf32, #tpu.memory_space<vmem>> -> memref<50x64xf32, #tpu.memory_space<vmem>>
        %dma_wait3A_1833 = arith.constant 0 : i32
        %dma_wait3A_1834 = arith.constant 0 : i32
        %dma_wait3A_1835 = tpu.memref_slice %arg4[%add3A_1662, %dma_wait3A_1833, %dma_wait3A_1834] : memref<16384x56x128xf32, #tpu.memory_space<hbm>> -> memref<1x50x64xf32, #tpu.memory_space<hbm>>
        %dma_wait3A_1836 = tpu.memref_squeeze %dma_wait3A_1835 : memref<1x50x64xf32, #tpu.memory_space<hbm>> -> memref<50x64xf32, #tpu.memory_space<hbm>>
        %dma_wait3A_1837 = arith.constant 0 : i32
        %dma_wait3A_1838 = arith.constant 0 : i32
        %dma_wait3A_1839 = tpu.memref_slice %arg4[%add3A_1662, %dma_wait3A_1837, %dma_wait3A_1838] : memref<16384x56x128xf32, #tpu.memory_space<hbm>> -> memref<1x50x64xf32, #tpu.memory_space<hbm>>
        %dma_wait3A_1840 = tpu.memref_squeeze %dma_wait3A_1839 : memref<1x50x64xf32, #tpu.memory_space<hbm>> -> memref<50x64xf32, #tpu.memory_space<hbm>>
        %dma_wait3A_1841 = arith.constant 450 : i32
        %dma_wait3A_1842 = arith.constant 0 : i32
        %dma_wait3A_1843 = tpu.memref_slice %arg6[%dma_wait3A_1828, %dma_wait3A_1841, %dma_wait3A_1842] : memref<2x800x64xf32, #tpu.memory_space<vmem>> -> memref<1x50x64xf32, #tpu.memory_space<vmem>>
        %dma_wait3A_1844 = tpu.memref_squeeze %dma_wait3A_1843 : memref<1x50x64xf32, #tpu.memory_space<vmem>> -> memref<50x64xf32, #tpu.memory_space<vmem>>
        tpu.wait_dma2 semaphore(%arg8 : memref<!tpu.dma_semaphore, #tpu.memory_space<semaphore_mem>>) src(%dma_wait3A_1844 : memref<50x64xf32, #tpu.memory_space<vmem>>) dst(%dma_wait3A_1840 : memref<50x64xf32, #tpu.memory_space<hbm>>)
        %dma_wait3A_1845 = arith.constant 0 : i32
        %dma_wait3A_1846 = arith.constant 500 : i32
        %dma_wait3A_1847 = arith.constant 0 : i32
        %dma_wait3A_1848 = tpu.memref_slice %arg6[%dma_wait3A_1845, %dma_wait3A_1846, %dma_wait3A_1847] : memref<2x800x64xf32, #tpu.memory_space<vmem>> -> memref<1x50x64xf32, #tpu.memory_space<vmem>>
        %dma_wait3A_1849 = tpu.memref_squeeze %dma_wait3A_1848 : memref<1x50x64xf32, #tpu.memory_space<vmem>> -> memref<50x64xf32, #tpu.memory_space<vmem>>
        %dma_wait3A_1850 = arith.constant 0 : i32
        %dma_wait3A_1851 = arith.constant 0 : i32
        %dma_wait3A_1852 = tpu.memref_slice %arg4[%add3A_1664, %dma_wait3A_1850, %dma_wait3A_1851] : memref<16384x56x128xf32, #tpu.memory_space<hbm>> -> memref<1x50x64xf32, #tpu.memory_space<hbm>>
        %dma_wait3A_1853 = tpu.memref_squeeze %dma_wait3A_1852 : memref<1x50x64xf32, #tpu.memory_space<hbm>> -> memref<50x64xf32, #tpu.memory_space<hbm>>
        %dma_wait3A_1854 = arith.constant 0 : i32
        %dma_wait3A_1855 = arith.constant 0 : i32
        %dma_wait3A_1856 = tpu.memref_slice %arg4[%add3A_1664, %dma_wait3A_1854, %dma_wait3A_1855] : memref<16384x56x128xf32, #tpu.memory_space<hbm>> -> memref<1x50x64xf32, #tpu.memory_space<hbm>>
        %dma_wait3A_1857 = tpu.memref_squeeze %dma_wait3A_1856 : memref<1x50x64xf32, #tpu.memory_space<hbm>> -> memref<50x64xf32, #tpu.memory_space<hbm>>
        %dma_wait3A_1858 = arith.constant 500 : i32
        %dma_wait3A_1859 = arith.constant 0 : i32
        %dma_wait3A_1860 = tpu.memref_slice %arg6[%dma_wait3A_1845, %dma_wait3A_1858, %dma_wait3A_1859] : memref<2x800x64xf32, #tpu.memory_space<vmem>> -> memref<1x50x64xf32, #tpu.memory_space<vmem>>
        %dma_wait3A_1861 = tpu.memref_squeeze %dma_wait3A_1860 : memref<1x50x64xf32, #tpu.memory_space<vmem>> -> memref<50x64xf32, #tpu.memory_space<vmem>>
        tpu.wait_dma2 semaphore(%arg8 : memref<!tpu.dma_semaphore, #tpu.memory_space<semaphore_mem>>) src(%dma_wait3A_1861 : memref<50x64xf32, #tpu.memory_space<vmem>>) dst(%dma_wait3A_1857 : memref<50x64xf32, #tpu.memory_space<hbm>>)
        %dma_wait3A_1862 = arith.constant 0 : i32
        %dma_wait3A_1863 = arith.constant 550 : i32
        %dma_wait3A_1864 = arith.constant 0 : i32
        %dma_wait3A_1865 = tpu.memref_slice %arg6[%dma_wait3A_1862, %dma_wait3A_1863, %dma_wait3A_1864] : memref<2x800x64xf32, #tpu.memory_space<vmem>> -> memref<1x50x64xf32, #tpu.memory_space<vmem>>
        %dma_wait3A_1866 = tpu.memref_squeeze %dma_wait3A_1865 : memref<1x50x64xf32, #tpu.memory_space<vmem>> -> memref<50x64xf32, #tpu.memory_space<vmem>>
        %dma_wait3A_1867 = arith.constant 0 : i32
        %dma_wait3A_1868 = arith.constant 0 : i32
        %dma_wait3A_1869 = tpu.memref_slice %arg4[%add3A_1666, %dma_wait3A_1867, %dma_wait3A_1868] : memref<16384x56x128xf32, #tpu.memory_space<hbm>> -> memref<1x50x64xf32, #tpu.memory_space<hbm>>
        %dma_wait3A_1870 = tpu.memref_squeeze %dma_wait3A_1869 : memref<1x50x64xf32, #tpu.memory_space<hbm>> -> memref<50x64xf32, #tpu.memory_space<hbm>>
        %dma_wait3A_1871 = arith.constant 0 : i32
        %dma_wait3A_1872 = arith.constant 0 : i32
        %dma_wait3A_1873 = tpu.memref_slice %arg4[%add3A_1666, %dma_wait3A_1871, %dma_wait3A_1872] : memref<16384x56x128xf32, #tpu.memory_space<hbm>> -> memref<1x50x64xf32, #tpu.memory_space<hbm>>
        %dma_wait3A_1874 = tpu.memref_squeeze %dma_wait3A_1873 : memref<1x50x64xf32, #tpu.memory_space<hbm>> -> memref<50x64xf32, #tpu.memory_space<hbm>>
        %dma_wait3A_1875 = arith.constant 550 : i32
        %dma_wait3A_1876 = arith.constant 0 : i32
        %dma_wait3A_1877 = tpu.memref_slice %arg6[%dma_wait3A_1862, %dma_wait3A_1875, %dma_wait3A_1876] : memref<2x800x64xf32, #tpu.memory_space<vmem>> -> memref<1x50x64xf32, #tpu.memory_space<vmem>>
        %dma_wait3A_1878 = tpu.memref_squeeze %dma_wait3A_1877 : memref<1x50x64xf32, #tpu.memory_space<vmem>> -> memref<50x64xf32, #tpu.memory_space<vmem>>
        tpu.wait_dma2 semaphore(%arg8 : memref<!tpu.dma_semaphore, #tpu.memory_space<semaphore_mem>>) src(%dma_wait3A_1878 : memref<50x64xf32, #tpu.memory_space<vmem>>) dst(%dma_wait3A_1874 : memref<50x64xf32, #tpu.memory_space<hbm>>)
        %dma_wait3A_1879 = arith.constant 0 : i32
        %dma_wait3A_1880 = arith.constant 600 : i32
        %dma_wait3A_1881 = arith.constant 0 : i32
        %dma_wait3A_1882 = tpu.memref_slice %arg6[%dma_wait3A_1879, %dma_wait3A_1880, %dma_wait3A_1881] : memref<2x800x64xf32, #tpu.memory_space<vmem>> -> memref<1x50x64xf32, #tpu.memory_space<vmem>>
        %dma_wait3A_1883 = tpu.memref_squeeze %dma_wait3A_1882 : memref<1x50x64xf32, #tpu.memory_space<vmem>> -> memref<50x64xf32, #tpu.memory_space<vmem>>
        %dma_wait3A_1884 = arith.constant 0 : i32
        %dma_wait3A_1885 = arith.constant 0 : i32
        %dma_wait3A_1886 = tpu.memref_slice %arg4[%add3A_1668, %dma_wait3A_1884, %dma_wait3A_1885] : memref<16384x56x128xf32, #tpu.memory_space<hbm>> -> memref<1x50x64xf32, #tpu.memory_space<hbm>>
        %dma_wait3A_1887 = tpu.memref_squeeze %dma_wait3A_1886 : memref<1x50x64xf32, #tpu.memory_space<hbm>> -> memref<50x64xf32, #tpu.memory_space<hbm>>
        %dma_wait3A_1888 = arith.constant 0 : i32
        %dma_wait3A_1889 = arith.constant 0 : i32
        %dma_wait3A_1890 = tpu.memref_slice %arg4[%add3A_1668, %dma_wait3A_1888, %dma_wait3A_1889] : memref<16384x56x128xf32, #tpu.memory_space<hbm>> -> memref<1x50x64xf32, #tpu.memory_space<hbm>>
        %dma_wait3A_1891 = tpu.memref_squeeze %dma_wait3A_1890 : memref<1x50x64xf32, #tpu.memory_space<hbm>> -> memref<50x64xf32, #tpu.memory_space<hbm>>
        %dma_wait3A_1892 = arith.constant 600 : i32
        %dma_wait3A_1893 = arith.constant 0 : i32
        %dma_wait3A_1894 = tpu.memref_slice %arg6[%dma_wait3A_1879, %dma_wait3A_1892, %dma_wait3A_1893] : memref<2x800x64xf32, #tpu.memory_space<vmem>> -> memref<1x50x64xf32, #tpu.memory_space<vmem>>
        %dma_wait3A_1895 = tpu.memref_squeeze %dma_wait3A_1894 : memref<1x50x64xf32, #tpu.memory_space<vmem>> -> memref<50x64xf32, #tpu.memory_space<vmem>>
        tpu.wait_dma2 semaphore(%arg8 : memref<!tpu.dma_semaphore, #tpu.memory_space<semaphore_mem>>) src(%dma_wait3A_1895 : memref<50x64xf32, #tpu.memory_space<vmem>>) dst(%dma_wait3A_1891 : memref<50x64xf32, #tpu.memory_space<hbm>>)
        %dma_wait3A_1896 = arith.constant 0 : i32
        %dma_wait3A_1897 = arith.constant 650 : i32
        %dma_wait3A_1898 = arith.constant 0 : i32
        %dma_wait3A_1899 = tpu.memref_slice %arg6[%dma_wait3A_1896, %dma_wait3A_1897, %dma_wait3A_1898] : memref<2x800x64xf32, #tpu.memory_space<vmem>> -> memref<1x50x64xf32, #tpu.memory_space<vmem>>
        %dma_wait3A_1900 = tpu.memref_squeeze %dma_wait3A_1899 : memref<1x50x64xf32, #tpu.memory_space<vmem>> -> memref<50x64xf32, #tpu.memory_space<vmem>>
        %dma_wait3A_1901 = arith.constant 0 : i32
        %dma_wait3A_1902 = arith.constant 0 : i32
        %dma_wait3A_1903 = tpu.memref_slice %arg4[%add3A_1670, %dma_wait3A_1901, %dma_wait3A_1902] : memref<16384x56x128xf32, #tpu.memory_space<hbm>> -> memref<1x50x64xf32, #tpu.memory_space<hbm>>
        %dma_wait3A_1904 = tpu.memref_squeeze %dma_wait3A_1903 : memref<1x50x64xf32, #tpu.memory_space<hbm>> -> memref<50x64xf32, #tpu.memory_space<hbm>>
        %dma_wait3A_1905 = arith.constant 0 : i32
        %dma_wait3A_1906 = arith.constant 0 : i32
        %dma_wait3A_1907 = tpu.memref_slice %arg4[%add3A_1670, %dma_wait3A_1905, %dma_wait3A_1906] : memref<16384x56x128xf32, #tpu.memory_space<hbm>> -> memref<1x50x64xf32, #tpu.memory_space<hbm>>
        %dma_wait3A_1908 = tpu.memref_squeeze %dma_wait3A_1907 : memref<1x50x64xf32, #tpu.memory_space<hbm>> -> memref<50x64xf32, #tpu.memory_space<hbm>>
        %dma_wait3A_1909 = arith.constant 650 : i32
        %dma_wait3A_1910 = arith.constant 0 : i32
        %dma_wait3A_1911 = tpu.memref_slice %arg6[%dma_wait3A_1896, %dma_wait3A_1909, %dma_wait3A_1910] : memref<2x800x64xf32, #tpu.memory_space<vmem>> -> memref<1x50x64xf32, #tpu.memory_space<vmem>>
        %dma_wait3A_1912 = tpu.memref_squeeze %dma_wait3A_1911 : memref<1x50x64xf32, #tpu.memory_space<vmem>> -> memref<50x64xf32, #tpu.memory_space<vmem>>
        tpu.wait_dma2 semaphore(%arg8 : memref<!tpu.dma_semaphore, #tpu.memory_space<semaphore_mem>>) src(%dma_wait3A_1912 : memref<50x64xf32, #tpu.memory_space<vmem>>) dst(%dma_wait3A_1908 : memref<50x64xf32, #tpu.memory_space<hbm>>)
        %dma_wait3A_1913 = arith.constant 0 : i32
        %dma_wait3A_1914 = arith.constant 700 : i32
        %dma_wait3A_1915 = arith.constant 0 : i32
        %dma_wait3A_1916 = tpu.memref_slice %arg6[%dma_wait3A_1913, %dma_wait3A_1914, %dma_wait3A_1915] : memref<2x800x64xf32, #tpu.memory_space<vmem>> -> memref<1x50x64xf32, #tpu.memory_space<vmem>>
        %dma_wait3A_1917 = tpu.memref_squeeze %dma_wait3A_1916 : memref<1x50x64xf32, #tpu.memory_space<vmem>> -> memref<50x64xf32, #tpu.memory_space<vmem>>
        %dma_wait3A_1918 = arith.constant 0 : i32
        %dma_wait3A_1919 = arith.constant 0 : i32
        %dma_wait3A_1920 = tpu.memref_slice %arg4[%add3A_1672, %dma_wait3A_1918, %dma_wait3A_1919] : memref<16384x56x128xf32, #tpu.memory_space<hbm>> -> memref<1x50x64xf32, #tpu.memory_space<hbm>>
        %dma_wait3A_1921 = tpu.memref_squeeze %dma_wait3A_1920 : memref<1x50x64xf32, #tpu.memory_space<hbm>> -> memref<50x64xf32, #tpu.memory_space<hbm>>
        %dma_wait3A_1922 = arith.constant 0 : i32
        %dma_wait3A_1923 = arith.constant 0 : i32
        %dma_wait3A_1924 = tpu.memref_slice %arg4[%add3A_1672, %dma_wait3A_1922, %dma_wait3A_1923] : memref<16384x56x128xf32, #tpu.memory_space<hbm>> -> memref<1x50x64xf32, #tpu.memory_space<hbm>>
        %dma_wait3A_1925 = tpu.memref_squeeze %dma_wait3A_1924 : memref<1x50x64xf32, #tpu.memory_space<hbm>> -> memref<50x64xf32, #tpu.memory_space<hbm>>
        %dma_wait3A_1926 = arith.constant 700 : i32
        %dma_wait3A_1927 = arith.constant 0 : i32
        %dma_wait3A_1928 = tpu.memref_slice %arg6[%dma_wait3A_1913, %dma_wait3A_1926, %dma_wait3A_1927] : memref<2x800x64xf32, #tpu.memory_space<vmem>> -> memref<1x50x64xf32, #tpu.memory_space<vmem>>
        %dma_wait3A_1929 = tpu.memref_squeeze %dma_wait3A_1928 : memref<1x50x64xf32, #tpu.memory_space<vmem>> -> memref<50x64xf32, #tpu.memory_space<vmem>>
        tpu.wait_dma2 semaphore(%arg8 : memref<!tpu.dma_semaphore, #tpu.memory_space<semaphore_mem>>) src(%dma_wait3A_1929 : memref<50x64xf32, #tpu.memory_space<vmem>>) dst(%dma_wait3A_1925 : memref<50x64xf32, #tpu.memory_space<hbm>>)
        %dma_wait3A_1930 = arith.constant 0 : i32
        %dma_wait3A_1931 = arith.constant 750 : i32
        %dma_wait3A_1932 = arith.constant 0 : i32
        %dma_wait3A_1933 = tpu.memref_slice %arg6[%dma_wait3A_1930, %dma_wait3A_1931, %dma_wait3A_1932] : memref<2x800x64xf32, #tpu.memory_space<vmem>> -> memref<1x50x64xf32, #tpu.memory_space<vmem>>
        %dma_wait3A_1934 = tpu.memref_squeeze %dma_wait3A_1933 : memref<1x50x64xf32, #tpu.memory_space<vmem>> -> memref<50x64xf32, #tpu.memory_space<vmem>>
        %dma_wait3A_1935 = arith.constant 0 : i32
        %dma_wait3A_1936 = arith.constant 0 : i32
        %dma_wait3A_1937 = tpu.memref_slice %arg4[%add3A_1674, %dma_wait3A_1935, %dma_wait3A_1936] : memref<16384x56x128xf32, #tpu.memory_space<hbm>> -> memref<1x50x64xf32, #tpu.memory_space<hbm>>
        %dma_wait3A_1938 = tpu.memref_squeeze %dma_wait3A_1937 : memref<1x50x64xf32, #tpu.memory_space<hbm>> -> memref<50x64xf32, #tpu.memory_space<hbm>>
        %dma_wait3A_1939 = arith.constant 0 : i32
        %dma_wait3A_1940 = arith.constant 0 : i32
        %dma_wait3A_1941 = tpu.memref_slice %arg4[%add3A_1674, %dma_wait3A_1939, %dma_wait3A_1940] : memref<16384x56x128xf32, #tpu.memory_space<hbm>> -> memref<1x50x64xf32, #tpu.memory_space<hbm>>
        %dma_wait3A_1942 = tpu.memref_squeeze %dma_wait3A_1941 : memref<1x50x64xf32, #tpu.memory_space<hbm>> -> memref<50x64xf32, #tpu.memory_space<hbm>>
        %dma_wait3A_1943 = arith.constant 750 : i32
        %dma_wait3A_1944 = arith.constant 0 : i32
        %dma_wait3A_1945 = tpu.memref_slice %arg6[%dma_wait3A_1930, %dma_wait3A_1943, %dma_wait3A_1944] : memref<2x800x64xf32, #tpu.memory_space<vmem>> -> memref<1x50x64xf32, #tpu.memory_space<vmem>>
        %dma_wait3A_1946 = tpu.memref_squeeze %dma_wait3A_1945 : memref<1x50x64xf32, #tpu.memory_space<vmem>> -> memref<50x64xf32, #tpu.memory_space<vmem>>
        tpu.wait_dma2 semaphore(%arg8 : memref<!tpu.dma_semaphore, #tpu.memory_space<semaphore_mem>>) src(%dma_wait3A_1946 : memref<50x64xf32, #tpu.memory_space<vmem>>) dst(%dma_wait3A_1942 : memref<50x64xf32, #tpu.memory_space<hbm>>)
      } else {
      }
      %mul3A_627 = arith.constant 800 : i32
      %mul3A_628 = arith.muli %add3A_624, %mul3A_627 : i32
      %add3A_629 = arith.constant 0 : i32
      %add3A_630 = arith.addi %mul3A_628, %add3A_629 : i32
      %dma_start3A = arith.constant 0 : i32
      %dma_start3A_631 = arith.constant 0 : i32
      %dma_start3A_632 = arith.constant 0 : i32
      %dma_start3A_633 = tpu.memref_slice %arg6[%dma_start3A, %dma_start3A_631, %dma_start3A_632] : memref<2x800x64xf32, #tpu.memory_space<vmem>> -> memref<1x800x64xf32, #tpu.memory_space<vmem>>
      %dma_start3A_634 = tpu.memref_squeeze %dma_start3A_633 : memref<1x800x64xf32, #tpu.memory_space<vmem>> -> memref<800x64xf32, #tpu.memory_space<vmem>>
      %dma_start3A_635 = arith.constant 0 : i32
      %dma_start3A_636 = arith.constant 0 : i32
      %dma_start3A_637 = tpu.memref_slice %dma_start3A_634[%dma_start3A_635, %dma_start3A_636] : memref<800x64xf32, #tpu.memory_space<vmem>> -> memref<128x64xf32, #tpu.memory_space<vmem>>
      %dma_start3A_638 = tpu.memref_slice %arg5[%add3A_630] : memref<25600xi32, #tpu.memory_space<vmem>> -> memref<128xi32, #tpu.memory_space<vmem>>
      %dma_start3A_639 = arith.constant 0 : i32
      %dma_start3A_640 = arith.constant 0 : i32
      %dma_start3A_641 = tpu.memref_slice %arg3[%dma_start3A_639, %dma_start3A_640] : memref<1000000x64xf32, #tpu.memory_space<hbm>> -> memref<1000000x64xf32, #tpu.memory_space<hbm>>
      tpu.enqueue_indirect_dma source(%dma_start3A_641 : memref<1000000x64xf32, #tpu.memory_space<hbm>>) target(%dma_start3A_637 : memref<128x64xf32, #tpu.memory_space<vmem>>) offsets(%dma_start3A_638 : memref<128xi32, #tpu.memory_space<vmem>>) semaphore(%arg7 : memref<!tpu.dma_semaphore, #tpu.memory_space<semaphore_mem>>)
      %mul3A_642 = arith.constant 800 : i32
      %mul3A_643 = arith.muli %add3A_624, %mul3A_642 : i32
      %add3A_644 = arith.constant 128 : i32
      %add3A_645 = arith.addi %mul3A_643, %add3A_644 : i32
      %dma_start3A_646 = arith.constant 0 : i32
      %dma_start3A_647 = arith.constant 0 : i32
      %dma_start3A_648 = arith.constant 0 : i32
      %dma_start3A_649 = tpu.memref_slice %arg6[%dma_start3A_646, %dma_start3A_647, %dma_start3A_648] : memref<2x800x64xf32, #tpu.memory_space<vmem>> -> memref<1x800x64xf32, #tpu.memory_space<vmem>>
      %dma_start3A_650 = tpu.memref_squeeze %dma_start3A_649 : memref<1x800x64xf32, #tpu.memory_space<vmem>> -> memref<800x64xf32, #tpu.memory_space<vmem>>
      %dma_start3A_651 = arith.constant 128 : i32
      %dma_start3A_652 = arith.constant 0 : i32
      %dma_start3A_653 = tpu.memref_slice %dma_start3A_650[%dma_start3A_651, %dma_start3A_652] : memref<800x64xf32, #tpu.memory_space<vmem>> -> memref<128x64xf32, #tpu.memory_space<vmem>>
      %dma_start3A_654 = tpu.memref_slice %arg5[%add3A_645] : memref<25600xi32, #tpu.memory_space<vmem>> -> memref<128xi32, #tpu.memory_space<vmem>>
      %dma_start3A_655 = arith.constant 0 : i32
      %dma_start3A_656 = arith.constant 0 : i32
      %dma_start3A_657 = tpu.memref_slice %arg3[%dma_start3A_655, %dma_start3A_656] : memref<1000000x64xf32, #tpu.memory_space<hbm>> -> memref<1000000x64xf32, #tpu.memory_space<hbm>>
      tpu.enqueue_indirect_dma source(%dma_start3A_657 : memref<1000000x64xf32, #tpu.memory_space<hbm>>) target(%dma_start3A_653 : memref<128x64xf32, #tpu.memory_space<vmem>>) offsets(%dma_start3A_654 : memref<128xi32, #tpu.memory_space<vmem>>) semaphore(%arg7 : memref<!tpu.dma_semaphore, #tpu.memory_space<semaphore_mem>>)
      %mul3A_658 = arith.constant 800 : i32
      %mul3A_659 = arith.muli %add3A_624, %mul3A_658 : i32
      %add3A_660 = arith.constant 256 : i32
      %add3A_661 = arith.addi %mul3A_659, %add3A_660 : i32
      %dma_start3A_662 = arith.constant 0 : i32
      %dma_start3A_663 = arith.constant 0 : i32
      %dma_start3A_664 = arith.constant 0 : i32
      %dma_start3A_665 = tpu.memref_slice %arg6[%dma_start3A_662, %dma_start3A_663, %dma_start3A_664] : memref<2x800x64xf32, #tpu.memory_space<vmem>> -> memref<1x800x64xf32, #tpu.memory_space<vmem>>
      %dma_start3A_666 = tpu.memref_squeeze %dma_start3A_665 : memref<1x800x64xf32, #tpu.memory_space<vmem>> -> memref<800x64xf32, #tpu.memory_space<vmem>>
      %dma_start3A_667 = arith.constant 256 : i32
      %dma_start3A_668 = arith.constant 0 : i32
      %dma_start3A_669 = tpu.memref_slice %dma_start3A_666[%dma_start3A_667, %dma_start3A_668] : memref<800x64xf32, #tpu.memory_space<vmem>> -> memref<128x64xf32, #tpu.memory_space<vmem>>
      %dma_start3A_670 = tpu.memref_slice %arg5[%add3A_661] : memref<25600xi32, #tpu.memory_space<vmem>> -> memref<128xi32, #tpu.memory_space<vmem>>
      %dma_start3A_671 = arith.constant 0 : i32
      %dma_start3A_672 = arith.constant 0 : i32
      %dma_start3A_673 = tpu.memref_slice %arg3[%dma_start3A_671, %dma_start3A_672] : memref<1000000x64xf32, #tpu.memory_space<hbm>> -> memref<1000000x64xf32, #tpu.memory_space<hbm>>
      tpu.enqueue_indirect_dma source(%dma_start3A_673 : memref<1000000x64xf32, #tpu.memory_space<hbm>>) target(%dma_start3A_669 : memref<128x64xf32, #tpu.memory_space<vmem>>) offsets(%dma_start3A_670 : memref<128xi32, #tpu.memory_space<vmem>>) semaphore(%arg7 : memref<!tpu.dma_semaphore, #tpu.memory_space<semaphore_mem>>)
      %mul3A_674 = arith.constant 800 : i32
      %mul3A_675 = arith.muli %add3A_624, %mul3A_674 : i32
      %add3A_676 = arith.constant 384 : i32
      %add3A_677 = arith.addi %mul3A_675, %add3A_676 : i32
      %dma_start3A_678 = arith.constant 0 : i32
      %dma_start3A_679 = arith.constant 0 : i32
      %dma_start3A_680 = arith.constant 0 : i32
      %dma_start3A_681 = tpu.memref_slice %arg6[%dma_start3A_678, %dma_start3A_679, %dma_start3A_680] : memref<2x800x64xf32, #tpu.memory_space<vmem>> -> memref<1x800x64xf32, #tpu.memory_space<vmem>>
      %dma_start3A_682 = tpu.memref_squeeze %dma_start3A_681 : memref<1x800x64xf32, #tpu.memory_space<vmem>> -> memref<800x64xf32, #tpu.memory_space<vmem>>
      %dma_start3A_683 = arith.constant 384 : i32
      %dma_start3A_684 = arith.constant 0 : i32
      %dma_start3A_685 = tpu.memref_slice %dma_start3A_682[%dma_start3A_683, %dma_start3A_684] : memref<800x64xf32, #tpu.memory_space<vmem>> -> memref<128x64xf32, #tpu.memory_space<vmem>>
      %dma_start3A_686 = tpu.memref_slice %arg5[%add3A_677] : memref<25600xi32, #tpu.memory_space<vmem>> -> memref<128xi32, #tpu.memory_space<vmem>>
      %dma_start3A_687 = arith.constant 0 : i32
      %dma_start3A_688 = arith.constant 0 : i32
      %dma_start3A_689 = tpu.memref_slice %arg3[%dma_start3A_687, %dma_start3A_688] : memref<1000000x64xf32, #tpu.memory_space<hbm>> -> memref<1000000x64xf32, #tpu.memory_space<hbm>>
      tpu.enqueue_indirect_dma source(%dma_start3A_689 : memref<1000000x64xf32, #tpu.memory_space<hbm>>) target(%dma_start3A_685 : memref<128x64xf32, #tpu.memory_space<vmem>>) offsets(%dma_start3A_686 : memref<128xi32, #tpu.memory_space<vmem>>) semaphore(%arg7 : memref<!tpu.dma_semaphore, #tpu.memory_space<semaphore_mem>>)
      %mul3A_690 = arith.constant 800 : i32
      %mul3A_691 = arith.muli %add3A_624, %mul3A_690 : i32
      %add3A_692 = arith.constant 512 : i32
      %add3A_693 = arith.addi %mul3A_691, %add3A_692 : i32
      %dma_start3A_694 = arith.constant 0 : i32
      %dma_start3A_695 = arith.constant 0 : i32
      %dma_start3A_696 = arith.constant 0 : i32
      %dma_start3A_697 = tpu.memref_slice %arg6[%dma_start3A_694, %dma_start3A_695, %dma_start3A_696] : memref<2x800x64xf32, #tpu.memory_space<vmem>> -> memref<1x800x64xf32, #tpu.memory_space<vmem>>
      %dma_start3A_698 = tpu.memref_squeeze %dma_start3A_697 : memref<1x800x64xf32, #tpu.memory_space<vmem>> -> memref<800x64xf32, #tpu.memory_space<vmem>>
      %dma_start3A_699 = arith.constant 512 : i32
      %dma_start3A_700 = arith.constant 0 : i32
      %dma_start3A_701 = tpu.memref_slice %dma_start3A_698[%dma_start3A_699, %dma_start3A_700] : memref<800x64xf32, #tpu.memory_space<vmem>> -> memref<128x64xf32, #tpu.memory_space<vmem>>
      %dma_start3A_702 = tpu.memref_slice %arg5[%add3A_693] : memref<25600xi32, #tpu.memory_space<vmem>> -> memref<128xi32, #tpu.memory_space<vmem>>
      %dma_start3A_703 = arith.constant 0 : i32
      %dma_start3A_704 = arith.constant 0 : i32
      %dma_start3A_705 = tpu.memref_slice %arg3[%dma_start3A_703, %dma_start3A_704] : memref<1000000x64xf32, #tpu.memory_space<hbm>> -> memref<1000000x64xf32, #tpu.memory_space<hbm>>
      tpu.enqueue_indirect_dma source(%dma_start3A_705 : memref<1000000x64xf32, #tpu.memory_space<hbm>>) target(%dma_start3A_701 : memref<128x64xf32, #tpu.memory_space<vmem>>) offsets(%dma_start3A_702 : memref<128xi32, #tpu.memory_space<vmem>>) semaphore(%arg7 : memref<!tpu.dma_semaphore, #tpu.memory_space<semaphore_mem>>)
      %mul3A_706 = arith.constant 800 : i32
      %mul3A_707 = arith.muli %add3A_624, %mul3A_706 : i32
      %add3A_708 = arith.constant 640 : i32
      %add3A_709 = arith.addi %mul3A_707, %add3A_708 : i32
      %dma_start3A_710 = arith.constant 0 : i32
      %dma_start3A_711 = arith.constant 0 : i32
      %dma_start3A_712 = arith.constant 0 : i32
      %dma_start3A_713 = tpu.memref_slice %arg6[%dma_start3A_710, %dma_start3A_711, %dma_start3A_712] : memref<2x800x64xf32, #tpu.memory_space<vmem>> -> memref<1x800x64xf32, #tpu.memory_space<vmem>>
      %dma_start3A_714 = tpu.memref_squeeze %dma_start3A_713 : memref<1x800x64xf32, #tpu.memory_space<vmem>> -> memref<800x64xf32, #tpu.memory_space<vmem>>
      %dma_start3A_715 = arith.constant 640 : i32
      %dma_start3A_716 = arith.constant 0 : i32
      %dma_start3A_717 = tpu.memref_slice %dma_start3A_714[%dma_start3A_715, %dma_start3A_716] : memref<800x64xf32, #tpu.memory_space<vmem>> -> memref<128x64xf32, #tpu.memory_space<vmem>>
      %dma_start3A_718 = tpu.memref_slice %arg5[%add3A_709] : memref<25600xi32, #tpu.memory_space<vmem>> -> memref<128xi32, #tpu.memory_space<vmem>>
      %dma_start3A_719 = arith.constant 0 : i32
      %dma_start3A_720 = arith.constant 0 : i32
      %dma_start3A_721 = tpu.memref_slice %arg3[%dma_start3A_719, %dma_start3A_720] : memref<1000000x64xf32, #tpu.memory_space<hbm>> -> memref<1000000x64xf32, #tpu.memory_space<hbm>>
      tpu.enqueue_indirect_dma source(%dma_start3A_721 : memref<1000000x64xf32, #tpu.memory_space<hbm>>) target(%dma_start3A_717 : memref<128x64xf32, #tpu.memory_space<vmem>>) offsets(%dma_start3A_718 : memref<128xi32, #tpu.memory_space<vmem>>) semaphore(%arg7 : memref<!tpu.dma_semaphore, #tpu.memory_space<semaphore_mem>>)
      %mul3A_722 = arith.constant 800 : i32
      %mul3A_723 = arith.muli %add3A_624, %mul3A_722 : i32
      %add3A_724 = arith.constant 768 : i32
      %add3A_725 = arith.addi %mul3A_723, %add3A_724 : i32
      %dma_start3A_726 = arith.constant 0 : i32
      %dma_start3A_727 = arith.constant 0 : i32
      %dma_start3A_728 = arith.constant 0 : i32
      %dma_start3A_729 = tpu.memref_slice %arg6[%dma_start3A_726, %dma_start3A_727, %dma_start3A_728] : memref<2x800x64xf32, #tpu.memory_space<vmem>> -> memref<1x800x64xf32, #tpu.memory_space<vmem>>
      %dma_start3A_730 = tpu.memref_squeeze %dma_start3A_729 : memref<1x800x64xf32, #tpu.memory_space<vmem>> -> memref<800x64xf32, #tpu.memory_space<vmem>>
      %dma_start3A_731 = arith.constant 768 : i32
      %dma_start3A_732 = arith.constant 0 : i32
      %dma_start3A_733 = tpu.memref_slice %dma_start3A_730[%dma_start3A_731, %dma_start3A_732] : memref<800x64xf32, #tpu.memory_space<vmem>> -> memref<32x64xf32, #tpu.memory_space<vmem>>
      %dma_start3A_734 = tpu.memref_slice %arg5[%add3A_725] : memref<25600xi32, #tpu.memory_space<vmem>> -> memref<32xi32, #tpu.memory_space<vmem>>
      %dma_start3A_735 = arith.constant 0 : i32
      %dma_start3A_736 = arith.constant 0 : i32
      %dma_start3A_737 = tpu.memref_slice %arg3[%dma_start3A_735, %dma_start3A_736] : memref<1000000x64xf32, #tpu.memory_space<hbm>> -> memref<1000000x64xf32, #tpu.memory_space<hbm>>
      tpu.enqueue_indirect_dma source(%dma_start3A_737 : memref<1000000x64xf32, #tpu.memory_space<hbm>>) target(%dma_start3A_733 : memref<32x64xf32, #tpu.memory_space<vmem>>) offsets(%dma_start3A_734 : memref<32xi32, #tpu.memory_space<vmem>>) semaphore(%arg7 : memref<!tpu.dma_semaphore, #tpu.memory_space<semaphore_mem>>)
      %dma_wait3A_738 = arith.constant 0 : i32
      %dma_wait3A_739 = arith.constant 0 : i32
      %dma_wait3A_740 = arith.constant 0 : i32
      %dma_wait3A_741 = tpu.memref_slice %arg6[%dma_wait3A_738, %dma_wait3A_739, %dma_wait3A_740] : memref<2x800x64xf32, #tpu.memory_space<vmem>> -> memref<1x800x64xf32, #tpu.memory_space<vmem>>
      %dma_wait3A_742 = tpu.memref_squeeze %dma_wait3A_741 : memref<1x800x64xf32, #tpu.memory_space<vmem>> -> memref<800x64xf32, #tpu.memory_space<vmem>>
      %dma_wait3A_743 = arith.constant 0 : i32
      %dma_wait3A_744 = arith.constant 0 : i32
      %dma_wait3A_745 = tpu.memref_slice %dma_wait3A_742[%dma_wait3A_743, %dma_wait3A_744] : memref<800x64xf32, #tpu.memory_space<vmem>> -> memref<128x64xf32, #tpu.memory_space<vmem>>
      %dma_wait3A_746 = tpu.memref_slice %arg5[%add3A_630] : memref<25600xi32, #tpu.memory_space<vmem>> -> memref<128xi32, #tpu.memory_space<vmem>>
      %dma_wait3A_747 = arith.constant 0 : i32
      %dma_wait3A_748 = arith.constant 0 : i32
      %dma_wait3A_749 = tpu.memref_slice %arg3[%dma_wait3A_747, %dma_wait3A_748] : memref<1000000x64xf32, #tpu.memory_space<hbm>> -> memref<1000000x64xf32, #tpu.memory_space<hbm>>
      tpu.wait_indirect_dma semaphore(%arg7 : memref<!tpu.dma_semaphore, #tpu.memory_space<semaphore_mem>>) src(%dma_wait3A_749 : memref<1000000x64xf32, #tpu.memory_space<hbm>>) dst(%dma_wait3A_745 : memref<128x64xf32, #tpu.memory_space<vmem>>)
      %dma_wait3A_750 = arith.constant 0 : i32
      %dma_wait3A_751 = arith.constant 0 : i32
      %dma_wait3A_752 = arith.constant 0 : i32
      %dma_wait3A_753 = tpu.memref_slice %arg6[%dma_wait3A_750, %dma_wait3A_751, %dma_wait3A_752] : memref<2x800x64xf32, #tpu.memory_space<vmem>> -> memref<1x800x64xf32, #tpu.memory_space<vmem>>
      %dma_wait3A_754 = tpu.memref_squeeze %dma_wait3A_753 : memref<1x800x64xf32, #tpu.memory_space<vmem>> -> memref<800x64xf32, #tpu.memory_space<vmem>>
      %dma_wait3A_755 = arith.constant 128 : i32
      %dma_wait3A_756 = arith.constant 0 : i32
      %dma_wait3A_757 = tpu.memref_slice %dma_wait3A_754[%dma_wait3A_755, %dma_wait3A_756] : memref<800x64xf32, #tpu.memory_space<vmem>> -> memref<128x64xf32, #tpu.memory_space<vmem>>
      %dma_wait3A_758 = tpu.memref_slice %arg5[%add3A_645] : memref<25600xi32, #tpu.memory_space<vmem>> -> memref<128xi32, #tpu.memory_space<vmem>>
      %dma_wait3A_759 = arith.constant 0 : i32
      %dma_wait3A_760 = arith.constant 0 : i32
      %dma_wait3A_761 = tpu.memref_slice %arg3[%dma_wait3A_759, %dma_wait3A_760] : memref<1000000x64xf32, #tpu.memory_space<hbm>> -> memref<1000000x64xf32, #tpu.memory_space<hbm>>
      tpu.wait_indirect_dma semaphore(%arg7 : memref<!tpu.dma_semaphore, #tpu.memory_space<semaphore_mem>>) src(%dma_wait3A_761 : memref<1000000x64xf32, #tpu.memory_space<hbm>>) dst(%dma_wait3A_757 : memref<128x64xf32, #tpu.memory_space<vmem>>)
      %dma_wait3A_762 = arith.constant 0 : i32
      %dma_wait3A_763 = arith.constant 0 : i32
      %dma_wait3A_764 = arith.constant 0 : i32
      %dma_wait3A_765 = tpu.memref_slice %arg6[%dma_wait3A_762, %dma_wait3A_763, %dma_wait3A_764] : memref<2x800x64xf32, #tpu.memory_space<vmem>> -> memref<1x800x64xf32, #tpu.memory_space<vmem>>
      %dma_wait3A_766 = tpu.memref_squeeze %dma_wait3A_765 : memref<1x800x64xf32, #tpu.memory_space<vmem>> -> memref<800x64xf32, #tpu.memory_space<vmem>>
      %dma_wait3A_767 = arith.constant 256 : i32
      %dma_wait3A_768 = arith.constant 0 : i32
      %dma_wait3A_769 = tpu.memref_slice %dma_wait3A_766[%dma_wait3A_767, %dma_wait3A_768] : memref<800x64xf32, #tpu.memory_space<vmem>> -> memref<128x64xf32, #tpu.memory_space<vmem>>
      %dma_wait3A_770 = tpu.memref_slice %arg5[%add3A_661] : memref<25600xi32, #tpu.memory_space<vmem>> -> memref<128xi32, #tpu.memory_space<vmem>>
      %dma_wait3A_771 = arith.constant 0 : i32
      %dma_wait3A_772 = arith.constant 0 : i32
      %dma_wait3A_773 = tpu.memref_slice %arg3[%dma_wait3A_771, %dma_wait3A_772] : memref<1000000x64xf32, #tpu.memory_space<hbm>> -> memref<1000000x64xf32, #tpu.memory_space<hbm>>
      tpu.wait_indirect_dma semaphore(%arg7 : memref<!tpu.dma_semaphore, #tpu.memory_space<semaphore_mem>>) src(%dma_wait3A_773 : memref<1000000x64xf32, #tpu.memory_space<hbm>>) dst(%dma_wait3A_769 : memref<128x64xf32, #tpu.memory_space<vmem>>)
      %dma_wait3A_774 = arith.constant 0 : i32
      %dma_wait3A_775 = arith.constant 0 : i32
      %dma_wait3A_776 = arith.constant 0 : i32
      %dma_wait3A_777 = tpu.memref_slice %arg6[%dma_wait3A_774, %dma_wait3A_775, %dma_wait3A_776] : memref<2x800x64xf32, #tpu.memory_space<vmem>> -> memref<1x800x64xf32, #tpu.memory_space<vmem>>
      %dma_wait3A_778 = tpu.memref_squeeze %dma_wait3A_777 : memref<1x800x64xf32, #tpu.memory_space<vmem>> -> memref<800x64xf32, #tpu.memory_space<vmem>>
      %dma_wait3A_779 = arith.constant 384 : i32
      %dma_wait3A_780 = arith.constant 0 : i32
      %dma_wait3A_781 = tpu.memref_slice %dma_wait3A_778[%dma_wait3A_779, %dma_wait3A_780] : memref<800x64xf32, #tpu.memory_space<vmem>> -> memref<128x64xf32, #tpu.memory_space<vmem>>
      %dma_wait3A_782 = tpu.memref_slice %arg5[%add3A_677] : memref<25600xi32, #tpu.memory_space<vmem>> -> memref<128xi32, #tpu.memory_space<vmem>>
      %dma_wait3A_783 = arith.constant 0 : i32
      %dma_wait3A_784 = arith.constant 0 : i32
      %dma_wait3A_785 = tpu.memref_slice %arg3[%dma_wait3A_783, %dma_wait3A_784] : memref<1000000x64xf32, #tpu.memory_space<hbm>> -> memref<1000000x64xf32, #tpu.memory_space<hbm>>
      tpu.wait_indirect_dma semaphore(%arg7 : memref<!tpu.dma_semaphore, #tpu.memory_space<semaphore_mem>>) src(%dma_wait3A_785 : memref<1000000x64xf32, #tpu.memory_space<hbm>>) dst(%dma_wait3A_781 : memref<128x64xf32, #tpu.memory_space<vmem>>)
      %dma_wait3A_786 = arith.constant 0 : i32
      %dma_wait3A_787 = arith.constant 0 : i32
      %dma_wait3A_788 = arith.constant 0 : i32
      %dma_wait3A_789 = tpu.memref_slice %arg6[%dma_wait3A_786, %dma_wait3A_787, %dma_wait3A_788] : memref<2x800x64xf32, #tpu.memory_space<vmem>> -> memref<1x800x64xf32, #tpu.memory_space<vmem>>
      %dma_wait3A_790 = tpu.memref_squeeze %dma_wait3A_789 : memref<1x800x64xf32, #tpu.memory_space<vmem>> -> memref<800x64xf32, #tpu.memory_space<vmem>>
      %dma_wait3A_791 = arith.constant 512 : i32
      %dma_wait3A_792 = arith.constant 0 : i32
      %dma_wait3A_793 = tpu.memref_slice %dma_wait3A_790[%dma_wait3A_791, %dma_wait3A_792] : memref<800x64xf32, #tpu.memory_space<vmem>> -> memref<128x64xf32, #tpu.memory_space<vmem>>
      %dma_wait3A_794 = tpu.memref_slice %arg5[%add3A_693] : memref<25600xi32, #tpu.memory_space<vmem>> -> memref<128xi32, #tpu.memory_space<vmem>>
      %dma_wait3A_795 = arith.constant 0 : i32
      %dma_wait3A_796 = arith.constant 0 : i32
      %dma_wait3A_797 = tpu.memref_slice %arg3[%dma_wait3A_795, %dma_wait3A_796] : memref<1000000x64xf32, #tpu.memory_space<hbm>> -> memref<1000000x64xf32, #tpu.memory_space<hbm>>
      tpu.wait_indirect_dma semaphore(%arg7 : memref<!tpu.dma_semaphore, #tpu.memory_space<semaphore_mem>>) src(%dma_wait3A_797 : memref<1000000x64xf32, #tpu.memory_space<hbm>>) dst(%dma_wait3A_793 : memref<128x64xf32, #tpu.memory_space<vmem>>)
      %dma_wait3A_798 = arith.constant 0 : i32
      %dma_wait3A_799 = arith.constant 0 : i32
      %dma_wait3A_800 = arith.constant 0 : i32
      %dma_wait3A_801 = tpu.memref_slice %arg6[%dma_wait3A_798, %dma_wait3A_799, %dma_wait3A_800] : memref<2x800x64xf32, #tpu.memory_space<vmem>> -> memref<1x800x64xf32, #tpu.memory_space<vmem>>
      %dma_wait3A_802 = tpu.memref_squeeze %dma_wait3A_801 : memref<1x800x64xf32, #tpu.memory_space<vmem>> -> memref<800x64xf32, #tpu.memory_space<vmem>>
      %dma_wait3A_803 = arith.constant 640 : i32
      %dma_wait3A_804 = arith.constant 0 : i32
      %dma_wait3A_805 = tpu.memref_slice %dma_wait3A_802[%dma_wait3A_803, %dma_wait3A_804] : memref<800x64xf32, #tpu.memory_space<vmem>> -> memref<128x64xf32, #tpu.memory_space<vmem>>
      %dma_wait3A_806 = tpu.memref_slice %arg5[%add3A_709] : memref<25600xi32, #tpu.memory_space<vmem>> -> memref<128xi32, #tpu.memory_space<vmem>>
      %dma_wait3A_807 = arith.constant 0 : i32
      %dma_wait3A_808 = arith.constant 0 : i32
      %dma_wait3A_809 = tpu.memref_slice %arg3[%dma_wait3A_807, %dma_wait3A_808] : memref<1000000x64xf32, #tpu.memory_space<hbm>> -> memref<1000000x64xf32, #tpu.memory_space<hbm>>
      tpu.wait_indirect_dma semaphore(%arg7 : memref<!tpu.dma_semaphore, #tpu.memory_space<semaphore_mem>>) src(%dma_wait3A_809 : memref<1000000x64xf32, #tpu.memory_space<hbm>>) dst(%dma_wait3A_805 : memref<128x64xf32, #tpu.memory_space<vmem>>)
      %dma_wait3A_810 = arith.constant 0 : i32
      %dma_wait3A_811 = arith.constant 0 : i32
      %dma_wait3A_812 = arith.constant 0 : i32
      %dma_wait3A_813 = tpu.memref_slice %arg6[%dma_wait3A_810, %dma_wait3A_811, %dma_wait3A_812] : memref<2x800x64xf32, #tpu.memory_space<vmem>> -> memref<1x800x64xf32, #tpu.memory_space<vmem>>
      %dma_wait3A_814 = tpu.memref_squeeze %dma_wait3A_813 : memref<1x800x64xf32, #tpu.memory_space<vmem>> -> memref<800x64xf32, #tpu.memory_space<vmem>>
      %dma_wait3A_815 = arith.constant 768 : i32
      %dma_wait3A_816 = arith.constant 0 : i32
      %dma_wait3A_817 = tpu.memref_slice %dma_wait3A_814[%dma_wait3A_815, %dma_wait3A_816] : memref<800x64xf32, #tpu.memory_space<vmem>> -> memref<32x64xf32, #tpu.memory_space<vmem>>
      %dma_wait3A_818 = tpu.memref_slice %arg5[%add3A_725] : memref<25600xi32, #tpu.memory_space<vmem>> -> memref<32xi32, #tpu.memory_space<vmem>>
      %dma_wait3A_819 = arith.constant 0 : i32
      %dma_wait3A_820 = arith.constant 0 : i32
      %dma_wait3A_821 = tpu.memref_slice %arg3[%dma_wait3A_819, %dma_wait3A_820] : memref<1000000x64xf32, #tpu.memory_space<hbm>> -> memref<1000000x64xf32, #tpu.memory_space<hbm>>
      tpu.wait_indirect_dma semaphore(%arg7 : memref<!tpu.dma_semaphore, #tpu.memory_space<semaphore_mem>>) src(%dma_wait3A_821 : memref<1000000x64xf32, #tpu.memory_space<hbm>>) dst(%dma_wait3A_817 : memref<32x64xf32, #tpu.memory_space<vmem>>)
      %mul3A_822 = arith.constant 16 : i32
      %mul3A_823 = arith.muli %add3A_624, %mul3A_822 : i32
      %add3A_824 = arith.addi %mul3A_2, %mul3A_823 : i32
      %add3A_825 = arith.constant 0 : i32
      %add3A_826 = arith.addi %add3A_824, %add3A_825 : i32
      %add3A_827 = arith.constant 1 : i32
      %add3A_828 = arith.addi %add3A_824, %add3A_827 : i32
      %add3A_829 = arith.constant 2 : i32
      %add3A_830 = arith.addi %add3A_824, %add3A_829 : i32
      %add3A_831 = arith.constant 3 : i32
      %add3A_832 = arith.addi %add3A_824, %add3A_831 : i32
      %add3A_833 = arith.constant 4 : i32
      %add3A_834 = arith.addi %add3A_824, %add3A_833 : i32
      %add3A_835 = arith.constant 5 : i32
      %add3A_836 = arith.addi %add3A_824, %add3A_835 : i32
      %add3A_837 = arith.constant 6 : i32
      %add3A_838 = arith.addi %add3A_824, %add3A_837 : i32
      %add3A_839 = arith.constant 7 : i32
      %add3A_840 = arith.addi %add3A_824, %add3A_839 : i32
      %add3A_841 = arith.constant 8 : i32
      %add3A_842 = arith.addi %add3A_824, %add3A_841 : i32
      %add3A_843 = arith.constant 9 : i32
      %add3A_844 = arith.addi %add3A_824, %add3A_843 : i32
      %add3A_845 = arith.constant 10 : i32
      %add3A_846 = arith.addi %add3A_824, %add3A_845 : i32
      %add3A_847 = arith.constant 11 : i32
      %add3A_848 = arith.addi %add3A_824, %add3A_847 : i32
      %add3A_849 = arith.constant 12 : i32
      %add3A_850 = arith.addi %add3A_824, %add3A_849 : i32
      %add3A_851 = arith.constant 13 : i32
      %add3A_852 = arith.addi %add3A_824, %add3A_851 : i32
      %add3A_853 = arith.constant 14 : i32
      %add3A_854 = arith.addi %add3A_824, %add3A_853 : i32
      %add3A_855 = arith.constant 15 : i32
      %add3A_856 = arith.addi %add3A_824, %add3A_855 : i32
      %dma_start3A_857 = arith.constant 0 : i32
      %dma_start3A_858 = arith.constant 0 : i32
      %dma_start3A_859 = arith.constant 0 : i32
      %dma_start3A_860 = tpu.memref_slice %arg6[%dma_start3A_857, %dma_start3A_858, %dma_start3A_859] : memref<2x800x64xf32, #tpu.memory_space<vmem>> -> memref<1x50x64xf32, #tpu.memory_space<vmem>>
      %dma_start3A_861 = tpu.memref_squeeze %dma_start3A_860 : memref<1x50x64xf32, #tpu.memory_space<vmem>> -> memref<50x64xf32, #tpu.memory_space<vmem>>
      %dma_start3A_862 = arith.constant 0 : i32
      %dma_start3A_863 = arith.constant 0 : i32
      %dma_start3A_864 = tpu.memref_slice %arg4[%add3A_826, %dma_start3A_862, %dma_start3A_863] : memref<16384x56x128xf32, #tpu.memory_space<hbm>> -> memref<1x50x64xf32, #tpu.memory_space<hbm>>
      %dma_start3A_865 = tpu.memref_squeeze %dma_start3A_864 : memref<1x50x64xf32, #tpu.memory_space<hbm>> -> memref<50x64xf32, #tpu.memory_space<hbm>>
      %dma_start3A_866 = arith.constant 0 : i32
      %dma_start3A_867 = arith.constant 0 : i32
      %dma_start3A_868 = tpu.memref_slice %arg4[%add3A_826, %dma_start3A_866, %dma_start3A_867] : memref<16384x56x128xf32, #tpu.memory_space<hbm>> -> memref<1x50x64xf32, #tpu.memory_space<hbm>>
      %dma_start3A_869 = tpu.memref_squeeze %dma_start3A_868 : memref<1x50x64xf32, #tpu.memory_space<hbm>> -> memref<50x64xf32, #tpu.memory_space<hbm>>
      %dma_start3A_870 = arith.constant 0 : i32
      %dma_start3A_871 = arith.constant 0 : i32
      %dma_start3A_872 = tpu.memref_slice %arg6[%dma_start3A_857, %dma_start3A_870, %dma_start3A_871] : memref<2x800x64xf32, #tpu.memory_space<vmem>> -> memref<1x50x64xf32, #tpu.memory_space<vmem>>
      %dma_start3A_873 = tpu.memref_squeeze %dma_start3A_872 : memref<1x50x64xf32, #tpu.memory_space<vmem>> -> memref<50x64xf32, #tpu.memory_space<vmem>>
      tpu.enqueue_dma source(%dma_start3A_873 : memref<50x64xf32, #tpu.memory_space<vmem>>) target(%dma_start3A_869 : memref<50x64xf32, #tpu.memory_space<hbm>>) target_semaphore(%arg8 : memref<!tpu.dma_semaphore, #tpu.memory_space<semaphore_mem>>)
      %dma_start3A_874 = arith.constant 0 : i32
      %dma_start3A_875 = arith.constant 50 : i32
      %dma_start3A_876 = arith.constant 0 : i32
      %dma_start3A_877 = tpu.memref_slice %arg6[%dma_start3A_874, %dma_start3A_875, %dma_start3A_876] : memref<2x800x64xf32, #tpu.memory_space<vmem>> -> memref<1x50x64xf32, #tpu.memory_space<vmem>>
      %dma_start3A_878 = tpu.memref_squeeze %dma_start3A_877 : memref<1x50x64xf32, #tpu.memory_space<vmem>> -> memref<50x64xf32, #tpu.memory_space<vmem>>
      %dma_start3A_879 = arith.constant 0 : i32
      %dma_start3A_880 = arith.constant 0 : i32
      %dma_start3A_881 = tpu.memref_slice %arg4[%add3A_828, %dma_start3A_879, %dma_start3A_880] : memref<16384x56x128xf32, #tpu.memory_space<hbm>> -> memref<1x50x64xf32, #tpu.memory_space<hbm>>
      %dma_start3A_882 = tpu.memref_squeeze %dma_start3A_881 : memref<1x50x64xf32, #tpu.memory_space<hbm>> -> memref<50x64xf32, #tpu.memory_space<hbm>>
      %dma_start3A_883 = arith.constant 0 : i32
      %dma_start3A_884 = arith.constant 0 : i32
      %dma_start3A_885 = tpu.memref_slice %arg4[%add3A_828, %dma_start3A_883, %dma_start3A_884] : memref<16384x56x128xf32, #tpu.memory_space<hbm>> -> memref<1x50x64xf32, #tpu.memory_space<hbm>>
      %dma_start3A_886 = tpu.memref_squeeze %dma_start3A_885 : memref<1x50x64xf32, #tpu.memory_space<hbm>> -> memref<50x64xf32, #tpu.memory_space<hbm>>
      %dma_start3A_887 = arith.constant 50 : i32
      %dma_start3A_888 = arith.constant 0 : i32
      %dma_start3A_889 = tpu.memref_slice %arg6[%dma_start3A_874, %dma_start3A_887, %dma_start3A_888] : memref<2x800x64xf32, #tpu.memory_space<vmem>> -> memref<1x50x64xf32, #tpu.memory_space<vmem>>
      %dma_start3A_890 = tpu.memref_squeeze %dma_start3A_889 : memref<1x50x64xf32, #tpu.memory_space<vmem>> -> memref<50x64xf32, #tpu.memory_space<vmem>>
      tpu.enqueue_dma source(%dma_start3A_890 : memref<50x64xf32, #tpu.memory_space<vmem>>) target(%dma_start3A_886 : memref<50x64xf32, #tpu.memory_space<hbm>>) target_semaphore(%arg8 : memref<!tpu.dma_semaphore, #tpu.memory_space<semaphore_mem>>)
      %dma_start3A_891 = arith.constant 0 : i32
      %dma_start3A_892 = arith.constant 100 : i32
      %dma_start3A_893 = arith.constant 0 : i32
      %dma_start3A_894 = tpu.memref_slice %arg6[%dma_start3A_891, %dma_start3A_892, %dma_start3A_893] : memref<2x800x64xf32, #tpu.memory_space<vmem>> -> memref<1x50x64xf32, #tpu.memory_space<vmem>>
      %dma_start3A_895 = tpu.memref_squeeze %dma_start3A_894 : memref<1x50x64xf32, #tpu.memory_space<vmem>> -> memref<50x64xf32, #tpu.memory_space<vmem>>
      %dma_start3A_896 = arith.constant 0 : i32
      %dma_start3A_897 = arith.constant 0 : i32
      %dma_start3A_898 = tpu.memref_slice %arg4[%add3A_830, %dma_start3A_896, %dma_start3A_897] : memref<16384x56x128xf32, #tpu.memory_space<hbm>> -> memref<1x50x64xf32, #tpu.memory_space<hbm>>
      %dma_start3A_899 = tpu.memref_squeeze %dma_start3A_898 : memref<1x50x64xf32, #tpu.memory_space<hbm>> -> memref<50x64xf32, #tpu.memory_space<hbm>>
      %dma_start3A_900 = arith.constant 0 : i32
      %dma_start3A_901 = arith.constant 0 : i32
      %dma_start3A_902 = tpu.memref_slice %arg4[%add3A_830, %dma_start3A_900, %dma_start3A_901] : memref<16384x56x128xf32, #tpu.memory_space<hbm>> -> memref<1x50x64xf32, #tpu.memory_space<hbm>>
      %dma_start3A_903 = tpu.memref_squeeze %dma_start3A_902 : memref<1x50x64xf32, #tpu.memory_space<hbm>> -> memref<50x64xf32, #tpu.memory_space<hbm>>
      %dma_start3A_904 = arith.constant 100 : i32
      %dma_start3A_905 = arith.constant 0 : i32
      %dma_start3A_906 = tpu.memref_slice %arg6[%dma_start3A_891, %dma_start3A_904, %dma_start3A_905] : memref<2x800x64xf32, #tpu.memory_space<vmem>> -> memref<1x50x64xf32, #tpu.memory_space<vmem>>
      %dma_start3A_907 = tpu.memref_squeeze %dma_start3A_906 : memref<1x50x64xf32, #tpu.memory_space<vmem>> -> memref<50x64xf32, #tpu.memory_space<vmem>>
      tpu.enqueue_dma source(%dma_start3A_907 : memref<50x64xf32, #tpu.memory_space<vmem>>) target(%dma_start3A_903 : memref<50x64xf32, #tpu.memory_space<hbm>>) target_semaphore(%arg8 : memref<!tpu.dma_semaphore, #tpu.memory_space<semaphore_mem>>)
      %dma_start3A_908 = arith.constant 0 : i32
      %dma_start3A_909 = arith.constant 150 : i32
      %dma_start3A_910 = arith.constant 0 : i32
      %dma_start3A_911 = tpu.memref_slice %arg6[%dma_start3A_908, %dma_start3A_909, %dma_start3A_910] : memref<2x800x64xf32, #tpu.memory_space<vmem>> -> memref<1x50x64xf32, #tpu.memory_space<vmem>>
      %dma_start3A_912 = tpu.memref_squeeze %dma_start3A_911 : memref<1x50x64xf32, #tpu.memory_space<vmem>> -> memref<50x64xf32, #tpu.memory_space<vmem>>
      %dma_start3A_913 = arith.constant 0 : i32
      %dma_start3A_914 = arith.constant 0 : i32
      %dma_start3A_915 = tpu.memref_slice %arg4[%add3A_832, %dma_start3A_913, %dma_start3A_914] : memref<16384x56x128xf32, #tpu.memory_space<hbm>> -> memref<1x50x64xf32, #tpu.memory_space<hbm>>
      %dma_start3A_916 = tpu.memref_squeeze %dma_start3A_915 : memref<1x50x64xf32, #tpu.memory_space<hbm>> -> memref<50x64xf32, #tpu.memory_space<hbm>>
      %dma_start3A_917 = arith.constant 0 : i32
      %dma_start3A_918 = arith.constant 0 : i32
      %dma_start3A_919 = tpu.memref_slice %arg4[%add3A_832, %dma_start3A_917, %dma_start3A_918] : memref<16384x56x128xf32, #tpu.memory_space<hbm>> -> memref<1x50x64xf32, #tpu.memory_space<hbm>>
      %dma_start3A_920 = tpu.memref_squeeze %dma_start3A_919 : memref<1x50x64xf32, #tpu.memory_space<hbm>> -> memref<50x64xf32, #tpu.memory_space<hbm>>
      %dma_start3A_921 = arith.constant 150 : i32
      %dma_start3A_922 = arith.constant 0 : i32
      %dma_start3A_923 = tpu.memref_slice %arg6[%dma_start3A_908, %dma_start3A_921, %dma_start3A_922] : memref<2x800x64xf32, #tpu.memory_space<vmem>> -> memref<1x50x64xf32, #tpu.memory_space<vmem>>
      %dma_start3A_924 = tpu.memref_squeeze %dma_start3A_923 : memref<1x50x64xf32, #tpu.memory_space<vmem>> -> memref<50x64xf32, #tpu.memory_space<vmem>>
      tpu.enqueue_dma source(%dma_start3A_924 : memref<50x64xf32, #tpu.memory_space<vmem>>) target(%dma_start3A_920 : memref<50x64xf32, #tpu.memory_space<hbm>>) target_semaphore(%arg8 : memref<!tpu.dma_semaphore, #tpu.memory_space<semaphore_mem>>)
      %dma_start3A_925 = arith.constant 0 : i32
      %dma_start3A_926 = arith.constant 200 : i32
      %dma_start3A_927 = arith.constant 0 : i32
      %dma_start3A_928 = tpu.memref_slice %arg6[%dma_start3A_925, %dma_start3A_926, %dma_start3A_927] : memref<2x800x64xf32, #tpu.memory_space<vmem>> -> memref<1x50x64xf32, #tpu.memory_space<vmem>>
      %dma_start3A_929 = tpu.memref_squeeze %dma_start3A_928 : memref<1x50x64xf32, #tpu.memory_space<vmem>> -> memref<50x64xf32, #tpu.memory_space<vmem>>
      %dma_start3A_930 = arith.constant 0 : i32
      %dma_start3A_931 = arith.constant 0 : i32
      %dma_start3A_932 = tpu.memref_slice %arg4[%add3A_834, %dma_start3A_930, %dma_start3A_931] : memref<16384x56x128xf32, #tpu.memory_space<hbm>> -> memref<1x50x64xf32, #tpu.memory_space<hbm>>
      %dma_start3A_933 = tpu.memref_squeeze %dma_start3A_932 : memref<1x50x64xf32, #tpu.memory_space<hbm>> -> memref<50x64xf32, #tpu.memory_space<hbm>>
      %dma_start3A_934 = arith.constant 0 : i32
      %dma_start3A_935 = arith.constant 0 : i32
      %dma_start3A_936 = tpu.memref_slice %arg4[%add3A_834, %dma_start3A_934, %dma_start3A_935] : memref<16384x56x128xf32, #tpu.memory_space<hbm>> -> memref<1x50x64xf32, #tpu.memory_space<hbm>>
      %dma_start3A_937 = tpu.memref_squeeze %dma_start3A_936 : memref<1x50x64xf32, #tpu.memory_space<hbm>> -> memref<50x64xf32, #tpu.memory_space<hbm>>
      %dma_start3A_938 = arith.constant 200 : i32
      %dma_start3A_939 = arith.constant 0 : i32
      %dma_start3A_940 = tpu.memref_slice %arg6[%dma_start3A_925, %dma_start3A_938, %dma_start3A_939] : memref<2x800x64xf32, #tpu.memory_space<vmem>> -> memref<1x50x64xf32, #tpu.memory_space<vmem>>
      %dma_start3A_941 = tpu.memref_squeeze %dma_start3A_940 : memref<1x50x64xf32, #tpu.memory_space<vmem>> -> memref<50x64xf32, #tpu.memory_space<vmem>>
      tpu.enqueue_dma source(%dma_start3A_941 : memref<50x64xf32, #tpu.memory_space<vmem>>) target(%dma_start3A_937 : memref<50x64xf32, #tpu.memory_space<hbm>>) target_semaphore(%arg8 : memref<!tpu.dma_semaphore, #tpu.memory_space<semaphore_mem>>)
      %dma_start3A_942 = arith.constant 0 : i32
      %dma_start3A_943 = arith.constant 250 : i32
      %dma_start3A_944 = arith.constant 0 : i32
      %dma_start3A_945 = tpu.memref_slice %arg6[%dma_start3A_942, %dma_start3A_943, %dma_start3A_944] : memref<2x800x64xf32, #tpu.memory_space<vmem>> -> memref<1x50x64xf32, #tpu.memory_space<vmem>>
      %dma_start3A_946 = tpu.memref_squeeze %dma_start3A_945 : memref<1x50x64xf32, #tpu.memory_space<vmem>> -> memref<50x64xf32, #tpu.memory_space<vmem>>
      %dma_start3A_947 = arith.constant 0 : i32
      %dma_start3A_948 = arith.constant 0 : i32
      %dma_start3A_949 = tpu.memref_slice %arg4[%add3A_836, %dma_start3A_947, %dma_start3A_948] : memref<16384x56x128xf32, #tpu.memory_space<hbm>> -> memref<1x50x64xf32, #tpu.memory_space<hbm>>
      %dma_start3A_950 = tpu.memref_squeeze %dma_start3A_949 : memref<1x50x64xf32, #tpu.memory_space<hbm>> -> memref<50x64xf32, #tpu.memory_space<hbm>>
      %dma_start3A_951 = arith.constant 0 : i32
      %dma_start3A_952 = arith.constant 0 : i32
      %dma_start3A_953 = tpu.memref_slice %arg4[%add3A_836, %dma_start3A_951, %dma_start3A_952] : memref<16384x56x128xf32, #tpu.memory_space<hbm>> -> memref<1x50x64xf32, #tpu.memory_space<hbm>>
      %dma_start3A_954 = tpu.memref_squeeze %dma_start3A_953 : memref<1x50x64xf32, #tpu.memory_space<hbm>> -> memref<50x64xf32, #tpu.memory_space<hbm>>
      %dma_start3A_955 = arith.constant 250 : i32
      %dma_start3A_956 = arith.constant 0 : i32
      %dma_start3A_957 = tpu.memref_slice %arg6[%dma_start3A_942, %dma_start3A_955, %dma_start3A_956] : memref<2x800x64xf32, #tpu.memory_space<vmem>> -> memref<1x50x64xf32, #tpu.memory_space<vmem>>
      %dma_start3A_958 = tpu.memref_squeeze %dma_start3A_957 : memref<1x50x64xf32, #tpu.memory_space<vmem>> -> memref<50x64xf32, #tpu.memory_space<vmem>>
      tpu.enqueue_dma source(%dma_start3A_958 : memref<50x64xf32, #tpu.memory_space<vmem>>) target(%dma_start3A_954 : memref<50x64xf32, #tpu.memory_space<hbm>>) target_semaphore(%arg8 : memref<!tpu.dma_semaphore, #tpu.memory_space<semaphore_mem>>)
      %dma_start3A_959 = arith.constant 0 : i32
      %dma_start3A_960 = arith.constant 300 : i32
      %dma_start3A_961 = arith.constant 0 : i32
      %dma_start3A_962 = tpu.memref_slice %arg6[%dma_start3A_959, %dma_start3A_960, %dma_start3A_961] : memref<2x800x64xf32, #tpu.memory_space<vmem>> -> memref<1x50x64xf32, #tpu.memory_space<vmem>>
      %dma_start3A_963 = tpu.memref_squeeze %dma_start3A_962 : memref<1x50x64xf32, #tpu.memory_space<vmem>> -> memref<50x64xf32, #tpu.memory_space<vmem>>
      %dma_start3A_964 = arith.constant 0 : i32
      %dma_start3A_965 = arith.constant 0 : i32
      %dma_start3A_966 = tpu.memref_slice %arg4[%add3A_838, %dma_start3A_964, %dma_start3A_965] : memref<16384x56x128xf32, #tpu.memory_space<hbm>> -> memref<1x50x64xf32, #tpu.memory_space<hbm>>
      %dma_start3A_967 = tpu.memref_squeeze %dma_start3A_966 : memref<1x50x64xf32, #tpu.memory_space<hbm>> -> memref<50x64xf32, #tpu.memory_space<hbm>>
      %dma_start3A_968 = arith.constant 0 : i32
      %dma_start3A_969 = arith.constant 0 : i32
      %dma_start3A_970 = tpu.memref_slice %arg4[%add3A_838, %dma_start3A_968, %dma_start3A_969] : memref<16384x56x128xf32, #tpu.memory_space<hbm>> -> memref<1x50x64xf32, #tpu.memory_space<hbm>>
      %dma_start3A_971 = tpu.memref_squeeze %dma_start3A_970 : memref<1x50x64xf32, #tpu.memory_space<hbm>> -> memref<50x64xf32, #tpu.memory_space<hbm>>
      %dma_start3A_972 = arith.constant 300 : i32
      %dma_start3A_973 = arith.constant 0 : i32
      %dma_start3A_974 = tpu.memref_slice %arg6[%dma_start3A_959, %dma_start3A_972, %dma_start3A_973] : memref<2x800x64xf32, #tpu.memory_space<vmem>> -> memref<1x50x64xf32, #tpu.memory_space<vmem>>
      %dma_start3A_975 = tpu.memref_squeeze %dma_start3A_974 : memref<1x50x64xf32, #tpu.memory_space<vmem>> -> memref<50x64xf32, #tpu.memory_space<vmem>>
      tpu.enqueue_dma source(%dma_start3A_975 : memref<50x64xf32, #tpu.memory_space<vmem>>) target(%dma_start3A_971 : memref<50x64xf32, #tpu.memory_space<hbm>>) target_semaphore(%arg8 : memref<!tpu.dma_semaphore, #tpu.memory_space<semaphore_mem>>)
      %dma_start3A_976 = arith.constant 0 : i32
      %dma_start3A_977 = arith.constant 350 : i32
      %dma_start3A_978 = arith.constant 0 : i32
      %dma_start3A_979 = tpu.memref_slice %arg6[%dma_start3A_976, %dma_start3A_977, %dma_start3A_978] : memref<2x800x64xf32, #tpu.memory_space<vmem>> -> memref<1x50x64xf32, #tpu.memory_space<vmem>>
      %dma_start3A_980 = tpu.memref_squeeze %dma_start3A_979 : memref<1x50x64xf32, #tpu.memory_space<vmem>> -> memref<50x64xf32, #tpu.memory_space<vmem>>
      %dma_start3A_981 = arith.constant 0 : i32
      %dma_start3A_982 = arith.constant 0 : i32
      %dma_start3A_983 = tpu.memref_slice %arg4[%add3A_840, %dma_start3A_981, %dma_start3A_982] : memref<16384x56x128xf32, #tpu.memory_space<hbm>> -> memref<1x50x64xf32, #tpu.memory_space<hbm>>
      %dma_start3A_984 = tpu.memref_squeeze %dma_start3A_983 : memref<1x50x64xf32, #tpu.memory_space<hbm>> -> memref<50x64xf32, #tpu.memory_space<hbm>>
      %dma_start3A_985 = arith.constant 0 : i32
      %dma_start3A_986 = arith.constant 0 : i32
      %dma_start3A_987 = tpu.memref_slice %arg4[%add3A_840, %dma_start3A_985, %dma_start3A_986] : memref<16384x56x128xf32, #tpu.memory_space<hbm>> -> memref<1x50x64xf32, #tpu.memory_space<hbm>>
      %dma_start3A_988 = tpu.memref_squeeze %dma_start3A_987 : memref<1x50x64xf32, #tpu.memory_space<hbm>> -> memref<50x64xf32, #tpu.memory_space<hbm>>
      %dma_start3A_989 = arith.constant 350 : i32
      %dma_start3A_990 = arith.constant 0 : i32
      %dma_start3A_991 = tpu.memref_slice %arg6[%dma_start3A_976, %dma_start3A_989, %dma_start3A_990] : memref<2x800x64xf32, #tpu.memory_space<vmem>> -> memref<1x50x64xf32, #tpu.memory_space<vmem>>
      %dma_start3A_992 = tpu.memref_squeeze %dma_start3A_991 : memref<1x50x64xf32, #tpu.memory_space<vmem>> -> memref<50x64xf32, #tpu.memory_space<vmem>>
      tpu.enqueue_dma source(%dma_start3A_992 : memref<50x64xf32, #tpu.memory_space<vmem>>) target(%dma_start3A_988 : memref<50x64xf32, #tpu.memory_space<hbm>>) target_semaphore(%arg8 : memref<!tpu.dma_semaphore, #tpu.memory_space<semaphore_mem>>)
      %dma_start3A_993 = arith.constant 0 : i32
      %dma_start3A_994 = arith.constant 400 : i32
      %dma_start3A_995 = arith.constant 0 : i32
      %dma_start3A_996 = tpu.memref_slice %arg6[%dma_start3A_993, %dma_start3A_994, %dma_start3A_995] : memref<2x800x64xf32, #tpu.memory_space<vmem>> -> memref<1x50x64xf32, #tpu.memory_space<vmem>>
      %dma_start3A_997 = tpu.memref_squeeze %dma_start3A_996 : memref<1x50x64xf32, #tpu.memory_space<vmem>> -> memref<50x64xf32, #tpu.memory_space<vmem>>
      %dma_start3A_998 = arith.constant 0 : i32
      %dma_start3A_999 = arith.constant 0 : i32
      %dma_start3A_1000 = tpu.memref_slice %arg4[%add3A_842, %dma_start3A_998, %dma_start3A_999] : memref<16384x56x128xf32, #tpu.memory_space<hbm>> -> memref<1x50x64xf32, #tpu.memory_space<hbm>>
      %dma_start3A_1001 = tpu.memref_squeeze %dma_start3A_1000 : memref<1x50x64xf32, #tpu.memory_space<hbm>> -> memref<50x64xf32, #tpu.memory_space<hbm>>
      %dma_start3A_1002 = arith.constant 0 : i32
      %dma_start3A_1003 = arith.constant 0 : i32
      %dma_start3A_1004 = tpu.memref_slice %arg4[%add3A_842, %dma_start3A_1002, %dma_start3A_1003] : memref<16384x56x128xf32, #tpu.memory_space<hbm>> -> memref<1x50x64xf32, #tpu.memory_space<hbm>>
      %dma_start3A_1005 = tpu.memref_squeeze %dma_start3A_1004 : memref<1x50x64xf32, #tpu.memory_space<hbm>> -> memref<50x64xf32, #tpu.memory_space<hbm>>
      %dma_start3A_1006 = arith.constant 400 : i32
      %dma_start3A_1007 = arith.constant 0 : i32
      %dma_start3A_1008 = tpu.memref_slice %arg6[%dma_start3A_993, %dma_start3A_1006, %dma_start3A_1007] : memref<2x800x64xf32, #tpu.memory_space<vmem>> -> memref<1x50x64xf32, #tpu.memory_space<vmem>>
      %dma_start3A_1009 = tpu.memref_squeeze %dma_start3A_1008 : memref<1x50x64xf32, #tpu.memory_space<vmem>> -> memref<50x64xf32, #tpu.memory_space<vmem>>
      tpu.enqueue_dma source(%dma_start3A_1009 : memref<50x64xf32, #tpu.memory_space<vmem>>) target(%dma_start3A_1005 : memref<50x64xf32, #tpu.memory_space<hbm>>) target_semaphore(%arg8 : memref<!tpu.dma_semaphore, #tpu.memory_space<semaphore_mem>>)
      %dma_start3A_1010 = arith.constant 0 : i32
      %dma_start3A_1011 = arith.constant 450 : i32
      %dma_start3A_1012 = arith.constant 0 : i32
      %dma_start3A_1013 = tpu.memref_slice %arg6[%dma_start3A_1010, %dma_start3A_1011, %dma_start3A_1012] : memref<2x800x64xf32, #tpu.memory_space<vmem>> -> memref<1x50x64xf32, #tpu.memory_space<vmem>>
      %dma_start3A_1014 = tpu.memref_squeeze %dma_start3A_1013 : memref<1x50x64xf32, #tpu.memory_space<vmem>> -> memref<50x64xf32, #tpu.memory_space<vmem>>
      %dma_start3A_1015 = arith.constant 0 : i32
      %dma_start3A_1016 = arith.constant 0 : i32
      %dma_start3A_1017 = tpu.memref_slice %arg4[%add3A_844, %dma_start3A_1015, %dma_start3A_1016] : memref<16384x56x128xf32, #tpu.memory_space<hbm>> -> memref<1x50x64xf32, #tpu.memory_space<hbm>>
      %dma_start3A_1018 = tpu.memref_squeeze %dma_start3A_1017 : memref<1x50x64xf32, #tpu.memory_space<hbm>> -> memref<50x64xf32, #tpu.memory_space<hbm>>
      %dma_start3A_1019 = arith.constant 0 : i32
      %dma_start3A_1020 = arith.constant 0 : i32
      %dma_start3A_1021 = tpu.memref_slice %arg4[%add3A_844, %dma_start3A_1019, %dma_start3A_1020] : memref<16384x56x128xf32, #tpu.memory_space<hbm>> -> memref<1x50x64xf32, #tpu.memory_space<hbm>>
      %dma_start3A_1022 = tpu.memref_squeeze %dma_start3A_1021 : memref<1x50x64xf32, #tpu.memory_space<hbm>> -> memref<50x64xf32, #tpu.memory_space<hbm>>
      %dma_start3A_1023 = arith.constant 450 : i32
      %dma_start3A_1024 = arith.constant 0 : i32
      %dma_start3A_1025 = tpu.memref_slice %arg6[%dma_start3A_1010, %dma_start3A_1023, %dma_start3A_1024] : memref<2x800x64xf32, #tpu.memory_space<vmem>> -> memref<1x50x64xf32, #tpu.memory_space<vmem>>
      %dma_start3A_1026 = tpu.memref_squeeze %dma_start3A_1025 : memref<1x50x64xf32, #tpu.memory_space<vmem>> -> memref<50x64xf32, #tpu.memory_space<vmem>>
      tpu.enqueue_dma source(%dma_start3A_1026 : memref<50x64xf32, #tpu.memory_space<vmem>>) target(%dma_start3A_1022 : memref<50x64xf32, #tpu.memory_space<hbm>>) target_semaphore(%arg8 : memref<!tpu.dma_semaphore, #tpu.memory_space<semaphore_mem>>)
      %dma_start3A_1027 = arith.constant 0 : i32
      %dma_start3A_1028 = arith.constant 500 : i32
      %dma_start3A_1029 = arith.constant 0 : i32
      %dma_start3A_1030 = tpu.memref_slice %arg6[%dma_start3A_1027, %dma_start3A_1028, %dma_start3A_1029] : memref<2x800x64xf32, #tpu.memory_space<vmem>> -> memref<1x50x64xf32, #tpu.memory_space<vmem>>
      %dma_start3A_1031 = tpu.memref_squeeze %dma_start3A_1030 : memref<1x50x64xf32, #tpu.memory_space<vmem>> -> memref<50x64xf32, #tpu.memory_space<vmem>>
      %dma_start3A_1032 = arith.constant 0 : i32
      %dma_start3A_1033 = arith.constant 0 : i32
      %dma_start3A_1034 = tpu.memref_slice %arg4[%add3A_846, %dma_start3A_1032, %dma_start3A_1033] : memref<16384x56x128xf32, #tpu.memory_space<hbm>> -> memref<1x50x64xf32, #tpu.memory_space<hbm>>
      %dma_start3A_1035 = tpu.memref_squeeze %dma_start3A_1034 : memref<1x50x64xf32, #tpu.memory_space<hbm>> -> memref<50x64xf32, #tpu.memory_space<hbm>>
      %dma_start3A_1036 = arith.constant 0 : i32
      %dma_start3A_1037 = arith.constant 0 : i32
      %dma_start3A_1038 = tpu.memref_slice %arg4[%add3A_846, %dma_start3A_1036, %dma_start3A_1037] : memref<16384x56x128xf32, #tpu.memory_space<hbm>> -> memref<1x50x64xf32, #tpu.memory_space<hbm>>
      %dma_start3A_1039 = tpu.memref_squeeze %dma_start3A_1038 : memref<1x50x64xf32, #tpu.memory_space<hbm>> -> memref<50x64xf32, #tpu.memory_space<hbm>>
      %dma_start3A_1040 = arith.constant 500 : i32
      %dma_start3A_1041 = arith.constant 0 : i32
      %dma_start3A_1042 = tpu.memref_slice %arg6[%dma_start3A_1027, %dma_start3A_1040, %dma_start3A_1041] : memref<2x800x64xf32, #tpu.memory_space<vmem>> -> memref<1x50x64xf32, #tpu.memory_space<vmem>>
      %dma_start3A_1043 = tpu.memref_squeeze %dma_start3A_1042 : memref<1x50x64xf32, #tpu.memory_space<vmem>> -> memref<50x64xf32, #tpu.memory_space<vmem>>
      tpu.enqueue_dma source(%dma_start3A_1043 : memref<50x64xf32, #tpu.memory_space<vmem>>) target(%dma_start3A_1039 : memref<50x64xf32, #tpu.memory_space<hbm>>) target_semaphore(%arg8 : memref<!tpu.dma_semaphore, #tpu.memory_space<semaphore_mem>>)
      %dma_start3A_1044 = arith.constant 0 : i32
      %dma_start3A_1045 = arith.constant 550 : i32
      %dma_start3A_1046 = arith.constant 0 : i32
      %dma_start3A_1047 = tpu.memref_slice %arg6[%dma_start3A_1044, %dma_start3A_1045, %dma_start3A_1046] : memref<2x800x64xf32, #tpu.memory_space<vmem>> -> memref<1x50x64xf32, #tpu.memory_space<vmem>>
      %dma_start3A_1048 = tpu.memref_squeeze %dma_start3A_1047 : memref<1x50x64xf32, #tpu.memory_space<vmem>> -> memref<50x64xf32, #tpu.memory_space<vmem>>
      %dma_start3A_1049 = arith.constant 0 : i32
      %dma_start3A_1050 = arith.constant 0 : i32
      %dma_start3A_1051 = tpu.memref_slice %arg4[%add3A_848, %dma_start3A_1049, %dma_start3A_1050] : memref<16384x56x128xf32, #tpu.memory_space<hbm>> -> memref<1x50x64xf32, #tpu.memory_space<hbm>>
      %dma_start3A_1052 = tpu.memref_squeeze %dma_start3A_1051 : memref<1x50x64xf32, #tpu.memory_space<hbm>> -> memref<50x64xf32, #tpu.memory_space<hbm>>
      %dma_start3A_1053 = arith.constant 0 : i32
      %dma_start3A_1054 = arith.constant 0 : i32
      %dma_start3A_1055 = tpu.memref_slice %arg4[%add3A_848, %dma_start3A_1053, %dma_start3A_1054] : memref<16384x56x128xf32, #tpu.memory_space<hbm>> -> memref<1x50x64xf32, #tpu.memory_space<hbm>>
      %dma_start3A_1056 = tpu.memref_squeeze %dma_start3A_1055 : memref<1x50x64xf32, #tpu.memory_space<hbm>> -> memref<50x64xf32, #tpu.memory_space<hbm>>
      %dma_start3A_1057 = arith.constant 550 : i32
      %dma_start3A_1058 = arith.constant 0 : i32
      %dma_start3A_1059 = tpu.memref_slice %arg6[%dma_start3A_1044, %dma_start3A_1057, %dma_start3A_1058] : memref<2x800x64xf32, #tpu.memory_space<vmem>> -> memref<1x50x64xf32, #tpu.memory_space<vmem>>
      %dma_start3A_1060 = tpu.memref_squeeze %dma_start3A_1059 : memref<1x50x64xf32, #tpu.memory_space<vmem>> -> memref<50x64xf32, #tpu.memory_space<vmem>>
      tpu.enqueue_dma source(%dma_start3A_1060 : memref<50x64xf32, #tpu.memory_space<vmem>>) target(%dma_start3A_1056 : memref<50x64xf32, #tpu.memory_space<hbm>>) target_semaphore(%arg8 : memref<!tpu.dma_semaphore, #tpu.memory_space<semaphore_mem>>)
      %dma_start3A_1061 = arith.constant 0 : i32
      %dma_start3A_1062 = arith.constant 600 : i32
      %dma_start3A_1063 = arith.constant 0 : i32
      %dma_start3A_1064 = tpu.memref_slice %arg6[%dma_start3A_1061, %dma_start3A_1062, %dma_start3A_1063] : memref<2x800x64xf32, #tpu.memory_space<vmem>> -> memref<1x50x64xf32, #tpu.memory_space<vmem>>
      %dma_start3A_1065 = tpu.memref_squeeze %dma_start3A_1064 : memref<1x50x64xf32, #tpu.memory_space<vmem>> -> memref<50x64xf32, #tpu.memory_space<vmem>>
      %dma_start3A_1066 = arith.constant 0 : i32
      %dma_start3A_1067 = arith.constant 0 : i32
      %dma_start3A_1068 = tpu.memref_slice %arg4[%add3A_850, %dma_start3A_1066, %dma_start3A_1067] : memref<16384x56x128xf32, #tpu.memory_space<hbm>> -> memref<1x50x64xf32, #tpu.memory_space<hbm>>
      %dma_start3A_1069 = tpu.memref_squeeze %dma_start3A_1068 : memref<1x50x64xf32, #tpu.memory_space<hbm>> -> memref<50x64xf32, #tpu.memory_space<hbm>>
      %dma_start3A_1070 = arith.constant 0 : i32
      %dma_start3A_1071 = arith.constant 0 : i32
      %dma_start3A_1072 = tpu.memref_slice %arg4[%add3A_850, %dma_start3A_1070, %dma_start3A_1071] : memref<16384x56x128xf32, #tpu.memory_space<hbm>> -> memref<1x50x64xf32, #tpu.memory_space<hbm>>
      %dma_start3A_1073 = tpu.memref_squeeze %dma_start3A_1072 : memref<1x50x64xf32, #tpu.memory_space<hbm>> -> memref<50x64xf32, #tpu.memory_space<hbm>>
      %dma_start3A_1074 = arith.constant 600 : i32
      %dma_start3A_1075 = arith.constant 0 : i32
      %dma_start3A_1076 = tpu.memref_slice %arg6[%dma_start3A_1061, %dma_start3A_1074, %dma_start3A_1075] : memref<2x800x64xf32, #tpu.memory_space<vmem>> -> memref<1x50x64xf32, #tpu.memory_space<vmem>>
      %dma_start3A_1077 = tpu.memref_squeeze %dma_start3A_1076 : memref<1x50x64xf32, #tpu.memory_space<vmem>> -> memref<50x64xf32, #tpu.memory_space<vmem>>
      tpu.enqueue_dma source(%dma_start3A_1077 : memref<50x64xf32, #tpu.memory_space<vmem>>) target(%dma_start3A_1073 : memref<50x64xf32, #tpu.memory_space<hbm>>) target_semaphore(%arg8 : memref<!tpu.dma_semaphore, #tpu.memory_space<semaphore_mem>>)
      %dma_start3A_1078 = arith.constant 0 : i32
      %dma_start3A_1079 = arith.constant 650 : i32
      %dma_start3A_1080 = arith.constant 0 : i32
      %dma_start3A_1081 = tpu.memref_slice %arg6[%dma_start3A_1078, %dma_start3A_1079, %dma_start3A_1080] : memref<2x800x64xf32, #tpu.memory_space<vmem>> -> memref<1x50x64xf32, #tpu.memory_space<vmem>>
      %dma_start3A_1082 = tpu.memref_squeeze %dma_start3A_1081 : memref<1x50x64xf32, #tpu.memory_space<vmem>> -> memref<50x64xf32, #tpu.memory_space<vmem>>
      %dma_start3A_1083 = arith.constant 0 : i32
      %dma_start3A_1084 = arith.constant 0 : i32
      %dma_start3A_1085 = tpu.memref_slice %arg4[%add3A_852, %dma_start3A_1083, %dma_start3A_1084] : memref<16384x56x128xf32, #tpu.memory_space<hbm>> -> memref<1x50x64xf32, #tpu.memory_space<hbm>>
      %dma_start3A_1086 = tpu.memref_squeeze %dma_start3A_1085 : memref<1x50x64xf32, #tpu.memory_space<hbm>> -> memref<50x64xf32, #tpu.memory_space<hbm>>
      %dma_start3A_1087 = arith.constant 0 : i32
      %dma_start3A_1088 = arith.constant 0 : i32
      %dma_start3A_1089 = tpu.memref_slice %arg4[%add3A_852, %dma_start3A_1087, %dma_start3A_1088] : memref<16384x56x128xf32, #tpu.memory_space<hbm>> -> memref<1x50x64xf32, #tpu.memory_space<hbm>>
      %dma_start3A_1090 = tpu.memref_squeeze %dma_start3A_1089 : memref<1x50x64xf32, #tpu.memory_space<hbm>> -> memref<50x64xf32, #tpu.memory_space<hbm>>
      %dma_start3A_1091 = arith.constant 650 : i32
      %dma_start3A_1092 = arith.constant 0 : i32
      %dma_start3A_1093 = tpu.memref_slice %arg6[%dma_start3A_1078, %dma_start3A_1091, %dma_start3A_1092] : memref<2x800x64xf32, #tpu.memory_space<vmem>> -> memref<1x50x64xf32, #tpu.memory_space<vmem>>
      %dma_start3A_1094 = tpu.memref_squeeze %dma_start3A_1093 : memref<1x50x64xf32, #tpu.memory_space<vmem>> -> memref<50x64xf32, #tpu.memory_space<vmem>>
      tpu.enqueue_dma source(%dma_start3A_1094 : memref<50x64xf32, #tpu.memory_space<vmem>>) target(%dma_start3A_1090 : memref<50x64xf32, #tpu.memory_space<hbm>>) target_semaphore(%arg8 : memref<!tpu.dma_semaphore, #tpu.memory_space<semaphore_mem>>)
      %dma_start3A_1095 = arith.constant 0 : i32
      %dma_start3A_1096 = arith.constant 700 : i32
      %dma_start3A_1097 = arith.constant 0 : i32
      %dma_start3A_1098 = tpu.memref_slice %arg6[%dma_start3A_1095, %dma_start3A_1096, %dma_start3A_1097] : memref<2x800x64xf32, #tpu.memory_space<vmem>> -> memref<1x50x64xf32, #tpu.memory_space<vmem>>
      %dma_start3A_1099 = tpu.memref_squeeze %dma_start3A_1098 : memref<1x50x64xf32, #tpu.memory_space<vmem>> -> memref<50x64xf32, #tpu.memory_space<vmem>>
      %dma_start3A_1100 = arith.constant 0 : i32
      %dma_start3A_1101 = arith.constant 0 : i32
      %dma_start3A_1102 = tpu.memref_slice %arg4[%add3A_854, %dma_start3A_1100, %dma_start3A_1101] : memref<16384x56x128xf32, #tpu.memory_space<hbm>> -> memref<1x50x64xf32, #tpu.memory_space<hbm>>
      %dma_start3A_1103 = tpu.memref_squeeze %dma_start3A_1102 : memref<1x50x64xf32, #tpu.memory_space<hbm>> -> memref<50x64xf32, #tpu.memory_space<hbm>>
      %dma_start3A_1104 = arith.constant 0 : i32
      %dma_start3A_1105 = arith.constant 0 : i32
      %dma_start3A_1106 = tpu.memref_slice %arg4[%add3A_854, %dma_start3A_1104, %dma_start3A_1105] : memref<16384x56x128xf32, #tpu.memory_space<hbm>> -> memref<1x50x64xf32, #tpu.memory_space<hbm>>
      %dma_start3A_1107 = tpu.memref_squeeze %dma_start3A_1106 : memref<1x50x64xf32, #tpu.memory_space<hbm>> -> memref<50x64xf32, #tpu.memory_space<hbm>>
      %dma_start3A_1108 = arith.constant 700 : i32
      %dma_start3A_1109 = arith.constant 0 : i32
      %dma_start3A_1110 = tpu.memref_slice %arg6[%dma_start3A_1095, %dma_start3A_1108, %dma_start3A_1109] : memref<2x800x64xf32, #tpu.memory_space<vmem>> -> memref<1x50x64xf32, #tpu.memory_space<vmem>>
      %dma_start3A_1111 = tpu.memref_squeeze %dma_start3A_1110 : memref<1x50x64xf32, #tpu.memory_space<vmem>> -> memref<50x64xf32, #tpu.memory_space<vmem>>
      tpu.enqueue_dma source(%dma_start3A_1111 : memref<50x64xf32, #tpu.memory_space<vmem>>) target(%dma_start3A_1107 : memref<50x64xf32, #tpu.memory_space<hbm>>) target_semaphore(%arg8 : memref<!tpu.dma_semaphore, #tpu.memory_space<semaphore_mem>>)
      %dma_start3A_1112 = arith.constant 0 : i32
      %dma_start3A_1113 = arith.constant 750 : i32
      %dma_start3A_1114 = arith.constant 0 : i32
      %dma_start3A_1115 = tpu.memref_slice %arg6[%dma_start3A_1112, %dma_start3A_1113, %dma_start3A_1114] : memref<2x800x64xf32, #tpu.memory_space<vmem>> -> memref<1x50x64xf32, #tpu.memory_space<vmem>>
      %dma_start3A_1116 = tpu.memref_squeeze %dma_start3A_1115 : memref<1x50x64xf32, #tpu.memory_space<vmem>> -> memref<50x64xf32, #tpu.memory_space<vmem>>
      %dma_start3A_1117 = arith.constant 0 : i32
      %dma_start3A_1118 = arith.constant 0 : i32
      %dma_start3A_1119 = tpu.memref_slice %arg4[%add3A_856, %dma_start3A_1117, %dma_start3A_1118] : memref<16384x56x128xf32, #tpu.memory_space<hbm>> -> memref<1x50x64xf32, #tpu.memory_space<hbm>>
      %dma_start3A_1120 = tpu.memref_squeeze %dma_start3A_1119 : memref<1x50x64xf32, #tpu.memory_space<hbm>> -> memref<50x64xf32, #tpu.memory_space<hbm>>
      %dma_start3A_1121 = arith.constant 0 : i32
      %dma_start3A_1122 = arith.constant 0 : i32
      %dma_start3A_1123 = tpu.memref_slice %arg4[%add3A_856, %dma_start3A_1121, %dma_start3A_1122] : memref<16384x56x128xf32, #tpu.memory_space<hbm>> -> memref<1x50x64xf32, #tpu.memory_space<hbm>>
      %dma_start3A_1124 = tpu.memref_squeeze %dma_start3A_1123 : memref<1x50x64xf32, #tpu.memory_space<hbm>> -> memref<50x64xf32, #tpu.memory_space<hbm>>
      %dma_start3A_1125 = arith.constant 750 : i32
      %dma_start3A_1126 = arith.constant 0 : i32
      %dma_start3A_1127 = tpu.memref_slice %arg6[%dma_start3A_1112, %dma_start3A_1125, %dma_start3A_1126] : memref<2x800x64xf32, #tpu.memory_space<vmem>> -> memref<1x50x64xf32, #tpu.memory_space<vmem>>
      %dma_start3A_1128 = tpu.memref_squeeze %dma_start3A_1127 : memref<1x50x64xf32, #tpu.memory_space<vmem>> -> memref<50x64xf32, #tpu.memory_space<vmem>>
      tpu.enqueue_dma source(%dma_start3A_1128 : memref<50x64xf32, #tpu.memory_space<vmem>>) target(%dma_start3A_1124 : memref<50x64xf32, #tpu.memory_space<hbm>>) target_semaphore(%arg8 : memref<!tpu.dma_semaphore, #tpu.memory_space<semaphore_mem>>)
      %add3A_1129 = arith.constant 1 : i32
      %add3A_1130 = arith.addi %mul3A_622, %add3A_1129 : i32
      %ge3A_1131 = arith.constant 2 : i32
      %ge3A_1132 = arith.cmpi sge, %add3A_1130, %ge3A_1131 : i32
      %convert_element_type3A_1133 = arith.extui %ge3A_1132 : i1 to i32
      %cond3A_1134 = arith.constant 0 : i32
      %cond3A_1135 = arith.cmpi ne, %convert_element_type3A_1133, %cond3A_1134 : i32
      scf.if %cond3A_1135 {
        %sub3A = arith.constant 2 : i32
        %sub3A_1639 = arith.subi %add3A_1130, %sub3A : i32
        %mul3A_1640 = arith.constant 16 : i32
        %mul3A_1641 = arith.muli %sub3A_1639, %mul3A_1640 : i32
        %add3A_1642 = arith.addi %mul3A_2, %mul3A_1641 : i32
        %add3A_1643 = arith.constant 0 : i32
        %add3A_1644 = arith.addi %add3A_1642, %add3A_1643 : i32
        %add3A_1645 = arith.constant 1 : i32
        %add3A_1646 = arith.addi %add3A_1642, %add3A_1645 : i32
        %add3A_1647 = arith.constant 2 : i32
        %add3A_1648 = arith.addi %add3A_1642, %add3A_1647 : i32
        %add3A_1649 = arith.constant 3 : i32
        %add3A_1650 = arith.addi %add3A_1642, %add3A_1649 : i32
        %add3A_1651 = arith.constant 4 : i32
        %add3A_1652 = arith.addi %add3A_1642, %add3A_1651 : i32
        %add3A_1653 = arith.constant 5 : i32
        %add3A_1654 = arith.addi %add3A_1642, %add3A_1653 : i32
        %add3A_1655 = arith.constant 6 : i32
        %add3A_1656 = arith.addi %add3A_1642, %add3A_1655 : i32
        %add3A_1657 = arith.constant 7 : i32
        %add3A_1658 = arith.addi %add3A_1642, %add3A_1657 : i32
        %add3A_1659 = arith.constant 8 : i32
        %add3A_1660 = arith.addi %add3A_1642, %add3A_1659 : i32
        %add3A_1661 = arith.constant 9 : i32
        %add3A_1662 = arith.addi %add3A_1642, %add3A_1661 : i32
        %add3A_1663 = arith.constant 10 : i32
        %add3A_1664 = arith.addi %add3A_1642, %add3A_1663 : i32
        %add3A_1665 = arith.constant 11 : i32
        %add3A_1666 = arith.addi %add3A_1642, %add3A_1665 : i32
        %add3A_1667 = arith.constant 12 : i32
        %add3A_1668 = arith.addi %add3A_1642, %add3A_1667 : i32
        %add3A_1669 = arith.constant 13 : i32
        %add3A_1670 = arith.addi %add3A_1642, %add3A_1669 : i32
        %add3A_1671 = arith.constant 14 : i32
        %add3A_1672 = arith.addi %add3A_1642, %add3A_1671 : i32
        %add3A_1673 = arith.constant 15 : i32
        %add3A_1674 = arith.addi %add3A_1642, %add3A_1673 : i32
        %dma_wait3A_1675 = arith.constant 1 : i32
        %dma_wait3A_1676 = arith.constant 0 : i32
        %dma_wait3A_1677 = arith.constant 0 : i32
        %dma_wait3A_1678 = tpu.memref_slice %arg6[%dma_wait3A_1675, %dma_wait3A_1676, %dma_wait3A_1677] : memref<2x800x64xf32, #tpu.memory_space<vmem>> -> memref<1x50x64xf32, #tpu.memory_space<vmem>>
        %dma_wait3A_1679 = tpu.memref_squeeze %dma_wait3A_1678 : memref<1x50x64xf32, #tpu.memory_space<vmem>> -> memref<50x64xf32, #tpu.memory_space<vmem>>
        %dma_wait3A_1680 = arith.constant 0 : i32
        %dma_wait3A_1681 = arith.constant 0 : i32
        %dma_wait3A_1682 = tpu.memref_slice %arg4[%add3A_1644, %dma_wait3A_1680, %dma_wait3A_1681] : memref<16384x56x128xf32, #tpu.memory_space<hbm>> -> memref<1x50x64xf32, #tpu.memory_space<hbm>>
        %dma_wait3A_1683 = tpu.memref_squeeze %dma_wait3A_1682 : memref<1x50x64xf32, #tpu.memory_space<hbm>> -> memref<50x64xf32, #tpu.memory_space<hbm>>
        %dma_wait3A_1684 = arith.constant 0 : i32
        %dma_wait3A_1685 = arith.constant 0 : i32
        %dma_wait3A_1686 = tpu.memref_slice %arg4[%add3A_1644, %dma_wait3A_1684, %dma_wait3A_1685] : memref<16384x56x128xf32, #tpu.memory_space<hbm>> -> memref<1x50x64xf32, #tpu.memory_space<hbm>>
        %dma_wait3A_1687 = tpu.memref_squeeze %dma_wait3A_1686 : memref<1x50x64xf32, #tpu.memory_space<hbm>> -> memref<50x64xf32, #tpu.memory_space<hbm>>
        %dma_wait3A_1688 = arith.constant 0 : i32
        %dma_wait3A_1689 = arith.constant 0 : i32
        %dma_wait3A_1690 = tpu.memref_slice %arg6[%dma_wait3A_1675, %dma_wait3A_1688, %dma_wait3A_1689] : memref<2x800x64xf32, #tpu.memory_space<vmem>> -> memref<1x50x64xf32, #tpu.memory_space<vmem>>
        %dma_wait3A_1691 = tpu.memref_squeeze %dma_wait3A_1690 : memref<1x50x64xf32, #tpu.memory_space<vmem>> -> memref<50x64xf32, #tpu.memory_space<vmem>>
        tpu.wait_dma2 semaphore(%arg9 : memref<!tpu.dma_semaphore, #tpu.memory_space<semaphore_mem>>) src(%dma_wait3A_1691 : memref<50x64xf32, #tpu.memory_space<vmem>>) dst(%dma_wait3A_1687 : memref<50x64xf32, #tpu.memory_space<hbm>>)
        %dma_wait3A_1692 = arith.constant 1 : i32
        %dma_wait3A_1693 = arith.constant 50 : i32
        %dma_wait3A_1694 = arith.constant 0 : i32
        %dma_wait3A_1695 = tpu.memref_slice %arg6[%dma_wait3A_1692, %dma_wait3A_1693, %dma_wait3A_1694] : memref<2x800x64xf32, #tpu.memory_space<vmem>> -> memref<1x50x64xf32, #tpu.memory_space<vmem>>
        %dma_wait3A_1696 = tpu.memref_squeeze %dma_wait3A_1695 : memref<1x50x64xf32, #tpu.memory_space<vmem>> -> memref<50x64xf32, #tpu.memory_space<vmem>>
        %dma_wait3A_1697 = arith.constant 0 : i32
        %dma_wait3A_1698 = arith.constant 0 : i32
        %dma_wait3A_1699 = tpu.memref_slice %arg4[%add3A_1646, %dma_wait3A_1697, %dma_wait3A_1698] : memref<16384x56x128xf32, #tpu.memory_space<hbm>> -> memref<1x50x64xf32, #tpu.memory_space<hbm>>
        %dma_wait3A_1700 = tpu.memref_squeeze %dma_wait3A_1699 : memref<1x50x64xf32, #tpu.memory_space<hbm>> -> memref<50x64xf32, #tpu.memory_space<hbm>>
        %dma_wait3A_1701 = arith.constant 0 : i32
        %dma_wait3A_1702 = arith.constant 0 : i32
        %dma_wait3A_1703 = tpu.memref_slice %arg4[%add3A_1646, %dma_wait3A_1701, %dma_wait3A_1702] : memref<16384x56x128xf32, #tpu.memory_space<hbm>> -> memref<1x50x64xf32, #tpu.memory_space<hbm>>
        %dma_wait3A_1704 = tpu.memref_squeeze %dma_wait3A_1703 : memref<1x50x64xf32, #tpu.memory_space<hbm>> -> memref<50x64xf32, #tpu.memory_space<hbm>>
        %dma_wait3A_1705 = arith.constant 50 : i32
        %dma_wait3A_1706 = arith.constant 0 : i32
        %dma_wait3A_1707 = tpu.memref_slice %arg6[%dma_wait3A_1692, %dma_wait3A_1705, %dma_wait3A_1706] : memref<2x800x64xf32, #tpu.memory_space<vmem>> -> memref<1x50x64xf32, #tpu.memory_space<vmem>>
        %dma_wait3A_1708 = tpu.memref_squeeze %dma_wait3A_1707 : memref<1x50x64xf32, #tpu.memory_space<vmem>> -> memref<50x64xf32, #tpu.memory_space<vmem>>
        tpu.wait_dma2 semaphore(%arg9 : memref<!tpu.dma_semaphore, #tpu.memory_space<semaphore_mem>>) src(%dma_wait3A_1708 : memref<50x64xf32, #tpu.memory_space<vmem>>) dst(%dma_wait3A_1704 : memref<50x64xf32, #tpu.memory_space<hbm>>)
        %dma_wait3A_1709 = arith.constant 1 : i32
        %dma_wait3A_1710 = arith.constant 100 : i32
        %dma_wait3A_1711 = arith.constant 0 : i32
        %dma_wait3A_1712 = tpu.memref_slice %arg6[%dma_wait3A_1709, %dma_wait3A_1710, %dma_wait3A_1711] : memref<2x800x64xf32, #tpu.memory_space<vmem>> -> memref<1x50x64xf32, #tpu.memory_space<vmem>>
        %dma_wait3A_1713 = tpu.memref_squeeze %dma_wait3A_1712 : memref<1x50x64xf32, #tpu.memory_space<vmem>> -> memref<50x64xf32, #tpu.memory_space<vmem>>
        %dma_wait3A_1714 = arith.constant 0 : i32
        %dma_wait3A_1715 = arith.constant 0 : i32
        %dma_wait3A_1716 = tpu.memref_slice %arg4[%add3A_1648, %dma_wait3A_1714, %dma_wait3A_1715] : memref<16384x56x128xf32, #tpu.memory_space<hbm>> -> memref<1x50x64xf32, #tpu.memory_space<hbm>>
        %dma_wait3A_1717 = tpu.memref_squeeze %dma_wait3A_1716 : memref<1x50x64xf32, #tpu.memory_space<hbm>> -> memref<50x64xf32, #tpu.memory_space<hbm>>
        %dma_wait3A_1718 = arith.constant 0 : i32
        %dma_wait3A_1719 = arith.constant 0 : i32
        %dma_wait3A_1720 = tpu.memref_slice %arg4[%add3A_1648, %dma_wait3A_1718, %dma_wait3A_1719] : memref<16384x56x128xf32, #tpu.memory_space<hbm>> -> memref<1x50x64xf32, #tpu.memory_space<hbm>>
        %dma_wait3A_1721 = tpu.memref_squeeze %dma_wait3A_1720 : memref<1x50x64xf32, #tpu.memory_space<hbm>> -> memref<50x64xf32, #tpu.memory_space<hbm>>
        %dma_wait3A_1722 = arith.constant 100 : i32
        %dma_wait3A_1723 = arith.constant 0 : i32
        %dma_wait3A_1724 = tpu.memref_slice %arg6[%dma_wait3A_1709, %dma_wait3A_1722, %dma_wait3A_1723] : memref<2x800x64xf32, #tpu.memory_space<vmem>> -> memref<1x50x64xf32, #tpu.memory_space<vmem>>
        %dma_wait3A_1725 = tpu.memref_squeeze %dma_wait3A_1724 : memref<1x50x64xf32, #tpu.memory_space<vmem>> -> memref<50x64xf32, #tpu.memory_space<vmem>>
        tpu.wait_dma2 semaphore(%arg9 : memref<!tpu.dma_semaphore, #tpu.memory_space<semaphore_mem>>) src(%dma_wait3A_1725 : memref<50x64xf32, #tpu.memory_space<vmem>>) dst(%dma_wait3A_1721 : memref<50x64xf32, #tpu.memory_space<hbm>>)
        %dma_wait3A_1726 = arith.constant 1 : i32
        %dma_wait3A_1727 = arith.constant 150 : i32
        %dma_wait3A_1728 = arith.constant 0 : i32
        %dma_wait3A_1729 = tpu.memref_slice %arg6[%dma_wait3A_1726, %dma_wait3A_1727, %dma_wait3A_1728] : memref<2x800x64xf32, #tpu.memory_space<vmem>> -> memref<1x50x64xf32, #tpu.memory_space<vmem>>
        %dma_wait3A_1730 = tpu.memref_squeeze %dma_wait3A_1729 : memref<1x50x64xf32, #tpu.memory_space<vmem>> -> memref<50x64xf32, #tpu.memory_space<vmem>>
        %dma_wait3A_1731 = arith.constant 0 : i32
        %dma_wait3A_1732 = arith.constant 0 : i32
        %dma_wait3A_1733 = tpu.memref_slice %arg4[%add3A_1650, %dma_wait3A_1731, %dma_wait3A_1732] : memref<16384x56x128xf32, #tpu.memory_space<hbm>> -> memref<1x50x64xf32, #tpu.memory_space<hbm>>
        %dma_wait3A_1734 = tpu.memref_squeeze %dma_wait3A_1733 : memref<1x50x64xf32, #tpu.memory_space<hbm>> -> memref<50x64xf32, #tpu.memory_space<hbm>>
        %dma_wait3A_1735 = arith.constant 0 : i32
        %dma_wait3A_1736 = arith.constant 0 : i32
        %dma_wait3A_1737 = tpu.memref_slice %arg4[%add3A_1650, %dma_wait3A_1735, %dma_wait3A_1736] : memref<16384x56x128xf32, #tpu.memory_space<hbm>> -> memref<1x50x64xf32, #tpu.memory_space<hbm>>
        %dma_wait3A_1738 = tpu.memref_squeeze %dma_wait3A_1737 : memref<1x50x64xf32, #tpu.memory_space<hbm>> -> memref<50x64xf32, #tpu.memory_space<hbm>>
        %dma_wait3A_1739 = arith.constant 150 : i32
        %dma_wait3A_1740 = arith.constant 0 : i32
        %dma_wait3A_1741 = tpu.memref_slice %arg6[%dma_wait3A_1726, %dma_wait3A_1739, %dma_wait3A_1740] : memref<2x800x64xf32, #tpu.memory_space<vmem>> -> memref<1x50x64xf32, #tpu.memory_space<vmem>>
        %dma_wait3A_1742 = tpu.memref_squeeze %dma_wait3A_1741 : memref<1x50x64xf32, #tpu.memory_space<vmem>> -> memref<50x64xf32, #tpu.memory_space<vmem>>
        tpu.wait_dma2 semaphore(%arg9 : memref<!tpu.dma_semaphore, #tpu.memory_space<semaphore_mem>>) src(%dma_wait3A_1742 : memref<50x64xf32, #tpu.memory_space<vmem>>) dst(%dma_wait3A_1738 : memref<50x64xf32, #tpu.memory_space<hbm>>)
        %dma_wait3A_1743 = arith.constant 1 : i32
        %dma_wait3A_1744 = arith.constant 200 : i32
        %dma_wait3A_1745 = arith.constant 0 : i32
        %dma_wait3A_1746 = tpu.memref_slice %arg6[%dma_wait3A_1743, %dma_wait3A_1744, %dma_wait3A_1745] : memref<2x800x64xf32, #tpu.memory_space<vmem>> -> memref<1x50x64xf32, #tpu.memory_space<vmem>>
        %dma_wait3A_1747 = tpu.memref_squeeze %dma_wait3A_1746 : memref<1x50x64xf32, #tpu.memory_space<vmem>> -> memref<50x64xf32, #tpu.memory_space<vmem>>
        %dma_wait3A_1748 = arith.constant 0 : i32
        %dma_wait3A_1749 = arith.constant 0 : i32
        %dma_wait3A_1750 = tpu.memref_slice %arg4[%add3A_1652, %dma_wait3A_1748, %dma_wait3A_1749] : memref<16384x56x128xf32, #tpu.memory_space<hbm>> -> memref<1x50x64xf32, #tpu.memory_space<hbm>>
        %dma_wait3A_1751 = tpu.memref_squeeze %dma_wait3A_1750 : memref<1x50x64xf32, #tpu.memory_space<hbm>> -> memref<50x64xf32, #tpu.memory_space<hbm>>
        %dma_wait3A_1752 = arith.constant 0 : i32
        %dma_wait3A_1753 = arith.constant 0 : i32
        %dma_wait3A_1754 = tpu.memref_slice %arg4[%add3A_1652, %dma_wait3A_1752, %dma_wait3A_1753] : memref<16384x56x128xf32, #tpu.memory_space<hbm>> -> memref<1x50x64xf32, #tpu.memory_space<hbm>>
        %dma_wait3A_1755 = tpu.memref_squeeze %dma_wait3A_1754 : memref<1x50x64xf32, #tpu.memory_space<hbm>> -> memref<50x64xf32, #tpu.memory_space<hbm>>
        %dma_wait3A_1756 = arith.constant 200 : i32
        %dma_wait3A_1757 = arith.constant 0 : i32
        %dma_wait3A_1758 = tpu.memref_slice %arg6[%dma_wait3A_1743, %dma_wait3A_1756, %dma_wait3A_1757] : memref<2x800x64xf32, #tpu.memory_space<vmem>> -> memref<1x50x64xf32, #tpu.memory_space<vmem>>
        %dma_wait3A_1759 = tpu.memref_squeeze %dma_wait3A_1758 : memref<1x50x64xf32, #tpu.memory_space<vmem>> -> memref<50x64xf32, #tpu.memory_space<vmem>>
        tpu.wait_dma2 semaphore(%arg9 : memref<!tpu.dma_semaphore, #tpu.memory_space<semaphore_mem>>) src(%dma_wait3A_1759 : memref<50x64xf32, #tpu.memory_space<vmem>>) dst(%dma_wait3A_1755 : memref<50x64xf32, #tpu.memory_space<hbm>>)
        %dma_wait3A_1760 = arith.constant 1 : i32
        %dma_wait3A_1761 = arith.constant 250 : i32
        %dma_wait3A_1762 = arith.constant 0 : i32
        %dma_wait3A_1763 = tpu.memref_slice %arg6[%dma_wait3A_1760, %dma_wait3A_1761, %dma_wait3A_1762] : memref<2x800x64xf32, #tpu.memory_space<vmem>> -> memref<1x50x64xf32, #tpu.memory_space<vmem>>
        %dma_wait3A_1764 = tpu.memref_squeeze %dma_wait3A_1763 : memref<1x50x64xf32, #tpu.memory_space<vmem>> -> memref<50x64xf32, #tpu.memory_space<vmem>>
        %dma_wait3A_1765 = arith.constant 0 : i32
        %dma_wait3A_1766 = arith.constant 0 : i32
        %dma_wait3A_1767 = tpu.memref_slice %arg4[%add3A_1654, %dma_wait3A_1765, %dma_wait3A_1766] : memref<16384x56x128xf32, #tpu.memory_space<hbm>> -> memref<1x50x64xf32, #tpu.memory_space<hbm>>
        %dma_wait3A_1768 = tpu.memref_squeeze %dma_wait3A_1767 : memref<1x50x64xf32, #tpu.memory_space<hbm>> -> memref<50x64xf32, #tpu.memory_space<hbm>>
        %dma_wait3A_1769 = arith.constant 0 : i32
        %dma_wait3A_1770 = arith.constant 0 : i32
        %dma_wait3A_1771 = tpu.memref_slice %arg4[%add3A_1654, %dma_wait3A_1769, %dma_wait3A_1770] : memref<16384x56x128xf32, #tpu.memory_space<hbm>> -> memref<1x50x64xf32, #tpu.memory_space<hbm>>
        %dma_wait3A_1772 = tpu.memref_squeeze %dma_wait3A_1771 : memref<1x50x64xf32, #tpu.memory_space<hbm>> -> memref<50x64xf32, #tpu.memory_space<hbm>>
        %dma_wait3A_1773 = arith.constant 250 : i32
        %dma_wait3A_1774 = arith.constant 0 : i32
        %dma_wait3A_1775 = tpu.memref_slice %arg6[%dma_wait3A_1760, %dma_wait3A_1773, %dma_wait3A_1774] : memref<2x800x64xf32, #tpu.memory_space<vmem>> -> memref<1x50x64xf32, #tpu.memory_space<vmem>>
        %dma_wait3A_1776 = tpu.memref_squeeze %dma_wait3A_1775 : memref<1x50x64xf32, #tpu.memory_space<vmem>> -> memref<50x64xf32, #tpu.memory_space<vmem>>
        tpu.wait_dma2 semaphore(%arg9 : memref<!tpu.dma_semaphore, #tpu.memory_space<semaphore_mem>>) src(%dma_wait3A_1776 : memref<50x64xf32, #tpu.memory_space<vmem>>) dst(%dma_wait3A_1772 : memref<50x64xf32, #tpu.memory_space<hbm>>)
        %dma_wait3A_1777 = arith.constant 1 : i32
        %dma_wait3A_1778 = arith.constant 300 : i32
        %dma_wait3A_1779 = arith.constant 0 : i32
        %dma_wait3A_1780 = tpu.memref_slice %arg6[%dma_wait3A_1777, %dma_wait3A_1778, %dma_wait3A_1779] : memref<2x800x64xf32, #tpu.memory_space<vmem>> -> memref<1x50x64xf32, #tpu.memory_space<vmem>>
        %dma_wait3A_1781 = tpu.memref_squeeze %dma_wait3A_1780 : memref<1x50x64xf32, #tpu.memory_space<vmem>> -> memref<50x64xf32, #tpu.memory_space<vmem>>
        %dma_wait3A_1782 = arith.constant 0 : i32
        %dma_wait3A_1783 = arith.constant 0 : i32
        %dma_wait3A_1784 = tpu.memref_slice %arg4[%add3A_1656, %dma_wait3A_1782, %dma_wait3A_1783] : memref<16384x56x128xf32, #tpu.memory_space<hbm>> -> memref<1x50x64xf32, #tpu.memory_space<hbm>>
        %dma_wait3A_1785 = tpu.memref_squeeze %dma_wait3A_1784 : memref<1x50x64xf32, #tpu.memory_space<hbm>> -> memref<50x64xf32, #tpu.memory_space<hbm>>
        %dma_wait3A_1786 = arith.constant 0 : i32
        %dma_wait3A_1787 = arith.constant 0 : i32
        %dma_wait3A_1788 = tpu.memref_slice %arg4[%add3A_1656, %dma_wait3A_1786, %dma_wait3A_1787] : memref<16384x56x128xf32, #tpu.memory_space<hbm>> -> memref<1x50x64xf32, #tpu.memory_space<hbm>>
        %dma_wait3A_1789 = tpu.memref_squeeze %dma_wait3A_1788 : memref<1x50x64xf32, #tpu.memory_space<hbm>> -> memref<50x64xf32, #tpu.memory_space<hbm>>
        %dma_wait3A_1790 = arith.constant 300 : i32
        %dma_wait3A_1791 = arith.constant 0 : i32
        %dma_wait3A_1792 = tpu.memref_slice %arg6[%dma_wait3A_1777, %dma_wait3A_1790, %dma_wait3A_1791] : memref<2x800x64xf32, #tpu.memory_space<vmem>> -> memref<1x50x64xf32, #tpu.memory_space<vmem>>
        %dma_wait3A_1793 = tpu.memref_squeeze %dma_wait3A_1792 : memref<1x50x64xf32, #tpu.memory_space<vmem>> -> memref<50x64xf32, #tpu.memory_space<vmem>>
        tpu.wait_dma2 semaphore(%arg9 : memref<!tpu.dma_semaphore, #tpu.memory_space<semaphore_mem>>) src(%dma_wait3A_1793 : memref<50x64xf32, #tpu.memory_space<vmem>>) dst(%dma_wait3A_1789 : memref<50x64xf32, #tpu.memory_space<hbm>>)
        %dma_wait3A_1794 = arith.constant 1 : i32
        %dma_wait3A_1795 = arith.constant 350 : i32
        %dma_wait3A_1796 = arith.constant 0 : i32
        %dma_wait3A_1797 = tpu.memref_slice %arg6[%dma_wait3A_1794, %dma_wait3A_1795, %dma_wait3A_1796] : memref<2x800x64xf32, #tpu.memory_space<vmem>> -> memref<1x50x64xf32, #tpu.memory_space<vmem>>
        %dma_wait3A_1798 = tpu.memref_squeeze %dma_wait3A_1797 : memref<1x50x64xf32, #tpu.memory_space<vmem>> -> memref<50x64xf32, #tpu.memory_space<vmem>>
        %dma_wait3A_1799 = arith.constant 0 : i32
        %dma_wait3A_1800 = arith.constant 0 : i32
        %dma_wait3A_1801 = tpu.memref_slice %arg4[%add3A_1658, %dma_wait3A_1799, %dma_wait3A_1800] : memref<16384x56x128xf32, #tpu.memory_space<hbm>> -> memref<1x50x64xf32, #tpu.memory_space<hbm>>
        %dma_wait3A_1802 = tpu.memref_squeeze %dma_wait3A_1801 : memref<1x50x64xf32, #tpu.memory_space<hbm>> -> memref<50x64xf32, #tpu.memory_space<hbm>>
        %dma_wait3A_1803 = arith.constant 0 : i32
        %dma_wait3A_1804 = arith.constant 0 : i32
        %dma_wait3A_1805 = tpu.memref_slice %arg4[%add3A_1658, %dma_wait3A_1803, %dma_wait3A_1804] : memref<16384x56x128xf32, #tpu.memory_space<hbm>> -> memref<1x50x64xf32, #tpu.memory_space<hbm>>
        %dma_wait3A_1806 = tpu.memref_squeeze %dma_wait3A_1805 : memref<1x50x64xf32, #tpu.memory_space<hbm>> -> memref<50x64xf32, #tpu.memory_space<hbm>>
        %dma_wait3A_1807 = arith.constant 350 : i32
        %dma_wait3A_1808 = arith.constant 0 : i32
        %dma_wait3A_1809 = tpu.memref_slice %arg6[%dma_wait3A_1794, %dma_wait3A_1807, %dma_wait3A_1808] : memref<2x800x64xf32, #tpu.memory_space<vmem>> -> memref<1x50x64xf32, #tpu.memory_space<vmem>>
        %dma_wait3A_1810 = tpu.memref_squeeze %dma_wait3A_1809 : memref<1x50x64xf32, #tpu.memory_space<vmem>> -> memref<50x64xf32, #tpu.memory_space<vmem>>
        tpu.wait_dma2 semaphore(%arg9 : memref<!tpu.dma_semaphore, #tpu.memory_space<semaphore_mem>>) src(%dma_wait3A_1810 : memref<50x64xf32, #tpu.memory_space<vmem>>) dst(%dma_wait3A_1806 : memref<50x64xf32, #tpu.memory_space<hbm>>)
        %dma_wait3A_1811 = arith.constant 1 : i32
        %dma_wait3A_1812 = arith.constant 400 : i32
        %dma_wait3A_1813 = arith.constant 0 : i32
        %dma_wait3A_1814 = tpu.memref_slice %arg6[%dma_wait3A_1811, %dma_wait3A_1812, %dma_wait3A_1813] : memref<2x800x64xf32, #tpu.memory_space<vmem>> -> memref<1x50x64xf32, #tpu.memory_space<vmem>>
        %dma_wait3A_1815 = tpu.memref_squeeze %dma_wait3A_1814 : memref<1x50x64xf32, #tpu.memory_space<vmem>> -> memref<50x64xf32, #tpu.memory_space<vmem>>
        %dma_wait3A_1816 = arith.constant 0 : i32
        %dma_wait3A_1817 = arith.constant 0 : i32
        %dma_wait3A_1818 = tpu.memref_slice %arg4[%add3A_1660, %dma_wait3A_1816, %dma_wait3A_1817] : memref<16384x56x128xf32, #tpu.memory_space<hbm>> -> memref<1x50x64xf32, #tpu.memory_space<hbm>>
        %dma_wait3A_1819 = tpu.memref_squeeze %dma_wait3A_1818 : memref<1x50x64xf32, #tpu.memory_space<hbm>> -> memref<50x64xf32, #tpu.memory_space<hbm>>
        %dma_wait3A_1820 = arith.constant 0 : i32
        %dma_wait3A_1821 = arith.constant 0 : i32
        %dma_wait3A_1822 = tpu.memref_slice %arg4[%add3A_1660, %dma_wait3A_1820, %dma_wait3A_1821] : memref<16384x56x128xf32, #tpu.memory_space<hbm>> -> memref<1x50x64xf32, #tpu.memory_space<hbm>>
        %dma_wait3A_1823 = tpu.memref_squeeze %dma_wait3A_1822 : memref<1x50x64xf32, #tpu.memory_space<hbm>> -> memref<50x64xf32, #tpu.memory_space<hbm>>
        %dma_wait3A_1824 = arith.constant 400 : i32
        %dma_wait3A_1825 = arith.constant 0 : i32
        %dma_wait3A_1826 = tpu.memref_slice %arg6[%dma_wait3A_1811, %dma_wait3A_1824, %dma_wait3A_1825] : memref<2x800x64xf32, #tpu.memory_space<vmem>> -> memref<1x50x64xf32, #tpu.memory_space<vmem>>
        %dma_wait3A_1827 = tpu.memref_squeeze %dma_wait3A_1826 : memref<1x50x64xf32, #tpu.memory_space<vmem>> -> memref<50x64xf32, #tpu.memory_space<vmem>>
        tpu.wait_dma2 semaphore(%arg9 : memref<!tpu.dma_semaphore, #tpu.memory_space<semaphore_mem>>) src(%dma_wait3A_1827 : memref<50x64xf32, #tpu.memory_space<vmem>>) dst(%dma_wait3A_1823 : memref<50x64xf32, #tpu.memory_space<hbm>>)
        %dma_wait3A_1828 = arith.constant 1 : i32
        %dma_wait3A_1829 = arith.constant 450 : i32
        %dma_wait3A_1830 = arith.constant 0 : i32
        %dma_wait3A_1831 = tpu.memref_slice %arg6[%dma_wait3A_1828, %dma_wait3A_1829, %dma_wait3A_1830] : memref<2x800x64xf32, #tpu.memory_space<vmem>> -> memref<1x50x64xf32, #tpu.memory_space<vmem>>
        %dma_wait3A_1832 = tpu.memref_squeeze %dma_wait3A_1831 : memref<1x50x64xf32, #tpu.memory_space<vmem>> -> memref<50x64xf32, #tpu.memory_space<vmem>>
        %dma_wait3A_1833 = arith.constant 0 : i32
        %dma_wait3A_1834 = arith.constant 0 : i32
        %dma_wait3A_1835 = tpu.memref_slice %arg4[%add3A_1662, %dma_wait3A_1833, %dma_wait3A_1834] : memref<16384x56x128xf32, #tpu.memory_space<hbm>> -> memref<1x50x64xf32, #tpu.memory_space<hbm>>
        %dma_wait3A_1836 = tpu.memref_squeeze %dma_wait3A_1835 : memref<1x50x64xf32, #tpu.memory_space<hbm>> -> memref<50x64xf32, #tpu.memory_space<hbm>>
        %dma_wait3A_1837 = arith.constant 0 : i32
        %dma_wait3A_1838 = arith.constant 0 : i32
        %dma_wait3A_1839 = tpu.memref_slice %arg4[%add3A_1662, %dma_wait3A_1837, %dma_wait3A_1838] : memref<16384x56x128xf32, #tpu.memory_space<hbm>> -> memref<1x50x64xf32, #tpu.memory_space<hbm>>
        %dma_wait3A_1840 = tpu.memref_squeeze %dma_wait3A_1839 : memref<1x50x64xf32, #tpu.memory_space<hbm>> -> memref<50x64xf32, #tpu.memory_space<hbm>>
        %dma_wait3A_1841 = arith.constant 450 : i32
        %dma_wait3A_1842 = arith.constant 0 : i32
        %dma_wait3A_1843 = tpu.memref_slice %arg6[%dma_wait3A_1828, %dma_wait3A_1841, %dma_wait3A_1842] : memref<2x800x64xf32, #tpu.memory_space<vmem>> -> memref<1x50x64xf32, #tpu.memory_space<vmem>>
        %dma_wait3A_1844 = tpu.memref_squeeze %dma_wait3A_1843 : memref<1x50x64xf32, #tpu.memory_space<vmem>> -> memref<50x64xf32, #tpu.memory_space<vmem>>
        tpu.wait_dma2 semaphore(%arg9 : memref<!tpu.dma_semaphore, #tpu.memory_space<semaphore_mem>>) src(%dma_wait3A_1844 : memref<50x64xf32, #tpu.memory_space<vmem>>) dst(%dma_wait3A_1840 : memref<50x64xf32, #tpu.memory_space<hbm>>)
        %dma_wait3A_1845 = arith.constant 1 : i32
        %dma_wait3A_1846 = arith.constant 500 : i32
        %dma_wait3A_1847 = arith.constant 0 : i32
        %dma_wait3A_1848 = tpu.memref_slice %arg6[%dma_wait3A_1845, %dma_wait3A_1846, %dma_wait3A_1847] : memref<2x800x64xf32, #tpu.memory_space<vmem>> -> memref<1x50x64xf32, #tpu.memory_space<vmem>>
        %dma_wait3A_1849 = tpu.memref_squeeze %dma_wait3A_1848 : memref<1x50x64xf32, #tpu.memory_space<vmem>> -> memref<50x64xf32, #tpu.memory_space<vmem>>
        %dma_wait3A_1850 = arith.constant 0 : i32
        %dma_wait3A_1851 = arith.constant 0 : i32
        %dma_wait3A_1852 = tpu.memref_slice %arg4[%add3A_1664, %dma_wait3A_1850, %dma_wait3A_1851] : memref<16384x56x128xf32, #tpu.memory_space<hbm>> -> memref<1x50x64xf32, #tpu.memory_space<hbm>>
        %dma_wait3A_1853 = tpu.memref_squeeze %dma_wait3A_1852 : memref<1x50x64xf32, #tpu.memory_space<hbm>> -> memref<50x64xf32, #tpu.memory_space<hbm>>
        %dma_wait3A_1854 = arith.constant 0 : i32
        %dma_wait3A_1855 = arith.constant 0 : i32
        %dma_wait3A_1856 = tpu.memref_slice %arg4[%add3A_1664, %dma_wait3A_1854, %dma_wait3A_1855] : memref<16384x56x128xf32, #tpu.memory_space<hbm>> -> memref<1x50x64xf32, #tpu.memory_space<hbm>>
        %dma_wait3A_1857 = tpu.memref_squeeze %dma_wait3A_1856 : memref<1x50x64xf32, #tpu.memory_space<hbm>> -> memref<50x64xf32, #tpu.memory_space<hbm>>
        %dma_wait3A_1858 = arith.constant 500 : i32
        %dma_wait3A_1859 = arith.constant 0 : i32
        %dma_wait3A_1860 = tpu.memref_slice %arg6[%dma_wait3A_1845, %dma_wait3A_1858, %dma_wait3A_1859] : memref<2x800x64xf32, #tpu.memory_space<vmem>> -> memref<1x50x64xf32, #tpu.memory_space<vmem>>
        %dma_wait3A_1861 = tpu.memref_squeeze %dma_wait3A_1860 : memref<1x50x64xf32, #tpu.memory_space<vmem>> -> memref<50x64xf32, #tpu.memory_space<vmem>>
        tpu.wait_dma2 semaphore(%arg9 : memref<!tpu.dma_semaphore, #tpu.memory_space<semaphore_mem>>) src(%dma_wait3A_1861 : memref<50x64xf32, #tpu.memory_space<vmem>>) dst(%dma_wait3A_1857 : memref<50x64xf32, #tpu.memory_space<hbm>>)
        %dma_wait3A_1862 = arith.constant 1 : i32
        %dma_wait3A_1863 = arith.constant 550 : i32
        %dma_wait3A_1864 = arith.constant 0 : i32
        %dma_wait3A_1865 = tpu.memref_slice %arg6[%dma_wait3A_1862, %dma_wait3A_1863, %dma_wait3A_1864] : memref<2x800x64xf32, #tpu.memory_space<vmem>> -> memref<1x50x64xf32, #tpu.memory_space<vmem>>
        %dma_wait3A_1866 = tpu.memref_squeeze %dma_wait3A_1865 : memref<1x50x64xf32, #tpu.memory_space<vmem>> -> memref<50x64xf32, #tpu.memory_space<vmem>>
        %dma_wait3A_1867 = arith.constant 0 : i32
        %dma_wait3A_1868 = arith.constant 0 : i32
        %dma_wait3A_1869 = tpu.memref_slice %arg4[%add3A_1666, %dma_wait3A_1867, %dma_wait3A_1868] : memref<16384x56x128xf32, #tpu.memory_space<hbm>> -> memref<1x50x64xf32, #tpu.memory_space<hbm>>
        %dma_wait3A_1870 = tpu.memref_squeeze %dma_wait3A_1869 : memref<1x50x64xf32, #tpu.memory_space<hbm>> -> memref<50x64xf32, #tpu.memory_space<hbm>>
        %dma_wait3A_1871 = arith.constant 0 : i32
        %dma_wait3A_1872 = arith.constant 0 : i32
        %dma_wait3A_1873 = tpu.memref_slice %arg4[%add3A_1666, %dma_wait3A_1871, %dma_wait3A_1872] : memref<16384x56x128xf32, #tpu.memory_space<hbm>> -> memref<1x50x64xf32, #tpu.memory_space<hbm>>
        %dma_wait3A_1874 = tpu.memref_squeeze %dma_wait3A_1873 : memref<1x50x64xf32, #tpu.memory_space<hbm>> -> memref<50x64xf32, #tpu.memory_space<hbm>>
        %dma_wait3A_1875 = arith.constant 550 : i32
        %dma_wait3A_1876 = arith.constant 0 : i32
        %dma_wait3A_1877 = tpu.memref_slice %arg6[%dma_wait3A_1862, %dma_wait3A_1875, %dma_wait3A_1876] : memref<2x800x64xf32, #tpu.memory_space<vmem>> -> memref<1x50x64xf32, #tpu.memory_space<vmem>>
        %dma_wait3A_1878 = tpu.memref_squeeze %dma_wait3A_1877 : memref<1x50x64xf32, #tpu.memory_space<vmem>> -> memref<50x64xf32, #tpu.memory_space<vmem>>
        tpu.wait_dma2 semaphore(%arg9 : memref<!tpu.dma_semaphore, #tpu.memory_space<semaphore_mem>>) src(%dma_wait3A_1878 : memref<50x64xf32, #tpu.memory_space<vmem>>) dst(%dma_wait3A_1874 : memref<50x64xf32, #tpu.memory_space<hbm>>)
        %dma_wait3A_1879 = arith.constant 1 : i32
        %dma_wait3A_1880 = arith.constant 600 : i32
        %dma_wait3A_1881 = arith.constant 0 : i32
        %dma_wait3A_1882 = tpu.memref_slice %arg6[%dma_wait3A_1879, %dma_wait3A_1880, %dma_wait3A_1881] : memref<2x800x64xf32, #tpu.memory_space<vmem>> -> memref<1x50x64xf32, #tpu.memory_space<vmem>>
        %dma_wait3A_1883 = tpu.memref_squeeze %dma_wait3A_1882 : memref<1x50x64xf32, #tpu.memory_space<vmem>> -> memref<50x64xf32, #tpu.memory_space<vmem>>
        %dma_wait3A_1884 = arith.constant 0 : i32
        %dma_wait3A_1885 = arith.constant 0 : i32
        %dma_wait3A_1886 = tpu.memref_slice %arg4[%add3A_1668, %dma_wait3A_1884, %dma_wait3A_1885] : memref<16384x56x128xf32, #tpu.memory_space<hbm>> -> memref<1x50x64xf32, #tpu.memory_space<hbm>>
        %dma_wait3A_1887 = tpu.memref_squeeze %dma_wait3A_1886 : memref<1x50x64xf32, #tpu.memory_space<hbm>> -> memref<50x64xf32, #tpu.memory_space<hbm>>
        %dma_wait3A_1888 = arith.constant 0 : i32
        %dma_wait3A_1889 = arith.constant 0 : i32
        %dma_wait3A_1890 = tpu.memref_slice %arg4[%add3A_1668, %dma_wait3A_1888, %dma_wait3A_1889] : memref<16384x56x128xf32, #tpu.memory_space<hbm>> -> memref<1x50x64xf32, #tpu.memory_space<hbm>>
        %dma_wait3A_1891 = tpu.memref_squeeze %dma_wait3A_1890 : memref<1x50x64xf32, #tpu.memory_space<hbm>> -> memref<50x64xf32, #tpu.memory_space<hbm>>
        %dma_wait3A_1892 = arith.constant 600 : i32
        %dma_wait3A_1893 = arith.constant 0 : i32
        %dma_wait3A_1894 = tpu.memref_slice %arg6[%dma_wait3A_1879, %dma_wait3A_1892, %dma_wait3A_1893] : memref<2x800x64xf32, #tpu.memory_space<vmem>> -> memref<1x50x64xf32, #tpu.memory_space<vmem>>
        %dma_wait3A_1895 = tpu.memref_squeeze %dma_wait3A_1894 : memref<1x50x64xf32, #tpu.memory_space<vmem>> -> memref<50x64xf32, #tpu.memory_space<vmem>>
        tpu.wait_dma2 semaphore(%arg9 : memref<!tpu.dma_semaphore, #tpu.memory_space<semaphore_mem>>) src(%dma_wait3A_1895 : memref<50x64xf32, #tpu.memory_space<vmem>>) dst(%dma_wait3A_1891 : memref<50x64xf32, #tpu.memory_space<hbm>>)
        %dma_wait3A_1896 = arith.constant 1 : i32
        %dma_wait3A_1897 = arith.constant 650 : i32
        %dma_wait3A_1898 = arith.constant 0 : i32
        %dma_wait3A_1899 = tpu.memref_slice %arg6[%dma_wait3A_1896, %dma_wait3A_1897, %dma_wait3A_1898] : memref<2x800x64xf32, #tpu.memory_space<vmem>> -> memref<1x50x64xf32, #tpu.memory_space<vmem>>
        %dma_wait3A_1900 = tpu.memref_squeeze %dma_wait3A_1899 : memref<1x50x64xf32, #tpu.memory_space<vmem>> -> memref<50x64xf32, #tpu.memory_space<vmem>>
        %dma_wait3A_1901 = arith.constant 0 : i32
        %dma_wait3A_1902 = arith.constant 0 : i32
        %dma_wait3A_1903 = tpu.memref_slice %arg4[%add3A_1670, %dma_wait3A_1901, %dma_wait3A_1902] : memref<16384x56x128xf32, #tpu.memory_space<hbm>> -> memref<1x50x64xf32, #tpu.memory_space<hbm>>
        %dma_wait3A_1904 = tpu.memref_squeeze %dma_wait3A_1903 : memref<1x50x64xf32, #tpu.memory_space<hbm>> -> memref<50x64xf32, #tpu.memory_space<hbm>>
        %dma_wait3A_1905 = arith.constant 0 : i32
        %dma_wait3A_1906 = arith.constant 0 : i32
        %dma_wait3A_1907 = tpu.memref_slice %arg4[%add3A_1670, %dma_wait3A_1905, %dma_wait3A_1906] : memref<16384x56x128xf32, #tpu.memory_space<hbm>> -> memref<1x50x64xf32, #tpu.memory_space<hbm>>
        %dma_wait3A_1908 = tpu.memref_squeeze %dma_wait3A_1907 : memref<1x50x64xf32, #tpu.memory_space<hbm>> -> memref<50x64xf32, #tpu.memory_space<hbm>>
        %dma_wait3A_1909 = arith.constant 650 : i32
        %dma_wait3A_1910 = arith.constant 0 : i32
        %dma_wait3A_1911 = tpu.memref_slice %arg6[%dma_wait3A_1896, %dma_wait3A_1909, %dma_wait3A_1910] : memref<2x800x64xf32, #tpu.memory_space<vmem>> -> memref<1x50x64xf32, #tpu.memory_space<vmem>>
        %dma_wait3A_1912 = tpu.memref_squeeze %dma_wait3A_1911 : memref<1x50x64xf32, #tpu.memory_space<vmem>> -> memref<50x64xf32, #tpu.memory_space<vmem>>
        tpu.wait_dma2 semaphore(%arg9 : memref<!tpu.dma_semaphore, #tpu.memory_space<semaphore_mem>>) src(%dma_wait3A_1912 : memref<50x64xf32, #tpu.memory_space<vmem>>) dst(%dma_wait3A_1908 : memref<50x64xf32, #tpu.memory_space<hbm>>)
        %dma_wait3A_1913 = arith.constant 1 : i32
        %dma_wait3A_1914 = arith.constant 700 : i32
        %dma_wait3A_1915 = arith.constant 0 : i32
        %dma_wait3A_1916 = tpu.memref_slice %arg6[%dma_wait3A_1913, %dma_wait3A_1914, %dma_wait3A_1915] : memref<2x800x64xf32, #tpu.memory_space<vmem>> -> memref<1x50x64xf32, #tpu.memory_space<vmem>>
        %dma_wait3A_1917 = tpu.memref_squeeze %dma_wait3A_1916 : memref<1x50x64xf32, #tpu.memory_space<vmem>> -> memref<50x64xf32, #tpu.memory_space<vmem>>
        %dma_wait3A_1918 = arith.constant 0 : i32
        %dma_wait3A_1919 = arith.constant 0 : i32
        %dma_wait3A_1920 = tpu.memref_slice %arg4[%add3A_1672, %dma_wait3A_1918, %dma_wait3A_1919] : memref<16384x56x128xf32, #tpu.memory_space<hbm>> -> memref<1x50x64xf32, #tpu.memory_space<hbm>>
        %dma_wait3A_1921 = tpu.memref_squeeze %dma_wait3A_1920 : memref<1x50x64xf32, #tpu.memory_space<hbm>> -> memref<50x64xf32, #tpu.memory_space<hbm>>
        %dma_wait3A_1922 = arith.constant 0 : i32
        %dma_wait3A_1923 = arith.constant 0 : i32
        %dma_wait3A_1924 = tpu.memref_slice %arg4[%add3A_1672, %dma_wait3A_1922, %dma_wait3A_1923] : memref<16384x56x128xf32, #tpu.memory_space<hbm>> -> memref<1x50x64xf32, #tpu.memory_space<hbm>>
        %dma_wait3A_1925 = tpu.memref_squeeze %dma_wait3A_1924 : memref<1x50x64xf32, #tpu.memory_space<hbm>> -> memref<50x64xf32, #tpu.memory_space<hbm>>
        %dma_wait3A_1926 = arith.constant 700 : i32
        %dma_wait3A_1927 = arith.constant 0 : i32
        %dma_wait3A_1928 = tpu.memref_slice %arg6[%dma_wait3A_1913, %dma_wait3A_1926, %dma_wait3A_1927] : memref<2x800x64xf32, #tpu.memory_space<vmem>> -> memref<1x50x64xf32, #tpu.memory_space<vmem>>
        %dma_wait3A_1929 = tpu.memref_squeeze %dma_wait3A_1928 : memref<1x50x64xf32, #tpu.memory_space<vmem>> -> memref<50x64xf32, #tpu.memory_space<vmem>>
        tpu.wait_dma2 semaphore(%arg9 : memref<!tpu.dma_semaphore, #tpu.memory_space<semaphore_mem>>) src(%dma_wait3A_1929 : memref<50x64xf32, #tpu.memory_space<vmem>>) dst(%dma_wait3A_1925 : memref<50x64xf32, #tpu.memory_space<hbm>>)
        %dma_wait3A_1930 = arith.constant 1 : i32
        %dma_wait3A_1931 = arith.constant 750 : i32
        %dma_wait3A_1932 = arith.constant 0 : i32
        %dma_wait3A_1933 = tpu.memref_slice %arg6[%dma_wait3A_1930, %dma_wait3A_1931, %dma_wait3A_1932] : memref<2x800x64xf32, #tpu.memory_space<vmem>> -> memref<1x50x64xf32, #tpu.memory_space<vmem>>
        %dma_wait3A_1934 = tpu.memref_squeeze %dma_wait3A_1933 : memref<1x50x64xf32, #tpu.memory_space<vmem>> -> memref<50x64xf32, #tpu.memory_space<vmem>>
        %dma_wait3A_1935 = arith.constant 0 : i32
        %dma_wait3A_1936 = arith.constant 0 : i32
        %dma_wait3A_1937 = tpu.memref_slice %arg4[%add3A_1674, %dma_wait3A_1935, %dma_wait3A_1936] : memref<16384x56x128xf32, #tpu.memory_space<hbm>> -> memref<1x50x64xf32, #tpu.memory_space<hbm>>
        %dma_wait3A_1938 = tpu.memref_squeeze %dma_wait3A_1937 : memref<1x50x64xf32, #tpu.memory_space<hbm>> -> memref<50x64xf32, #tpu.memory_space<hbm>>
        %dma_wait3A_1939 = arith.constant 0 : i32
        %dma_wait3A_1940 = arith.constant 0 : i32
        %dma_wait3A_1941 = tpu.memref_slice %arg4[%add3A_1674, %dma_wait3A_1939, %dma_wait3A_1940] : memref<16384x56x128xf32, #tpu.memory_space<hbm>> -> memref<1x50x64xf32, #tpu.memory_space<hbm>>
        %dma_wait3A_1942 = tpu.memref_squeeze %dma_wait3A_1941 : memref<1x50x64xf32, #tpu.memory_space<hbm>> -> memref<50x64xf32, #tpu.memory_space<hbm>>
        %dma_wait3A_1943 = arith.constant 750 : i32
        %dma_wait3A_1944 = arith.constant 0 : i32
        %dma_wait3A_1945 = tpu.memref_slice %arg6[%dma_wait3A_1930, %dma_wait3A_1943, %dma_wait3A_1944] : memref<2x800x64xf32, #tpu.memory_space<vmem>> -> memref<1x50x64xf32, #tpu.memory_space<vmem>>
        %dma_wait3A_1946 = tpu.memref_squeeze %dma_wait3A_1945 : memref<1x50x64xf32, #tpu.memory_space<vmem>> -> memref<50x64xf32, #tpu.memory_space<vmem>>
        tpu.wait_dma2 semaphore(%arg9 : memref<!tpu.dma_semaphore, #tpu.memory_space<semaphore_mem>>) src(%dma_wait3A_1946 : memref<50x64xf32, #tpu.memory_space<vmem>>) dst(%dma_wait3A_1942 : memref<50x64xf32, #tpu.memory_space<hbm>>)
      } else {
      }
      %mul3A_1136 = arith.constant 800 : i32
      %mul3A_1137 = arith.muli %add3A_1130, %mul3A_1136 : i32
      %add3A_1138 = arith.constant 0 : i32
      %add3A_1139 = arith.addi %mul3A_1137, %add3A_1138 : i32
      %dma_start3A_1140 = arith.constant 1 : i32
      %dma_start3A_1141 = arith.constant 0 : i32
      %dma_start3A_1142 = arith.constant 0 : i32
      %dma_start3A_1143 = tpu.memref_slice %arg6[%dma_start3A_1140, %dma_start3A_1141, %dma_start3A_1142] : memref<2x800x64xf32, #tpu.memory_space<vmem>> -> memref<1x800x64xf32, #tpu.memory_space<vmem>>
      %dma_start3A_1144 = tpu.memref_squeeze %dma_start3A_1143 : memref<1x800x64xf32, #tpu.memory_space<vmem>> -> memref<800x64xf32, #tpu.memory_space<vmem>>
      %dma_start3A_1145 = arith.constant 0 : i32
      %dma_start3A_1146 = arith.constant 0 : i32
      %dma_start3A_1147 = tpu.memref_slice %dma_start3A_1144[%dma_start3A_1145, %dma_start3A_1146] : memref<800x64xf32, #tpu.memory_space<vmem>> -> memref<128x64xf32, #tpu.memory_space<vmem>>
      %dma_start3A_1148 = tpu.memref_slice %arg5[%add3A_1139] : memref<25600xi32, #tpu.memory_space<vmem>> -> memref<128xi32, #tpu.memory_space<vmem>>
      %dma_start3A_1149 = arith.constant 0 : i32
      %dma_start3A_1150 = arith.constant 0 : i32
      %dma_start3A_1151 = tpu.memref_slice %arg3[%dma_start3A_1149, %dma_start3A_1150] : memref<1000000x64xf32, #tpu.memory_space<hbm>> -> memref<1000000x64xf32, #tpu.memory_space<hbm>>
      tpu.enqueue_indirect_dma source(%dma_start3A_1151 : memref<1000000x64xf32, #tpu.memory_space<hbm>>) target(%dma_start3A_1147 : memref<128x64xf32, #tpu.memory_space<vmem>>) offsets(%dma_start3A_1148 : memref<128xi32, #tpu.memory_space<vmem>>) semaphore(%arg7 : memref<!tpu.dma_semaphore, #tpu.memory_space<semaphore_mem>>)
      %mul3A_1152 = arith.constant 800 : i32
      %mul3A_1153 = arith.muli %add3A_1130, %mul3A_1152 : i32
      %add3A_1154 = arith.constant 128 : i32
      %add3A_1155 = arith.addi %mul3A_1153, %add3A_1154 : i32
      %dma_start3A_1156 = arith.constant 1 : i32
      %dma_start3A_1157 = arith.constant 0 : i32
      %dma_start3A_1158 = arith.constant 0 : i32
      %dma_start3A_1159 = tpu.memref_slice %arg6[%dma_start3A_1156, %dma_start3A_1157, %dma_start3A_1158] : memref<2x800x64xf32, #tpu.memory_space<vmem>> -> memref<1x800x64xf32, #tpu.memory_space<vmem>>
      %dma_start3A_1160 = tpu.memref_squeeze %dma_start3A_1159 : memref<1x800x64xf32, #tpu.memory_space<vmem>> -> memref<800x64xf32, #tpu.memory_space<vmem>>
      %dma_start3A_1161 = arith.constant 128 : i32
      %dma_start3A_1162 = arith.constant 0 : i32
      %dma_start3A_1163 = tpu.memref_slice %dma_start3A_1160[%dma_start3A_1161, %dma_start3A_1162] : memref<800x64xf32, #tpu.memory_space<vmem>> -> memref<128x64xf32, #tpu.memory_space<vmem>>
      %dma_start3A_1164 = tpu.memref_slice %arg5[%add3A_1155] : memref<25600xi32, #tpu.memory_space<vmem>> -> memref<128xi32, #tpu.memory_space<vmem>>
      %dma_start3A_1165 = arith.constant 0 : i32
      %dma_start3A_1166 = arith.constant 0 : i32
      %dma_start3A_1167 = tpu.memref_slice %arg3[%dma_start3A_1165, %dma_start3A_1166] : memref<1000000x64xf32, #tpu.memory_space<hbm>> -> memref<1000000x64xf32, #tpu.memory_space<hbm>>
      tpu.enqueue_indirect_dma source(%dma_start3A_1167 : memref<1000000x64xf32, #tpu.memory_space<hbm>>) target(%dma_start3A_1163 : memref<128x64xf32, #tpu.memory_space<vmem>>) offsets(%dma_start3A_1164 : memref<128xi32, #tpu.memory_space<vmem>>) semaphore(%arg7 : memref<!tpu.dma_semaphore, #tpu.memory_space<semaphore_mem>>)
      %mul3A_1168 = arith.constant 800 : i32
      %mul3A_1169 = arith.muli %add3A_1130, %mul3A_1168 : i32
      %add3A_1170 = arith.constant 256 : i32
      %add3A_1171 = arith.addi %mul3A_1169, %add3A_1170 : i32
      %dma_start3A_1172 = arith.constant 1 : i32
      %dma_start3A_1173 = arith.constant 0 : i32
      %dma_start3A_1174 = arith.constant 0 : i32
      %dma_start3A_1175 = tpu.memref_slice %arg6[%dma_start3A_1172, %dma_start3A_1173, %dma_start3A_1174] : memref<2x800x64xf32, #tpu.memory_space<vmem>> -> memref<1x800x64xf32, #tpu.memory_space<vmem>>
      %dma_start3A_1176 = tpu.memref_squeeze %dma_start3A_1175 : memref<1x800x64xf32, #tpu.memory_space<vmem>> -> memref<800x64xf32, #tpu.memory_space<vmem>>
      %dma_start3A_1177 = arith.constant 256 : i32
      %dma_start3A_1178 = arith.constant 0 : i32
      %dma_start3A_1179 = tpu.memref_slice %dma_start3A_1176[%dma_start3A_1177, %dma_start3A_1178] : memref<800x64xf32, #tpu.memory_space<vmem>> -> memref<128x64xf32, #tpu.memory_space<vmem>>
      %dma_start3A_1180 = tpu.memref_slice %arg5[%add3A_1171] : memref<25600xi32, #tpu.memory_space<vmem>> -> memref<128xi32, #tpu.memory_space<vmem>>
      %dma_start3A_1181 = arith.constant 0 : i32
      %dma_start3A_1182 = arith.constant 0 : i32
      %dma_start3A_1183 = tpu.memref_slice %arg3[%dma_start3A_1181, %dma_start3A_1182] : memref<1000000x64xf32, #tpu.memory_space<hbm>> -> memref<1000000x64xf32, #tpu.memory_space<hbm>>
      tpu.enqueue_indirect_dma source(%dma_start3A_1183 : memref<1000000x64xf32, #tpu.memory_space<hbm>>) target(%dma_start3A_1179 : memref<128x64xf32, #tpu.memory_space<vmem>>) offsets(%dma_start3A_1180 : memref<128xi32, #tpu.memory_space<vmem>>) semaphore(%arg7 : memref<!tpu.dma_semaphore, #tpu.memory_space<semaphore_mem>>)
      %mul3A_1184 = arith.constant 800 : i32
      %mul3A_1185 = arith.muli %add3A_1130, %mul3A_1184 : i32
      %add3A_1186 = arith.constant 384 : i32
      %add3A_1187 = arith.addi %mul3A_1185, %add3A_1186 : i32
      %dma_start3A_1188 = arith.constant 1 : i32
      %dma_start3A_1189 = arith.constant 0 : i32
      %dma_start3A_1190 = arith.constant 0 : i32
      %dma_start3A_1191 = tpu.memref_slice %arg6[%dma_start3A_1188, %dma_start3A_1189, %dma_start3A_1190] : memref<2x800x64xf32, #tpu.memory_space<vmem>> -> memref<1x800x64xf32, #tpu.memory_space<vmem>>
      %dma_start3A_1192 = tpu.memref_squeeze %dma_start3A_1191 : memref<1x800x64xf32, #tpu.memory_space<vmem>> -> memref<800x64xf32, #tpu.memory_space<vmem>>
      %dma_start3A_1193 = arith.constant 384 : i32
      %dma_start3A_1194 = arith.constant 0 : i32
      %dma_start3A_1195 = tpu.memref_slice %dma_start3A_1192[%dma_start3A_1193, %dma_start3A_1194] : memref<800x64xf32, #tpu.memory_space<vmem>> -> memref<128x64xf32, #tpu.memory_space<vmem>>
      %dma_start3A_1196 = tpu.memref_slice %arg5[%add3A_1187] : memref<25600xi32, #tpu.memory_space<vmem>> -> memref<128xi32, #tpu.memory_space<vmem>>
      %dma_start3A_1197 = arith.constant 0 : i32
      %dma_start3A_1198 = arith.constant 0 : i32
      %dma_start3A_1199 = tpu.memref_slice %arg3[%dma_start3A_1197, %dma_start3A_1198] : memref<1000000x64xf32, #tpu.memory_space<hbm>> -> memref<1000000x64xf32, #tpu.memory_space<hbm>>
      tpu.enqueue_indirect_dma source(%dma_start3A_1199 : memref<1000000x64xf32, #tpu.memory_space<hbm>>) target(%dma_start3A_1195 : memref<128x64xf32, #tpu.memory_space<vmem>>) offsets(%dma_start3A_1196 : memref<128xi32, #tpu.memory_space<vmem>>) semaphore(%arg7 : memref<!tpu.dma_semaphore, #tpu.memory_space<semaphore_mem>>)
      %mul3A_1200 = arith.constant 800 : i32
      %mul3A_1201 = arith.muli %add3A_1130, %mul3A_1200 : i32
      %add3A_1202 = arith.constant 512 : i32
      %add3A_1203 = arith.addi %mul3A_1201, %add3A_1202 : i32
      %dma_start3A_1204 = arith.constant 1 : i32
      %dma_start3A_1205 = arith.constant 0 : i32
      %dma_start3A_1206 = arith.constant 0 : i32
      %dma_start3A_1207 = tpu.memref_slice %arg6[%dma_start3A_1204, %dma_start3A_1205, %dma_start3A_1206] : memref<2x800x64xf32, #tpu.memory_space<vmem>> -> memref<1x800x64xf32, #tpu.memory_space<vmem>>
      %dma_start3A_1208 = tpu.memref_squeeze %dma_start3A_1207 : memref<1x800x64xf32, #tpu.memory_space<vmem>> -> memref<800x64xf32, #tpu.memory_space<vmem>>
      %dma_start3A_1209 = arith.constant 512 : i32
      %dma_start3A_1210 = arith.constant 0 : i32
      %dma_start3A_1211 = tpu.memref_slice %dma_start3A_1208[%dma_start3A_1209, %dma_start3A_1210] : memref<800x64xf32, #tpu.memory_space<vmem>> -> memref<128x64xf32, #tpu.memory_space<vmem>>
      %dma_start3A_1212 = tpu.memref_slice %arg5[%add3A_1203] : memref<25600xi32, #tpu.memory_space<vmem>> -> memref<128xi32, #tpu.memory_space<vmem>>
      %dma_start3A_1213 = arith.constant 0 : i32
      %dma_start3A_1214 = arith.constant 0 : i32
      %dma_start3A_1215 = tpu.memref_slice %arg3[%dma_start3A_1213, %dma_start3A_1214] : memref<1000000x64xf32, #tpu.memory_space<hbm>> -> memref<1000000x64xf32, #tpu.memory_space<hbm>>
      tpu.enqueue_indirect_dma source(%dma_start3A_1215 : memref<1000000x64xf32, #tpu.memory_space<hbm>>) target(%dma_start3A_1211 : memref<128x64xf32, #tpu.memory_space<vmem>>) offsets(%dma_start3A_1212 : memref<128xi32, #tpu.memory_space<vmem>>) semaphore(%arg7 : memref<!tpu.dma_semaphore, #tpu.memory_space<semaphore_mem>>)
      %mul3A_1216 = arith.constant 800 : i32
      %mul3A_1217 = arith.muli %add3A_1130, %mul3A_1216 : i32
      %add3A_1218 = arith.constant 640 : i32
      %add3A_1219 = arith.addi %mul3A_1217, %add3A_1218 : i32
      %dma_start3A_1220 = arith.constant 1 : i32
      %dma_start3A_1221 = arith.constant 0 : i32
      %dma_start3A_1222 = arith.constant 0 : i32
      %dma_start3A_1223 = tpu.memref_slice %arg6[%dma_start3A_1220, %dma_start3A_1221, %dma_start3A_1222] : memref<2x800x64xf32, #tpu.memory_space<vmem>> -> memref<1x800x64xf32, #tpu.memory_space<vmem>>
      %dma_start3A_1224 = tpu.memref_squeeze %dma_start3A_1223 : memref<1x800x64xf32, #tpu.memory_space<vmem>> -> memref<800x64xf32, #tpu.memory_space<vmem>>
      %dma_start3A_1225 = arith.constant 640 : i32
      %dma_start3A_1226 = arith.constant 0 : i32
      %dma_start3A_1227 = tpu.memref_slice %dma_start3A_1224[%dma_start3A_1225, %dma_start3A_1226] : memref<800x64xf32, #tpu.memory_space<vmem>> -> memref<128x64xf32, #tpu.memory_space<vmem>>
      %dma_start3A_1228 = tpu.memref_slice %arg5[%add3A_1219] : memref<25600xi32, #tpu.memory_space<vmem>> -> memref<128xi32, #tpu.memory_space<vmem>>
      %dma_start3A_1229 = arith.constant 0 : i32
      %dma_start3A_1230 = arith.constant 0 : i32
      %dma_start3A_1231 = tpu.memref_slice %arg3[%dma_start3A_1229, %dma_start3A_1230] : memref<1000000x64xf32, #tpu.memory_space<hbm>> -> memref<1000000x64xf32, #tpu.memory_space<hbm>>
      tpu.enqueue_indirect_dma source(%dma_start3A_1231 : memref<1000000x64xf32, #tpu.memory_space<hbm>>) target(%dma_start3A_1227 : memref<128x64xf32, #tpu.memory_space<vmem>>) offsets(%dma_start3A_1228 : memref<128xi32, #tpu.memory_space<vmem>>) semaphore(%arg7 : memref<!tpu.dma_semaphore, #tpu.memory_space<semaphore_mem>>)
      %mul3A_1232 = arith.constant 800 : i32
      %mul3A_1233 = arith.muli %add3A_1130, %mul3A_1232 : i32
      %add3A_1234 = arith.constant 768 : i32
      %add3A_1235 = arith.addi %mul3A_1233, %add3A_1234 : i32
      %dma_start3A_1236 = arith.constant 1 : i32
      %dma_start3A_1237 = arith.constant 0 : i32
      %dma_start3A_1238 = arith.constant 0 : i32
      %dma_start3A_1239 = tpu.memref_slice %arg6[%dma_start3A_1236, %dma_start3A_1237, %dma_start3A_1238] : memref<2x800x64xf32, #tpu.memory_space<vmem>> -> memref<1x800x64xf32, #tpu.memory_space<vmem>>
      %dma_start3A_1240 = tpu.memref_squeeze %dma_start3A_1239 : memref<1x800x64xf32, #tpu.memory_space<vmem>> -> memref<800x64xf32, #tpu.memory_space<vmem>>
      %dma_start3A_1241 = arith.constant 768 : i32
      %dma_start3A_1242 = arith.constant 0 : i32
      %dma_start3A_1243 = tpu.memref_slice %dma_start3A_1240[%dma_start3A_1241, %dma_start3A_1242] : memref<800x64xf32, #tpu.memory_space<vmem>> -> memref<32x64xf32, #tpu.memory_space<vmem>>
      %dma_start3A_1244 = tpu.memref_slice %arg5[%add3A_1235] : memref<25600xi32, #tpu.memory_space<vmem>> -> memref<32xi32, #tpu.memory_space<vmem>>
      %dma_start3A_1245 = arith.constant 0 : i32
      %dma_start3A_1246 = arith.constant 0 : i32
      %dma_start3A_1247 = tpu.memref_slice %arg3[%dma_start3A_1245, %dma_start3A_1246] : memref<1000000x64xf32, #tpu.memory_space<hbm>> -> memref<1000000x64xf32, #tpu.memory_space<hbm>>
      tpu.enqueue_indirect_dma source(%dma_start3A_1247 : memref<1000000x64xf32, #tpu.memory_space<hbm>>) target(%dma_start3A_1243 : memref<32x64xf32, #tpu.memory_space<vmem>>) offsets(%dma_start3A_1244 : memref<32xi32, #tpu.memory_space<vmem>>) semaphore(%arg7 : memref<!tpu.dma_semaphore, #tpu.memory_space<semaphore_mem>>)
      %dma_wait3A_1248 = arith.constant 1 : i32
      %dma_wait3A_1249 = arith.constant 0 : i32
      %dma_wait3A_1250 = arith.constant 0 : i32
      %dma_wait3A_1251 = tpu.memref_slice %arg6[%dma_wait3A_1248, %dma_wait3A_1249, %dma_wait3A_1250] : memref<2x800x64xf32, #tpu.memory_space<vmem>> -> memref<1x800x64xf32, #tpu.memory_space<vmem>>
      %dma_wait3A_1252 = tpu.memref_squeeze %dma_wait3A_1251 : memref<1x800x64xf32, #tpu.memory_space<vmem>> -> memref<800x64xf32, #tpu.memory_space<vmem>>
      %dma_wait3A_1253 = arith.constant 0 : i32
      %dma_wait3A_1254 = arith.constant 0 : i32
      %dma_wait3A_1255 = tpu.memref_slice %dma_wait3A_1252[%dma_wait3A_1253, %dma_wait3A_1254] : memref<800x64xf32, #tpu.memory_space<vmem>> -> memref<128x64xf32, #tpu.memory_space<vmem>>
      %dma_wait3A_1256 = tpu.memref_slice %arg5[%add3A_1139] : memref<25600xi32, #tpu.memory_space<vmem>> -> memref<128xi32, #tpu.memory_space<vmem>>
      %dma_wait3A_1257 = arith.constant 0 : i32
      %dma_wait3A_1258 = arith.constant 0 : i32
      %dma_wait3A_1259 = tpu.memref_slice %arg3[%dma_wait3A_1257, %dma_wait3A_1258] : memref<1000000x64xf32, #tpu.memory_space<hbm>> -> memref<1000000x64xf32, #tpu.memory_space<hbm>>
      tpu.wait_indirect_dma semaphore(%arg7 : memref<!tpu.dma_semaphore, #tpu.memory_space<semaphore_mem>>) src(%dma_wait3A_1259 : memref<1000000x64xf32, #tpu.memory_space<hbm>>) dst(%dma_wait3A_1255 : memref<128x64xf32, #tpu.memory_space<vmem>>)
      %dma_wait3A_1260 = arith.constant 1 : i32
      %dma_wait3A_1261 = arith.constant 0 : i32
      %dma_wait3A_1262 = arith.constant 0 : i32
      %dma_wait3A_1263 = tpu.memref_slice %arg6[%dma_wait3A_1260, %dma_wait3A_1261, %dma_wait3A_1262] : memref<2x800x64xf32, #tpu.memory_space<vmem>> -> memref<1x800x64xf32, #tpu.memory_space<vmem>>
      %dma_wait3A_1264 = tpu.memref_squeeze %dma_wait3A_1263 : memref<1x800x64xf32, #tpu.memory_space<vmem>> -> memref<800x64xf32, #tpu.memory_space<vmem>>
      %dma_wait3A_1265 = arith.constant 128 : i32
      %dma_wait3A_1266 = arith.constant 0 : i32
      %dma_wait3A_1267 = tpu.memref_slice %dma_wait3A_1264[%dma_wait3A_1265, %dma_wait3A_1266] : memref<800x64xf32, #tpu.memory_space<vmem>> -> memref<128x64xf32, #tpu.memory_space<vmem>>
      %dma_wait3A_1268 = tpu.memref_slice %arg5[%add3A_1155] : memref<25600xi32, #tpu.memory_space<vmem>> -> memref<128xi32, #tpu.memory_space<vmem>>
      %dma_wait3A_1269 = arith.constant 0 : i32
      %dma_wait3A_1270 = arith.constant 0 : i32
      %dma_wait3A_1271 = tpu.memref_slice %arg3[%dma_wait3A_1269, %dma_wait3A_1270] : memref<1000000x64xf32, #tpu.memory_space<hbm>> -> memref<1000000x64xf32, #tpu.memory_space<hbm>>
      tpu.wait_indirect_dma semaphore(%arg7 : memref<!tpu.dma_semaphore, #tpu.memory_space<semaphore_mem>>) src(%dma_wait3A_1271 : memref<1000000x64xf32, #tpu.memory_space<hbm>>) dst(%dma_wait3A_1267 : memref<128x64xf32, #tpu.memory_space<vmem>>)
      %dma_wait3A_1272 = arith.constant 1 : i32
      %dma_wait3A_1273 = arith.constant 0 : i32
      %dma_wait3A_1274 = arith.constant 0 : i32
      %dma_wait3A_1275 = tpu.memref_slice %arg6[%dma_wait3A_1272, %dma_wait3A_1273, %dma_wait3A_1274] : memref<2x800x64xf32, #tpu.memory_space<vmem>> -> memref<1x800x64xf32, #tpu.memory_space<vmem>>
      %dma_wait3A_1276 = tpu.memref_squeeze %dma_wait3A_1275 : memref<1x800x64xf32, #tpu.memory_space<vmem>> -> memref<800x64xf32, #tpu.memory_space<vmem>>
      %dma_wait3A_1277 = arith.constant 256 : i32
      %dma_wait3A_1278 = arith.constant 0 : i32
      %dma_wait3A_1279 = tpu.memref_slice %dma_wait3A_1276[%dma_wait3A_1277, %dma_wait3A_1278] : memref<800x64xf32, #tpu.memory_space<vmem>> -> memref<128x64xf32, #tpu.memory_space<vmem>>
      %dma_wait3A_1280 = tpu.memref_slice %arg5[%add3A_1171] : memref<25600xi32, #tpu.memory_space<vmem>> -> memref<128xi32, #tpu.memory_space<vmem>>
      %dma_wait3A_1281 = arith.constant 0 : i32
      %dma_wait3A_1282 = arith.constant 0 : i32
      %dma_wait3A_1283 = tpu.memref_slice %arg3[%dma_wait3A_1281, %dma_wait3A_1282] : memref<1000000x64xf32, #tpu.memory_space<hbm>> -> memref<1000000x64xf32, #tpu.memory_space<hbm>>
      tpu.wait_indirect_dma semaphore(%arg7 : memref<!tpu.dma_semaphore, #tpu.memory_space<semaphore_mem>>) src(%dma_wait3A_1283 : memref<1000000x64xf32, #tpu.memory_space<hbm>>) dst(%dma_wait3A_1279 : memref<128x64xf32, #tpu.memory_space<vmem>>)
      %dma_wait3A_1284 = arith.constant 1 : i32
      %dma_wait3A_1285 = arith.constant 0 : i32
      %dma_wait3A_1286 = arith.constant 0 : i32
      %dma_wait3A_1287 = tpu.memref_slice %arg6[%dma_wait3A_1284, %dma_wait3A_1285, %dma_wait3A_1286] : memref<2x800x64xf32, #tpu.memory_space<vmem>> -> memref<1x800x64xf32, #tpu.memory_space<vmem>>
      %dma_wait3A_1288 = tpu.memref_squeeze %dma_wait3A_1287 : memref<1x800x64xf32, #tpu.memory_space<vmem>> -> memref<800x64xf32, #tpu.memory_space<vmem>>
      %dma_wait3A_1289 = arith.constant 384 : i32
      %dma_wait3A_1290 = arith.constant 0 : i32
      %dma_wait3A_1291 = tpu.memref_slice %dma_wait3A_1288[%dma_wait3A_1289, %dma_wait3A_1290] : memref<800x64xf32, #tpu.memory_space<vmem>> -> memref<128x64xf32, #tpu.memory_space<vmem>>
      %dma_wait3A_1292 = tpu.memref_slice %arg5[%add3A_1187] : memref<25600xi32, #tpu.memory_space<vmem>> -> memref<128xi32, #tpu.memory_space<vmem>>
      %dma_wait3A_1293 = arith.constant 0 : i32
      %dma_wait3A_1294 = arith.constant 0 : i32
      %dma_wait3A_1295 = tpu.memref_slice %arg3[%dma_wait3A_1293, %dma_wait3A_1294] : memref<1000000x64xf32, #tpu.memory_space<hbm>> -> memref<1000000x64xf32, #tpu.memory_space<hbm>>
      tpu.wait_indirect_dma semaphore(%arg7 : memref<!tpu.dma_semaphore, #tpu.memory_space<semaphore_mem>>) src(%dma_wait3A_1295 : memref<1000000x64xf32, #tpu.memory_space<hbm>>) dst(%dma_wait3A_1291 : memref<128x64xf32, #tpu.memory_space<vmem>>)
      %dma_wait3A_1296 = arith.constant 1 : i32
      %dma_wait3A_1297 = arith.constant 0 : i32
      %dma_wait3A_1298 = arith.constant 0 : i32
      %dma_wait3A_1299 = tpu.memref_slice %arg6[%dma_wait3A_1296, %dma_wait3A_1297, %dma_wait3A_1298] : memref<2x800x64xf32, #tpu.memory_space<vmem>> -> memref<1x800x64xf32, #tpu.memory_space<vmem>>
      %dma_wait3A_1300 = tpu.memref_squeeze %dma_wait3A_1299 : memref<1x800x64xf32, #tpu.memory_space<vmem>> -> memref<800x64xf32, #tpu.memory_space<vmem>>
      %dma_wait3A_1301 = arith.constant 512 : i32
      %dma_wait3A_1302 = arith.constant 0 : i32
      %dma_wait3A_1303 = tpu.memref_slice %dma_wait3A_1300[%dma_wait3A_1301, %dma_wait3A_1302] : memref<800x64xf32, #tpu.memory_space<vmem>> -> memref<128x64xf32, #tpu.memory_space<vmem>>
      %dma_wait3A_1304 = tpu.memref_slice %arg5[%add3A_1203] : memref<25600xi32, #tpu.memory_space<vmem>> -> memref<128xi32, #tpu.memory_space<vmem>>
      %dma_wait3A_1305 = arith.constant 0 : i32
      %dma_wait3A_1306 = arith.constant 0 : i32
      %dma_wait3A_1307 = tpu.memref_slice %arg3[%dma_wait3A_1305, %dma_wait3A_1306] : memref<1000000x64xf32, #tpu.memory_space<hbm>> -> memref<1000000x64xf32, #tpu.memory_space<hbm>>
      tpu.wait_indirect_dma semaphore(%arg7 : memref<!tpu.dma_semaphore, #tpu.memory_space<semaphore_mem>>) src(%dma_wait3A_1307 : memref<1000000x64xf32, #tpu.memory_space<hbm>>) dst(%dma_wait3A_1303 : memref<128x64xf32, #tpu.memory_space<vmem>>)
      %dma_wait3A_1308 = arith.constant 1 : i32
      %dma_wait3A_1309 = arith.constant 0 : i32
      %dma_wait3A_1310 = arith.constant 0 : i32
      %dma_wait3A_1311 = tpu.memref_slice %arg6[%dma_wait3A_1308, %dma_wait3A_1309, %dma_wait3A_1310] : memref<2x800x64xf32, #tpu.memory_space<vmem>> -> memref<1x800x64xf32, #tpu.memory_space<vmem>>
      %dma_wait3A_1312 = tpu.memref_squeeze %dma_wait3A_1311 : memref<1x800x64xf32, #tpu.memory_space<vmem>> -> memref<800x64xf32, #tpu.memory_space<vmem>>
      %dma_wait3A_1313 = arith.constant 640 : i32
      %dma_wait3A_1314 = arith.constant 0 : i32
      %dma_wait3A_1315 = tpu.memref_slice %dma_wait3A_1312[%dma_wait3A_1313, %dma_wait3A_1314] : memref<800x64xf32, #tpu.memory_space<vmem>> -> memref<128x64xf32, #tpu.memory_space<vmem>>
      %dma_wait3A_1316 = tpu.memref_slice %arg5[%add3A_1219] : memref<25600xi32, #tpu.memory_space<vmem>> -> memref<128xi32, #tpu.memory_space<vmem>>
      %dma_wait3A_1317 = arith.constant 0 : i32
      %dma_wait3A_1318 = arith.constant 0 : i32
      %dma_wait3A_1319 = tpu.memref_slice %arg3[%dma_wait3A_1317, %dma_wait3A_1318] : memref<1000000x64xf32, #tpu.memory_space<hbm>> -> memref<1000000x64xf32, #tpu.memory_space<hbm>>
      tpu.wait_indirect_dma semaphore(%arg7 : memref<!tpu.dma_semaphore, #tpu.memory_space<semaphore_mem>>) src(%dma_wait3A_1319 : memref<1000000x64xf32, #tpu.memory_space<hbm>>) dst(%dma_wait3A_1315 : memref<128x64xf32, #tpu.memory_space<vmem>>)
      %dma_wait3A_1320 = arith.constant 1 : i32
      %dma_wait3A_1321 = arith.constant 0 : i32
      %dma_wait3A_1322 = arith.constant 0 : i32
      %dma_wait3A_1323 = tpu.memref_slice %arg6[%dma_wait3A_1320, %dma_wait3A_1321, %dma_wait3A_1322] : memref<2x800x64xf32, #tpu.memory_space<vmem>> -> memref<1x800x64xf32, #tpu.memory_space<vmem>>
      %dma_wait3A_1324 = tpu.memref_squeeze %dma_wait3A_1323 : memref<1x800x64xf32, #tpu.memory_space<vmem>> -> memref<800x64xf32, #tpu.memory_space<vmem>>
      %dma_wait3A_1325 = arith.constant 768 : i32
      %dma_wait3A_1326 = arith.constant 0 : i32
      %dma_wait3A_1327 = tpu.memref_slice %dma_wait3A_1324[%dma_wait3A_1325, %dma_wait3A_1326] : memref<800x64xf32, #tpu.memory_space<vmem>> -> memref<32x64xf32, #tpu.memory_space<vmem>>
      %dma_wait3A_1328 = tpu.memref_slice %arg5[%add3A_1235] : memref<25600xi32, #tpu.memory_space<vmem>> -> memref<32xi32, #tpu.memory_space<vmem>>
      %dma_wait3A_1329 = arith.constant 0 : i32
      %dma_wait3A_1330 = arith.constant 0 : i32
      %dma_wait3A_1331 = tpu.memref_slice %arg3[%dma_wait3A_1329, %dma_wait3A_1330] : memref<1000000x64xf32, #tpu.memory_space<hbm>> -> memref<1000000x64xf32, #tpu.memory_space<hbm>>
      tpu.wait_indirect_dma semaphore(%arg7 : memref<!tpu.dma_semaphore, #tpu.memory_space<semaphore_mem>>) src(%dma_wait3A_1331 : memref<1000000x64xf32, #tpu.memory_space<hbm>>) dst(%dma_wait3A_1327 : memref<32x64xf32, #tpu.memory_space<vmem>>)
      %mul3A_1332 = arith.constant 16 : i32
      %mul3A_1333 = arith.muli %add3A_1130, %mul3A_1332 : i32
      %add3A_1334 = arith.addi %mul3A_2, %mul3A_1333 : i32
      %add3A_1335 = arith.constant 0 : i32
      %add3A_1336 = arith.addi %add3A_1334, %add3A_1335 : i32
      %add3A_1337 = arith.constant 1 : i32
      %add3A_1338 = arith.addi %add3A_1334, %add3A_1337 : i32
      %add3A_1339 = arith.constant 2 : i32
      %add3A_1340 = arith.addi %add3A_1334, %add3A_1339 : i32
      %add3A_1341 = arith.constant 3 : i32
      %add3A_1342 = arith.addi %add3A_1334, %add3A_1341 : i32
      %add3A_1343 = arith.constant 4 : i32
      %add3A_1344 = arith.addi %add3A_1334, %add3A_1343 : i32
      %add3A_1345 = arith.constant 5 : i32
      %add3A_1346 = arith.addi %add3A_1334, %add3A_1345 : i32
      %add3A_1347 = arith.constant 6 : i32
      %add3A_1348 = arith.addi %add3A_1334, %add3A_1347 : i32
      %add3A_1349 = arith.constant 7 : i32
      %add3A_1350 = arith.addi %add3A_1334, %add3A_1349 : i32
      %add3A_1351 = arith.constant 8 : i32
      %add3A_1352 = arith.addi %add3A_1334, %add3A_1351 : i32
      %add3A_1353 = arith.constant 9 : i32
      %add3A_1354 = arith.addi %add3A_1334, %add3A_1353 : i32
      %add3A_1355 = arith.constant 10 : i32
      %add3A_1356 = arith.addi %add3A_1334, %add3A_1355 : i32
      %add3A_1357 = arith.constant 11 : i32
      %add3A_1358 = arith.addi %add3A_1334, %add3A_1357 : i32
      %add3A_1359 = arith.constant 12 : i32
      %add3A_1360 = arith.addi %add3A_1334, %add3A_1359 : i32
      %add3A_1361 = arith.constant 13 : i32
      %add3A_1362 = arith.addi %add3A_1334, %add3A_1361 : i32
      %add3A_1363 = arith.constant 14 : i32
      %add3A_1364 = arith.addi %add3A_1334, %add3A_1363 : i32
      %add3A_1365 = arith.constant 15 : i32
      %add3A_1366 = arith.addi %add3A_1334, %add3A_1365 : i32
      %dma_start3A_1367 = arith.constant 1 : i32
      %dma_start3A_1368 = arith.constant 0 : i32
      %dma_start3A_1369 = arith.constant 0 : i32
      %dma_start3A_1370 = tpu.memref_slice %arg6[%dma_start3A_1367, %dma_start3A_1368, %dma_start3A_1369] : memref<2x800x64xf32, #tpu.memory_space<vmem>> -> memref<1x50x64xf32, #tpu.memory_space<vmem>>
      %dma_start3A_1371 = tpu.memref_squeeze %dma_start3A_1370 : memref<1x50x64xf32, #tpu.memory_space<vmem>> -> memref<50x64xf32, #tpu.memory_space<vmem>>
      %dma_start3A_1372 = arith.constant 0 : i32
      %dma_start3A_1373 = arith.constant 0 : i32
      %dma_start3A_1374 = tpu.memref_slice %arg4[%add3A_1336, %dma_start3A_1372, %dma_start3A_1373] : memref<16384x56x128xf32, #tpu.memory_space<hbm>> -> memref<1x50x64xf32, #tpu.memory_space<hbm>>
      %dma_start3A_1375 = tpu.memref_squeeze %dma_start3A_1374 : memref<1x50x64xf32, #tpu.memory_space<hbm>> -> memref<50x64xf32, #tpu.memory_space<hbm>>
      %dma_start3A_1376 = arith.constant 0 : i32
      %dma_start3A_1377 = arith.constant 0 : i32
      %dma_start3A_1378 = tpu.memref_slice %arg4[%add3A_1336, %dma_start3A_1376, %dma_start3A_1377] : memref<16384x56x128xf32, #tpu.memory_space<hbm>> -> memref<1x50x64xf32, #tpu.memory_space<hbm>>
      %dma_start3A_1379 = tpu.memref_squeeze %dma_start3A_1378 : memref<1x50x64xf32, #tpu.memory_space<hbm>> -> memref<50x64xf32, #tpu.memory_space<hbm>>
      %dma_start3A_1380 = arith.constant 0 : i32
      %dma_start3A_1381 = arith.constant 0 : i32
      %dma_start3A_1382 = tpu.memref_slice %arg6[%dma_start3A_1367, %dma_start3A_1380, %dma_start3A_1381] : memref<2x800x64xf32, #tpu.memory_space<vmem>> -> memref<1x50x64xf32, #tpu.memory_space<vmem>>
      %dma_start3A_1383 = tpu.memref_squeeze %dma_start3A_1382 : memref<1x50x64xf32, #tpu.memory_space<vmem>> -> memref<50x64xf32, #tpu.memory_space<vmem>>
      tpu.enqueue_dma source(%dma_start3A_1383 : memref<50x64xf32, #tpu.memory_space<vmem>>) target(%dma_start3A_1379 : memref<50x64xf32, #tpu.memory_space<hbm>>) target_semaphore(%arg9 : memref<!tpu.dma_semaphore, #tpu.memory_space<semaphore_mem>>)
      %dma_start3A_1384 = arith.constant 1 : i32
      %dma_start3A_1385 = arith.constant 50 : i32
      %dma_start3A_1386 = arith.constant 0 : i32
      %dma_start3A_1387 = tpu.memref_slice %arg6[%dma_start3A_1384, %dma_start3A_1385, %dma_start3A_1386] : memref<2x800x64xf32, #tpu.memory_space<vmem>> -> memref<1x50x64xf32, #tpu.memory_space<vmem>>
      %dma_start3A_1388 = tpu.memref_squeeze %dma_start3A_1387 : memref<1x50x64xf32, #tpu.memory_space<vmem>> -> memref<50x64xf32, #tpu.memory_space<vmem>>
      %dma_start3A_1389 = arith.constant 0 : i32
      %dma_start3A_1390 = arith.constant 0 : i32
      %dma_start3A_1391 = tpu.memref_slice %arg4[%add3A_1338, %dma_start3A_1389, %dma_start3A_1390] : memref<16384x56x128xf32, #tpu.memory_space<hbm>> -> memref<1x50x64xf32, #tpu.memory_space<hbm>>
      %dma_start3A_1392 = tpu.memref_squeeze %dma_start3A_1391 : memref<1x50x64xf32, #tpu.memory_space<hbm>> -> memref<50x64xf32, #tpu.memory_space<hbm>>
      %dma_start3A_1393 = arith.constant 0 : i32
      %dma_start3A_1394 = arith.constant 0 : i32
      %dma_start3A_1395 = tpu.memref_slice %arg4[%add3A_1338, %dma_start3A_1393, %dma_start3A_1394] : memref<16384x56x128xf32, #tpu.memory_space<hbm>> -> memref<1x50x64xf32, #tpu.memory_space<hbm>>
      %dma_start3A_1396 = tpu.memref_squeeze %dma_start3A_1395 : memref<1x50x64xf32, #tpu.memory_space<hbm>> -> memref<50x64xf32, #tpu.memory_space<hbm>>
      %dma_start3A_1397 = arith.constant 50 : i32
      %dma_start3A_1398 = arith.constant 0 : i32
      %dma_start3A_1399 = tpu.memref_slice %arg6[%dma_start3A_1384, %dma_start3A_1397, %dma_start3A_1398] : memref<2x800x64xf32, #tpu.memory_space<vmem>> -> memref<1x50x64xf32, #tpu.memory_space<vmem>>
      %dma_start3A_1400 = tpu.memref_squeeze %dma_start3A_1399 : memref<1x50x64xf32, #tpu.memory_space<vmem>> -> memref<50x64xf32, #tpu.memory_space<vmem>>
      tpu.enqueue_dma source(%dma_start3A_1400 : memref<50x64xf32, #tpu.memory_space<vmem>>) target(%dma_start3A_1396 : memref<50x64xf32, #tpu.memory_space<hbm>>) target_semaphore(%arg9 : memref<!tpu.dma_semaphore, #tpu.memory_space<semaphore_mem>>)
      %dma_start3A_1401 = arith.constant 1 : i32
      %dma_start3A_1402 = arith.constant 100 : i32
      %dma_start3A_1403 = arith.constant 0 : i32
      %dma_start3A_1404 = tpu.memref_slice %arg6[%dma_start3A_1401, %dma_start3A_1402, %dma_start3A_1403] : memref<2x800x64xf32, #tpu.memory_space<vmem>> -> memref<1x50x64xf32, #tpu.memory_space<vmem>>
      %dma_start3A_1405 = tpu.memref_squeeze %dma_start3A_1404 : memref<1x50x64xf32, #tpu.memory_space<vmem>> -> memref<50x64xf32, #tpu.memory_space<vmem>>
      %dma_start3A_1406 = arith.constant 0 : i32
      %dma_start3A_1407 = arith.constant 0 : i32
      %dma_start3A_1408 = tpu.memref_slice %arg4[%add3A_1340, %dma_start3A_1406, %dma_start3A_1407] : memref<16384x56x128xf32, #tpu.memory_space<hbm>> -> memref<1x50x64xf32, #tpu.memory_space<hbm>>
      %dma_start3A_1409 = tpu.memref_squeeze %dma_start3A_1408 : memref<1x50x64xf32, #tpu.memory_space<hbm>> -> memref<50x64xf32, #tpu.memory_space<hbm>>
      %dma_start3A_1410 = arith.constant 0 : i32
      %dma_start3A_1411 = arith.constant 0 : i32
      %dma_start3A_1412 = tpu.memref_slice %arg4[%add3A_1340, %dma_start3A_1410, %dma_start3A_1411] : memref<16384x56x128xf32, #tpu.memory_space<hbm>> -> memref<1x50x64xf32, #tpu.memory_space<hbm>>
      %dma_start3A_1413 = tpu.memref_squeeze %dma_start3A_1412 : memref<1x50x64xf32, #tpu.memory_space<hbm>> -> memref<50x64xf32, #tpu.memory_space<hbm>>
      %dma_start3A_1414 = arith.constant 100 : i32
      %dma_start3A_1415 = arith.constant 0 : i32
      %dma_start3A_1416 = tpu.memref_slice %arg6[%dma_start3A_1401, %dma_start3A_1414, %dma_start3A_1415] : memref<2x800x64xf32, #tpu.memory_space<vmem>> -> memref<1x50x64xf32, #tpu.memory_space<vmem>>
      %dma_start3A_1417 = tpu.memref_squeeze %dma_start3A_1416 : memref<1x50x64xf32, #tpu.memory_space<vmem>> -> memref<50x64xf32, #tpu.memory_space<vmem>>
      tpu.enqueue_dma source(%dma_start3A_1417 : memref<50x64xf32, #tpu.memory_space<vmem>>) target(%dma_start3A_1413 : memref<50x64xf32, #tpu.memory_space<hbm>>) target_semaphore(%arg9 : memref<!tpu.dma_semaphore, #tpu.memory_space<semaphore_mem>>)
      %dma_start3A_1418 = arith.constant 1 : i32
      %dma_start3A_1419 = arith.constant 150 : i32
      %dma_start3A_1420 = arith.constant 0 : i32
      %dma_start3A_1421 = tpu.memref_slice %arg6[%dma_start3A_1418, %dma_start3A_1419, %dma_start3A_1420] : memref<2x800x64xf32, #tpu.memory_space<vmem>> -> memref<1x50x64xf32, #tpu.memory_space<vmem>>
      %dma_start3A_1422 = tpu.memref_squeeze %dma_start3A_1421 : memref<1x50x64xf32, #tpu.memory_space<vmem>> -> memref<50x64xf32, #tpu.memory_space<vmem>>
      %dma_start3A_1423 = arith.constant 0 : i32
      %dma_start3A_1424 = arith.constant 0 : i32
      %dma_start3A_1425 = tpu.memref_slice %arg4[%add3A_1342, %dma_start3A_1423, %dma_start3A_1424] : memref<16384x56x128xf32, #tpu.memory_space<hbm>> -> memref<1x50x64xf32, #tpu.memory_space<hbm>>
      %dma_start3A_1426 = tpu.memref_squeeze %dma_start3A_1425 : memref<1x50x64xf32, #tpu.memory_space<hbm>> -> memref<50x64xf32, #tpu.memory_space<hbm>>
      %dma_start3A_1427 = arith.constant 0 : i32
      %dma_start3A_1428 = arith.constant 0 : i32
      %dma_start3A_1429 = tpu.memref_slice %arg4[%add3A_1342, %dma_start3A_1427, %dma_start3A_1428] : memref<16384x56x128xf32, #tpu.memory_space<hbm>> -> memref<1x50x64xf32, #tpu.memory_space<hbm>>
      %dma_start3A_1430 = tpu.memref_squeeze %dma_start3A_1429 : memref<1x50x64xf32, #tpu.memory_space<hbm>> -> memref<50x64xf32, #tpu.memory_space<hbm>>
      %dma_start3A_1431 = arith.constant 150 : i32
      %dma_start3A_1432 = arith.constant 0 : i32
      %dma_start3A_1433 = tpu.memref_slice %arg6[%dma_start3A_1418, %dma_start3A_1431, %dma_start3A_1432] : memref<2x800x64xf32, #tpu.memory_space<vmem>> -> memref<1x50x64xf32, #tpu.memory_space<vmem>>
      %dma_start3A_1434 = tpu.memref_squeeze %dma_start3A_1433 : memref<1x50x64xf32, #tpu.memory_space<vmem>> -> memref<50x64xf32, #tpu.memory_space<vmem>>
      tpu.enqueue_dma source(%dma_start3A_1434 : memref<50x64xf32, #tpu.memory_space<vmem>>) target(%dma_start3A_1430 : memref<50x64xf32, #tpu.memory_space<hbm>>) target_semaphore(%arg9 : memref<!tpu.dma_semaphore, #tpu.memory_space<semaphore_mem>>)
      %dma_start3A_1435 = arith.constant 1 : i32
      %dma_start3A_1436 = arith.constant 200 : i32
      %dma_start3A_1437 = arith.constant 0 : i32
      %dma_start3A_1438 = tpu.memref_slice %arg6[%dma_start3A_1435, %dma_start3A_1436, %dma_start3A_1437] : memref<2x800x64xf32, #tpu.memory_space<vmem>> -> memref<1x50x64xf32, #tpu.memory_space<vmem>>
      %dma_start3A_1439 = tpu.memref_squeeze %dma_start3A_1438 : memref<1x50x64xf32, #tpu.memory_space<vmem>> -> memref<50x64xf32, #tpu.memory_space<vmem>>
      %dma_start3A_1440 = arith.constant 0 : i32
      %dma_start3A_1441 = arith.constant 0 : i32
      %dma_start3A_1442 = tpu.memref_slice %arg4[%add3A_1344, %dma_start3A_1440, %dma_start3A_1441] : memref<16384x56x128xf32, #tpu.memory_space<hbm>> -> memref<1x50x64xf32, #tpu.memory_space<hbm>>
      %dma_start3A_1443 = tpu.memref_squeeze %dma_start3A_1442 : memref<1x50x64xf32, #tpu.memory_space<hbm>> -> memref<50x64xf32, #tpu.memory_space<hbm>>
      %dma_start3A_1444 = arith.constant 0 : i32
      %dma_start3A_1445 = arith.constant 0 : i32
      %dma_start3A_1446 = tpu.memref_slice %arg4[%add3A_1344, %dma_start3A_1444, %dma_start3A_1445] : memref<16384x56x128xf32, #tpu.memory_space<hbm>> -> memref<1x50x64xf32, #tpu.memory_space<hbm>>
      %dma_start3A_1447 = tpu.memref_squeeze %dma_start3A_1446 : memref<1x50x64xf32, #tpu.memory_space<hbm>> -> memref<50x64xf32, #tpu.memory_space<hbm>>
      %dma_start3A_1448 = arith.constant 200 : i32
      %dma_start3A_1449 = arith.constant 0 : i32
      %dma_start3A_1450 = tpu.memref_slice %arg6[%dma_start3A_1435, %dma_start3A_1448, %dma_start3A_1449] : memref<2x800x64xf32, #tpu.memory_space<vmem>> -> memref<1x50x64xf32, #tpu.memory_space<vmem>>
      %dma_start3A_1451 = tpu.memref_squeeze %dma_start3A_1450 : memref<1x50x64xf32, #tpu.memory_space<vmem>> -> memref<50x64xf32, #tpu.memory_space<vmem>>
      tpu.enqueue_dma source(%dma_start3A_1451 : memref<50x64xf32, #tpu.memory_space<vmem>>) target(%dma_start3A_1447 : memref<50x64xf32, #tpu.memory_space<hbm>>) target_semaphore(%arg9 : memref<!tpu.dma_semaphore, #tpu.memory_space<semaphore_mem>>)
      %dma_start3A_1452 = arith.constant 1 : i32
      %dma_start3A_1453 = arith.constant 250 : i32
      %dma_start3A_1454 = arith.constant 0 : i32
      %dma_start3A_1455 = tpu.memref_slice %arg6[%dma_start3A_1452, %dma_start3A_1453, %dma_start3A_1454] : memref<2x800x64xf32, #tpu.memory_space<vmem>> -> memref<1x50x64xf32, #tpu.memory_space<vmem>>
      %dma_start3A_1456 = tpu.memref_squeeze %dma_start3A_1455 : memref<1x50x64xf32, #tpu.memory_space<vmem>> -> memref<50x64xf32, #tpu.memory_space<vmem>>
      %dma_start3A_1457 = arith.constant 0 : i32
      %dma_start3A_1458 = arith.constant 0 : i32
      %dma_start3A_1459 = tpu.memref_slice %arg4[%add3A_1346, %dma_start3A_1457, %dma_start3A_1458] : memref<16384x56x128xf32, #tpu.memory_space<hbm>> -> memref<1x50x64xf32, #tpu.memory_space<hbm>>
      %dma_start3A_1460 = tpu.memref_squeeze %dma_start3A_1459 : memref<1x50x64xf32, #tpu.memory_space<hbm>> -> memref<50x64xf32, #tpu.memory_space<hbm>>
      %dma_start3A_1461 = arith.constant 0 : i32
      %dma_start3A_1462 = arith.constant 0 : i32
      %dma_start3A_1463 = tpu.memref_slice %arg4[%add3A_1346, %dma_start3A_1461, %dma_start3A_1462] : memref<16384x56x128xf32, #tpu.memory_space<hbm>> -> memref<1x50x64xf32, #tpu.memory_space<hbm>>
      %dma_start3A_1464 = tpu.memref_squeeze %dma_start3A_1463 : memref<1x50x64xf32, #tpu.memory_space<hbm>> -> memref<50x64xf32, #tpu.memory_space<hbm>>
      %dma_start3A_1465 = arith.constant 250 : i32
      %dma_start3A_1466 = arith.constant 0 : i32
      %dma_start3A_1467 = tpu.memref_slice %arg6[%dma_start3A_1452, %dma_start3A_1465, %dma_start3A_1466] : memref<2x800x64xf32, #tpu.memory_space<vmem>> -> memref<1x50x64xf32, #tpu.memory_space<vmem>>
      %dma_start3A_1468 = tpu.memref_squeeze %dma_start3A_1467 : memref<1x50x64xf32, #tpu.memory_space<vmem>> -> memref<50x64xf32, #tpu.memory_space<vmem>>
      tpu.enqueue_dma source(%dma_start3A_1468 : memref<50x64xf32, #tpu.memory_space<vmem>>) target(%dma_start3A_1464 : memref<50x64xf32, #tpu.memory_space<hbm>>) target_semaphore(%arg9 : memref<!tpu.dma_semaphore, #tpu.memory_space<semaphore_mem>>)
      %dma_start3A_1469 = arith.constant 1 : i32
      %dma_start3A_1470 = arith.constant 300 : i32
      %dma_start3A_1471 = arith.constant 0 : i32
      %dma_start3A_1472 = tpu.memref_slice %arg6[%dma_start3A_1469, %dma_start3A_1470, %dma_start3A_1471] : memref<2x800x64xf32, #tpu.memory_space<vmem>> -> memref<1x50x64xf32, #tpu.memory_space<vmem>>
      %dma_start3A_1473 = tpu.memref_squeeze %dma_start3A_1472 : memref<1x50x64xf32, #tpu.memory_space<vmem>> -> memref<50x64xf32, #tpu.memory_space<vmem>>
      %dma_start3A_1474 = arith.constant 0 : i32
      %dma_start3A_1475 = arith.constant 0 : i32
      %dma_start3A_1476 = tpu.memref_slice %arg4[%add3A_1348, %dma_start3A_1474, %dma_start3A_1475] : memref<16384x56x128xf32, #tpu.memory_space<hbm>> -> memref<1x50x64xf32, #tpu.memory_space<hbm>>
      %dma_start3A_1477 = tpu.memref_squeeze %dma_start3A_1476 : memref<1x50x64xf32, #tpu.memory_space<hbm>> -> memref<50x64xf32, #tpu.memory_space<hbm>>
      %dma_start3A_1478 = arith.constant 0 : i32
      %dma_start3A_1479 = arith.constant 0 : i32
      %dma_start3A_1480 = tpu.memref_slice %arg4[%add3A_1348, %dma_start3A_1478, %dma_start3A_1479] : memref<16384x56x128xf32, #tpu.memory_space<hbm>> -> memref<1x50x64xf32, #tpu.memory_space<hbm>>
      %dma_start3A_1481 = tpu.memref_squeeze %dma_start3A_1480 : memref<1x50x64xf32, #tpu.memory_space<hbm>> -> memref<50x64xf32, #tpu.memory_space<hbm>>
      %dma_start3A_1482 = arith.constant 300 : i32
      %dma_start3A_1483 = arith.constant 0 : i32
      %dma_start3A_1484 = tpu.memref_slice %arg6[%dma_start3A_1469, %dma_start3A_1482, %dma_start3A_1483] : memref<2x800x64xf32, #tpu.memory_space<vmem>> -> memref<1x50x64xf32, #tpu.memory_space<vmem>>
      %dma_start3A_1485 = tpu.memref_squeeze %dma_start3A_1484 : memref<1x50x64xf32, #tpu.memory_space<vmem>> -> memref<50x64xf32, #tpu.memory_space<vmem>>
      tpu.enqueue_dma source(%dma_start3A_1485 : memref<50x64xf32, #tpu.memory_space<vmem>>) target(%dma_start3A_1481 : memref<50x64xf32, #tpu.memory_space<hbm>>) target_semaphore(%arg9 : memref<!tpu.dma_semaphore, #tpu.memory_space<semaphore_mem>>)
      %dma_start3A_1486 = arith.constant 1 : i32
      %dma_start3A_1487 = arith.constant 350 : i32
      %dma_start3A_1488 = arith.constant 0 : i32
      %dma_start3A_1489 = tpu.memref_slice %arg6[%dma_start3A_1486, %dma_start3A_1487, %dma_start3A_1488] : memref<2x800x64xf32, #tpu.memory_space<vmem>> -> memref<1x50x64xf32, #tpu.memory_space<vmem>>
      %dma_start3A_1490 = tpu.memref_squeeze %dma_start3A_1489 : memref<1x50x64xf32, #tpu.memory_space<vmem>> -> memref<50x64xf32, #tpu.memory_space<vmem>>
      %dma_start3A_1491 = arith.constant 0 : i32
      %dma_start3A_1492 = arith.constant 0 : i32
      %dma_start3A_1493 = tpu.memref_slice %arg4[%add3A_1350, %dma_start3A_1491, %dma_start3A_1492] : memref<16384x56x128xf32, #tpu.memory_space<hbm>> -> memref<1x50x64xf32, #tpu.memory_space<hbm>>
      %dma_start3A_1494 = tpu.memref_squeeze %dma_start3A_1493 : memref<1x50x64xf32, #tpu.memory_space<hbm>> -> memref<50x64xf32, #tpu.memory_space<hbm>>
      %dma_start3A_1495 = arith.constant 0 : i32
      %dma_start3A_1496 = arith.constant 0 : i32
      %dma_start3A_1497 = tpu.memref_slice %arg4[%add3A_1350, %dma_start3A_1495, %dma_start3A_1496] : memref<16384x56x128xf32, #tpu.memory_space<hbm>> -> memref<1x50x64xf32, #tpu.memory_space<hbm>>
      %dma_start3A_1498 = tpu.memref_squeeze %dma_start3A_1497 : memref<1x50x64xf32, #tpu.memory_space<hbm>> -> memref<50x64xf32, #tpu.memory_space<hbm>>
      %dma_start3A_1499 = arith.constant 350 : i32
      %dma_start3A_1500 = arith.constant 0 : i32
      %dma_start3A_1501 = tpu.memref_slice %arg6[%dma_start3A_1486, %dma_start3A_1499, %dma_start3A_1500] : memref<2x800x64xf32, #tpu.memory_space<vmem>> -> memref<1x50x64xf32, #tpu.memory_space<vmem>>
      %dma_start3A_1502 = tpu.memref_squeeze %dma_start3A_1501 : memref<1x50x64xf32, #tpu.memory_space<vmem>> -> memref<50x64xf32, #tpu.memory_space<vmem>>
      tpu.enqueue_dma source(%dma_start3A_1502 : memref<50x64xf32, #tpu.memory_space<vmem>>) target(%dma_start3A_1498 : memref<50x64xf32, #tpu.memory_space<hbm>>) target_semaphore(%arg9 : memref<!tpu.dma_semaphore, #tpu.memory_space<semaphore_mem>>)
      %dma_start3A_1503 = arith.constant 1 : i32
      %dma_start3A_1504 = arith.constant 400 : i32
      %dma_start3A_1505 = arith.constant 0 : i32
      %dma_start3A_1506 = tpu.memref_slice %arg6[%dma_start3A_1503, %dma_start3A_1504, %dma_start3A_1505] : memref<2x800x64xf32, #tpu.memory_space<vmem>> -> memref<1x50x64xf32, #tpu.memory_space<vmem>>
      %dma_start3A_1507 = tpu.memref_squeeze %dma_start3A_1506 : memref<1x50x64xf32, #tpu.memory_space<vmem>> -> memref<50x64xf32, #tpu.memory_space<vmem>>
      %dma_start3A_1508 = arith.constant 0 : i32
      %dma_start3A_1509 = arith.constant 0 : i32
      %dma_start3A_1510 = tpu.memref_slice %arg4[%add3A_1352, %dma_start3A_1508, %dma_start3A_1509] : memref<16384x56x128xf32, #tpu.memory_space<hbm>> -> memref<1x50x64xf32, #tpu.memory_space<hbm>>
      %dma_start3A_1511 = tpu.memref_squeeze %dma_start3A_1510 : memref<1x50x64xf32, #tpu.memory_space<hbm>> -> memref<50x64xf32, #tpu.memory_space<hbm>>
      %dma_start3A_1512 = arith.constant 0 : i32
      %dma_start3A_1513 = arith.constant 0 : i32
      %dma_start3A_1514 = tpu.memref_slice %arg4[%add3A_1352, %dma_start3A_1512, %dma_start3A_1513] : memref<16384x56x128xf32, #tpu.memory_space<hbm>> -> memref<1x50x64xf32, #tpu.memory_space<hbm>>
      %dma_start3A_1515 = tpu.memref_squeeze %dma_start3A_1514 : memref<1x50x64xf32, #tpu.memory_space<hbm>> -> memref<50x64xf32, #tpu.memory_space<hbm>>
      %dma_start3A_1516 = arith.constant 400 : i32
      %dma_start3A_1517 = arith.constant 0 : i32
      %dma_start3A_1518 = tpu.memref_slice %arg6[%dma_start3A_1503, %dma_start3A_1516, %dma_start3A_1517] : memref<2x800x64xf32, #tpu.memory_space<vmem>> -> memref<1x50x64xf32, #tpu.memory_space<vmem>>
      %dma_start3A_1519 = tpu.memref_squeeze %dma_start3A_1518 : memref<1x50x64xf32, #tpu.memory_space<vmem>> -> memref<50x64xf32, #tpu.memory_space<vmem>>
      tpu.enqueue_dma source(%dma_start3A_1519 : memref<50x64xf32, #tpu.memory_space<vmem>>) target(%dma_start3A_1515 : memref<50x64xf32, #tpu.memory_space<hbm>>) target_semaphore(%arg9 : memref<!tpu.dma_semaphore, #tpu.memory_space<semaphore_mem>>)
      %dma_start3A_1520 = arith.constant 1 : i32
      %dma_start3A_1521 = arith.constant 450 : i32
      %dma_start3A_1522 = arith.constant 0 : i32
      %dma_start3A_1523 = tpu.memref_slice %arg6[%dma_start3A_1520, %dma_start3A_1521, %dma_start3A_1522] : memref<2x800x64xf32, #tpu.memory_space<vmem>> -> memref<1x50x64xf32, #tpu.memory_space<vmem>>
      %dma_start3A_1524 = tpu.memref_squeeze %dma_start3A_1523 : memref<1x50x64xf32, #tpu.memory_space<vmem>> -> memref<50x64xf32, #tpu.memory_space<vmem>>
      %dma_start3A_1525 = arith.constant 0 : i32
      %dma_start3A_1526 = arith.constant 0 : i32
      %dma_start3A_1527 = tpu.memref_slice %arg4[%add3A_1354, %dma_start3A_1525, %dma_start3A_1526] : memref<16384x56x128xf32, #tpu.memory_space<hbm>> -> memref<1x50x64xf32, #tpu.memory_space<hbm>>
      %dma_start3A_1528 = tpu.memref_squeeze %dma_start3A_1527 : memref<1x50x64xf32, #tpu.memory_space<hbm>> -> memref<50x64xf32, #tpu.memory_space<hbm>>
      %dma_start3A_1529 = arith.constant 0 : i32
      %dma_start3A_1530 = arith.constant 0 : i32
      %dma_start3A_1531 = tpu.memref_slice %arg4[%add3A_1354, %dma_start3A_1529, %dma_start3A_1530] : memref<16384x56x128xf32, #tpu.memory_space<hbm>> -> memref<1x50x64xf32, #tpu.memory_space<hbm>>
      %dma_start3A_1532 = tpu.memref_squeeze %dma_start3A_1531 : memref<1x50x64xf32, #tpu.memory_space<hbm>> -> memref<50x64xf32, #tpu.memory_space<hbm>>
      %dma_start3A_1533 = arith.constant 450 : i32
      %dma_start3A_1534 = arith.constant 0 : i32
      %dma_start3A_1535 = tpu.memref_slice %arg6[%dma_start3A_1520, %dma_start3A_1533, %dma_start3A_1534] : memref<2x800x64xf32, #tpu.memory_space<vmem>> -> memref<1x50x64xf32, #tpu.memory_space<vmem>>
      %dma_start3A_1536 = tpu.memref_squeeze %dma_start3A_1535 : memref<1x50x64xf32, #tpu.memory_space<vmem>> -> memref<50x64xf32, #tpu.memory_space<vmem>>
      tpu.enqueue_dma source(%dma_start3A_1536 : memref<50x64xf32, #tpu.memory_space<vmem>>) target(%dma_start3A_1532 : memref<50x64xf32, #tpu.memory_space<hbm>>) target_semaphore(%arg9 : memref<!tpu.dma_semaphore, #tpu.memory_space<semaphore_mem>>)
      %dma_start3A_1537 = arith.constant 1 : i32
      %dma_start3A_1538 = arith.constant 500 : i32
      %dma_start3A_1539 = arith.constant 0 : i32
      %dma_start3A_1540 = tpu.memref_slice %arg6[%dma_start3A_1537, %dma_start3A_1538, %dma_start3A_1539] : memref<2x800x64xf32, #tpu.memory_space<vmem>> -> memref<1x50x64xf32, #tpu.memory_space<vmem>>
      %dma_start3A_1541 = tpu.memref_squeeze %dma_start3A_1540 : memref<1x50x64xf32, #tpu.memory_space<vmem>> -> memref<50x64xf32, #tpu.memory_space<vmem>>
      %dma_start3A_1542 = arith.constant 0 : i32
      %dma_start3A_1543 = arith.constant 0 : i32
      %dma_start3A_1544 = tpu.memref_slice %arg4[%add3A_1356, %dma_start3A_1542, %dma_start3A_1543] : memref<16384x56x128xf32, #tpu.memory_space<hbm>> -> memref<1x50x64xf32, #tpu.memory_space<hbm>>
      %dma_start3A_1545 = tpu.memref_squeeze %dma_start3A_1544 : memref<1x50x64xf32, #tpu.memory_space<hbm>> -> memref<50x64xf32, #tpu.memory_space<hbm>>
      %dma_start3A_1546 = arith.constant 0 : i32
      %dma_start3A_1547 = arith.constant 0 : i32
      %dma_start3A_1548 = tpu.memref_slice %arg4[%add3A_1356, %dma_start3A_1546, %dma_start3A_1547] : memref<16384x56x128xf32, #tpu.memory_space<hbm>> -> memref<1x50x64xf32, #tpu.memory_space<hbm>>
      %dma_start3A_1549 = tpu.memref_squeeze %dma_start3A_1548 : memref<1x50x64xf32, #tpu.memory_space<hbm>> -> memref<50x64xf32, #tpu.memory_space<hbm>>
      %dma_start3A_1550 = arith.constant 500 : i32
      %dma_start3A_1551 = arith.constant 0 : i32
      %dma_start3A_1552 = tpu.memref_slice %arg6[%dma_start3A_1537, %dma_start3A_1550, %dma_start3A_1551] : memref<2x800x64xf32, #tpu.memory_space<vmem>> -> memref<1x50x64xf32, #tpu.memory_space<vmem>>
      %dma_start3A_1553 = tpu.memref_squeeze %dma_start3A_1552 : memref<1x50x64xf32, #tpu.memory_space<vmem>> -> memref<50x64xf32, #tpu.memory_space<vmem>>
      tpu.enqueue_dma source(%dma_start3A_1553 : memref<50x64xf32, #tpu.memory_space<vmem>>) target(%dma_start3A_1549 : memref<50x64xf32, #tpu.memory_space<hbm>>) target_semaphore(%arg9 : memref<!tpu.dma_semaphore, #tpu.memory_space<semaphore_mem>>)
      %dma_start3A_1554 = arith.constant 1 : i32
      %dma_start3A_1555 = arith.constant 550 : i32
      %dma_start3A_1556 = arith.constant 0 : i32
      %dma_start3A_1557 = tpu.memref_slice %arg6[%dma_start3A_1554, %dma_start3A_1555, %dma_start3A_1556] : memref<2x800x64xf32, #tpu.memory_space<vmem>> -> memref<1x50x64xf32, #tpu.memory_space<vmem>>
      %dma_start3A_1558 = tpu.memref_squeeze %dma_start3A_1557 : memref<1x50x64xf32, #tpu.memory_space<vmem>> -> memref<50x64xf32, #tpu.memory_space<vmem>>
      %dma_start3A_1559 = arith.constant 0 : i32
      %dma_start3A_1560 = arith.constant 0 : i32
      %dma_start3A_1561 = tpu.memref_slice %arg4[%add3A_1358, %dma_start3A_1559, %dma_start3A_1560] : memref<16384x56x128xf32, #tpu.memory_space<hbm>> -> memref<1x50x64xf32, #tpu.memory_space<hbm>>
      %dma_start3A_1562 = tpu.memref_squeeze %dma_start3A_1561 : memref<1x50x64xf32, #tpu.memory_space<hbm>> -> memref<50x64xf32, #tpu.memory_space<hbm>>
      %dma_start3A_1563 = arith.constant 0 : i32
      %dma_start3A_1564 = arith.constant 0 : i32
      %dma_start3A_1565 = tpu.memref_slice %arg4[%add3A_1358, %dma_start3A_1563, %dma_start3A_1564] : memref<16384x56x128xf32, #tpu.memory_space<hbm>> -> memref<1x50x64xf32, #tpu.memory_space<hbm>>
      %dma_start3A_1566 = tpu.memref_squeeze %dma_start3A_1565 : memref<1x50x64xf32, #tpu.memory_space<hbm>> -> memref<50x64xf32, #tpu.memory_space<hbm>>
      %dma_start3A_1567 = arith.constant 550 : i32
      %dma_start3A_1568 = arith.constant 0 : i32
      %dma_start3A_1569 = tpu.memref_slice %arg6[%dma_start3A_1554, %dma_start3A_1567, %dma_start3A_1568] : memref<2x800x64xf32, #tpu.memory_space<vmem>> -> memref<1x50x64xf32, #tpu.memory_space<vmem>>
      %dma_start3A_1570 = tpu.memref_squeeze %dma_start3A_1569 : memref<1x50x64xf32, #tpu.memory_space<vmem>> -> memref<50x64xf32, #tpu.memory_space<vmem>>
      tpu.enqueue_dma source(%dma_start3A_1570 : memref<50x64xf32, #tpu.memory_space<vmem>>) target(%dma_start3A_1566 : memref<50x64xf32, #tpu.memory_space<hbm>>) target_semaphore(%arg9 : memref<!tpu.dma_semaphore, #tpu.memory_space<semaphore_mem>>)
      %dma_start3A_1571 = arith.constant 1 : i32
      %dma_start3A_1572 = arith.constant 600 : i32
      %dma_start3A_1573 = arith.constant 0 : i32
      %dma_start3A_1574 = tpu.memref_slice %arg6[%dma_start3A_1571, %dma_start3A_1572, %dma_start3A_1573] : memref<2x800x64xf32, #tpu.memory_space<vmem>> -> memref<1x50x64xf32, #tpu.memory_space<vmem>>
      %dma_start3A_1575 = tpu.memref_squeeze %dma_start3A_1574 : memref<1x50x64xf32, #tpu.memory_space<vmem>> -> memref<50x64xf32, #tpu.memory_space<vmem>>
      %dma_start3A_1576 = arith.constant 0 : i32
      %dma_start3A_1577 = arith.constant 0 : i32
      %dma_start3A_1578 = tpu.memref_slice %arg4[%add3A_1360, %dma_start3A_1576, %dma_start3A_1577] : memref<16384x56x128xf32, #tpu.memory_space<hbm>> -> memref<1x50x64xf32, #tpu.memory_space<hbm>>
      %dma_start3A_1579 = tpu.memref_squeeze %dma_start3A_1578 : memref<1x50x64xf32, #tpu.memory_space<hbm>> -> memref<50x64xf32, #tpu.memory_space<hbm>>
      %dma_start3A_1580 = arith.constant 0 : i32
      %dma_start3A_1581 = arith.constant 0 : i32
      %dma_start3A_1582 = tpu.memref_slice %arg4[%add3A_1360, %dma_start3A_1580, %dma_start3A_1581] : memref<16384x56x128xf32, #tpu.memory_space<hbm>> -> memref<1x50x64xf32, #tpu.memory_space<hbm>>
      %dma_start3A_1583 = tpu.memref_squeeze %dma_start3A_1582 : memref<1x50x64xf32, #tpu.memory_space<hbm>> -> memref<50x64xf32, #tpu.memory_space<hbm>>
      %dma_start3A_1584 = arith.constant 600 : i32
      %dma_start3A_1585 = arith.constant 0 : i32
      %dma_start3A_1586 = tpu.memref_slice %arg6[%dma_start3A_1571, %dma_start3A_1584, %dma_start3A_1585] : memref<2x800x64xf32, #tpu.memory_space<vmem>> -> memref<1x50x64xf32, #tpu.memory_space<vmem>>
      %dma_start3A_1587 = tpu.memref_squeeze %dma_start3A_1586 : memref<1x50x64xf32, #tpu.memory_space<vmem>> -> memref<50x64xf32, #tpu.memory_space<vmem>>
      tpu.enqueue_dma source(%dma_start3A_1587 : memref<50x64xf32, #tpu.memory_space<vmem>>) target(%dma_start3A_1583 : memref<50x64xf32, #tpu.memory_space<hbm>>) target_semaphore(%arg9 : memref<!tpu.dma_semaphore, #tpu.memory_space<semaphore_mem>>)
      %dma_start3A_1588 = arith.constant 1 : i32
      %dma_start3A_1589 = arith.constant 650 : i32
      %dma_start3A_1590 = arith.constant 0 : i32
      %dma_start3A_1591 = tpu.memref_slice %arg6[%dma_start3A_1588, %dma_start3A_1589, %dma_start3A_1590] : memref<2x800x64xf32, #tpu.memory_space<vmem>> -> memref<1x50x64xf32, #tpu.memory_space<vmem>>
      %dma_start3A_1592 = tpu.memref_squeeze %dma_start3A_1591 : memref<1x50x64xf32, #tpu.memory_space<vmem>> -> memref<50x64xf32, #tpu.memory_space<vmem>>
      %dma_start3A_1593 = arith.constant 0 : i32
      %dma_start3A_1594 = arith.constant 0 : i32
      %dma_start3A_1595 = tpu.memref_slice %arg4[%add3A_1362, %dma_start3A_1593, %dma_start3A_1594] : memref<16384x56x128xf32, #tpu.memory_space<hbm>> -> memref<1x50x64xf32, #tpu.memory_space<hbm>>
      %dma_start3A_1596 = tpu.memref_squeeze %dma_start3A_1595 : memref<1x50x64xf32, #tpu.memory_space<hbm>> -> memref<50x64xf32, #tpu.memory_space<hbm>>
      %dma_start3A_1597 = arith.constant 0 : i32
      %dma_start3A_1598 = arith.constant 0 : i32
      %dma_start3A_1599 = tpu.memref_slice %arg4[%add3A_1362, %dma_start3A_1597, %dma_start3A_1598] : memref<16384x56x128xf32, #tpu.memory_space<hbm>> -> memref<1x50x64xf32, #tpu.memory_space<hbm>>
      %dma_start3A_1600 = tpu.memref_squeeze %dma_start3A_1599 : memref<1x50x64xf32, #tpu.memory_space<hbm>> -> memref<50x64xf32, #tpu.memory_space<hbm>>
      %dma_start3A_1601 = arith.constant 650 : i32
      %dma_start3A_1602 = arith.constant 0 : i32
      %dma_start3A_1603 = tpu.memref_slice %arg6[%dma_start3A_1588, %dma_start3A_1601, %dma_start3A_1602] : memref<2x800x64xf32, #tpu.memory_space<vmem>> -> memref<1x50x64xf32, #tpu.memory_space<vmem>>
      %dma_start3A_1604 = tpu.memref_squeeze %dma_start3A_1603 : memref<1x50x64xf32, #tpu.memory_space<vmem>> -> memref<50x64xf32, #tpu.memory_space<vmem>>
      tpu.enqueue_dma source(%dma_start3A_1604 : memref<50x64xf32, #tpu.memory_space<vmem>>) target(%dma_start3A_1600 : memref<50x64xf32, #tpu.memory_space<hbm>>) target_semaphore(%arg9 : memref<!tpu.dma_semaphore, #tpu.memory_space<semaphore_mem>>)
      %dma_start3A_1605 = arith.constant 1 : i32
      %dma_start3A_1606 = arith.constant 700 : i32
      %dma_start3A_1607 = arith.constant 0 : i32
      %dma_start3A_1608 = tpu.memref_slice %arg6[%dma_start3A_1605, %dma_start3A_1606, %dma_start3A_1607] : memref<2x800x64xf32, #tpu.memory_space<vmem>> -> memref<1x50x64xf32, #tpu.memory_space<vmem>>
      %dma_start3A_1609 = tpu.memref_squeeze %dma_start3A_1608 : memref<1x50x64xf32, #tpu.memory_space<vmem>> -> memref<50x64xf32, #tpu.memory_space<vmem>>
      %dma_start3A_1610 = arith.constant 0 : i32
      %dma_start3A_1611 = arith.constant 0 : i32
      %dma_start3A_1612 = tpu.memref_slice %arg4[%add3A_1364, %dma_start3A_1610, %dma_start3A_1611] : memref<16384x56x128xf32, #tpu.memory_space<hbm>> -> memref<1x50x64xf32, #tpu.memory_space<hbm>>
      %dma_start3A_1613 = tpu.memref_squeeze %dma_start3A_1612 : memref<1x50x64xf32, #tpu.memory_space<hbm>> -> memref<50x64xf32, #tpu.memory_space<hbm>>
      %dma_start3A_1614 = arith.constant 0 : i32
      %dma_start3A_1615 = arith.constant 0 : i32
      %dma_start3A_1616 = tpu.memref_slice %arg4[%add3A_1364, %dma_start3A_1614, %dma_start3A_1615] : memref<16384x56x128xf32, #tpu.memory_space<hbm>> -> memref<1x50x64xf32, #tpu.memory_space<hbm>>
      %dma_start3A_1617 = tpu.memref_squeeze %dma_start3A_1616 : memref<1x50x64xf32, #tpu.memory_space<hbm>> -> memref<50x64xf32, #tpu.memory_space<hbm>>
      %dma_start3A_1618 = arith.constant 700 : i32
      %dma_start3A_1619 = arith.constant 0 : i32
      %dma_start3A_1620 = tpu.memref_slice %arg6[%dma_start3A_1605, %dma_start3A_1618, %dma_start3A_1619] : memref<2x800x64xf32, #tpu.memory_space<vmem>> -> memref<1x50x64xf32, #tpu.memory_space<vmem>>
      %dma_start3A_1621 = tpu.memref_squeeze %dma_start3A_1620 : memref<1x50x64xf32, #tpu.memory_space<vmem>> -> memref<50x64xf32, #tpu.memory_space<vmem>>
      tpu.enqueue_dma source(%dma_start3A_1621 : memref<50x64xf32, #tpu.memory_space<vmem>>) target(%dma_start3A_1617 : memref<50x64xf32, #tpu.memory_space<hbm>>) target_semaphore(%arg9 : memref<!tpu.dma_semaphore, #tpu.memory_space<semaphore_mem>>)
      %dma_start3A_1622 = arith.constant 1 : i32
      %dma_start3A_1623 = arith.constant 750 : i32
      %dma_start3A_1624 = arith.constant 0 : i32
      %dma_start3A_1625 = tpu.memref_slice %arg6[%dma_start3A_1622, %dma_start3A_1623, %dma_start3A_1624] : memref<2x800x64xf32, #tpu.memory_space<vmem>> -> memref<1x50x64xf32, #tpu.memory_space<vmem>>
      %dma_start3A_1626 = tpu.memref_squeeze %dma_start3A_1625 : memref<1x50x64xf32, #tpu.memory_space<vmem>> -> memref<50x64xf32, #tpu.memory_space<vmem>>
      %dma_start3A_1627 = arith.constant 0 : i32
      %dma_start3A_1628 = arith.constant 0 : i32
      %dma_start3A_1629 = tpu.memref_slice %arg4[%add3A_1366, %dma_start3A_1627, %dma_start3A_1628] : memref<16384x56x128xf32, #tpu.memory_space<hbm>> -> memref<1x50x64xf32, #tpu.memory_space<hbm>>
      %dma_start3A_1630 = tpu.memref_squeeze %dma_start3A_1629 : memref<1x50x64xf32, #tpu.memory_space<hbm>> -> memref<50x64xf32, #tpu.memory_space<hbm>>
      %dma_start3A_1631 = arith.constant 0 : i32
      %dma_start3A_1632 = arith.constant 0 : i32
      %dma_start3A_1633 = tpu.memref_slice %arg4[%add3A_1366, %dma_start3A_1631, %dma_start3A_1632] : memref<16384x56x128xf32, #tpu.memory_space<hbm>> -> memref<1x50x64xf32, #tpu.memory_space<hbm>>
      %dma_start3A_1634 = tpu.memref_squeeze %dma_start3A_1633 : memref<1x50x64xf32, #tpu.memory_space<hbm>> -> memref<50x64xf32, #tpu.memory_space<hbm>>
      %dma_start3A_1635 = arith.constant 750 : i32
      %dma_start3A_1636 = arith.constant 0 : i32
      %dma_start3A_1637 = tpu.memref_slice %arg6[%dma_start3A_1622, %dma_start3A_1635, %dma_start3A_1636] : memref<2x800x64xf32, #tpu.memory_space<vmem>> -> memref<1x50x64xf32, #tpu.memory_space<vmem>>
      %dma_start3A_1638 = tpu.memref_squeeze %dma_start3A_1637 : memref<1x50x64xf32, #tpu.memory_space<vmem>> -> memref<50x64xf32, #tpu.memory_space<vmem>>
      tpu.enqueue_dma source(%dma_start3A_1638 : memref<50x64xf32, #tpu.memory_space<vmem>>) target(%dma_start3A_1634 : memref<50x64xf32, #tpu.memory_space<hbm>>) target_semaphore(%arg9 : memref<!tpu.dma_semaphore, #tpu.memory_space<semaphore_mem>>)
    }
    %scan3A_8 = arith.constant 16 : i32
    %add3A_9 = arith.constant 480 : i32
    %add3A_10 = arith.addi %mul3A_2, %add3A_9 : i32
    %add3A_11 = arith.constant 0 : i32
    %add3A_12 = arith.addi %add3A_10, %add3A_11 : i32
    %add3A_13 = arith.constant 1 : i32
    %add3A_14 = arith.addi %add3A_10, %add3A_13 : i32
    %add3A_15 = arith.constant 2 : i32
    %add3A_16 = arith.addi %add3A_10, %add3A_15 : i32
    %add3A_17 = arith.constant 3 : i32
    %add3A_18 = arith.addi %add3A_10, %add3A_17 : i32
    %add3A_19 = arith.constant 4 : i32
    %add3A_20 = arith.addi %add3A_10, %add3A_19 : i32
    %add3A_21 = arith.constant 5 : i32
    %add3A_22 = arith.addi %add3A_10, %add3A_21 : i32
    %add3A_23 = arith.constant 6 : i32
    %add3A_24 = arith.addi %add3A_10, %add3A_23 : i32
    %add3A_25 = arith.constant 7 : i32
    %add3A_26 = arith.addi %add3A_10, %add3A_25 : i32
    %add3A_27 = arith.constant 8 : i32
    %add3A_28 = arith.addi %add3A_10, %add3A_27 : i32
    %add3A_29 = arith.constant 9 : i32
    %add3A_30 = arith.addi %add3A_10, %add3A_29 : i32
    %add3A_31 = arith.constant 10 : i32
    %add3A_32 = arith.addi %add3A_10, %add3A_31 : i32
    %add3A_33 = arith.constant 11 : i32
    %add3A_34 = arith.addi %add3A_10, %add3A_33 : i32
    %add3A_35 = arith.constant 12 : i32
    %add3A_36 = arith.addi %add3A_10, %add3A_35 : i32
    %add3A_37 = arith.constant 13 : i32
    %add3A_38 = arith.addi %add3A_10, %add3A_37 : i32
    %add3A_39 = arith.constant 14 : i32
    %add3A_40 = arith.addi %add3A_10, %add3A_39 : i32
    %add3A_41 = arith.constant 15 : i32
    %add3A_42 = arith.addi %add3A_10, %add3A_41 : i32
    %dma_wait3A = arith.constant 0 : i32
    %dma_wait3A_43 = arith.constant 0 : i32
    %dma_wait3A_44 = arith.constant 0 : i32
    %dma_wait3A_45 = tpu.memref_slice %arg6[%dma_wait3A, %dma_wait3A_43, %dma_wait3A_44] : memref<2x800x64xf32, #tpu.memory_space<vmem>> -> memref<1x50x64xf32, #tpu.memory_space<vmem>>
    %dma_wait3A_46 = tpu.memref_squeeze %dma_wait3A_45 : memref<1x50x64xf32, #tpu.memory_space<vmem>> -> memref<50x64xf32, #tpu.memory_space<vmem>>
    %dma_wait3A_47 = arith.constant 0 : i32
    %dma_wait3A_48 = arith.constant 0 : i32
    %dma_wait3A_49 = tpu.memref_slice %arg4[%add3A_12, %dma_wait3A_47, %dma_wait3A_48] : memref<16384x56x128xf32, #tpu.memory_space<hbm>> -> memref<1x50x64xf32, #tpu.memory_space<hbm>>
    %dma_wait3A_50 = tpu.memref_squeeze %dma_wait3A_49 : memref<1x50x64xf32, #tpu.memory_space<hbm>> -> memref<50x64xf32, #tpu.memory_space<hbm>>
    %dma_wait3A_51 = arith.constant 0 : i32
    %dma_wait3A_52 = arith.constant 0 : i32
    %dma_wait3A_53 = tpu.memref_slice %arg4[%add3A_12, %dma_wait3A_51, %dma_wait3A_52] : memref<16384x56x128xf32, #tpu.memory_space<hbm>> -> memref<1x50x64xf32, #tpu.memory_space<hbm>>
    %dma_wait3A_54 = tpu.memref_squeeze %dma_wait3A_53 : memref<1x50x64xf32, #tpu.memory_space<hbm>> -> memref<50x64xf32, #tpu.memory_space<hbm>>
    %dma_wait3A_55 = arith.constant 0 : i32
    %dma_wait3A_56 = arith.constant 0 : i32
    %dma_wait3A_57 = tpu.memref_slice %arg6[%dma_wait3A, %dma_wait3A_55, %dma_wait3A_56] : memref<2x800x64xf32, #tpu.memory_space<vmem>> -> memref<1x50x64xf32, #tpu.memory_space<vmem>>
    %dma_wait3A_58 = tpu.memref_squeeze %dma_wait3A_57 : memref<1x50x64xf32, #tpu.memory_space<vmem>> -> memref<50x64xf32, #tpu.memory_space<vmem>>
    tpu.wait_dma2 semaphore(%arg8 : memref<!tpu.dma_semaphore, #tpu.memory_space<semaphore_mem>>) src(%dma_wait3A_58 : memref<50x64xf32, #tpu.memory_space<vmem>>) dst(%dma_wait3A_54 : memref<50x64xf32, #tpu.memory_space<hbm>>)
    %dma_wait3A_59 = arith.constant 0 : i32
    %dma_wait3A_60 = arith.constant 50 : i32
    %dma_wait3A_61 = arith.constant 0 : i32
    %dma_wait3A_62 = tpu.memref_slice %arg6[%dma_wait3A_59, %dma_wait3A_60, %dma_wait3A_61] : memref<2x800x64xf32, #tpu.memory_space<vmem>> -> memref<1x50x64xf32, #tpu.memory_space<vmem>>
    %dma_wait3A_63 = tpu.memref_squeeze %dma_wait3A_62 : memref<1x50x64xf32, #tpu.memory_space<vmem>> -> memref<50x64xf32, #tpu.memory_space<vmem>>
    %dma_wait3A_64 = arith.constant 0 : i32
    %dma_wait3A_65 = arith.constant 0 : i32
    %dma_wait3A_66 = tpu.memref_slice %arg4[%add3A_14, %dma_wait3A_64, %dma_wait3A_65] : memref<16384x56x128xf32, #tpu.memory_space<hbm>> -> memref<1x50x64xf32, #tpu.memory_space<hbm>>
    %dma_wait3A_67 = tpu.memref_squeeze %dma_wait3A_66 : memref<1x50x64xf32, #tpu.memory_space<hbm>> -> memref<50x64xf32, #tpu.memory_space<hbm>>
    %dma_wait3A_68 = arith.constant 0 : i32
    %dma_wait3A_69 = arith.constant 0 : i32
    %dma_wait3A_70 = tpu.memref_slice %arg4[%add3A_14, %dma_wait3A_68, %dma_wait3A_69] : memref<16384x56x128xf32, #tpu.memory_space<hbm>> -> memref<1x50x64xf32, #tpu.memory_space<hbm>>
    %dma_wait3A_71 = tpu.memref_squeeze %dma_wait3A_70 : memref<1x50x64xf32, #tpu.memory_space<hbm>> -> memref<50x64xf32, #tpu.memory_space<hbm>>
    %dma_wait3A_72 = arith.constant 50 : i32
    %dma_wait3A_73 = arith.constant 0 : i32
    %dma_wait3A_74 = tpu.memref_slice %arg6[%dma_wait3A_59, %dma_wait3A_72, %dma_wait3A_73] : memref<2x800x64xf32, #tpu.memory_space<vmem>> -> memref<1x50x64xf32, #tpu.memory_space<vmem>>
    %dma_wait3A_75 = tpu.memref_squeeze %dma_wait3A_74 : memref<1x50x64xf32, #tpu.memory_space<vmem>> -> memref<50x64xf32, #tpu.memory_space<vmem>>
    tpu.wait_dma2 semaphore(%arg8 : memref<!tpu.dma_semaphore, #tpu.memory_space<semaphore_mem>>) src(%dma_wait3A_75 : memref<50x64xf32, #tpu.memory_space<vmem>>) dst(%dma_wait3A_71 : memref<50x64xf32, #tpu.memory_space<hbm>>)
    %dma_wait3A_76 = arith.constant 0 : i32
    %dma_wait3A_77 = arith.constant 100 : i32
    %dma_wait3A_78 = arith.constant 0 : i32
    %dma_wait3A_79 = tpu.memref_slice %arg6[%dma_wait3A_76, %dma_wait3A_77, %dma_wait3A_78] : memref<2x800x64xf32, #tpu.memory_space<vmem>> -> memref<1x50x64xf32, #tpu.memory_space<vmem>>
    %dma_wait3A_80 = tpu.memref_squeeze %dma_wait3A_79 : memref<1x50x64xf32, #tpu.memory_space<vmem>> -> memref<50x64xf32, #tpu.memory_space<vmem>>
    %dma_wait3A_81 = arith.constant 0 : i32
    %dma_wait3A_82 = arith.constant 0 : i32
    %dma_wait3A_83 = tpu.memref_slice %arg4[%add3A_16, %dma_wait3A_81, %dma_wait3A_82] : memref<16384x56x128xf32, #tpu.memory_space<hbm>> -> memref<1x50x64xf32, #tpu.memory_space<hbm>>
    %dma_wait3A_84 = tpu.memref_squeeze %dma_wait3A_83 : memref<1x50x64xf32, #tpu.memory_space<hbm>> -> memref<50x64xf32, #tpu.memory_space<hbm>>
    %dma_wait3A_85 = arith.constant 0 : i32
    %dma_wait3A_86 = arith.constant 0 : i32
    %dma_wait3A_87 = tpu.memref_slice %arg4[%add3A_16, %dma_wait3A_85, %dma_wait3A_86] : memref<16384x56x128xf32, #tpu.memory_space<hbm>> -> memref<1x50x64xf32, #tpu.memory_space<hbm>>
    %dma_wait3A_88 = tpu.memref_squeeze %dma_wait3A_87 : memref<1x50x64xf32, #tpu.memory_space<hbm>> -> memref<50x64xf32, #tpu.memory_space<hbm>>
    %dma_wait3A_89 = arith.constant 100 : i32
    %dma_wait3A_90 = arith.constant 0 : i32
    %dma_wait3A_91 = tpu.memref_slice %arg6[%dma_wait3A_76, %dma_wait3A_89, %dma_wait3A_90] : memref<2x800x64xf32, #tpu.memory_space<vmem>> -> memref<1x50x64xf32, #tpu.memory_space<vmem>>
    %dma_wait3A_92 = tpu.memref_squeeze %dma_wait3A_91 : memref<1x50x64xf32, #tpu.memory_space<vmem>> -> memref<50x64xf32, #tpu.memory_space<vmem>>
    tpu.wait_dma2 semaphore(%arg8 : memref<!tpu.dma_semaphore, #tpu.memory_space<semaphore_mem>>) src(%dma_wait3A_92 : memref<50x64xf32, #tpu.memory_space<vmem>>) dst(%dma_wait3A_88 : memref<50x64xf32, #tpu.memory_space<hbm>>)
    %dma_wait3A_93 = arith.constant 0 : i32
    %dma_wait3A_94 = arith.constant 150 : i32
    %dma_wait3A_95 = arith.constant 0 : i32
    %dma_wait3A_96 = tpu.memref_slice %arg6[%dma_wait3A_93, %dma_wait3A_94, %dma_wait3A_95] : memref<2x800x64xf32, #tpu.memory_space<vmem>> -> memref<1x50x64xf32, #tpu.memory_space<vmem>>
    %dma_wait3A_97 = tpu.memref_squeeze %dma_wait3A_96 : memref<1x50x64xf32, #tpu.memory_space<vmem>> -> memref<50x64xf32, #tpu.memory_space<vmem>>
    %dma_wait3A_98 = arith.constant 0 : i32
    %dma_wait3A_99 = arith.constant 0 : i32
    %dma_wait3A_100 = tpu.memref_slice %arg4[%add3A_18, %dma_wait3A_98, %dma_wait3A_99] : memref<16384x56x128xf32, #tpu.memory_space<hbm>> -> memref<1x50x64xf32, #tpu.memory_space<hbm>>
    %dma_wait3A_101 = tpu.memref_squeeze %dma_wait3A_100 : memref<1x50x64xf32, #tpu.memory_space<hbm>> -> memref<50x64xf32, #tpu.memory_space<hbm>>
    %dma_wait3A_102 = arith.constant 0 : i32
    %dma_wait3A_103 = arith.constant 0 : i32
    %dma_wait3A_104 = tpu.memref_slice %arg4[%add3A_18, %dma_wait3A_102, %dma_wait3A_103] : memref<16384x56x128xf32, #tpu.memory_space<hbm>> -> memref<1x50x64xf32, #tpu.memory_space<hbm>>
    %dma_wait3A_105 = tpu.memref_squeeze %dma_wait3A_104 : memref<1x50x64xf32, #tpu.memory_space<hbm>> -> memref<50x64xf32, #tpu.memory_space<hbm>>
    %dma_wait3A_106 = arith.constant 150 : i32
    %dma_wait3A_107 = arith.constant 0 : i32
    %dma_wait3A_108 = tpu.memref_slice %arg6[%dma_wait3A_93, %dma_wait3A_106, %dma_wait3A_107] : memref<2x800x64xf32, #tpu.memory_space<vmem>> -> memref<1x50x64xf32, #tpu.memory_space<vmem>>
    %dma_wait3A_109 = tpu.memref_squeeze %dma_wait3A_108 : memref<1x50x64xf32, #tpu.memory_space<vmem>> -> memref<50x64xf32, #tpu.memory_space<vmem>>
    tpu.wait_dma2 semaphore(%arg8 : memref<!tpu.dma_semaphore, #tpu.memory_space<semaphore_mem>>) src(%dma_wait3A_109 : memref<50x64xf32, #tpu.memory_space<vmem>>) dst(%dma_wait3A_105 : memref<50x64xf32, #tpu.memory_space<hbm>>)
    %dma_wait3A_110 = arith.constant 0 : i32
    %dma_wait3A_111 = arith.constant 200 : i32
    %dma_wait3A_112 = arith.constant 0 : i32
    %dma_wait3A_113 = tpu.memref_slice %arg6[%dma_wait3A_110, %dma_wait3A_111, %dma_wait3A_112] : memref<2x800x64xf32, #tpu.memory_space<vmem>> -> memref<1x50x64xf32, #tpu.memory_space<vmem>>
    %dma_wait3A_114 = tpu.memref_squeeze %dma_wait3A_113 : memref<1x50x64xf32, #tpu.memory_space<vmem>> -> memref<50x64xf32, #tpu.memory_space<vmem>>
    %dma_wait3A_115 = arith.constant 0 : i32
    %dma_wait3A_116 = arith.constant 0 : i32
    %dma_wait3A_117 = tpu.memref_slice %arg4[%add3A_20, %dma_wait3A_115, %dma_wait3A_116] : memref<16384x56x128xf32, #tpu.memory_space<hbm>> -> memref<1x50x64xf32, #tpu.memory_space<hbm>>
    %dma_wait3A_118 = tpu.memref_squeeze %dma_wait3A_117 : memref<1x50x64xf32, #tpu.memory_space<hbm>> -> memref<50x64xf32, #tpu.memory_space<hbm>>
    %dma_wait3A_119 = arith.constant 0 : i32
    %dma_wait3A_120 = arith.constant 0 : i32
    %dma_wait3A_121 = tpu.memref_slice %arg4[%add3A_20, %dma_wait3A_119, %dma_wait3A_120] : memref<16384x56x128xf32, #tpu.memory_space<hbm>> -> memref<1x50x64xf32, #tpu.memory_space<hbm>>
    %dma_wait3A_122 = tpu.memref_squeeze %dma_wait3A_121 : memref<1x50x64xf32, #tpu.memory_space<hbm>> -> memref<50x64xf32, #tpu.memory_space<hbm>>
    %dma_wait3A_123 = arith.constant 200 : i32
    %dma_wait3A_124 = arith.constant 0 : i32
    %dma_wait3A_125 = tpu.memref_slice %arg6[%dma_wait3A_110, %dma_wait3A_123, %dma_wait3A_124] : memref<2x800x64xf32, #tpu.memory_space<vmem>> -> memref<1x50x64xf32, #tpu.memory_space<vmem>>
    %dma_wait3A_126 = tpu.memref_squeeze %dma_wait3A_125 : memref<1x50x64xf32, #tpu.memory_space<vmem>> -> memref<50x64xf32, #tpu.memory_space<vmem>>
    tpu.wait_dma2 semaphore(%arg8 : memref<!tpu.dma_semaphore, #tpu.memory_space<semaphore_mem>>) src(%dma_wait3A_126 : memref<50x64xf32, #tpu.memory_space<vmem>>) dst(%dma_wait3A_122 : memref<50x64xf32, #tpu.memory_space<hbm>>)
    %dma_wait3A_127 = arith.constant 0 : i32
    %dma_wait3A_128 = arith.constant 250 : i32
    %dma_wait3A_129 = arith.constant 0 : i32
    %dma_wait3A_130 = tpu.memref_slice %arg6[%dma_wait3A_127, %dma_wait3A_128, %dma_wait3A_129] : memref<2x800x64xf32, #tpu.memory_space<vmem>> -> memref<1x50x64xf32, #tpu.memory_space<vmem>>
    %dma_wait3A_131 = tpu.memref_squeeze %dma_wait3A_130 : memref<1x50x64xf32, #tpu.memory_space<vmem>> -> memref<50x64xf32, #tpu.memory_space<vmem>>
    %dma_wait3A_132 = arith.constant 0 : i32
    %dma_wait3A_133 = arith.constant 0 : i32
    %dma_wait3A_134 = tpu.memref_slice %arg4[%add3A_22, %dma_wait3A_132, %dma_wait3A_133] : memref<16384x56x128xf32, #tpu.memory_space<hbm>> -> memref<1x50x64xf32, #tpu.memory_space<hbm>>
    %dma_wait3A_135 = tpu.memref_squeeze %dma_wait3A_134 : memref<1x50x64xf32, #tpu.memory_space<hbm>> -> memref<50x64xf32, #tpu.memory_space<hbm>>
    %dma_wait3A_136 = arith.constant 0 : i32
    %dma_wait3A_137 = arith.constant 0 : i32
    %dma_wait3A_138 = tpu.memref_slice %arg4[%add3A_22, %dma_wait3A_136, %dma_wait3A_137] : memref<16384x56x128xf32, #tpu.memory_space<hbm>> -> memref<1x50x64xf32, #tpu.memory_space<hbm>>
    %dma_wait3A_139 = tpu.memref_squeeze %dma_wait3A_138 : memref<1x50x64xf32, #tpu.memory_space<hbm>> -> memref<50x64xf32, #tpu.memory_space<hbm>>
    %dma_wait3A_140 = arith.constant 250 : i32
    %dma_wait3A_141 = arith.constant 0 : i32
    %dma_wait3A_142 = tpu.memref_slice %arg6[%dma_wait3A_127, %dma_wait3A_140, %dma_wait3A_141] : memref<2x800x64xf32, #tpu.memory_space<vmem>> -> memref<1x50x64xf32, #tpu.memory_space<vmem>>
    %dma_wait3A_143 = tpu.memref_squeeze %dma_wait3A_142 : memref<1x50x64xf32, #tpu.memory_space<vmem>> -> memref<50x64xf32, #tpu.memory_space<vmem>>
    tpu.wait_dma2 semaphore(%arg8 : memref<!tpu.dma_semaphore, #tpu.memory_space<semaphore_mem>>) src(%dma_wait3A_143 : memref<50x64xf32, #tpu.memory_space<vmem>>) dst(%dma_wait3A_139 : memref<50x64xf32, #tpu.memory_space<hbm>>)
    %dma_wait3A_144 = arith.constant 0 : i32
    %dma_wait3A_145 = arith.constant 300 : i32
    %dma_wait3A_146 = arith.constant 0 : i32
    %dma_wait3A_147 = tpu.memref_slice %arg6[%dma_wait3A_144, %dma_wait3A_145, %dma_wait3A_146] : memref<2x800x64xf32, #tpu.memory_space<vmem>> -> memref<1x50x64xf32, #tpu.memory_space<vmem>>
    %dma_wait3A_148 = tpu.memref_squeeze %dma_wait3A_147 : memref<1x50x64xf32, #tpu.memory_space<vmem>> -> memref<50x64xf32, #tpu.memory_space<vmem>>
    %dma_wait3A_149 = arith.constant 0 : i32
    %dma_wait3A_150 = arith.constant 0 : i32
    %dma_wait3A_151 = tpu.memref_slice %arg4[%add3A_24, %dma_wait3A_149, %dma_wait3A_150] : memref<16384x56x128xf32, #tpu.memory_space<hbm>> -> memref<1x50x64xf32, #tpu.memory_space<hbm>>
    %dma_wait3A_152 = tpu.memref_squeeze %dma_wait3A_151 : memref<1x50x64xf32, #tpu.memory_space<hbm>> -> memref<50x64xf32, #tpu.memory_space<hbm>>
    %dma_wait3A_153 = arith.constant 0 : i32
    %dma_wait3A_154 = arith.constant 0 : i32
    %dma_wait3A_155 = tpu.memref_slice %arg4[%add3A_24, %dma_wait3A_153, %dma_wait3A_154] : memref<16384x56x128xf32, #tpu.memory_space<hbm>> -> memref<1x50x64xf32, #tpu.memory_space<hbm>>
    %dma_wait3A_156 = tpu.memref_squeeze %dma_wait3A_155 : memref<1x50x64xf32, #tpu.memory_space<hbm>> -> memref<50x64xf32, #tpu.memory_space<hbm>>
    %dma_wait3A_157 = arith.constant 300 : i32
    %dma_wait3A_158 = arith.constant 0 : i32
    %dma_wait3A_159 = tpu.memref_slice %arg6[%dma_wait3A_144, %dma_wait3A_157, %dma_wait3A_158] : memref<2x800x64xf32, #tpu.memory_space<vmem>> -> memref<1x50x64xf32, #tpu.memory_space<vmem>>
    %dma_wait3A_160 = tpu.memref_squeeze %dma_wait3A_159 : memref<1x50x64xf32, #tpu.memory_space<vmem>> -> memref<50x64xf32, #tpu.memory_space<vmem>>
    tpu.wait_dma2 semaphore(%arg8 : memref<!tpu.dma_semaphore, #tpu.memory_space<semaphore_mem>>) src(%dma_wait3A_160 : memref<50x64xf32, #tpu.memory_space<vmem>>) dst(%dma_wait3A_156 : memref<50x64xf32, #tpu.memory_space<hbm>>)
    %dma_wait3A_161 = arith.constant 0 : i32
    %dma_wait3A_162 = arith.constant 350 : i32
    %dma_wait3A_163 = arith.constant 0 : i32
    %dma_wait3A_164 = tpu.memref_slice %arg6[%dma_wait3A_161, %dma_wait3A_162, %dma_wait3A_163] : memref<2x800x64xf32, #tpu.memory_space<vmem>> -> memref<1x50x64xf32, #tpu.memory_space<vmem>>
    %dma_wait3A_165 = tpu.memref_squeeze %dma_wait3A_164 : memref<1x50x64xf32, #tpu.memory_space<vmem>> -> memref<50x64xf32, #tpu.memory_space<vmem>>
    %dma_wait3A_166 = arith.constant 0 : i32
    %dma_wait3A_167 = arith.constant 0 : i32
    %dma_wait3A_168 = tpu.memref_slice %arg4[%add3A_26, %dma_wait3A_166, %dma_wait3A_167] : memref<16384x56x128xf32, #tpu.memory_space<hbm>> -> memref<1x50x64xf32, #tpu.memory_space<hbm>>
    %dma_wait3A_169 = tpu.memref_squeeze %dma_wait3A_168 : memref<1x50x64xf32, #tpu.memory_space<hbm>> -> memref<50x64xf32, #tpu.memory_space<hbm>>
    %dma_wait3A_170 = arith.constant 0 : i32
    %dma_wait3A_171 = arith.constant 0 : i32
    %dma_wait3A_172 = tpu.memref_slice %arg4[%add3A_26, %dma_wait3A_170, %dma_wait3A_171] : memref<16384x56x128xf32, #tpu.memory_space<hbm>> -> memref<1x50x64xf32, #tpu.memory_space<hbm>>
    %dma_wait3A_173 = tpu.memref_squeeze %dma_wait3A_172 : memref<1x50x64xf32, #tpu.memory_space<hbm>> -> memref<50x64xf32, #tpu.memory_space<hbm>>
    %dma_wait3A_174 = arith.constant 350 : i32
    %dma_wait3A_175 = arith.constant 0 : i32
    %dma_wait3A_176 = tpu.memref_slice %arg6[%dma_wait3A_161, %dma_wait3A_174, %dma_wait3A_175] : memref<2x800x64xf32, #tpu.memory_space<vmem>> -> memref<1x50x64xf32, #tpu.memory_space<vmem>>
    %dma_wait3A_177 = tpu.memref_squeeze %dma_wait3A_176 : memref<1x50x64xf32, #tpu.memory_space<vmem>> -> memref<50x64xf32, #tpu.memory_space<vmem>>
    tpu.wait_dma2 semaphore(%arg8 : memref<!tpu.dma_semaphore, #tpu.memory_space<semaphore_mem>>) src(%dma_wait3A_177 : memref<50x64xf32, #tpu.memory_space<vmem>>) dst(%dma_wait3A_173 : memref<50x64xf32, #tpu.memory_space<hbm>>)
    %dma_wait3A_178 = arith.constant 0 : i32
    %dma_wait3A_179 = arith.constant 400 : i32
    %dma_wait3A_180 = arith.constant 0 : i32
    %dma_wait3A_181 = tpu.memref_slice %arg6[%dma_wait3A_178, %dma_wait3A_179, %dma_wait3A_180] : memref<2x800x64xf32, #tpu.memory_space<vmem>> -> memref<1x50x64xf32, #tpu.memory_space<vmem>>
    %dma_wait3A_182 = tpu.memref_squeeze %dma_wait3A_181 : memref<1x50x64xf32, #tpu.memory_space<vmem>> -> memref<50x64xf32, #tpu.memory_space<vmem>>
    %dma_wait3A_183 = arith.constant 0 : i32
    %dma_wait3A_184 = arith.constant 0 : i32
    %dma_wait3A_185 = tpu.memref_slice %arg4[%add3A_28, %dma_wait3A_183, %dma_wait3A_184] : memref<16384x56x128xf32, #tpu.memory_space<hbm>> -> memref<1x50x64xf32, #tpu.memory_space<hbm>>
    %dma_wait3A_186 = tpu.memref_squeeze %dma_wait3A_185 : memref<1x50x64xf32, #tpu.memory_space<hbm>> -> memref<50x64xf32, #tpu.memory_space<hbm>>
    %dma_wait3A_187 = arith.constant 0 : i32
    %dma_wait3A_188 = arith.constant 0 : i32
    %dma_wait3A_189 = tpu.memref_slice %arg4[%add3A_28, %dma_wait3A_187, %dma_wait3A_188] : memref<16384x56x128xf32, #tpu.memory_space<hbm>> -> memref<1x50x64xf32, #tpu.memory_space<hbm>>
    %dma_wait3A_190 = tpu.memref_squeeze %dma_wait3A_189 : memref<1x50x64xf32, #tpu.memory_space<hbm>> -> memref<50x64xf32, #tpu.memory_space<hbm>>
    %dma_wait3A_191 = arith.constant 400 : i32
    %dma_wait3A_192 = arith.constant 0 : i32
    %dma_wait3A_193 = tpu.memref_slice %arg6[%dma_wait3A_178, %dma_wait3A_191, %dma_wait3A_192] : memref<2x800x64xf32, #tpu.memory_space<vmem>> -> memref<1x50x64xf32, #tpu.memory_space<vmem>>
    %dma_wait3A_194 = tpu.memref_squeeze %dma_wait3A_193 : memref<1x50x64xf32, #tpu.memory_space<vmem>> -> memref<50x64xf32, #tpu.memory_space<vmem>>
    tpu.wait_dma2 semaphore(%arg8 : memref<!tpu.dma_semaphore, #tpu.memory_space<semaphore_mem>>) src(%dma_wait3A_194 : memref<50x64xf32, #tpu.memory_space<vmem>>) dst(%dma_wait3A_190 : memref<50x64xf32, #tpu.memory_space<hbm>>)
    %dma_wait3A_195 = arith.constant 0 : i32
    %dma_wait3A_196 = arith.constant 450 : i32
    %dma_wait3A_197 = arith.constant 0 : i32
    %dma_wait3A_198 = tpu.memref_slice %arg6[%dma_wait3A_195, %dma_wait3A_196, %dma_wait3A_197] : memref<2x800x64xf32, #tpu.memory_space<vmem>> -> memref<1x50x64xf32, #tpu.memory_space<vmem>>
    %dma_wait3A_199 = tpu.memref_squeeze %dma_wait3A_198 : memref<1x50x64xf32, #tpu.memory_space<vmem>> -> memref<50x64xf32, #tpu.memory_space<vmem>>
    %dma_wait3A_200 = arith.constant 0 : i32
    %dma_wait3A_201 = arith.constant 0 : i32
    %dma_wait3A_202 = tpu.memref_slice %arg4[%add3A_30, %dma_wait3A_200, %dma_wait3A_201] : memref<16384x56x128xf32, #tpu.memory_space<hbm>> -> memref<1x50x64xf32, #tpu.memory_space<hbm>>
    %dma_wait3A_203 = tpu.memref_squeeze %dma_wait3A_202 : memref<1x50x64xf32, #tpu.memory_space<hbm>> -> memref<50x64xf32, #tpu.memory_space<hbm>>
    %dma_wait3A_204 = arith.constant 0 : i32
    %dma_wait3A_205 = arith.constant 0 : i32
    %dma_wait3A_206 = tpu.memref_slice %arg4[%add3A_30, %dma_wait3A_204, %dma_wait3A_205] : memref<16384x56x128xf32, #tpu.memory_space<hbm>> -> memref<1x50x64xf32, #tpu.memory_space<hbm>>
    %dma_wait3A_207 = tpu.memref_squeeze %dma_wait3A_206 : memref<1x50x64xf32, #tpu.memory_space<hbm>> -> memref<50x64xf32, #tpu.memory_space<hbm>>
    %dma_wait3A_208 = arith.constant 450 : i32
    %dma_wait3A_209 = arith.constant 0 : i32
    %dma_wait3A_210 = tpu.memref_slice %arg6[%dma_wait3A_195, %dma_wait3A_208, %dma_wait3A_209] : memref<2x800x64xf32, #tpu.memory_space<vmem>> -> memref<1x50x64xf32, #tpu.memory_space<vmem>>
    %dma_wait3A_211 = tpu.memref_squeeze %dma_wait3A_210 : memref<1x50x64xf32, #tpu.memory_space<vmem>> -> memref<50x64xf32, #tpu.memory_space<vmem>>
    tpu.wait_dma2 semaphore(%arg8 : memref<!tpu.dma_semaphore, #tpu.memory_space<semaphore_mem>>) src(%dma_wait3A_211 : memref<50x64xf32, #tpu.memory_space<vmem>>) dst(%dma_wait3A_207 : memref<50x64xf32, #tpu.memory_space<hbm>>)
    %dma_wait3A_212 = arith.constant 0 : i32
    %dma_wait3A_213 = arith.constant 500 : i32
    %dma_wait3A_214 = arith.constant 0 : i32
    %dma_wait3A_215 = tpu.memref_slice %arg6[%dma_wait3A_212, %dma_wait3A_213, %dma_wait3A_214] : memref<2x800x64xf32, #tpu.memory_space<vmem>> -> memref<1x50x64xf32, #tpu.memory_space<vmem>>
    %dma_wait3A_216 = tpu.memref_squeeze %dma_wait3A_215 : memref<1x50x64xf32, #tpu.memory_space<vmem>> -> memref<50x64xf32, #tpu.memory_space<vmem>>
    %dma_wait3A_217 = arith.constant 0 : i32
    %dma_wait3A_218 = arith.constant 0 : i32
    %dma_wait3A_219 = tpu.memref_slice %arg4[%add3A_32, %dma_wait3A_217, %dma_wait3A_218] : memref<16384x56x128xf32, #tpu.memory_space<hbm>> -> memref<1x50x64xf32, #tpu.memory_space<hbm>>
    %dma_wait3A_220 = tpu.memref_squeeze %dma_wait3A_219 : memref<1x50x64xf32, #tpu.memory_space<hbm>> -> memref<50x64xf32, #tpu.memory_space<hbm>>
    %dma_wait3A_221 = arith.constant 0 : i32
    %dma_wait3A_222 = arith.constant 0 : i32
    %dma_wait3A_223 = tpu.memref_slice %arg4[%add3A_32, %dma_wait3A_221, %dma_wait3A_222] : memref<16384x56x128xf32, #tpu.memory_space<hbm>> -> memref<1x50x64xf32, #tpu.memory_space<hbm>>
    %dma_wait3A_224 = tpu.memref_squeeze %dma_wait3A_223 : memref<1x50x64xf32, #tpu.memory_space<hbm>> -> memref<50x64xf32, #tpu.memory_space<hbm>>
    %dma_wait3A_225 = arith.constant 500 : i32
    %dma_wait3A_226 = arith.constant 0 : i32
    %dma_wait3A_227 = tpu.memref_slice %arg6[%dma_wait3A_212, %dma_wait3A_225, %dma_wait3A_226] : memref<2x800x64xf32, #tpu.memory_space<vmem>> -> memref<1x50x64xf32, #tpu.memory_space<vmem>>
    %dma_wait3A_228 = tpu.memref_squeeze %dma_wait3A_227 : memref<1x50x64xf32, #tpu.memory_space<vmem>> -> memref<50x64xf32, #tpu.memory_space<vmem>>
    tpu.wait_dma2 semaphore(%arg8 : memref<!tpu.dma_semaphore, #tpu.memory_space<semaphore_mem>>) src(%dma_wait3A_228 : memref<50x64xf32, #tpu.memory_space<vmem>>) dst(%dma_wait3A_224 : memref<50x64xf32, #tpu.memory_space<hbm>>)
    %dma_wait3A_229 = arith.constant 0 : i32
    %dma_wait3A_230 = arith.constant 550 : i32
    %dma_wait3A_231 = arith.constant 0 : i32
    %dma_wait3A_232 = tpu.memref_slice %arg6[%dma_wait3A_229, %dma_wait3A_230, %dma_wait3A_231] : memref<2x800x64xf32, #tpu.memory_space<vmem>> -> memref<1x50x64xf32, #tpu.memory_space<vmem>>
    %dma_wait3A_233 = tpu.memref_squeeze %dma_wait3A_232 : memref<1x50x64xf32, #tpu.memory_space<vmem>> -> memref<50x64xf32, #tpu.memory_space<vmem>>
    %dma_wait3A_234 = arith.constant 0 : i32
    %dma_wait3A_235 = arith.constant 0 : i32
    %dma_wait3A_236 = tpu.memref_slice %arg4[%add3A_34, %dma_wait3A_234, %dma_wait3A_235] : memref<16384x56x128xf32, #tpu.memory_space<hbm>> -> memref<1x50x64xf32, #tpu.memory_space<hbm>>
    %dma_wait3A_237 = tpu.memref_squeeze %dma_wait3A_236 : memref<1x50x64xf32, #tpu.memory_space<hbm>> -> memref<50x64xf32, #tpu.memory_space<hbm>>
    %dma_wait3A_238 = arith.constant 0 : i32
    %dma_wait3A_239 = arith.constant 0 : i32
    %dma_wait3A_240 = tpu.memref_slice %arg4[%add3A_34, %dma_wait3A_238, %dma_wait3A_239] : memref<16384x56x128xf32, #tpu.memory_space<hbm>> -> memref<1x50x64xf32, #tpu.memory_space<hbm>>
    %dma_wait3A_241 = tpu.memref_squeeze %dma_wait3A_240 : memref<1x50x64xf32, #tpu.memory_space<hbm>> -> memref<50x64xf32, #tpu.memory_space<hbm>>
    %dma_wait3A_242 = arith.constant 550 : i32
    %dma_wait3A_243 = arith.constant 0 : i32
    %dma_wait3A_244 = tpu.memref_slice %arg6[%dma_wait3A_229, %dma_wait3A_242, %dma_wait3A_243] : memref<2x800x64xf32, #tpu.memory_space<vmem>> -> memref<1x50x64xf32, #tpu.memory_space<vmem>>
    %dma_wait3A_245 = tpu.memref_squeeze %dma_wait3A_244 : memref<1x50x64xf32, #tpu.memory_space<vmem>> -> memref<50x64xf32, #tpu.memory_space<vmem>>
    tpu.wait_dma2 semaphore(%arg8 : memref<!tpu.dma_semaphore, #tpu.memory_space<semaphore_mem>>) src(%dma_wait3A_245 : memref<50x64xf32, #tpu.memory_space<vmem>>) dst(%dma_wait3A_241 : memref<50x64xf32, #tpu.memory_space<hbm>>)
    %dma_wait3A_246 = arith.constant 0 : i32
    %dma_wait3A_247 = arith.constant 600 : i32
    %dma_wait3A_248 = arith.constant 0 : i32
    %dma_wait3A_249 = tpu.memref_slice %arg6[%dma_wait3A_246, %dma_wait3A_247, %dma_wait3A_248] : memref<2x800x64xf32, #tpu.memory_space<vmem>> -> memref<1x50x64xf32, #tpu.memory_space<vmem>>
    %dma_wait3A_250 = tpu.memref_squeeze %dma_wait3A_249 : memref<1x50x64xf32, #tpu.memory_space<vmem>> -> memref<50x64xf32, #tpu.memory_space<vmem>>
    %dma_wait3A_251 = arith.constant 0 : i32
    %dma_wait3A_252 = arith.constant 0 : i32
    %dma_wait3A_253 = tpu.memref_slice %arg4[%add3A_36, %dma_wait3A_251, %dma_wait3A_252] : memref<16384x56x128xf32, #tpu.memory_space<hbm>> -> memref<1x50x64xf32, #tpu.memory_space<hbm>>
    %dma_wait3A_254 = tpu.memref_squeeze %dma_wait3A_253 : memref<1x50x64xf32, #tpu.memory_space<hbm>> -> memref<50x64xf32, #tpu.memory_space<hbm>>
    %dma_wait3A_255 = arith.constant 0 : i32
    %dma_wait3A_256 = arith.constant 0 : i32
    %dma_wait3A_257 = tpu.memref_slice %arg4[%add3A_36, %dma_wait3A_255, %dma_wait3A_256] : memref<16384x56x128xf32, #tpu.memory_space<hbm>> -> memref<1x50x64xf32, #tpu.memory_space<hbm>>
    %dma_wait3A_258 = tpu.memref_squeeze %dma_wait3A_257 : memref<1x50x64xf32, #tpu.memory_space<hbm>> -> memref<50x64xf32, #tpu.memory_space<hbm>>
    %dma_wait3A_259 = arith.constant 600 : i32
    %dma_wait3A_260 = arith.constant 0 : i32
    %dma_wait3A_261 = tpu.memref_slice %arg6[%dma_wait3A_246, %dma_wait3A_259, %dma_wait3A_260] : memref<2x800x64xf32, #tpu.memory_space<vmem>> -> memref<1x50x64xf32, #tpu.memory_space<vmem>>
    %dma_wait3A_262 = tpu.memref_squeeze %dma_wait3A_261 : memref<1x50x64xf32, #tpu.memory_space<vmem>> -> memref<50x64xf32, #tpu.memory_space<vmem>>
    tpu.wait_dma2 semaphore(%arg8 : memref<!tpu.dma_semaphore, #tpu.memory_space<semaphore_mem>>) src(%dma_wait3A_262 : memref<50x64xf32, #tpu.memory_space<vmem>>) dst(%dma_wait3A_258 : memref<50x64xf32, #tpu.memory_space<hbm>>)
    %dma_wait3A_263 = arith.constant 0 : i32
    %dma_wait3A_264 = arith.constant 650 : i32
    %dma_wait3A_265 = arith.constant 0 : i32
    %dma_wait3A_266 = tpu.memref_slice %arg6[%dma_wait3A_263, %dma_wait3A_264, %dma_wait3A_265] : memref<2x800x64xf32, #tpu.memory_space<vmem>> -> memref<1x50x64xf32, #tpu.memory_space<vmem>>
    %dma_wait3A_267 = tpu.memref_squeeze %dma_wait3A_266 : memref<1x50x64xf32, #tpu.memory_space<vmem>> -> memref<50x64xf32, #tpu.memory_space<vmem>>
    %dma_wait3A_268 = arith.constant 0 : i32
    %dma_wait3A_269 = arith.constant 0 : i32
    %dma_wait3A_270 = tpu.memref_slice %arg4[%add3A_38, %dma_wait3A_268, %dma_wait3A_269] : memref<16384x56x128xf32, #tpu.memory_space<hbm>> -> memref<1x50x64xf32, #tpu.memory_space<hbm>>
    %dma_wait3A_271 = tpu.memref_squeeze %dma_wait3A_270 : memref<1x50x64xf32, #tpu.memory_space<hbm>> -> memref<50x64xf32, #tpu.memory_space<hbm>>
    %dma_wait3A_272 = arith.constant 0 : i32
    %dma_wait3A_273 = arith.constant 0 : i32
    %dma_wait3A_274 = tpu.memref_slice %arg4[%add3A_38, %dma_wait3A_272, %dma_wait3A_273] : memref<16384x56x128xf32, #tpu.memory_space<hbm>> -> memref<1x50x64xf32, #tpu.memory_space<hbm>>
    %dma_wait3A_275 = tpu.memref_squeeze %dma_wait3A_274 : memref<1x50x64xf32, #tpu.memory_space<hbm>> -> memref<50x64xf32, #tpu.memory_space<hbm>>
    %dma_wait3A_276 = arith.constant 650 : i32
    %dma_wait3A_277 = arith.constant 0 : i32
    %dma_wait3A_278 = tpu.memref_slice %arg6[%dma_wait3A_263, %dma_wait3A_276, %dma_wait3A_277] : memref<2x800x64xf32, #tpu.memory_space<vmem>> -> memref<1x50x64xf32, #tpu.memory_space<vmem>>
    %dma_wait3A_279 = tpu.memref_squeeze %dma_wait3A_278 : memref<1x50x64xf32, #tpu.memory_space<vmem>> -> memref<50x64xf32, #tpu.memory_space<vmem>>
    tpu.wait_dma2 semaphore(%arg8 : memref<!tpu.dma_semaphore, #tpu.memory_space<semaphore_mem>>) src(%dma_wait3A_279 : memref<50x64xf32, #tpu.memory_space<vmem>>) dst(%dma_wait3A_275 : memref<50x64xf32, #tpu.memory_space<hbm>>)
    %dma_wait3A_280 = arith.constant 0 : i32
    %dma_wait3A_281 = arith.constant 700 : i32
    %dma_wait3A_282 = arith.constant 0 : i32
    %dma_wait3A_283 = tpu.memref_slice %arg6[%dma_wait3A_280, %dma_wait3A_281, %dma_wait3A_282] : memref<2x800x64xf32, #tpu.memory_space<vmem>> -> memref<1x50x64xf32, #tpu.memory_space<vmem>>
    %dma_wait3A_284 = tpu.memref_squeeze %dma_wait3A_283 : memref<1x50x64xf32, #tpu.memory_space<vmem>> -> memref<50x64xf32, #tpu.memory_space<vmem>>
    %dma_wait3A_285 = arith.constant 0 : i32
    %dma_wait3A_286 = arith.constant 0 : i32
    %dma_wait3A_287 = tpu.memref_slice %arg4[%add3A_40, %dma_wait3A_285, %dma_wait3A_286] : memref<16384x56x128xf32, #tpu.memory_space<hbm>> -> memref<1x50x64xf32, #tpu.memory_space<hbm>>
    %dma_wait3A_288 = tpu.memref_squeeze %dma_wait3A_287 : memref<1x50x64xf32, #tpu.memory_space<hbm>> -> memref<50x64xf32, #tpu.memory_space<hbm>>
    %dma_wait3A_289 = arith.constant 0 : i32
    %dma_wait3A_290 = arith.constant 0 : i32
    %dma_wait3A_291 = tpu.memref_slice %arg4[%add3A_40, %dma_wait3A_289, %dma_wait3A_290] : memref<16384x56x128xf32, #tpu.memory_space<hbm>> -> memref<1x50x64xf32, #tpu.memory_space<hbm>>
    %dma_wait3A_292 = tpu.memref_squeeze %dma_wait3A_291 : memref<1x50x64xf32, #tpu.memory_space<hbm>> -> memref<50x64xf32, #tpu.memory_space<hbm>>
    %dma_wait3A_293 = arith.constant 700 : i32
    %dma_wait3A_294 = arith.constant 0 : i32
    %dma_wait3A_295 = tpu.memref_slice %arg6[%dma_wait3A_280, %dma_wait3A_293, %dma_wait3A_294] : memref<2x800x64xf32, #tpu.memory_space<vmem>> -> memref<1x50x64xf32, #tpu.memory_space<vmem>>
    %dma_wait3A_296 = tpu.memref_squeeze %dma_wait3A_295 : memref<1x50x64xf32, #tpu.memory_space<vmem>> -> memref<50x64xf32, #tpu.memory_space<vmem>>
    tpu.wait_dma2 semaphore(%arg8 : memref<!tpu.dma_semaphore, #tpu.memory_space<semaphore_mem>>) src(%dma_wait3A_296 : memref<50x64xf32, #tpu.memory_space<vmem>>) dst(%dma_wait3A_292 : memref<50x64xf32, #tpu.memory_space<hbm>>)
    %dma_wait3A_297 = arith.constant 0 : i32
    %dma_wait3A_298 = arith.constant 750 : i32
    %dma_wait3A_299 = arith.constant 0 : i32
    %dma_wait3A_300 = tpu.memref_slice %arg6[%dma_wait3A_297, %dma_wait3A_298, %dma_wait3A_299] : memref<2x800x64xf32, #tpu.memory_space<vmem>> -> memref<1x50x64xf32, #tpu.memory_space<vmem>>
    %dma_wait3A_301 = tpu.memref_squeeze %dma_wait3A_300 : memref<1x50x64xf32, #tpu.memory_space<vmem>> -> memref<50x64xf32, #tpu.memory_space<vmem>>
    %dma_wait3A_302 = arith.constant 0 : i32
    %dma_wait3A_303 = arith.constant 0 : i32
    %dma_wait3A_304 = tpu.memref_slice %arg4[%add3A_42, %dma_wait3A_302, %dma_wait3A_303] : memref<16384x56x128xf32, #tpu.memory_space<hbm>> -> memref<1x50x64xf32, #tpu.memory_space<hbm>>
    %dma_wait3A_305 = tpu.memref_squeeze %dma_wait3A_304 : memref<1x50x64xf32, #tpu.memory_space<hbm>> -> memref<50x64xf32, #tpu.memory_space<hbm>>
    %dma_wait3A_306 = arith.constant 0 : i32
    %dma_wait3A_307 = arith.constant 0 : i32
    %dma_wait3A_308 = tpu.memref_slice %arg4[%add3A_42, %dma_wait3A_306, %dma_wait3A_307] : memref<16384x56x128xf32, #tpu.memory_space<hbm>> -> memref<1x50x64xf32, #tpu.memory_space<hbm>>
    %dma_wait3A_309 = tpu.memref_squeeze %dma_wait3A_308 : memref<1x50x64xf32, #tpu.memory_space<hbm>> -> memref<50x64xf32, #tpu.memory_space<hbm>>
    %dma_wait3A_310 = arith.constant 750 : i32
    %dma_wait3A_311 = arith.constant 0 : i32
    %dma_wait3A_312 = tpu.memref_slice %arg6[%dma_wait3A_297, %dma_wait3A_310, %dma_wait3A_311] : memref<2x800x64xf32, #tpu.memory_space<vmem>> -> memref<1x50x64xf32, #tpu.memory_space<vmem>>
    %dma_wait3A_313 = tpu.memref_squeeze %dma_wait3A_312 : memref<1x50x64xf32, #tpu.memory_space<vmem>> -> memref<50x64xf32, #tpu.memory_space<vmem>>
    tpu.wait_dma2 semaphore(%arg8 : memref<!tpu.dma_semaphore, #tpu.memory_space<semaphore_mem>>) src(%dma_wait3A_313 : memref<50x64xf32, #tpu.memory_space<vmem>>) dst(%dma_wait3A_309 : memref<50x64xf32, #tpu.memory_space<hbm>>)
    %add3A_314 = arith.constant 496 : i32
    %add3A_315 = arith.addi %mul3A_2, %add3A_314 : i32
    %add3A_316 = arith.constant 0 : i32
    %add3A_317 = arith.addi %add3A_315, %add3A_316 : i32
    %add3A_318 = arith.constant 1 : i32
    %add3A_319 = arith.addi %add3A_315, %add3A_318 : i32
    %add3A_320 = arith.constant 2 : i32
    %add3A_321 = arith.addi %add3A_315, %add3A_320 : i32
    %add3A_322 = arith.constant 3 : i32
    %add3A_323 = arith.addi %add3A_315, %add3A_322 : i32
    %add3A_324 = arith.constant 4 : i32
    %add3A_325 = arith.addi %add3A_315, %add3A_324 : i32
    %add3A_326 = arith.constant 5 : i32
    %add3A_327 = arith.addi %add3A_315, %add3A_326 : i32
    %add3A_328 = arith.constant 6 : i32
    %add3A_329 = arith.addi %add3A_315, %add3A_328 : i32
    %add3A_330 = arith.constant 7 : i32
    %add3A_331 = arith.addi %add3A_315, %add3A_330 : i32
    %add3A_332 = arith.constant 8 : i32
    %add3A_333 = arith.addi %add3A_315, %add3A_332 : i32
    %add3A_334 = arith.constant 9 : i32
    %add3A_335 = arith.addi %add3A_315, %add3A_334 : i32
    %add3A_336 = arith.constant 10 : i32
    %add3A_337 = arith.addi %add3A_315, %add3A_336 : i32
    %add3A_338 = arith.constant 11 : i32
    %add3A_339 = arith.addi %add3A_315, %add3A_338 : i32
    %add3A_340 = arith.constant 12 : i32
    %add3A_341 = arith.addi %add3A_315, %add3A_340 : i32
    %add3A_342 = arith.constant 13 : i32
    %add3A_343 = arith.addi %add3A_315, %add3A_342 : i32
    %add3A_344 = arith.constant 14 : i32
    %add3A_345 = arith.addi %add3A_315, %add3A_344 : i32
    %add3A_346 = arith.constant 15 : i32
    %add3A_347 = arith.addi %add3A_315, %add3A_346 : i32
    %dma_wait3A_348 = arith.constant 1 : i32
    %dma_wait3A_349 = arith.constant 0 : i32
    %dma_wait3A_350 = arith.constant 0 : i32
    %dma_wait3A_351 = tpu.memref_slice %arg6[%dma_wait3A_348, %dma_wait3A_349, %dma_wait3A_350] : memref<2x800x64xf32, #tpu.memory_space<vmem>> -> memref<1x50x64xf32, #tpu.memory_space<vmem>>
    %dma_wait3A_352 = tpu.memref_squeeze %dma_wait3A_351 : memref<1x50x64xf32, #tpu.memory_space<vmem>> -> memref<50x64xf32, #tpu.memory_space<vmem>>
    %dma_wait3A_353 = arith.constant 0 : i32
    %dma_wait3A_354 = arith.constant 0 : i32
    %dma_wait3A_355 = tpu.memref_slice %arg4[%add3A_317, %dma_wait3A_353, %dma_wait3A_354] : memref<16384x56x128xf32, #tpu.memory_space<hbm>> -> memref<1x50x64xf32, #tpu.memory_space<hbm>>
    %dma_wait3A_356 = tpu.memref_squeeze %dma_wait3A_355 : memref<1x50x64xf32, #tpu.memory_space<hbm>> -> memref<50x64xf32, #tpu.memory_space<hbm>>
    %dma_wait3A_357 = arith.constant 0 : i32
    %dma_wait3A_358 = arith.constant 0 : i32
    %dma_wait3A_359 = tpu.memref_slice %arg4[%add3A_317, %dma_wait3A_357, %dma_wait3A_358] : memref<16384x56x128xf32, #tpu.memory_space<hbm>> -> memref<1x50x64xf32, #tpu.memory_space<hbm>>
    %dma_wait3A_360 = tpu.memref_squeeze %dma_wait3A_359 : memref<1x50x64xf32, #tpu.memory_space<hbm>> -> memref<50x64xf32, #tpu.memory_space<hbm>>
    %dma_wait3A_361 = arith.constant 0 : i32
    %dma_wait3A_362 = arith.constant 0 : i32
    %dma_wait3A_363 = tpu.memref_slice %arg6[%dma_wait3A_348, %dma_wait3A_361, %dma_wait3A_362] : memref<2x800x64xf32, #tpu.memory_space<vmem>> -> memref<1x50x64xf32, #tpu.memory_space<vmem>>
    %dma_wait3A_364 = tpu.memref_squeeze %dma_wait3A_363 : memref<1x50x64xf32, #tpu.memory_space<vmem>> -> memref<50x64xf32, #tpu.memory_space<vmem>>
    tpu.wait_dma2 semaphore(%arg9 : memref<!tpu.dma_semaphore, #tpu.memory_space<semaphore_mem>>) src(%dma_wait3A_364 : memref<50x64xf32, #tpu.memory_space<vmem>>) dst(%dma_wait3A_360 : memref<50x64xf32, #tpu.memory_space<hbm>>)
    %dma_wait3A_365 = arith.constant 1 : i32
    %dma_wait3A_366 = arith.constant 50 : i32
    %dma_wait3A_367 = arith.constant 0 : i32
    %dma_wait3A_368 = tpu.memref_slice %arg6[%dma_wait3A_365, %dma_wait3A_366, %dma_wait3A_367] : memref<2x800x64xf32, #tpu.memory_space<vmem>> -> memref<1x50x64xf32, #tpu.memory_space<vmem>>
    %dma_wait3A_369 = tpu.memref_squeeze %dma_wait3A_368 : memref<1x50x64xf32, #tpu.memory_space<vmem>> -> memref<50x64xf32, #tpu.memory_space<vmem>>
    %dma_wait3A_370 = arith.constant 0 : i32
    %dma_wait3A_371 = arith.constant 0 : i32
    %dma_wait3A_372 = tpu.memref_slice %arg4[%add3A_319, %dma_wait3A_370, %dma_wait3A_371] : memref<16384x56x128xf32, #tpu.memory_space<hbm>> -> memref<1x50x64xf32, #tpu.memory_space<hbm>>
    %dma_wait3A_373 = tpu.memref_squeeze %dma_wait3A_372 : memref<1x50x64xf32, #tpu.memory_space<hbm>> -> memref<50x64xf32, #tpu.memory_space<hbm>>
    %dma_wait3A_374 = arith.constant 0 : i32
    %dma_wait3A_375 = arith.constant 0 : i32
    %dma_wait3A_376 = tpu.memref_slice %arg4[%add3A_319, %dma_wait3A_374, %dma_wait3A_375] : memref<16384x56x128xf32, #tpu.memory_space<hbm>> -> memref<1x50x64xf32, #tpu.memory_space<hbm>>
    %dma_wait3A_377 = tpu.memref_squeeze %dma_wait3A_376 : memref<1x50x64xf32, #tpu.memory_space<hbm>> -> memref<50x64xf32, #tpu.memory_space<hbm>>
    %dma_wait3A_378 = arith.constant 50 : i32
    %dma_wait3A_379 = arith.constant 0 : i32
    %dma_wait3A_380 = tpu.memref_slice %arg6[%dma_wait3A_365, %dma_wait3A_378, %dma_wait3A_379] : memref<2x800x64xf32, #tpu.memory_space<vmem>> -> memref<1x50x64xf32, #tpu.memory_space<vmem>>
    %dma_wait3A_381 = tpu.memref_squeeze %dma_wait3A_380 : memref<1x50x64xf32, #tpu.memory_space<vmem>> -> memref<50x64xf32, #tpu.memory_space<vmem>>
    tpu.wait_dma2 semaphore(%arg9 : memref<!tpu.dma_semaphore, #tpu.memory_space<semaphore_mem>>) src(%dma_wait3A_381 : memref<50x64xf32, #tpu.memory_space<vmem>>) dst(%dma_wait3A_377 : memref<50x64xf32, #tpu.memory_space<hbm>>)
    %dma_wait3A_382 = arith.constant 1 : i32
    %dma_wait3A_383 = arith.constant 100 : i32
    %dma_wait3A_384 = arith.constant 0 : i32
    %dma_wait3A_385 = tpu.memref_slice %arg6[%dma_wait3A_382, %dma_wait3A_383, %dma_wait3A_384] : memref<2x800x64xf32, #tpu.memory_space<vmem>> -> memref<1x50x64xf32, #tpu.memory_space<vmem>>
    %dma_wait3A_386 = tpu.memref_squeeze %dma_wait3A_385 : memref<1x50x64xf32, #tpu.memory_space<vmem>> -> memref<50x64xf32, #tpu.memory_space<vmem>>
    %dma_wait3A_387 = arith.constant 0 : i32
    %dma_wait3A_388 = arith.constant 0 : i32
    %dma_wait3A_389 = tpu.memref_slice %arg4[%add3A_321, %dma_wait3A_387, %dma_wait3A_388] : memref<16384x56x128xf32, #tpu.memory_space<hbm>> -> memref<1x50x64xf32, #tpu.memory_space<hbm>>
    %dma_wait3A_390 = tpu.memref_squeeze %dma_wait3A_389 : memref<1x50x64xf32, #tpu.memory_space<hbm>> -> memref<50x64xf32, #tpu.memory_space<hbm>>
    %dma_wait3A_391 = arith.constant 0 : i32
    %dma_wait3A_392 = arith.constant 0 : i32
    %dma_wait3A_393 = tpu.memref_slice %arg4[%add3A_321, %dma_wait3A_391, %dma_wait3A_392] : memref<16384x56x128xf32, #tpu.memory_space<hbm>> -> memref<1x50x64xf32, #tpu.memory_space<hbm>>
    %dma_wait3A_394 = tpu.memref_squeeze %dma_wait3A_393 : memref<1x50x64xf32, #tpu.memory_space<hbm>> -> memref<50x64xf32, #tpu.memory_space<hbm>>
    %dma_wait3A_395 = arith.constant 100 : i32
    %dma_wait3A_396 = arith.constant 0 : i32
    %dma_wait3A_397 = tpu.memref_slice %arg6[%dma_wait3A_382, %dma_wait3A_395, %dma_wait3A_396] : memref<2x800x64xf32, #tpu.memory_space<vmem>> -> memref<1x50x64xf32, #tpu.memory_space<vmem>>
    %dma_wait3A_398 = tpu.memref_squeeze %dma_wait3A_397 : memref<1x50x64xf32, #tpu.memory_space<vmem>> -> memref<50x64xf32, #tpu.memory_space<vmem>>
    tpu.wait_dma2 semaphore(%arg9 : memref<!tpu.dma_semaphore, #tpu.memory_space<semaphore_mem>>) src(%dma_wait3A_398 : memref<50x64xf32, #tpu.memory_space<vmem>>) dst(%dma_wait3A_394 : memref<50x64xf32, #tpu.memory_space<hbm>>)
    %dma_wait3A_399 = arith.constant 1 : i32
    %dma_wait3A_400 = arith.constant 150 : i32
    %dma_wait3A_401 = arith.constant 0 : i32
    %dma_wait3A_402 = tpu.memref_slice %arg6[%dma_wait3A_399, %dma_wait3A_400, %dma_wait3A_401] : memref<2x800x64xf32, #tpu.memory_space<vmem>> -> memref<1x50x64xf32, #tpu.memory_space<vmem>>
    %dma_wait3A_403 = tpu.memref_squeeze %dma_wait3A_402 : memref<1x50x64xf32, #tpu.memory_space<vmem>> -> memref<50x64xf32, #tpu.memory_space<vmem>>
    %dma_wait3A_404 = arith.constant 0 : i32
    %dma_wait3A_405 = arith.constant 0 : i32
    %dma_wait3A_406 = tpu.memref_slice %arg4[%add3A_323, %dma_wait3A_404, %dma_wait3A_405] : memref<16384x56x128xf32, #tpu.memory_space<hbm>> -> memref<1x50x64xf32, #tpu.memory_space<hbm>>
    %dma_wait3A_407 = tpu.memref_squeeze %dma_wait3A_406 : memref<1x50x64xf32, #tpu.memory_space<hbm>> -> memref<50x64xf32, #tpu.memory_space<hbm>>
    %dma_wait3A_408 = arith.constant 0 : i32
    %dma_wait3A_409 = arith.constant 0 : i32
    %dma_wait3A_410 = tpu.memref_slice %arg4[%add3A_323, %dma_wait3A_408, %dma_wait3A_409] : memref<16384x56x128xf32, #tpu.memory_space<hbm>> -> memref<1x50x64xf32, #tpu.memory_space<hbm>>
    %dma_wait3A_411 = tpu.memref_squeeze %dma_wait3A_410 : memref<1x50x64xf32, #tpu.memory_space<hbm>> -> memref<50x64xf32, #tpu.memory_space<hbm>>
    %dma_wait3A_412 = arith.constant 150 : i32
    %dma_wait3A_413 = arith.constant 0 : i32
    %dma_wait3A_414 = tpu.memref_slice %arg6[%dma_wait3A_399, %dma_wait3A_412, %dma_wait3A_413] : memref<2x800x64xf32, #tpu.memory_space<vmem>> -> memref<1x50x64xf32, #tpu.memory_space<vmem>>
    %dma_wait3A_415 = tpu.memref_squeeze %dma_wait3A_414 : memref<1x50x64xf32, #tpu.memory_space<vmem>> -> memref<50x64xf32, #tpu.memory_space<vmem>>
    tpu.wait_dma2 semaphore(%arg9 : memref<!tpu.dma_semaphore, #tpu.memory_space<semaphore_mem>>) src(%dma_wait3A_415 : memref<50x64xf32, #tpu.memory_space<vmem>>) dst(%dma_wait3A_411 : memref<50x64xf32, #tpu.memory_space<hbm>>)
    %dma_wait3A_416 = arith.constant 1 : i32
    %dma_wait3A_417 = arith.constant 200 : i32
    %dma_wait3A_418 = arith.constant 0 : i32
    %dma_wait3A_419 = tpu.memref_slice %arg6[%dma_wait3A_416, %dma_wait3A_417, %dma_wait3A_418] : memref<2x800x64xf32, #tpu.memory_space<vmem>> -> memref<1x50x64xf32, #tpu.memory_space<vmem>>
    %dma_wait3A_420 = tpu.memref_squeeze %dma_wait3A_419 : memref<1x50x64xf32, #tpu.memory_space<vmem>> -> memref<50x64xf32, #tpu.memory_space<vmem>>
    %dma_wait3A_421 = arith.constant 0 : i32
    %dma_wait3A_422 = arith.constant 0 : i32
    %dma_wait3A_423 = tpu.memref_slice %arg4[%add3A_325, %dma_wait3A_421, %dma_wait3A_422] : memref<16384x56x128xf32, #tpu.memory_space<hbm>> -> memref<1x50x64xf32, #tpu.memory_space<hbm>>
    %dma_wait3A_424 = tpu.memref_squeeze %dma_wait3A_423 : memref<1x50x64xf32, #tpu.memory_space<hbm>> -> memref<50x64xf32, #tpu.memory_space<hbm>>
    %dma_wait3A_425 = arith.constant 0 : i32
    %dma_wait3A_426 = arith.constant 0 : i32
    %dma_wait3A_427 = tpu.memref_slice %arg4[%add3A_325, %dma_wait3A_425, %dma_wait3A_426] : memref<16384x56x128xf32, #tpu.memory_space<hbm>> -> memref<1x50x64xf32, #tpu.memory_space<hbm>>
    %dma_wait3A_428 = tpu.memref_squeeze %dma_wait3A_427 : memref<1x50x64xf32, #tpu.memory_space<hbm>> -> memref<50x64xf32, #tpu.memory_space<hbm>>
    %dma_wait3A_429 = arith.constant 200 : i32
    %dma_wait3A_430 = arith.constant 0 : i32
    %dma_wait3A_431 = tpu.memref_slice %arg6[%dma_wait3A_416, %dma_wait3A_429, %dma_wait3A_430] : memref<2x800x64xf32, #tpu.memory_space<vmem>> -> memref<1x50x64xf32, #tpu.memory_space<vmem>>
    %dma_wait3A_432 = tpu.memref_squeeze %dma_wait3A_431 : memref<1x50x64xf32, #tpu.memory_space<vmem>> -> memref<50x64xf32, #tpu.memory_space<vmem>>
    tpu.wait_dma2 semaphore(%arg9 : memref<!tpu.dma_semaphore, #tpu.memory_space<semaphore_mem>>) src(%dma_wait3A_432 : memref<50x64xf32, #tpu.memory_space<vmem>>) dst(%dma_wait3A_428 : memref<50x64xf32, #tpu.memory_space<hbm>>)
    %dma_wait3A_433 = arith.constant 1 : i32
    %dma_wait3A_434 = arith.constant 250 : i32
    %dma_wait3A_435 = arith.constant 0 : i32
    %dma_wait3A_436 = tpu.memref_slice %arg6[%dma_wait3A_433, %dma_wait3A_434, %dma_wait3A_435] : memref<2x800x64xf32, #tpu.memory_space<vmem>> -> memref<1x50x64xf32, #tpu.memory_space<vmem>>
    %dma_wait3A_437 = tpu.memref_squeeze %dma_wait3A_436 : memref<1x50x64xf32, #tpu.memory_space<vmem>> -> memref<50x64xf32, #tpu.memory_space<vmem>>
    %dma_wait3A_438 = arith.constant 0 : i32
    %dma_wait3A_439 = arith.constant 0 : i32
    %dma_wait3A_440 = tpu.memref_slice %arg4[%add3A_327, %dma_wait3A_438, %dma_wait3A_439] : memref<16384x56x128xf32, #tpu.memory_space<hbm>> -> memref<1x50x64xf32, #tpu.memory_space<hbm>>
    %dma_wait3A_441 = tpu.memref_squeeze %dma_wait3A_440 : memref<1x50x64xf32, #tpu.memory_space<hbm>> -> memref<50x64xf32, #tpu.memory_space<hbm>>
    %dma_wait3A_442 = arith.constant 0 : i32
    %dma_wait3A_443 = arith.constant 0 : i32
    %dma_wait3A_444 = tpu.memref_slice %arg4[%add3A_327, %dma_wait3A_442, %dma_wait3A_443] : memref<16384x56x128xf32, #tpu.memory_space<hbm>> -> memref<1x50x64xf32, #tpu.memory_space<hbm>>
    %dma_wait3A_445 = tpu.memref_squeeze %dma_wait3A_444 : memref<1x50x64xf32, #tpu.memory_space<hbm>> -> memref<50x64xf32, #tpu.memory_space<hbm>>
    %dma_wait3A_446 = arith.constant 250 : i32
    %dma_wait3A_447 = arith.constant 0 : i32
    %dma_wait3A_448 = tpu.memref_slice %arg6[%dma_wait3A_433, %dma_wait3A_446, %dma_wait3A_447] : memref<2x800x64xf32, #tpu.memory_space<vmem>> -> memref<1x50x64xf32, #tpu.memory_space<vmem>>
    %dma_wait3A_449 = tpu.memref_squeeze %dma_wait3A_448 : memref<1x50x64xf32, #tpu.memory_space<vmem>> -> memref<50x64xf32, #tpu.memory_space<vmem>>
    tpu.wait_dma2 semaphore(%arg9 : memref<!tpu.dma_semaphore, #tpu.memory_space<semaphore_mem>>) src(%dma_wait3A_449 : memref<50x64xf32, #tpu.memory_space<vmem>>) dst(%dma_wait3A_445 : memref<50x64xf32, #tpu.memory_space<hbm>>)
    %dma_wait3A_450 = arith.constant 1 : i32
    %dma_wait3A_451 = arith.constant 300 : i32
    %dma_wait3A_452 = arith.constant 0 : i32
    %dma_wait3A_453 = tpu.memref_slice %arg6[%dma_wait3A_450, %dma_wait3A_451, %dma_wait3A_452] : memref<2x800x64xf32, #tpu.memory_space<vmem>> -> memref<1x50x64xf32, #tpu.memory_space<vmem>>
    %dma_wait3A_454 = tpu.memref_squeeze %dma_wait3A_453 : memref<1x50x64xf32, #tpu.memory_space<vmem>> -> memref<50x64xf32, #tpu.memory_space<vmem>>
    %dma_wait3A_455 = arith.constant 0 : i32
    %dma_wait3A_456 = arith.constant 0 : i32
    %dma_wait3A_457 = tpu.memref_slice %arg4[%add3A_329, %dma_wait3A_455, %dma_wait3A_456] : memref<16384x56x128xf32, #tpu.memory_space<hbm>> -> memref<1x50x64xf32, #tpu.memory_space<hbm>>
    %dma_wait3A_458 = tpu.memref_squeeze %dma_wait3A_457 : memref<1x50x64xf32, #tpu.memory_space<hbm>> -> memref<50x64xf32, #tpu.memory_space<hbm>>
    %dma_wait3A_459 = arith.constant 0 : i32
    %dma_wait3A_460 = arith.constant 0 : i32
    %dma_wait3A_461 = tpu.memref_slice %arg4[%add3A_329, %dma_wait3A_459, %dma_wait3A_460] : memref<16384x56x128xf32, #tpu.memory_space<hbm>> -> memref<1x50x64xf32, #tpu.memory_space<hbm>>
    %dma_wait3A_462 = tpu.memref_squeeze %dma_wait3A_461 : memref<1x50x64xf32, #tpu.memory_space<hbm>> -> memref<50x64xf32, #tpu.memory_space<hbm>>
    %dma_wait3A_463 = arith.constant 300 : i32
    %dma_wait3A_464 = arith.constant 0 : i32
    %dma_wait3A_465 = tpu.memref_slice %arg6[%dma_wait3A_450, %dma_wait3A_463, %dma_wait3A_464] : memref<2x800x64xf32, #tpu.memory_space<vmem>> -> memref<1x50x64xf32, #tpu.memory_space<vmem>>
    %dma_wait3A_466 = tpu.memref_squeeze %dma_wait3A_465 : memref<1x50x64xf32, #tpu.memory_space<vmem>> -> memref<50x64xf32, #tpu.memory_space<vmem>>
    tpu.wait_dma2 semaphore(%arg9 : memref<!tpu.dma_semaphore, #tpu.memory_space<semaphore_mem>>) src(%dma_wait3A_466 : memref<50x64xf32, #tpu.memory_space<vmem>>) dst(%dma_wait3A_462 : memref<50x64xf32, #tpu.memory_space<hbm>>)
    %dma_wait3A_467 = arith.constant 1 : i32
    %dma_wait3A_468 = arith.constant 350 : i32
    %dma_wait3A_469 = arith.constant 0 : i32
    %dma_wait3A_470 = tpu.memref_slice %arg6[%dma_wait3A_467, %dma_wait3A_468, %dma_wait3A_469] : memref<2x800x64xf32, #tpu.memory_space<vmem>> -> memref<1x50x64xf32, #tpu.memory_space<vmem>>
    %dma_wait3A_471 = tpu.memref_squeeze %dma_wait3A_470 : memref<1x50x64xf32, #tpu.memory_space<vmem>> -> memref<50x64xf32, #tpu.memory_space<vmem>>
    %dma_wait3A_472 = arith.constant 0 : i32
    %dma_wait3A_473 = arith.constant 0 : i32
    %dma_wait3A_474 = tpu.memref_slice %arg4[%add3A_331, %dma_wait3A_472, %dma_wait3A_473] : memref<16384x56x128xf32, #tpu.memory_space<hbm>> -> memref<1x50x64xf32, #tpu.memory_space<hbm>>
    %dma_wait3A_475 = tpu.memref_squeeze %dma_wait3A_474 : memref<1x50x64xf32, #tpu.memory_space<hbm>> -> memref<50x64xf32, #tpu.memory_space<hbm>>
    %dma_wait3A_476 = arith.constant 0 : i32
    %dma_wait3A_477 = arith.constant 0 : i32
    %dma_wait3A_478 = tpu.memref_slice %arg4[%add3A_331, %dma_wait3A_476, %dma_wait3A_477] : memref<16384x56x128xf32, #tpu.memory_space<hbm>> -> memref<1x50x64xf32, #tpu.memory_space<hbm>>
    %dma_wait3A_479 = tpu.memref_squeeze %dma_wait3A_478 : memref<1x50x64xf32, #tpu.memory_space<hbm>> -> memref<50x64xf32, #tpu.memory_space<hbm>>
    %dma_wait3A_480 = arith.constant 350 : i32
    %dma_wait3A_481 = arith.constant 0 : i32
    %dma_wait3A_482 = tpu.memref_slice %arg6[%dma_wait3A_467, %dma_wait3A_480, %dma_wait3A_481] : memref<2x800x64xf32, #tpu.memory_space<vmem>> -> memref<1x50x64xf32, #tpu.memory_space<vmem>>
    %dma_wait3A_483 = tpu.memref_squeeze %dma_wait3A_482 : memref<1x50x64xf32, #tpu.memory_space<vmem>> -> memref<50x64xf32, #tpu.memory_space<vmem>>
    tpu.wait_dma2 semaphore(%arg9 : memref<!tpu.dma_semaphore, #tpu.memory_space<semaphore_mem>>) src(%dma_wait3A_483 : memref<50x64xf32, #tpu.memory_space<vmem>>) dst(%dma_wait3A_479 : memref<50x64xf32, #tpu.memory_space<hbm>>)
    %dma_wait3A_484 = arith.constant 1 : i32
    %dma_wait3A_485 = arith.constant 400 : i32
    %dma_wait3A_486 = arith.constant 0 : i32
    %dma_wait3A_487 = tpu.memref_slice %arg6[%dma_wait3A_484, %dma_wait3A_485, %dma_wait3A_486] : memref<2x800x64xf32, #tpu.memory_space<vmem>> -> memref<1x50x64xf32, #tpu.memory_space<vmem>>
    %dma_wait3A_488 = tpu.memref_squeeze %dma_wait3A_487 : memref<1x50x64xf32, #tpu.memory_space<vmem>> -> memref<50x64xf32, #tpu.memory_space<vmem>>
    %dma_wait3A_489 = arith.constant 0 : i32
    %dma_wait3A_490 = arith.constant 0 : i32
    %dma_wait3A_491 = tpu.memref_slice %arg4[%add3A_333, %dma_wait3A_489, %dma_wait3A_490] : memref<16384x56x128xf32, #tpu.memory_space<hbm>> -> memref<1x50x64xf32, #tpu.memory_space<hbm>>
    %dma_wait3A_492 = tpu.memref_squeeze %dma_wait3A_491 : memref<1x50x64xf32, #tpu.memory_space<hbm>> -> memref<50x64xf32, #tpu.memory_space<hbm>>
    %dma_wait3A_493 = arith.constant 0 : i32
    %dma_wait3A_494 = arith.constant 0 : i32
    %dma_wait3A_495 = tpu.memref_slice %arg4[%add3A_333, %dma_wait3A_493, %dma_wait3A_494] : memref<16384x56x128xf32, #tpu.memory_space<hbm>> -> memref<1x50x64xf32, #tpu.memory_space<hbm>>
    %dma_wait3A_496 = tpu.memref_squeeze %dma_wait3A_495 : memref<1x50x64xf32, #tpu.memory_space<hbm>> -> memref<50x64xf32, #tpu.memory_space<hbm>>
    %dma_wait3A_497 = arith.constant 400 : i32
    %dma_wait3A_498 = arith.constant 0 : i32
    %dma_wait3A_499 = tpu.memref_slice %arg6[%dma_wait3A_484, %dma_wait3A_497, %dma_wait3A_498] : memref<2x800x64xf32, #tpu.memory_space<vmem>> -> memref<1x50x64xf32, #tpu.memory_space<vmem>>
    %dma_wait3A_500 = tpu.memref_squeeze %dma_wait3A_499 : memref<1x50x64xf32, #tpu.memory_space<vmem>> -> memref<50x64xf32, #tpu.memory_space<vmem>>
    tpu.wait_dma2 semaphore(%arg9 : memref<!tpu.dma_semaphore, #tpu.memory_space<semaphore_mem>>) src(%dma_wait3A_500 : memref<50x64xf32, #tpu.memory_space<vmem>>) dst(%dma_wait3A_496 : memref<50x64xf32, #tpu.memory_space<hbm>>)
    %dma_wait3A_501 = arith.constant 1 : i32
    %dma_wait3A_502 = arith.constant 450 : i32
    %dma_wait3A_503 = arith.constant 0 : i32
    %dma_wait3A_504 = tpu.memref_slice %arg6[%dma_wait3A_501, %dma_wait3A_502, %dma_wait3A_503] : memref<2x800x64xf32, #tpu.memory_space<vmem>> -> memref<1x50x64xf32, #tpu.memory_space<vmem>>
    %dma_wait3A_505 = tpu.memref_squeeze %dma_wait3A_504 : memref<1x50x64xf32, #tpu.memory_space<vmem>> -> memref<50x64xf32, #tpu.memory_space<vmem>>
    %dma_wait3A_506 = arith.constant 0 : i32
    %dma_wait3A_507 = arith.constant 0 : i32
    %dma_wait3A_508 = tpu.memref_slice %arg4[%add3A_335, %dma_wait3A_506, %dma_wait3A_507] : memref<16384x56x128xf32, #tpu.memory_space<hbm>> -> memref<1x50x64xf32, #tpu.memory_space<hbm>>
    %dma_wait3A_509 = tpu.memref_squeeze %dma_wait3A_508 : memref<1x50x64xf32, #tpu.memory_space<hbm>> -> memref<50x64xf32, #tpu.memory_space<hbm>>
    %dma_wait3A_510 = arith.constant 0 : i32
    %dma_wait3A_511 = arith.constant 0 : i32
    %dma_wait3A_512 = tpu.memref_slice %arg4[%add3A_335, %dma_wait3A_510, %dma_wait3A_511] : memref<16384x56x128xf32, #tpu.memory_space<hbm>> -> memref<1x50x64xf32, #tpu.memory_space<hbm>>
    %dma_wait3A_513 = tpu.memref_squeeze %dma_wait3A_512 : memref<1x50x64xf32, #tpu.memory_space<hbm>> -> memref<50x64xf32, #tpu.memory_space<hbm>>
    %dma_wait3A_514 = arith.constant 450 : i32
    %dma_wait3A_515 = arith.constant 0 : i32
    %dma_wait3A_516 = tpu.memref_slice %arg6[%dma_wait3A_501, %dma_wait3A_514, %dma_wait3A_515] : memref<2x800x64xf32, #tpu.memory_space<vmem>> -> memref<1x50x64xf32, #tpu.memory_space<vmem>>
    %dma_wait3A_517 = tpu.memref_squeeze %dma_wait3A_516 : memref<1x50x64xf32, #tpu.memory_space<vmem>> -> memref<50x64xf32, #tpu.memory_space<vmem>>
    tpu.wait_dma2 semaphore(%arg9 : memref<!tpu.dma_semaphore, #tpu.memory_space<semaphore_mem>>) src(%dma_wait3A_517 : memref<50x64xf32, #tpu.memory_space<vmem>>) dst(%dma_wait3A_513 : memref<50x64xf32, #tpu.memory_space<hbm>>)
    %dma_wait3A_518 = arith.constant 1 : i32
    %dma_wait3A_519 = arith.constant 500 : i32
    %dma_wait3A_520 = arith.constant 0 : i32
    %dma_wait3A_521 = tpu.memref_slice %arg6[%dma_wait3A_518, %dma_wait3A_519, %dma_wait3A_520] : memref<2x800x64xf32, #tpu.memory_space<vmem>> -> memref<1x50x64xf32, #tpu.memory_space<vmem>>
    %dma_wait3A_522 = tpu.memref_squeeze %dma_wait3A_521 : memref<1x50x64xf32, #tpu.memory_space<vmem>> -> memref<50x64xf32, #tpu.memory_space<vmem>>
    %dma_wait3A_523 = arith.constant 0 : i32
    %dma_wait3A_524 = arith.constant 0 : i32
    %dma_wait3A_525 = tpu.memref_slice %arg4[%add3A_337, %dma_wait3A_523, %dma_wait3A_524] : memref<16384x56x128xf32, #tpu.memory_space<hbm>> -> memref<1x50x64xf32, #tpu.memory_space<hbm>>
    %dma_wait3A_526 = tpu.memref_squeeze %dma_wait3A_525 : memref<1x50x64xf32, #tpu.memory_space<hbm>> -> memref<50x64xf32, #tpu.memory_space<hbm>>
    %dma_wait3A_527 = arith.constant 0 : i32
    %dma_wait3A_528 = arith.constant 0 : i32
    %dma_wait3A_529 = tpu.memref_slice %arg4[%add3A_337, %dma_wait3A_527, %dma_wait3A_528] : memref<16384x56x128xf32, #tpu.memory_space<hbm>> -> memref<1x50x64xf32, #tpu.memory_space<hbm>>
    %dma_wait3A_530 = tpu.memref_squeeze %dma_wait3A_529 : memref<1x50x64xf32, #tpu.memory_space<hbm>> -> memref<50x64xf32, #tpu.memory_space<hbm>>
    %dma_wait3A_531 = arith.constant 500 : i32
    %dma_wait3A_532 = arith.constant 0 : i32
    %dma_wait3A_533 = tpu.memref_slice %arg6[%dma_wait3A_518, %dma_wait3A_531, %dma_wait3A_532] : memref<2x800x64xf32, #tpu.memory_space<vmem>> -> memref<1x50x64xf32, #tpu.memory_space<vmem>>
    %dma_wait3A_534 = tpu.memref_squeeze %dma_wait3A_533 : memref<1x50x64xf32, #tpu.memory_space<vmem>> -> memref<50x64xf32, #tpu.memory_space<vmem>>
    tpu.wait_dma2 semaphore(%arg9 : memref<!tpu.dma_semaphore, #tpu.memory_space<semaphore_mem>>) src(%dma_wait3A_534 : memref<50x64xf32, #tpu.memory_space<vmem>>) dst(%dma_wait3A_530 : memref<50x64xf32, #tpu.memory_space<hbm>>)
    %dma_wait3A_535 = arith.constant 1 : i32
    %dma_wait3A_536 = arith.constant 550 : i32
    %dma_wait3A_537 = arith.constant 0 : i32
    %dma_wait3A_538 = tpu.memref_slice %arg6[%dma_wait3A_535, %dma_wait3A_536, %dma_wait3A_537] : memref<2x800x64xf32, #tpu.memory_space<vmem>> -> memref<1x50x64xf32, #tpu.memory_space<vmem>>
    %dma_wait3A_539 = tpu.memref_squeeze %dma_wait3A_538 : memref<1x50x64xf32, #tpu.memory_space<vmem>> -> memref<50x64xf32, #tpu.memory_space<vmem>>
    %dma_wait3A_540 = arith.constant 0 : i32
    %dma_wait3A_541 = arith.constant 0 : i32
    %dma_wait3A_542 = tpu.memref_slice %arg4[%add3A_339, %dma_wait3A_540, %dma_wait3A_541] : memref<16384x56x128xf32, #tpu.memory_space<hbm>> -> memref<1x50x64xf32, #tpu.memory_space<hbm>>
    %dma_wait3A_543 = tpu.memref_squeeze %dma_wait3A_542 : memref<1x50x64xf32, #tpu.memory_space<hbm>> -> memref<50x64xf32, #tpu.memory_space<hbm>>
    %dma_wait3A_544 = arith.constant 0 : i32
    %dma_wait3A_545 = arith.constant 0 : i32
    %dma_wait3A_546 = tpu.memref_slice %arg4[%add3A_339, %dma_wait3A_544, %dma_wait3A_545] : memref<16384x56x128xf32, #tpu.memory_space<hbm>> -> memref<1x50x64xf32, #tpu.memory_space<hbm>>
    %dma_wait3A_547 = tpu.memref_squeeze %dma_wait3A_546 : memref<1x50x64xf32, #tpu.memory_space<hbm>> -> memref<50x64xf32, #tpu.memory_space<hbm>>
    %dma_wait3A_548 = arith.constant 550 : i32
    %dma_wait3A_549 = arith.constant 0 : i32
    %dma_wait3A_550 = tpu.memref_slice %arg6[%dma_wait3A_535, %dma_wait3A_548, %dma_wait3A_549] : memref<2x800x64xf32, #tpu.memory_space<vmem>> -> memref<1x50x64xf32, #tpu.memory_space<vmem>>
    %dma_wait3A_551 = tpu.memref_squeeze %dma_wait3A_550 : memref<1x50x64xf32, #tpu.memory_space<vmem>> -> memref<50x64xf32, #tpu.memory_space<vmem>>
    tpu.wait_dma2 semaphore(%arg9 : memref<!tpu.dma_semaphore, #tpu.memory_space<semaphore_mem>>) src(%dma_wait3A_551 : memref<50x64xf32, #tpu.memory_space<vmem>>) dst(%dma_wait3A_547 : memref<50x64xf32, #tpu.memory_space<hbm>>)
    %dma_wait3A_552 = arith.constant 1 : i32
    %dma_wait3A_553 = arith.constant 600 : i32
    %dma_wait3A_554 = arith.constant 0 : i32
    %dma_wait3A_555 = tpu.memref_slice %arg6[%dma_wait3A_552, %dma_wait3A_553, %dma_wait3A_554] : memref<2x800x64xf32, #tpu.memory_space<vmem>> -> memref<1x50x64xf32, #tpu.memory_space<vmem>>
    %dma_wait3A_556 = tpu.memref_squeeze %dma_wait3A_555 : memref<1x50x64xf32, #tpu.memory_space<vmem>> -> memref<50x64xf32, #tpu.memory_space<vmem>>
    %dma_wait3A_557 = arith.constant 0 : i32
    %dma_wait3A_558 = arith.constant 0 : i32
    %dma_wait3A_559 = tpu.memref_slice %arg4[%add3A_341, %dma_wait3A_557, %dma_wait3A_558] : memref<16384x56x128xf32, #tpu.memory_space<hbm>> -> memref<1x50x64xf32, #tpu.memory_space<hbm>>
    %dma_wait3A_560 = tpu.memref_squeeze %dma_wait3A_559 : memref<1x50x64xf32, #tpu.memory_space<hbm>> -> memref<50x64xf32, #tpu.memory_space<hbm>>
    %dma_wait3A_561 = arith.constant 0 : i32
    %dma_wait3A_562 = arith.constant 0 : i32
    %dma_wait3A_563 = tpu.memref_slice %arg4[%add3A_341, %dma_wait3A_561, %dma_wait3A_562] : memref<16384x56x128xf32, #tpu.memory_space<hbm>> -> memref<1x50x64xf32, #tpu.memory_space<hbm>>
    %dma_wait3A_564 = tpu.memref_squeeze %dma_wait3A_563 : memref<1x50x64xf32, #tpu.memory_space<hbm>> -> memref<50x64xf32, #tpu.memory_space<hbm>>
    %dma_wait3A_565 = arith.constant 600 : i32
    %dma_wait3A_566 = arith.constant 0 : i32
    %dma_wait3A_567 = tpu.memref_slice %arg6[%dma_wait3A_552, %dma_wait3A_565, %dma_wait3A_566] : memref<2x800x64xf32, #tpu.memory_space<vmem>> -> memref<1x50x64xf32, #tpu.memory_space<vmem>>
    %dma_wait3A_568 = tpu.memref_squeeze %dma_wait3A_567 : memref<1x50x64xf32, #tpu.memory_space<vmem>> -> memref<50x64xf32, #tpu.memory_space<vmem>>
    tpu.wait_dma2 semaphore(%arg9 : memref<!tpu.dma_semaphore, #tpu.memory_space<semaphore_mem>>) src(%dma_wait3A_568 : memref<50x64xf32, #tpu.memory_space<vmem>>) dst(%dma_wait3A_564 : memref<50x64xf32, #tpu.memory_space<hbm>>)
    %dma_wait3A_569 = arith.constant 1 : i32
    %dma_wait3A_570 = arith.constant 650 : i32
    %dma_wait3A_571 = arith.constant 0 : i32
    %dma_wait3A_572 = tpu.memref_slice %arg6[%dma_wait3A_569, %dma_wait3A_570, %dma_wait3A_571] : memref<2x800x64xf32, #tpu.memory_space<vmem>> -> memref<1x50x64xf32, #tpu.memory_space<vmem>>
    %dma_wait3A_573 = tpu.memref_squeeze %dma_wait3A_572 : memref<1x50x64xf32, #tpu.memory_space<vmem>> -> memref<50x64xf32, #tpu.memory_space<vmem>>
    %dma_wait3A_574 = arith.constant 0 : i32
    %dma_wait3A_575 = arith.constant 0 : i32
    %dma_wait3A_576 = tpu.memref_slice %arg4[%add3A_343, %dma_wait3A_574, %dma_wait3A_575] : memref<16384x56x128xf32, #tpu.memory_space<hbm>> -> memref<1x50x64xf32, #tpu.memory_space<hbm>>
    %dma_wait3A_577 = tpu.memref_squeeze %dma_wait3A_576 : memref<1x50x64xf32, #tpu.memory_space<hbm>> -> memref<50x64xf32, #tpu.memory_space<hbm>>
    %dma_wait3A_578 = arith.constant 0 : i32
    %dma_wait3A_579 = arith.constant 0 : i32
    %dma_wait3A_580 = tpu.memref_slice %arg4[%add3A_343, %dma_wait3A_578, %dma_wait3A_579] : memref<16384x56x128xf32, #tpu.memory_space<hbm>> -> memref<1x50x64xf32, #tpu.memory_space<hbm>>
    %dma_wait3A_581 = tpu.memref_squeeze %dma_wait3A_580 : memref<1x50x64xf32, #tpu.memory_space<hbm>> -> memref<50x64xf32, #tpu.memory_space<hbm>>
    %dma_wait3A_582 = arith.constant 650 : i32
    %dma_wait3A_583 = arith.constant 0 : i32
    %dma_wait3A_584 = tpu.memref_slice %arg6[%dma_wait3A_569, %dma_wait3A_582, %dma_wait3A_583] : memref<2x800x64xf32, #tpu.memory_space<vmem>> -> memref<1x50x64xf32, #tpu.memory_space<vmem>>
    %dma_wait3A_585 = tpu.memref_squeeze %dma_wait3A_584 : memref<1x50x64xf32, #tpu.memory_space<vmem>> -> memref<50x64xf32, #tpu.memory_space<vmem>>
    tpu.wait_dma2 semaphore(%arg9 : memref<!tpu.dma_semaphore, #tpu.memory_space<semaphore_mem>>) src(%dma_wait3A_585 : memref<50x64xf32, #tpu.memory_space<vmem>>) dst(%dma_wait3A_581 : memref<50x64xf32, #tpu.memory_space<hbm>>)
    %dma_wait3A_586 = arith.constant 1 : i32
    %dma_wait3A_587 = arith.constant 700 : i32
    %dma_wait3A_588 = arith.constant 0 : i32
    %dma_wait3A_589 = tpu.memref_slice %arg6[%dma_wait3A_586, %dma_wait3A_587, %dma_wait3A_588] : memref<2x800x64xf32, #tpu.memory_space<vmem>> -> memref<1x50x64xf32, #tpu.memory_space<vmem>>
    %dma_wait3A_590 = tpu.memref_squeeze %dma_wait3A_589 : memref<1x50x64xf32, #tpu.memory_space<vmem>> -> memref<50x64xf32, #tpu.memory_space<vmem>>
    %dma_wait3A_591 = arith.constant 0 : i32
    %dma_wait3A_592 = arith.constant 0 : i32
    %dma_wait3A_593 = tpu.memref_slice %arg4[%add3A_345, %dma_wait3A_591, %dma_wait3A_592] : memref<16384x56x128xf32, #tpu.memory_space<hbm>> -> memref<1x50x64xf32, #tpu.memory_space<hbm>>
    %dma_wait3A_594 = tpu.memref_squeeze %dma_wait3A_593 : memref<1x50x64xf32, #tpu.memory_space<hbm>> -> memref<50x64xf32, #tpu.memory_space<hbm>>
    %dma_wait3A_595 = arith.constant 0 : i32
    %dma_wait3A_596 = arith.constant 0 : i32
    %dma_wait3A_597 = tpu.memref_slice %arg4[%add3A_345, %dma_wait3A_595, %dma_wait3A_596] : memref<16384x56x128xf32, #tpu.memory_space<hbm>> -> memref<1x50x64xf32, #tpu.memory_space<hbm>>
    %dma_wait3A_598 = tpu.memref_squeeze %dma_wait3A_597 : memref<1x50x64xf32, #tpu.memory_space<hbm>> -> memref<50x64xf32, #tpu.memory_space<hbm>>
    %dma_wait3A_599 = arith.constant 700 : i32
    %dma_wait3A_600 = arith.constant 0 : i32
    %dma_wait3A_601 = tpu.memref_slice %arg6[%dma_wait3A_586, %dma_wait3A_599, %dma_wait3A_600] : memref<2x800x64xf32, #tpu.memory_space<vmem>> -> memref<1x50x64xf32, #tpu.memory_space<vmem>>
    %dma_wait3A_602 = tpu.memref_squeeze %dma_wait3A_601 : memref<1x50x64xf32, #tpu.memory_space<vmem>> -> memref<50x64xf32, #tpu.memory_space<vmem>>
    tpu.wait_dma2 semaphore(%arg9 : memref<!tpu.dma_semaphore, #tpu.memory_space<semaphore_mem>>) src(%dma_wait3A_602 : memref<50x64xf32, #tpu.memory_space<vmem>>) dst(%dma_wait3A_598 : memref<50x64xf32, #tpu.memory_space<hbm>>)
    %dma_wait3A_603 = arith.constant 1 : i32
    %dma_wait3A_604 = arith.constant 750 : i32
    %dma_wait3A_605 = arith.constant 0 : i32
    %dma_wait3A_606 = tpu.memref_slice %arg6[%dma_wait3A_603, %dma_wait3A_604, %dma_wait3A_605] : memref<2x800x64xf32, #tpu.memory_space<vmem>> -> memref<1x50x64xf32, #tpu.memory_space<vmem>>
    %dma_wait3A_607 = tpu.memref_squeeze %dma_wait3A_606 : memref<1x50x64xf32, #tpu.memory_space<vmem>> -> memref<50x64xf32, #tpu.memory_space<vmem>>
    %dma_wait3A_608 = arith.constant 0 : i32
    %dma_wait3A_609 = arith.constant 0 : i32
    %dma_wait3A_610 = tpu.memref_slice %arg4[%add3A_347, %dma_wait3A_608, %dma_wait3A_609] : memref<16384x56x128xf32, #tpu.memory_space<hbm>> -> memref<1x50x64xf32, #tpu.memory_space<hbm>>
    %dma_wait3A_611 = tpu.memref_squeeze %dma_wait3A_610 : memref<1x50x64xf32, #tpu.memory_space<hbm>> -> memref<50x64xf32, #tpu.memory_space<hbm>>
    %dma_wait3A_612 = arith.constant 0 : i32
    %dma_wait3A_613 = arith.constant 0 : i32
    %dma_wait3A_614 = tpu.memref_slice %arg4[%add3A_347, %dma_wait3A_612, %dma_wait3A_613] : memref<16384x56x128xf32, #tpu.memory_space<hbm>> -> memref<1x50x64xf32, #tpu.memory_space<hbm>>
    %dma_wait3A_615 = tpu.memref_squeeze %dma_wait3A_614 : memref<1x50x64xf32, #tpu.memory_space<hbm>> -> memref<50x64xf32, #tpu.memory_space<hbm>>
    %dma_wait3A_616 = arith.constant 750 : i32
    %dma_wait3A_617 = arith.constant 0 : i32
    %dma_wait3A_618 = tpu.memref_slice %arg6[%dma_wait3A_603, %dma_wait3A_616, %dma_wait3A_617] : memref<2x800x64xf32, #tpu.memory_space<vmem>> -> memref<1x50x64xf32, #tpu.memory_space<vmem>>
    %dma_wait3A_619 = tpu.memref_squeeze %dma_wait3A_618 : memref<1x50x64xf32, #tpu.memory_space<vmem>> -> memref<50x64xf32, #tpu.memory_space<vmem>>
    tpu.wait_dma2 semaphore(%arg9 : memref<!tpu.dma_semaphore, #tpu.memory_space<semaphore_mem>>) src(%dma_wait3A_619 : memref<50x64xf32, #tpu.memory_space<vmem>>) dst(%dma_wait3A_615 : memref<50x64xf32, #tpu.memory_space<hbm>>)
    return
  }
}

</mosaic_0001>

<sc_bundles>
// kernel: kernel.3.cloned.1.call-start
scs
__scs_entry_jumppad:
0x0: {  	(pc) =	sbr.rel $0x88, $3  }
0x1: {  	(tag) =	ssettag $0x0;
	lr =	simm.s32 $0x1  }
0x2: {  	[smem:$0x3F9F] =	sst lr;
	_ =	strace $0xD0000000  }
0x3: {  	_ = 	snop  }
0x4: {  	_ = 	snop  }
0x5: {  	_ = 	snop  }
0x6: {  	_ = 	snop  }
0x7: {  	_ = 	snop  }
__scs_overlays_trampoline_lowered:
0x8: {  	[smem:$0x3FAE] =	sst s0  }
0x9: {  	[smem:$0x3FAF] =	sst s1  }
0xa: {  	[smem:$0x3FB0] =	sst s2  }
0xb: {  	[smem:$0x3FB1] =	sst s3  }
0xc: {  	[smem:$0x3FB2] =	sst s4  }
0xd: {  	[smem:$0x3FB3] =	sst s5  }
0xe: {  	[smem:$0x3FB4] =	sst s6  }
0xf: {  	[smem:$0x3FB5] =	sst s7  }
0x10: {  	[smem:$0x3FB6] =	sst s8  }
0x11: {  	[smem:$0x3FB7] =	sst s9;
	s0 =	simm.s32 @!p0 $0x0  }
0x12: {  	s1 =	sld [smem:$0x3F9D];
	s0 =	simm.s32 @p0 $0x1  }
0x13: {  	[smem:$0x3FB8] =	sst s0;
	s0 =	simm.s32 @!p1 $0x0  }
0x14: {  	s2 =	sld [smem:$0x3F9C];
	s0 =	simm.s32 @p1 $0x1  }
0x15: {  	[smem:$0x3FB9] =	sst s0;
	s0 =	simm.s32 @!p2 $0x0  }
0x16: {  	s3 =	sld [smem:$0x3FDB];
	s0 =	simm.s32 @p2 $0x1  }
0x17: {  	s4 =	simm.s32 $0x1BF5;
	[smem:$0x3FBB] =	sst s0  }
0x18: {  	s0 =	sld [smem:$0x3F9E];
	_ =	swait.ge [sflag:s4], $0x0  }
0x19: {  	s7 =	sld [smem:$0x3F9F]  }
0x1a: {  	s8 =	sadd.s32 $0xFFFFE003, lr  }
0x1b: {  	s9 =	sadd.s32 $0xFFFFFEF7, lr;
	s5 =	simm.s32 $0xFFFFFFFF;
	p2 =	slt.u32 s8, $0xFFFFF086  }
0x1c: {  	p1 =	slt.u32 s9, $0xF7A;
	s5 =	simm.s32 @!p2 $0x0  }
0x1d: {  	s5 =	simm.s32 @p1 $0x1;
	p0 =	seq.s32 s7, s2  }
0x1e: {  	s7 =	smul.u32 @!p0 $0xF7A, s2;
	p2 =	seq.s32 @!p0 s5, $0x0  }
0x1f: {  	s9 =	smul.u32 $0xF7A, s1;
	s8 =	simm.s32 @!p0 $0x1BF5;
	p2 =	por !p2, p0  }
0x20: {  	[sflag:s8] =	ssyncset.s32 @!p0 $0xFFFFF086;
	s6 =	sadd.s32 @!p0 s3, s7;
	s7 =	simm.s32 @!p0 $0x108  }
0x21: {  	s3 =	sadd.s32 s3, s9;
	s6 =	sadd.s32 @!p0 $0x88, s6;
	s7 =	simm.s32 @p2 $0x1082  }
0x22: {  	[simem:s7], [sflag:s8] =	dma.local @!p0 [hbm:s6], $0xF7A  }
0x23: {  	s9 =	sor.u32 $0xD0000000, s2;
	s6 =	simm.s32 $0x108;
	_ =	swait.ge @!p0 [sflag:s8], $0x0  }
0x24: {  	s3 =	sadd.s32 $0x88, s3;
	s6 =	simm.s32 @!p1 $0x1082;
	[sflag:s4] =	ssyncset.s32 $0xFFFFF086  }
0x25: {  	[simem:s6], [sflag:s4] =	dma.local [hbm:s3], $0xF7A  }
0x26: {  	[smem:$0x3F9F] =	sst s1;
	(tag) =	ssettag s2;
	_ =	strace s9  }
0x27: {  	s1 =	sld [smem:$0x3FAF]  }
0x28: {  	s2 =	sld [smem:$0x3FB0]  }
0x29: {  	s4 =	sld [smem:$0x3FB2]  }
0x2a: {  	p0 =	seq.s32 s5, $0x0;
	s5 =	sld [smem:$0x3FB3]  }
0x2b: {  	s6 =	sld [smem:$0x3FB4]  }
0x2c: {  	s7 =	sld [smem:$0x3FB5]  }
0x2d: {  	s3 =	simm.s32 $0x108;
	s8 =	sld [smem:$0x3FB6]  }
0x2e: {  	s3 =	simm.s32 @!p0 $0x1082;
	s9 =	sld [smem:$0x3FB7]  }
0x2f: {  	lr =	sadd.s32 s0, s3;
	s0 =	sld [smem:$0x3FAE]  }
0x30: {  	s3 =	sld [smem:$0x3FB1]  }
0x31: {  	[smem:$0x3FBA] =	sst s10  }
0x32: {  	s10 =	sld [smem:$0x3FB8];
	_ =	sdelay $0x3  }
0x33: {  	p0 =	seq.s32 s10, $0x1;
	s10 =	sld [smem:$0x3FBA];
	_ =	sdelay $0x3  }
0x34: {  	[smem:$0x3FBA] =	sst s10  }
0x35: {  	s10 =	sld [smem:$0x3FB9];
	_ =	sdelay $0x3  }
0x36: {  	p1 =	seq.s32 s10, $0x1;
	s10 =	sld [smem:$0x3FBA];
	_ =	sdelay $0x3  }
0x37: {  	[smem:$0x3FBA] =	sst s10  }
0x38: {  	s10 =	sld [smem:$0x3FBB]  }
0x39: {  	_ = 	snop;
	(pc) =	sbr.ind lr, $3  }
0x3a: {  	_ = 	snop  }
0x3b: {  	_ = 	snop  }
0x3c: {  	p2 =	seq.s32 s10, $0x1;
	s10 =	sld [smem:$0x3FBA]  }
0x3d: {  	_ =	shalt  }
0x3e: {  	_ =	shalt  }
0x3f: {  	_ =	shalt  }
0x40: {  	_ =	shalt  }
0x41: {  	_ =	shalt  }
0x42: {  	_ =	shalt  }
0x43: {  	_ =	shalt  }
0x44: {  	_ =	shalt  }
0x45: {  	_ =	shalt  }
0x46: {  	_ =	shalt  }
0x47: {  	_ =	shalt  }
0x48: {  	_ =	shalt  }
0x49: {  	_ =	shalt  }
0x4a: {  	_ =	shalt  }
0x4b: {  	_ =	shalt  }
0x4c: {  	_ =	shalt  }
0x4d: {  	_ =	shalt  }
0x4e: {  	_ =	shalt  }
0x4f: {  	_ =	shalt  }
0x50: {  	_ =	shalt  }
0x51: {  	_ =	shalt  }
0x52: {  	_ =	shalt  }
0x53: {  	_ =	shalt  }
0x54: {  	_ =	shalt  }
0x55: {  	_ =	shalt  }
0x56: {  	_ =	shalt  }
0x57: {  	_ =	shalt  }
0x58: {  	_ =	shalt  }
0x59: {  	_ =	shalt  }
0x5a: {  	_ =	shalt  }
0x5b: {  	_ =	shalt  }
0x5c: {  	_ =	shalt  }
0x5d: {  	_ =	shalt  }
0x5e: {  	_ =	shalt  }
0x5f: {  	_ =	shalt  }
0x60: {  	_ =	shalt  }
0x61: {  	_ =	shalt  }
0x62: {  	_ =	shalt  }
0x63: {  	_ =	shalt  }
0x64: {  	_ =	shalt  }
0x65: {  	_ =	shalt  }
0x66: {  	_ =	shalt  }
0x67: {  	_ =	shalt  }
0x68: {  	_ =	shalt  }
0x69: {  	_ =	shalt  }
0x6a: {  	_ =	shalt  }
0x6b: {  	_ =	shalt  }
0x6c: {  	_ =	shalt  }
0x6d: {  	_ =	shalt  }
0x6e: {  	_ =	shalt  }
0x6f: {  	_ =	shalt  }
0x70: {  	_ =	shalt  }
0x71: {  	_ =	shalt  }
0x72: {  	_ =	shalt  }
0x73: {  	_ =	shalt  }
0x74: {  	_ =	shalt  }
0x75: {  	_ =	shalt  }
0x76: {  	_ =	shalt  }
0x77: {  	_ =	shalt  }
0x78: {  	_ =	shalt  }
0x79: {  	_ =	shalt  }
0x7a: {  	_ =	shalt  }
0x7b: {  	_ =	shalt  }
0x7c: {  	_ =	shalt  }
0x7d: {  	_ =	shalt  }
0x7e: {  	_ =	shalt  }
0x7f: {  	_ =	shalt  }
0x80: {  	_ =	shalt  }
0x81: {  	_ =	shalt  }
0x82: {  	_ =	shalt  }
0x83: {  	_ =	shalt  }
0x84: {  	_ =	shalt  }
0x85: {  	_ =	shalt  }
0x86: {  	_ =	shalt  }
0x87: {  	_ =	shalt  }
.Lfunc_end0:
.L_simem_size_0:
called_computation.1_lowered:
.L_overlay_start_0:
0x88: {  	s2 =	sld [smem:$0x3FD9]  }
0x89: {  	s3 =	sld [smem:$0x3FFE];
	_ =	sdelay $0x1  }
0x8a: {  	s1 =	srdreg.scid  }
0x8b: {  	s0 =	sand.u32 $0x1, s1  }
0x8c: {  	s17 =	sshll.u32 s0, $0xA;
	s2 =	sadd.s32 s3, s2  }
0x8d: {  	s2 =	sadd.s32 s2, s17  }
0x8e: {  	[smem:$0x3FC6] =	sst s2  }
0x8f: {  	_ = 	snop  }
0x90: {  	s2 =	sld [smem:$0x3FD0];
	(tm) =	ssettm $0x1  }
0x91: {  	s18 =	sld [smem:$0x3FFB];
	_ =	sdelay $0x3  }
0x92: {  	_ =	strace s18  }
0x93: {  	s3 =	sld [smem:$0x3FFC];
	_ =	sdelay $0x3  }
0x94: {  	_ =	strace s3  }
0x95: {  	s3 =	sld [smem:$0x3FFD];
	_ =	sdelay $0x3  }
0x96: {  	_ =	strace s3  }
0x97: {  	_ =	strace $0x8FFFFFFF  }
0x98: {  	s19 =	sld [smem:$0x3FDB];
	_ =	sdelay $0x1  }
0x99: {  	s4 =	simm.s32 $_scs_section_size  }
0x9a: {  	s5 =	simm.s32 $_size__tile_overlayer_lowered;
	s6 =	simm.s32 $_tile_overlayer_lowered  }
0x9b: {  	s22 =	simm.s32 $0x1BFF;
	s21 =	sshll.u32 s6, $0x1;
	s3 =	sadd.s32 s4, s19  }
0x9c: {  	s7 =	simm.s32 $0x0;
	s20 =	sshll.u32 s5, $0x1;
	s5 =	sadd.s32 s21, s3  }
0x9d: {  	[timem:s7], [sflag:s22] =	dma.local [hbm:s5], s20  }
0x9e: {  	_ =	swait.ge [sflag:s22], s20  }
0x9f: {  	s4 =	ssub.s32 $0x0, s20;
	[sflag:s22] =	ssyncset.done $0x0  }
0xa0: {  	[sflag:s22] =	ssyncadd.s32 s4;
	_ =	sdelay $0x1  }
0xa1: {  	s23 =	simm.s32 $0x1B8B  }
0xa2: {  	_ =	swait.ge [sflag:s23], $0x1  }
0xa3: {  	[sflag:s23] =	ssyncset.done $0x0  }
0xa4: {  	s25 =	simm.s32 $0x1B8E;
	s24 =	sld [smem:$0x3FFE];
	[sflag:s23] =	ssyncadd.s32 $0xFFFFFFFF  }
0xa5: {  	s26 =	simm.s32 $execute0_lowered;
	[smem:$0x3FD2] =	sst s25  }
0xa6: {  	s5 =	sshll.u32 s26, $0x1;
	_ =	strace $0x80000046;
	[dreg:$0x1] =	wrdreg $0xFFFFFFFF  }
0xa7: {  	s28 =	simm.s32 $_size_execute0_lowered;
	s3 =	sadd.s32 s3, s5;
	[dreg:$0x0] =	wrdreg $0x0  }
0xa8: {  	s5 =	sshll.u32 s28, $0x1;
	[dreg:$0x2] =	wrdreg s3  }
0xa9: {  	[dreg:$0x3] =	wrdreg s5  }
0xaa: {  	[dreg:$0x4] =	wrdreg $0xC0  }
0xab: {  	_ =	task [dreg:s7], $0x5FFFF  }
0xac: {  	[dreg:$0x1] =	wrdreg $0xFFFFFFFF  }
0xad: {  	[dreg:$0x0] =	wrdreg $0x60  }
0xae: {  	[dreg:$0x2] =	wrdreg s2  }
0xaf: {  	[dreg:$0x3] =	wrdreg s24  }
0xb0: {  	[dreg:$0x4] =	wrdreg $0x9  }
0xb1: {  	_ =	task.clear_ibuf [dreg:s7], $0x5FFFF;
	_ =	strace $0x90000046  }
0xb2: {  	s29 =	simm.s32 $0x9;
	_ =	strace $0x80000048  }
0xb3: {  	_ =	swait.ge [sflag:s29], $0x1  }
0xb4: {  	[sflag:s29] =	ssyncadd.s32 $0xFFFFFFFF  }
0xb5: {  	_ =	strace $0x90000048  }
0xb6: {  	_ =	sfence  }
0xb7: {  	s30 =	sld [smem:$0x0];
	_ =	sdelay $0x2  }
0xb8: {  	s31 =	sshll.u32 s1, $0xD;
	s1 =	sshrl.u32 s1, $0x2  }
0xb9: {  	s3 =	sand.u32 $0x4000, s31;
	s1 =	sadd.s32 s1, s30  }
0xba: {  	s0 =	sor.u32 s3, s0;
	s1 =	sshll.u32 s1, $0x11  }
0xbb: {  	s0 =	sor.u32 s1, s0  }
0xbc: {  	s0 =	sadd.s32 $0x8F2B, s0  }
0xbd: {  	[sflag:s0] =	ssyncadd.remote.s32 $0x1  }
0xbe: {  	_ =	sfence.sel $0xFFFF  }
0xbf: {  	[dreg:$0x0] =	wrdreg $0xFFFFFFFF;
	(pc) =	sbr.abs _section_cstart, $3  }
0xc0: {  	[dreg:$0x1] =	wrdreg $0xFFFFFFFF  }
0xc1: {  	_ =	task.clear_ibuf [dreg:s7], $0x2FFFF;
	_ =	strace $0x9FFFFFFF  }
0xc2: {  	(tm) =	ssettm $0x7FFFFFFF  }
0xc3: {  	_ =	shalt  }
tec
execute0_lowered:
.L_overlay_start_1:
0x0: {  	(tag) =	ssettag $0x1  }
0x1: {  	s0 =	srdreg.scid;
	s2 =	stileid.u32  }
0x2: {  	s4 =	rddreg [dreg:$0x0];
	s5 =	sand.u32 $0x1, s0;
	s26 =	smul.u32 $0x700000, s2  }
0x3: {  	s3 =	rddreg [dreg:$0x1];
	s6 =	simm.s32 $0x0;
	s1 =	smul.u32 $0x380000, s5  }
0x4: {  	[smem:$0x7FF] =	sst s6;
	s6 =	sadd.s32 $0xA00, s3;
	s24 =	smul.u32 $0xE0000, s2  }
0x5: {  	_ =	strace $0x80000047;
	s7 =	sadd.s32 s1, s26;
	s26 =	smul.u32 $0x70000, s5  }
0x6: {  	s0 =	sor.u32 $0x1A400, s7;
	s1 =	sor.u32 $0x18800, s7;
	s8 =	sor.u32 $0x16C00, s7  }
0x7: {  	s31 =	sor.u32 $0x15000, s7;
	s9 =	sor.u32 $0x13400, s7;
	s10 =	sor.u32 $0x11800, s7  }
0x8: {  	s14 =	sor.u32 $0xFC00, s7;
	s16 =	sor.u32 $0xE000, s7;
	s17 =	sor.u32 $0xC400, s7  }
0x9: {  	s21 =	sor.u32 $0xA800, s7;
	s23 =	sor.u32 $0x8C00, s7;
	s0 =	sshrl.u32 s0, $0x3  }
0xa: {  	s1 =	sshrl.u32 s1, $0x3;
	s29 =	sshrl.u32 s8, $0x3;
	s8 =	sshrl.u32 s31, $0x3  }
0xb: {  	s12 =	sshrl.u32 s10, $0x3;
	s15 =	sshrl.u32 s14, $0x3;
	s0 =	sadd.s32 s0, s6  }
0xc: {  	s19 =	sshrl.u32 s17, $0x3;
	s28 =	sadd.s32 s1, s6;
	[dreg:$0x3] =	wrdreg s0  }
0xd: {  	s22 =	sshrl.u32 s21, $0x3;
	s30 =	sadd.s32 s29, s6;
	[dreg:$0x4] =	wrdreg s28  }
0xe: {  	s10 =	sor.u32 $0x31000, s7;
	s13 =	sadd.s32 s12, s6;
	[dreg:$0x5] =	wrdreg s30  }
0xf: {  	s17 =	sor.u32 $0x2BC00, s7;
	s20 =	sadd.s32 s19, s6;
	[dreg:$0x8] =	wrdreg s13  }
0x10: {  	s19 =	sshrl.u32 s17, $0x3;
	s17 =	simm.s32 $0x7080;
	[dreg:$0xb] =	wrdreg s20  }
0x11: {  	s1 =	sshrl.u32 s9, $0x3;
	s0 =	sadd.s32 s8, s6;
	[smem:$0x7D8] =	sst s17  }
0x12: {  	s12 =	sshrl.u32 s10, $0x3;
	s11 =	sadd.s32 s1, s6;
	[dreg:$0x6] =	wrdreg s0  }
0x13: {  	s25 =	sshrl.u32 s23, $0x3;
	s13 =	sadd.s32 s12, s6;
	[dreg:$0x7] =	wrdreg s11  }
0x14: {  	s31 =	sor.u32 $0x34800, s7;
	s20 =	sadd.s32 s19, s6;
	[dreg:$0x12] =	wrdreg s13  }
0x15: {  	s14 =	sor.u32 $0x2F400, s7;
	s12 =	simm.s32 $0xA400;
	[dreg:$0x15] =	wrdreg s20  }
0x16: {  	s21 =	sor.u32 $0x2A000, s7;
	s19 =	simm.s32 $0x8980;
	[dreg:$0x1d] =	wrdreg s12  }
0x17: {  	s9 =	sor.u32 $0x36400, s7;
	s17 =	simm.s32 $0x15E00;
	[smem:$0x7DA] =	sst s19  }
0x18: {  	s1 =	sshrl.u32 s16, $0x3;
	s0 =	sadd.s32 s15, s6;
	[smem:$0x7F0] =	sst s17  }
0x19: {  	s8 =	sadd.s32 s24, s6;
	s18 =	sadd.s32 s1, s6;
	[dreg:$0x9] =	wrdreg s0  }
0x1a: {  	s29 =	sshrl.u32 s9, $0x3;
	s28 =	sadd.s32 s26, s8;
	[dreg:$0xa] =	wrdreg s18  }
0x1b: {  	s23 =	sor.u32 $0x28400, s7;
	s30 =	sadd.s32 s29, s6;
	[dreg:$0xe] =	wrdreg s28  }
0x1c: {  	s9 =	sor.u32 $0x32C00, s7;
	s13 =	simm.s32 $0xC400;
	[dreg:$0xf] =	wrdreg s30  }
0x1d: {  	s15 =	sshrl.u32 s14, $0x3;
	s14 =	simm.s32 $0xE400;
	[dreg:$0x1e] =	wrdreg s13  }
0x1e: {  	s24 =	sor.u32 $0x26800, s7;
	s20 =	simm.s32 $0x9600;
	[dreg:$0x1f] =	wrdreg s14  }
0x1f: {  	s26 =	sshrl.u32 s24, $0x3;
	s24 =	simm.s32 $0xC800;
	[smem:$0x7DB] =	sst s20  }
0x20: {  	s16 =	sor.u32 $0x2D800, s7;
	s12 =	simm.s32 $0x13880;
	[smem:$0x7DF] =	sst s24  }
0x21: {  	s8 =	sshrl.u32 s31, $0x3;
	s19 =	simm.s32 $0x16A80;
	[smem:$0x7ED] =	sst s12  }
0x22: {  	s1 =	sshrl.u32 s9, $0x3;
	s0 =	sadd.s32 s22, s6;
	[smem:$0x7F1] =	sst s19  }
0x23: {  	s29 =	sor.u32 $0x24C00, s7;
	s11 =	sadd.s32 s1, s6;
	[dreg:$0xc] =	wrdreg s0  }
0x24: {  	s31 =	sor.u32 $0x23000, s7;
	s28 =	sadd.s32 s26, s6;
	[dreg:$0x11] =	wrdreg s11  }
0x25: {  	s1 =	sshrl.u32 s16, $0x3;
	s16 =	simm.s32 $0x12400;
	[dreg:$0x18] =	wrdreg s28  }
0x26: {  	s22 =	sshrl.u32 s21, $0x3;
	s21 =	simm.s32 $0xA280;
	[smem:$0x7D7] =	sst s16  }
0x27: {  	s7 =	sor.u32 $0x21400, s7;
	s26 =	simm.s32 $0xE100;
	[smem:$0x7DC] =	sst s21  }
0x28: {  	s30 =	sshrl.u32 s29, $0x3;
	s29 =	simm.s32 $0xFA00;
	[smem:$0x7E1] =	sst s26  }
0x29: {  	s9 =	sshrl.u32 s7, $0x3;
	s7 =	simm.s32 $0x16C00;
	[smem:$0x7E3] =	sst s29  }
0x2a: {  	s13 =	simm.s32 $0x14500;
	[smem:$0x7E8] =	sst s7  }
0x2b: {  	s20 =	simm.s32 $0x17700;
	[smem:$0x7EE] =	sst s13  }
0x2c: {  	s24 =	simm.s32 $0x19C80;
	[smem:$0x7F2] =	sst s20  }
0x2d: {  	s0 =	sadd.s32 s25, s6;
	[smem:$0x7F7] =	sst s24  }
0x2e: {  	s18 =	sadd.s32 s1, s6;
	[dreg:$0xd] =	wrdreg s0  }
0x2f: {  	s10 =	sadd.s32 s9, s6;
	[dreg:$0x14] =	wrdreg s18  }
0x30: {  	s11 =	simm.s32 $0x8400;
	[dreg:$0x1b] =	wrdreg s10  }
0x31: {  	s1 =	sshrl.u32 s23, $0x3;
	s23 =	simm.s32 $0xBB80;
	[dreg:$0x1c] =	wrdreg s11  }
0x32: {  	s28 =	simm.s32 $0xED80;
	[smem:$0x7DE] =	sst s23  }
0x33: {  	s9 =	simm.s32 $0x1AC00;
	[smem:$0x7E2] =	sst s28  }
0x34: {  	s21 =	simm.s32 $0x18380;
	[smem:$0x7EA] =	sst s9  }
0x35: {  	s26 =	simm.s32 $0x1B580;
	[smem:$0x7F3] =	sst s21  }
0x36: {  	s29 =	simm.s32 $0x1CE80;
	[smem:$0x7F9] =	sst s26  }
0x37: {  	s0 =	sadd.s32 s8, s6;
	[smem:$0x7FB] =	sst s29  }
0x38: {  	s25 =	sadd.s32 s1, s6;
	[dreg:$0x10] =	wrdreg s0  }
0x39: {  	s18 =	simm.s32 $0x7D00;
	[dreg:$0x17] =	wrdreg s25  }
0x3a: {  	s1 =	sshrl.u32 s31, $0x3;
	s31 =	simm.s32 $0x11300;
	[smem:$0x7D9] =	sst s18  }
0x3b: {  	s10 =	simm.s32 $0x1CC00;
	[smem:$0x7E5] =	sst s31  }
0x3c: {  	s11 =	simm.s32 $0x1EC00;
	[smem:$0x7EB] =	sst s10  }
0x3d: {  	s28 =	simm.s32 $0x1C200;
	[smem:$0x7EC] =	sst s11  }
0x3e: {  	s0 =	sadd.s32 s15, s6;
	[smem:$0x7FA] =	sst s28  }
0x3f: {  	s8 =	sadd.s32 s1, s6;
	[dreg:$0x13] =	wrdreg s0  }
0x40: {  	s15 =	simm.s32 $0x10400;
	[dreg:$0x1a] =	wrdreg s8  }
0x41: {  	s3 =	sadd.s32 $0xF42E00, s3;
	s25 =	simm.s32 $0xD480;
	[smem:$0x7D6] =	sst s15  }
0x42: {  	s14 =	ssub.s32 $0x2, s5;
	s1 =	simm.s32 $0x11F80;
	[smem:$0x7E0] =	sst s25  }
0x43: {  	s12 =	simm.s32 $0x12C00;
	s31 =	simm.s32 $0x1E780;
	[smem:$0x7E6] =	sst s1  }
0x44: {  	s16 =	sshrl.u32 s14, $0x1;
	s0 =	sadd.s32 s22, s6;
	[smem:$0x7FD] =	sst s31  }
0x45: {  	s7 =	simm.s32 $0x80;
	s22 =	simm.s32 $0xAF00;
	[dreg:$0x16] =	wrdreg s0  }
0x46: {  	s13 =	simm.s32 $0x2;
	s8 =	simm.s32 $0x18C00;
	[smem:$0x7DD] =	sst s22  }
0x47: {  	s9 =	simm.s32 $0x20;
	s15 =	simm.s32 $0x15180;
	[smem:$0x7E9] =	sst s8  }
0x48: {  	s18 =	sshll.u32 s2, $0x1;
	s25 =	simm.s32 $0x1A900;
	[smem:$0x7EF] =	sst s15  }
0x49: {  	s10 =	simm.s32 $0x1;
	s0 =	sadd.s32 s30, s6;
	[smem:$0x7F8] =	sst s25  }
0x4a: {  	s11 =	simm.s32 $0x40;
	s30 =	simm.s32 $0x10680;
	[dreg:$0x19] =	wrdreg s0  }
0x4b: {  	s5 =	sor.u32 s5, s18;
	s6 =	simm.s32 $0x14C00;
	[smem:$0x7E4] =	sst s30  }
0x4c: {  	s1 =	ssub.s32 s14, s16;
	s22 =	simm.s32 $0x19000;
	[smem:$0x7E7] =	sst s6  }
0x4d: {  	s5 =	smul.u32 $0xC80, s5;
	s1 =	smax.u32 s1, $0x1;
	[smem:$0x7F5] =	sst s22  }
0x4e: {  	s14 =	simm.s32 $0x3;
	[smem:$0x7F6] =	sst s1;
	s30 =	simm.s32 $0x1DB00  }
0x4f: {  	s8 =	simm.s32 $0x6400;
	s23 =	sadd.s32 s4, s5;
	[smem:$0x7FC] =	sst s30  }
0x50: {  	s15 =	simm.s32 $0x0;
	s6 =	simm.s32 $0x4;
	[smem:$0x7F4] =	sst s23  }
.LBB2_1:
0x51: {  	s1 =	sld [smem:$0x7F4];
	_ =	sdelay $0x1  }
0x52: {  	s0 =	simm.s32 $0x0  }
0x53: {  	[tilespmem:s0], [sflag:$0x4] =	stream.linear.gather [hbm4b:s1+s0], $0x6400, $0x38;
	[tilespmem:$0x1F400] =	vst v63  }
0x54: {  	_ =	swait.ge [sflag:s6], $0x6400  }
0x55: {  	p0 =	por $0x1, $0x1;
	[sflag:s6] =	ssyncset.done $0x0  }
0x56: {  	s0 =	simm.s32 @!p0 $0x2;
	[sflag:s6] =	ssyncadd.s32 $0xFFFF9C00  }
0x57: {  	_ =	swait.ge @!p0 [sflag:s0], $0xC80  }
0x58: {  	[sflag:s0] =	ssyncset.done @!p0 $0x0  }
0x59: {  	[sflag:s0] =	ssyncadd.s32 @!p0 $0xFFFFF380  }
0x5a: {  	_ =	swait.ge @!p0 [sflag:s0], $0xC80  }
0x5b: {  	[sflag:s0] =	ssyncset.done @!p0 $0x0  }
0x5c: {  	[sflag:s0] =	ssyncadd.s32 @!p0 $0xFFFFF380  }
0x5d: {  	_ =	swait.ge @!p0 [sflag:s0], $0xC80  }
0x5e: {  	[sflag:s0] =	ssyncset.done @!p0 $0x0  }
0x5f: {  	[sflag:s0] =	ssyncadd.s32 @!p0 $0xFFFFF380  }
0x60: {  	_ =	swait.ge @!p0 [sflag:s0], $0xC80  }
0x61: {  	[sflag:s0] =	ssyncset.done @!p0 $0x0  }
0x62: {  	[sflag:s0] =	ssyncadd.s32 @!p0 $0xFFFFF380  }
0x63: {  	_ =	swait.ge @!p0 [sflag:s0], $0xC80  }
0x64: {  	[sflag:s0] =	ssyncset.done @!p0 $0x0  }
0x65: {  	[sflag:s0] =	ssyncadd.s32 @!p0 $0xFFFFF380  }
0x66: {  	_ =	swait.ge @!p0 [sflag:s0], $0xC80  }
0x67: {  	[sflag:s0] =	ssyncset.done @!p0 $0x0  }
0x68: {  	[sflag:s0] =	ssyncadd.s32 @!p0 $0xFFFFF380  }
0x69: {  	_ =	swait.ge @!p0 [sflag:s0], $0xC80  }
0x6a: {  	[sflag:s0] =	ssyncset.done @!p0 $0x0  }
0x6b: {  	[sflag:s0] =	ssyncadd.s32 @!p0 $0xFFFFF380  }
0x6c: {  	_ =	swait.ge @!p0 [sflag:s0], $0xC80  }
0x6d: {  	[sflag:s0] =	ssyncset.done @!p0 $0x0  }
0x6e: {  	[sflag:s0] =	ssyncadd.s32 @!p0 $0xFFFFF380  }
0x6f: {  	_ =	swait.ge @!p0 [sflag:s0], $0xC80  }
0x70: {  	[sflag:s0] =	ssyncset.done @!p0 $0x0  }
0x71: {  	[sflag:s0] =	ssyncadd.s32 @!p0 $0xFFFFF380  }
0x72: {  	_ =	swait.ge @!p0 [sflag:s0], $0xC80  }
0x73: {  	[sflag:s0] =	ssyncset.done @!p0 $0x0  }
0x74: {  	[sflag:s0] =	ssyncadd.s32 @!p0 $0xFFFFF380  }
0x75: {  	_ =	swait.ge @!p0 [sflag:s0], $0xC80  }
0x76: {  	[sflag:s0] =	ssyncset.done @!p0 $0x0  }
0x77: {  	[sflag:s0] =	ssyncadd.s32 @!p0 $0xFFFFF380  }
0x78: {  	_ =	swait.ge @!p0 [sflag:s0], $0xC80  }
0x79: {  	[sflag:s0] =	ssyncset.done @!p0 $0x0  }
0x7a: {  	[sflag:s0] =	ssyncadd.s32 @!p0 $0xFFFFF380  }
0x7b: {  	_ =	swait.ge @!p0 [sflag:s0], $0xC80  }
0x7c: {  	[sflag:s0] =	ssyncset.done @!p0 $0x0  }
0x7d: {  	[sflag:s0] =	ssyncadd.s32 @!p0 $0xFFFFF380  }
0x7e: {  	_ =	swait.ge @!p0 [sflag:s0], $0xC80  }
0x7f: {  	[sflag:s0] =	ssyncset.done @!p0 $0x0  }
0x80: {  	[sflag:s0] =	ssyncadd.s32 @!p0 $0xFFFFF380  }
0x81: {  	_ =	swait.ge @!p0 [sflag:s0], $0xC80  }
0x82: {  	[sflag:s0] =	ssyncset.done @!p0 $0x0  }
0x83: {  	[sflag:s0] =	ssyncadd.s32 @!p0 $0xFFFFF380  }
0x84: {  	_ =	swait.ge @!p0 [sflag:s0], $0xC80  }
0x85: {  	[sflag:s0] =	ssyncset.done @!p0 $0x0  }
0x86: {  	s17 =	simm.s32 $0x0;
	s5 =	rddreg [dreg:$0x1c];
	[sflag:s0] =	ssyncadd.s32 @!p0 $0xFFFFF380  }
0x87: {  	[tilespmem:s8], [sflag:$0x1] =	stream.indirect.gather [hbm4b:s3+s7], $0x40, s17, s7, $0xb8;
	[tilespmem:$0x1F400] =	vst v63  }
0x88: {  	s18 =	simm.s32 $0x80;
	s16 =	rddreg [dreg:$0x1d]  }
0x89: {  	[tilespmem:s5], [sflag:$0x1] =	stream.indirect.gather [hbm4b:s3+s7], $0x40, s18, s7, $0xb8;
	[tilespmem:$0x1F400] =	vst v63  }
0x8a: {  	s19 =	simm.s32 $0x100;
	s20 =	rddreg [dreg:$0x1e]  }
0x8b: {  	[tilespmem:s16], [sflag:$0x1] =	stream.indirect.gather [hbm4b:s3+s7], $0x40, s19, s7, $0xb8;
	[tilespmem:$0x1F400] =	vst v63  }
0x8c: {  	s21 =	simm.s32 $0x180;
	s22 =	rddreg [dreg:$0x1f]  }
0x8d: {  	[tilespmem:s20], [sflag:$0x1] =	stream.indirect.gather [hbm4b:s3+s7], $0x40, s21, s7, $0xb8;
	[tilespmem:$0x1F400] =	vst v63  }
0x8e: {  	s23 =	simm.s32 $0x200;
	s24 =	sld [smem:$0x7D6]  }
0x8f: {  	[tilespmem:s22], [sflag:$0x1] =	stream.indirect.gather [hbm4b:s3+s7], $0x40, s23, s7, $0xb8;
	[tilespmem:$0x1F400] =	vst v63  }
0x90: {  	s25 =	simm.s32 $0x280;
	s26 =	sld [smem:$0x7D7]  }
0x91: {  	[tilespmem:s24], [sflag:$0x1] =	stream.indirect.gather [hbm4b:s3+s7], $0x40, s25, s7, $0xb8;
	[tilespmem:$0x1F400] =	vst v63  }
0x92: {  	s2 =	simm.s32 $0x300  }
0x93: {  	[tilespmem:s26], [sflag:$0x1] =	stream.indirect.gather [hbm4b:s3+s9], $0x40, s2, s9, $0xb8;
	[tilespmem:$0x1F400] =	vst v63  }
0x94: {  	_ =	swait.ge [sflag:s10], $0x2000  }
0x95: {  	[sflag:s10] =	ssyncset.done $0x0  }
0x96: {  	[sflag:s10] =	ssyncadd.s32 $0xFFFFE000  }
0x97: {  	_ =	swait.ge [sflag:s10], $0x2000  }
0x98: {  	[sflag:s10] =	ssyncset.done $0x0  }
0x99: {  	[sflag:s10] =	ssyncadd.s32 $0xFFFFE000  }
0x9a: {  	_ =	swait.ge [sflag:s10], $0x2000  }
0x9b: {  	[sflag:s10] =	ssyncset.done $0x0  }
0x9c: {  	[sflag:s10] =	ssyncadd.s32 $0xFFFFE000  }
0x9d: {  	_ =	swait.ge [sflag:s10], $0x2000  }
0x9e: {  	[sflag:s10] =	ssyncset.done $0x0  }
0x9f: {  	[sflag:s10] =	ssyncadd.s32 $0xFFFFE000  }
0xa0: {  	_ =	swait.ge [sflag:s10], $0x2000  }
0xa1: {  	[sflag:s10] =	ssyncset.done $0x0  }
0xa2: {  	[sflag:s10] =	ssyncadd.s32 $0xFFFFE000  }
0xa3: {  	_ =	swait.ge [sflag:s10], $0x2000  }
0xa4: {  	[sflag:s10] =	ssyncset.done $0x0  }
0xa5: {  	[sflag:s10] =	ssyncadd.s32 $0xFFFFE000  }
0xa6: {  	_ =	swait.ge [sflag:s10], $0x800  }
0xa7: {  	s4 =	sld [smem:$0x7D9]  }
0xa8: {  	s5 =	sld [smem:$0x7D8]  }
0xa9: {  	s17 =	rddreg [dreg:$0x5]  }
0xaa: {  	s18 =	rddreg [dreg:$0xa]  }
0xab: {  	s19 =	rddreg [dreg:$0x7]  }
0xac: {  	s20 =	rddreg [dreg:$0xd]  }
0xad: {  	s21 =	rddreg [dreg:$0x9]  }
0xae: {  	s22 =	rddreg [dreg:$0xc]  }
0xaf: {  	s26 =	rddreg [dreg:$0xe]  }
0xb0: {  	s23 =	sld [smem:$0x7DA]  }
0xb1: {  	s24 =	sld [smem:$0x7DC]  }
0xb2: {  	[sflag:s10] =	ssyncset.done $0x0;
	s25 =	sld [smem:$0x7DB]  }
0xb3: {  	s29 =	rddreg [dreg:$0xb];
	[sflag:s10] =	ssyncadd.s32 $0xFFFFF800;
	s16 =	sadd.s32 $0x0, s26  }
0xb4: {  	[hbm4b:s16+s11] =	stream.strided.scatter [tilespmem:s8], [sflag:$0x2], $0xC80, s7, s11, $0x38;
	[tilespmem:$0x1F400] =	vst v63  }
0xb5: {  	s1 =	sld [smem:$0x7DF];
	s28 =	sadd.s32 $0x380, s16  }
0xb6: {  	[hbm4b:s28+s11] =	stream.strided.scatter [tilespmem:s5], [sflag:$0x2], $0xC80, s7, s11, $0x38;
	[tilespmem:$0x1F400] =	vst v63  }
0xb7: {  	s26 =	sld [smem:$0x7DD];
	s2 =	sadd.s32 $0x700, s16  }
0xb8: {  	[hbm4b:s2+s11] =	stream.strided.scatter [tilespmem:s4], [sflag:$0x2], $0xC80, s7, s11, $0x38;
	[tilespmem:$0x1F400] =	vst v63  }
0xb9: {  	s28 =	sld [smem:$0x7DE];
	s4 =	sadd.s32 $0xA80, s16  }
0xba: {  	[hbm4b:s4+s11] =	stream.strided.scatter [tilespmem:s23], [sflag:$0x2], $0xC80, s7, s11, $0x38;
	[tilespmem:$0x1F400] =	vst v63  }
0xbb: {  	s5 =	sadd.s32 $0xE00, s16;
	s2 =	sadd.s32 $0x0, s22;
	s22 =	sld [smem:$0x7E1]  }
0xbc: {  	[hbm4b:s5+s11] =	stream.strided.scatter [tilespmem:s25], [sflag:$0x2], $0xC80, s7, s11, $0x38;
	[tilespmem:$0x1F400] =	vst v63  }
0xbd: {  	s23 =	rddreg [dreg:$0x8];
	s25 =	sadd.s32 $0x0, s20  }
0xbe: {  	[hbm4b:s25+s11] =	stream.strided.scatter [tilespmem:s24], [sflag:$0x2], $0xC80, s7, s11, $0x38;
	[tilespmem:$0x1F400] =	vst v63  }
0xbf: {  	s20 =	sld [smem:$0x7E0]  }
0xc0: {  	[hbm4b:s2+s11] =	stream.strided.scatter [tilespmem:s26], [sflag:$0x2], $0xC80, s7, s11, $0x38;
	[tilespmem:$0x1F400] =	vst v63  }
0xc1: {  	s4 =	sadd.s32 $0x0, s29;
	s5 =	sadd.s32 $0x0, s18;
	s18 =	sld [smem:$0x7E2]  }
0xc2: {  	[hbm4b:s4+s11] =	stream.strided.scatter [tilespmem:s28], [sflag:$0x2], $0xC80, s7, s11, $0x38;
	[tilespmem:$0x1F400] =	vst v63  }
0xc3: {  	s24 =	rddreg [dreg:$0x6]  }
0xc4: {  	[hbm4b:s5+s11] =	stream.strided.scatter [tilespmem:s1], [sflag:$0x2], $0xC80, s7, s11, $0x38;
	[tilespmem:$0x1F400] =	vst v63  }
0xc5: {  	s21 =	sadd.s32 $0x0, s21;
	s25 =	sld [smem:$0x7E3]  }
0xc6: {  	[hbm4b:s21+s11] =	stream.strided.scatter [tilespmem:s20], [sflag:$0x2], $0xC80, s7, s11, $0x38;
	[tilespmem:$0x1F400] =	vst v63  }
0xc7: {  	s26 =	sadd.s32 $0x0, s23;
	s2 =	rddreg [dreg:$0x4]  }
0xc8: {  	[hbm4b:s26+s11] =	stream.strided.scatter [tilespmem:s22], [sflag:$0x2], $0xC80, s7, s11, $0x38;
	[tilespmem:$0x1F400] =	vst v63  }
0xc9: {  	s4 =	sadd.s32 $0x0, s19;
	s5 =	sld [smem:$0x7E4]  }
0xca: {  	[hbm4b:s4+s11] =	stream.strided.scatter [tilespmem:s18], [sflag:$0x2], $0xC80, s7, s11, $0x38;
	[tilespmem:$0x1F400] =	vst v63  }
0xcb: {  	s21 =	sadd.s32 $0x0, s24;
	s24 =	rddreg [dreg:$0x3]  }
0xcc: {  	[hbm4b:s21+s11] =	stream.strided.scatter [tilespmem:s25], [sflag:$0x2], $0xC80, s7, s11, $0x38;
	[tilespmem:$0x1F400] =	vst v63  }
0xcd: {  	s23 =	sadd.s32 $0x0, s17;
	s22 =	sld [smem:$0x7E5]  }
0xce: {  	[hbm4b:s23+s11] =	stream.strided.scatter [tilespmem:s5], [sflag:$0x2], $0xC80, s7, s11, $0x38;
	[tilespmem:$0x1F400] =	vst v63  }
0xcf: {  	s26 =	sld [smem:$0x7E6];
	s25 =	sadd.s32 $0x0, s2  }
0xd0: {  	[hbm4b:s25+s11] =	stream.strided.scatter [tilespmem:s22], [sflag:$0x2], $0xC80, s7, s11, $0x38;
	[tilespmem:$0x1F400] =	vst v63  }
0xd1: {  	s1 =	simm.s32 @!p0 $0x3;
	s2 =	sadd.s32 $0x0, s24  }
0xd2: {  	[hbm4b:s2+s11] =	stream.strided.scatter [tilespmem:s26], [sflag:$0x2], $0xC80, s7, s11, $0x38;
	[tilespmem:$0x1F400] =	vst v63  }
0xd3: {  	_ =	swait.ge @!p0 [sflag:s1], $0xC80  }
0xd4: {  	[sflag:s1] =	ssyncset.done @!p0 $0x0  }
0xd5: {  	[sflag:s1] =	ssyncadd.s32 @!p0 $0xFFFFF380  }
0xd6: {  	_ =	swait.ge @!p0 [sflag:s1], $0xC80  }
0xd7: {  	[sflag:s1] =	ssyncset.done @!p0 $0x0  }
0xd8: {  	[sflag:s1] =	ssyncadd.s32 @!p0 $0xFFFFF380  }
0xd9: {  	_ =	swait.ge @!p0 [sflag:s1], $0xC80  }
0xda: {  	[sflag:s1] =	ssyncset.done @!p0 $0x0  }
0xdb: {  	[sflag:s1] =	ssyncadd.s32 @!p0 $0xFFFFF380  }
0xdc: {  	_ =	swait.ge @!p0 [sflag:s1], $0xC80  }
0xdd: {  	[sflag:s1] =	ssyncset.done @!p0 $0x0  }
0xde: {  	[sflag:s1] =	ssyncadd.s32 @!p0 $0xFFFFF380  }
0xdf: {  	_ =	swait.ge @!p0 [sflag:s1], $0xC80  }
0xe0: {  	[sflag:s1] =	ssyncset.done @!p0 $0x0  }
0xe1: {  	[sflag:s1] =	ssyncadd.s32 @!p0 $0xFFFFF380  }
0xe2: {  	_ =	swait.ge @!p0 [sflag:s1], $0xC80  }
0xe3: {  	[sflag:s1] =	ssyncset.done @!p0 $0x0  }
0xe4: {  	[sflag:s1] =	ssyncadd.s32 @!p0 $0xFFFFF380  }
0xe5: {  	_ =	swait.ge @!p0 [sflag:s1], $0xC80  }
0xe6: {  	[sflag:s1] =	ssyncset.done @!p0 $0x0  }
0xe7: {  	[sflag:s1] =	ssyncadd.s32 @!p0 $0xFFFFF380  }
0xe8: {  	_ =	swait.ge @!p0 [sflag:s1], $0xC80  }
0xe9: {  	[sflag:s1] =	ssyncset.done @!p0 $0x0  }
0xea: {  	[sflag:s1] =	ssyncadd.s32 @!p0 $0xFFFFF380  }
0xeb: {  	_ =	swait.ge @!p0 [sflag:s1], $0xC80  }
0xec: {  	[sflag:s1] =	ssyncset.done @!p0 $0x0  }
0xed: {  	[sflag:s1] =	ssyncadd.s32 @!p0 $0xFFFFF380  }
0xee: {  	_ =	swait.ge @!p0 [sflag:s1], $0xC80  }
0xef: {  	[sflag:s1] =	ssyncset.done @!p0 $0x0  }
0xf0: {  	[sflag:s1] =	ssyncadd.s32 @!p0 $0xFFFFF380  }
0xf1: {  	_ =	swait.ge @!p0 [sflag:s1], $0xC80  }
0xf2: {  	[sflag:s1] =	ssyncset.done @!p0 $0x0  }
0xf3: {  	[sflag:s1] =	ssyncadd.s32 @!p0 $0xFFFFF380  }
0xf4: {  	_ =	swait.ge @!p0 [sflag:s1], $0xC80  }
0xf5: {  	[sflag:s1] =	ssyncset.done @!p0 $0x0  }
0xf6: {  	[sflag:s1] =	ssyncadd.s32 @!p0 $0xFFFFF380  }
0xf7: {  	_ =	swait.ge @!p0 [sflag:s1], $0xC80  }
0xf8: {  	[sflag:s1] =	ssyncset.done @!p0 $0x0  }
0xf9: {  	[sflag:s1] =	ssyncadd.s32 @!p0 $0xFFFFF380  }
0xfa: {  	_ =	swait.ge @!p0 [sflag:s1], $0xC80  }
0xfb: {  	[sflag:s1] =	ssyncset.done @!p0 $0x0  }
0xfc: {  	[sflag:s1] =	ssyncadd.s32 @!p0 $0xFFFFF380  }
0xfd: {  	_ =	swait.ge @!p0 [sflag:s1], $0xC80  }
0xfe: {  	[sflag:s1] =	ssyncset.done @!p0 $0x0  }
0xff: {  	[sflag:s1] =	ssyncadd.s32 @!p0 $0xFFFFF380  }
0x100: {  	_ =	swait.ge @!p0 [sflag:s1], $0xC80  }
0x101: {  	[sflag:s1] =	ssyncset.done @!p0 $0x0  }
0x102: {  	s4 =	simm.s32 $0x320;
	s5 =	sld [smem:$0x7E7];
	[sflag:s1] =	ssyncadd.s32 @!p0 $0xFFFFF380  }
0x103: {  	[tilespmem:s12], [sflag:$0x1] =	stream.indirect.gather [hbm4b:s3+s7], $0x40, s4, s7, $0xb8;
	[tilespmem:$0x1F400] =	vst v63  }
0x104: {  	s17 =	simm.s32 $0x3A0;
	s18 =	sld [smem:$0x7E8]  }
0x105: {  	[tilespmem:s5], [sflag:$0x1] =	stream.indirect.gather [hbm4b:s3+s7], $0x40, s17, s7, $0xb8;
	[tilespmem:$0x1F400] =	vst v63  }
0x106: {  	s19 =	simm.s32 $0x420;
	s20 =	sld [smem:$0x7E9]  }
0x107: {  	[tilespmem:s18], [sflag:$0x1] =	stream.indirect.gather [hbm4b:s3+s7], $0x40, s19, s7, $0xb8;
	[tilespmem:$0x1F400] =	vst v63  }
0x108: {  	s21 =	simm.s32 $0x4A0;
	s22 =	sld [smem:$0x7EA]  }
0x109: {  	[tilespmem:s20], [sflag:$0x1] =	stream.indirect.gather [hbm4b:s3+s7], $0x40, s21, s7, $0xb8;
	[tilespmem:$0x1F400] =	vst v63  }
0x10a: {  	s23 =	simm.s32 $0x520;
	s24 =	sld [smem:$0x7EB]  }
0x10b: {  	[tilespmem:s22], [sflag:$0x1] =	stream.indirect.gather [hbm4b:s3+s7], $0x40, s23, s7, $0xb8;
	[tilespmem:$0x1F400] =	vst v63  }
0x10c: {  	s25 =	simm.s32 $0x5A0;
	s26 =	sld [smem:$0x7EC]  }
0x10d: {  	[tilespmem:s24], [sflag:$0x1] =	stream.indirect.gather [hbm4b:s3+s7], $0x40, s25, s7, $0xb8;
	[tilespmem:$0x1F400] =	vst v63  }
0x10e: {  	s2 =	simm.s32 $0x620  }
0x10f: {  	[tilespmem:s26], [sflag:$0x1] =	stream.indirect.gather [hbm4b:s3+s9], $0x40, s2, s9, $0xb8;
	[tilespmem:$0x1F400] =	vst v63  }
0x110: {  	_ =	swait.ge [sflag:s10], $0x2000  }
0x111: {  	[sflag:s10] =	ssyncset.done $0x0  }
0x112: {  	[sflag:s10] =	ssyncadd.s32 $0xFFFFE000  }
0x113: {  	_ =	swait.ge [sflag:s10], $0x2000  }
0x114: {  	[sflag:s10] =	ssyncset.done $0x0  }
0x115: {  	[sflag:s10] =	ssyncadd.s32 $0xFFFFE000  }
0x116: {  	_ =	swait.ge [sflag:s10], $0x2000  }
0x117: {  	[sflag:s10] =	ssyncset.done $0x0  }
0x118: {  	[sflag:s10] =	ssyncadd.s32 $0xFFFFE000  }
0x119: {  	_ =	swait.ge [sflag:s10], $0x2000  }
0x11a: {  	[sflag:s10] =	ssyncset.done $0x0  }
0x11b: {  	[sflag:s10] =	ssyncadd.s32 $0xFFFFE000  }
0x11c: {  	_ =	swait.ge [sflag:s10], $0x2000  }
0x11d: {  	[sflag:s10] =	ssyncset.done $0x0  }
0x11e: {  	[sflag:s10] =	ssyncadd.s32 $0xFFFFE000  }
0x11f: {  	_ =	swait.ge [sflag:s10], $0x2000  }
0x120: {  	[sflag:s10] =	ssyncset.done $0x0  }
0x121: {  	[sflag:s10] =	ssyncadd.s32 $0xFFFFE000  }
0x122: {  	_ =	swait.ge [sflag:s10], $0x800  }
0x123: {  	s20 =	rddreg [dreg:$0xf]  }
0x124: {  	s24 =	rddreg [dreg:$0x16]  }
0x125: {  	s23 =	sld [smem:$0x7F5]  }
0x126: {  	s22 =	rddreg [dreg:$0x13]  }
0x127: {  	s21 =	rddreg [dreg:$0x11]  }
0x128: {  	s0 =	sld [smem:$0x7EF]  }
0x129: {  	s1 =	rddreg [dreg:$0x17]  }
0x12a: {  	s28 =	sld [smem:$0x7F0]  }
0x12b: {  	s18 =	rddreg [dreg:$0x19]  }
0x12c: {  	s25 =	rddreg [dreg:$0x18]  }
0x12d: {  	s2 =	rddreg [dreg:$0x1a]  }
0x12e: {  	s17 =	sld [smem:$0x7ED]  }
0x12f: {  	s19 =	sld [smem:$0x7EE]  }
0x130: {  	[sflag:s10] =	ssyncset.done $0x0;
	s31 =	rddreg [dreg:$0x1b]  }
0x131: {  	s4 =	sadd.s32 $0x3800, s16;
	s29 =	rddreg [dreg:$0x15];
	[sflag:s10] =	ssyncadd.s32 $0xFFFFF800  }
0x132: {  	[hbm4b:s4+s11] =	stream.strided.scatter [tilespmem:s12], [sflag:$0x3], $0xC80, s7, s11, $0x38;
	[tilespmem:$0x1F400] =	vst v63  }
0x133: {  	s5 =	sadd.s32 $0x3B80, s16;
	s16 =	sadd.s32 $0x3F00, s16;
	s30 =	rddreg [dreg:$0x14]  }
0x134: {  	[hbm4b:s5+s11] =	stream.strided.scatter [tilespmem:s17], [sflag:$0x3], $0xC80, s7, s11, $0x38;
	[tilespmem:$0x1F400] =	vst v63  }
0x135: {  	s26 =	sadd.s32 $0x0, s1;
	s1 =	sld [smem:$0x7F1];
	s17 =	simm.s32 $0x7000  }
0x136: {  	[hbm4b:s16+s11] =	stream.strided.scatter [tilespmem:s19], [sflag:$0x3], $0xC80, s7, s11, $0x38;
	[tilespmem:$0x1F400] =	vst v63  }
0x137: {  	s19 =	sadd.s32 $0x0, s31;
	s31 =	sadd.s32 $0x0, s18;
	s18 =	simm.s32 $0x960  }
0x138: {  	[hbm4b:s19+s11] =	stream.strided.scatter [tilespmem:s0], [sflag:$0x3], $0xC80, s7, s11, $0x38;
	[tilespmem:$0x1F400] =	vst v63  }
0x139: {  	s16 =	simm.s32 $0x0;
	s19 =	rddreg [dreg:$0x12];
	s0 =	sadd.s32 $0x0, s2  }
.LBB2_2:
0x13a: {  	[hbm4b:s0+s11] =	stream.strided.scatter [tilespmem:s28], [sflag:$0x3], $0xC80, s7, s11, $0x38;
	[tilespmem:$0x1F400] =	vst v63  }
0x13b: {  	s0 =	sld [smem:$0x7F2]  }
0x13c: {  	[hbm4b:s31+s11] =	stream.strided.scatter [tilespmem:s1], [sflag:$0x3], $0xC80, s7, s11, $0x38;
	[tilespmem:$0x1F400] =	vst v63  }
0x13d: {  	s4 =	sadd.s32 s16, s25;
	s5 =	sld [smem:$0x7F3]  }
0x13e: {  	[hbm4b:s4+s11] =	stream.strided.scatter [tilespmem:s0], [sflag:$0x3], $0xC80, s7, s11, $0x38;
	[tilespmem:$0x1F400] =	vst v63  }
0x13f: {  	s0 =	rddreg [dreg:$0x10]  }
0x140: {  	[hbm4b:s26+s11] =	stream.strided.scatter [tilespmem:s5], [sflag:$0x3], $0xC80, s7, s11, $0x38;
	[tilespmem:$0x1F400] =	vst v63  }
0x141: {  	s4 =	sadd.s32 s16, s24;
	s5 =	sld [smem:$0x7F7]  }
0x142: {  	[hbm4b:s4+s11] =	stream.strided.scatter [tilespmem:s23], [sflag:$0x3], $0xC80, s7, s11, $0x38;
	[tilespmem:$0x1F400] =	vst v63  }
0x143: {  	s25 =	sadd.s32 s16, s29;
	s26 =	sld [smem:$0x7F8]  }
0x144: {  	[hbm4b:s25+s11] =	stream.strided.scatter [tilespmem:s5], [sflag:$0x3], $0xC80, s7, s11, $0x38;
	[tilespmem:$0x1F400] =	vst v63  }
0x145: {  	s4 =	sadd.s32 s16, s30;
	s5 =	sld [smem:$0x7F9]  }
0x146: {  	[hbm4b:s4+s11] =	stream.strided.scatter [tilespmem:s26], [sflag:$0x3], $0xC80, s7, s11, $0x38;
	[tilespmem:$0x1F400] =	vst v63  }
0x147: {  	s22 =	sadd.s32 s16, s22;
	s23 =	sld [smem:$0x7FA]  }
0x148: {  	[hbm4b:s22+s11] =	stream.strided.scatter [tilespmem:s5], [sflag:$0x3], $0xC80, s7, s11, $0x38;
	[tilespmem:$0x1F400] =	vst v63  }
0x149: {  	s24 =	sadd.s32 s16, s19;
	s25 =	sld [smem:$0x7FB]  }
0x14a: {  	[hbm4b:s24+s11] =	stream.strided.scatter [tilespmem:s23], [sflag:$0x3], $0xC80, s7, s11, $0x38;
	[tilespmem:$0x1F400] =	vst v63  }
0x14b: {  	s2 =	smov.u32 s17;
	s26 =	sadd.s32 s16, s21;
	s4 =	sld [smem:$0x7FC]  }
0x14c: {  	[hbm4b:s26+s11] =	stream.strided.scatter [tilespmem:s25], [sflag:$0x3], $0xC80, s7, s11, $0x38;
	[tilespmem:$0x1F400] =	vst v63  }
0x14d: {  	p1 =	seq.s32 s2, $0x0;
	s0 =	sadd.s32 s16, s0;
	s5 =	sld [smem:$0x7FD]  }
0x14e: {  	[hbm4b:s0+s11] =	stream.strided.scatter [tilespmem:s4], [sflag:$0x3], $0xC80, s7, s11, $0x38;
	[tilespmem:$0x1F400] =	vst v63  }
0x14f: {  	s20 =	sadd.s32 s16, s20;
	s19 =	simm.s32 @!p1 $0x2  }
0x150: {  	[hbm4b:s20+s11] =	stream.strided.scatter [tilespmem:s5], [sflag:$0x3], $0xC80, s7, s11, $0x38;
	[tilespmem:$0x1F400] =	vst v63  }
0x151: {  	_ =	swait.ge @!p1 [sflag:s19], $0xC80  }
0x152: {  	[sflag:s19] =	ssyncset.done @!p1 $0x0  }
0x153: {  	[sflag:s19] =	ssyncadd.s32 @!p1 $0xFFFFF380  }
0x154: {  	_ =	swait.ge @!p1 [sflag:s19], $0xC80  }
0x155: {  	[sflag:s19] =	ssyncset.done @!p1 $0x0  }
0x156: {  	[sflag:s19] =	ssyncadd.s32 @!p1 $0xFFFFF380  }
0x157: {  	_ =	swait.ge @!p1 [sflag:s19], $0xC80  }
0x158: {  	[sflag:s19] =	ssyncset.done @!p1 $0x0  }
0x159: {  	[sflag:s19] =	ssyncadd.s32 @!p1 $0xFFFFF380  }
0x15a: {  	_ =	swait.ge @!p1 [sflag:s19], $0xC80  }
0x15b: {  	[sflag:s19] =	ssyncset.done @!p1 $0x0  }
0x15c: {  	[sflag:s19] =	ssyncadd.s32 @!p1 $0xFFFFF380  }
0x15d: {  	_ =	swait.ge @!p1 [sflag:s19], $0xC80  }
0x15e: {  	[sflag:s19] =	ssyncset.done @!p1 $0x0  }
0x15f: {  	[sflag:s19] =	ssyncadd.s32 @!p1 $0xFFFFF380  }
0x160: {  	_ =	swait.ge @!p1 [sflag:s19], $0xC80  }
0x161: {  	[sflag:s19] =	ssyncset.done @!p1 $0x0  }
0x162: {  	[sflag:s19] =	ssyncadd.s32 @!p1 $0xFFFFF380  }
0x163: {  	_ =	swait.ge @!p1 [sflag:s19], $0xC80  }
0x164: {  	[sflag:s19] =	ssyncset.done @!p1 $0x0  }
0x165: {  	[sflag:s19] =	ssyncadd.s32 @!p1 $0xFFFFF380  }
0x166: {  	_ =	swait.ge @!p1 [sflag:s19], $0xC80  }
0x167: {  	[sflag:s19] =	ssyncset.done @!p1 $0x0  }
0x168: {  	[sflag:s19] =	ssyncadd.s32 @!p1 $0xFFFFF380  }
0x169: {  	_ =	swait.ge @!p1 [sflag:s19], $0xC80  }
0x16a: {  	[sflag:s19] =	ssyncset.done @!p1 $0x0  }
0x16b: {  	[sflag:s19] =	ssyncadd.s32 @!p1 $0xFFFFF380  }
0x16c: {  	_ =	swait.ge @!p1 [sflag:s19], $0xC80  }
0x16d: {  	[sflag:s19] =	ssyncset.done @!p1 $0x0  }
0x16e: {  	[sflag:s19] =	ssyncadd.s32 @!p1 $0xFFFFF380  }
0x16f: {  	_ =	swait.ge @!p1 [sflag:s19], $0xC80  }
0x170: {  	[sflag:s19] =	ssyncset.done @!p1 $0x0  }
0x171: {  	[sflag:s19] =	ssyncadd.s32 @!p1 $0xFFFFF380  }
0x172: {  	_ =	swait.ge @!p1 [sflag:s19], $0xC80  }
0x173: {  	[sflag:s19] =	ssyncset.done @!p1 $0x0  }
0x174: {  	[sflag:s19] =	ssyncadd.s32 @!p1 $0xFFFFF380  }
0x175: {  	_ =	swait.ge @!p1 [sflag:s19], $0xC80  }
0x176: {  	[sflag:s19] =	ssyncset.done @!p1 $0x0  }
0x177: {  	[sflag:s19] =	ssyncadd.s32 @!p1 $0xFFFFF380  }
0x178: {  	_ =	swait.ge @!p1 [sflag:s19], $0xC80  }
0x179: {  	[sflag:s19] =	ssyncset.done @!p1 $0x0  }
0x17a: {  	[sflag:s19] =	ssyncadd.s32 @!p1 $0xFFFFF380  }
0x17b: {  	_ =	swait.ge @!p1 [sflag:s19], $0xC80  }
0x17c: {  	[sflag:s19] =	ssyncset.done @!p1 $0x0  }
0x17d: {  	[sflag:s19] =	ssyncadd.s32 @!p1 $0xFFFFF380  }
0x17e: {  	_ =	swait.ge @!p1 [sflag:s19], $0xC80  }
0x17f: {  	[sflag:s19] =	ssyncset.done @!p1 $0x0  }
0x180: {  	s22 =	sadd.s32 $0xFFFFFCE0, s18;
	s21 =	rddreg [dreg:$0x1c];
	[sflag:s19] =	ssyncadd.s32 @!p1 $0xFFFFF380  }
0x181: {  	[tilespmem:s8], [sflag:$0x1] =	stream.indirect.gather [hbm4b:s3+s7], $0x40, s22, s7, $0xb8;
	[tilespmem:$0x1F400] =	vst v63  }
0x182: {  	s23 =	sadd.s32 $0xFFFFFD60, s18;
	s24 =	rddreg [dreg:$0x1d]  }
0x183: {  	[tilespmem:s21], [sflag:$0x1] =	stream.indirect.gather [hbm4b:s3+s7], $0x40, s23, s7, $0xb8;
	[tilespmem:$0x1F400] =	vst v63  }
0x184: {  	s25 =	sadd.s32 $0xFFFFFDE0, s18;
	s26 =	rddreg [dreg:$0x1e]  }
0x185: {  	[tilespmem:s24], [sflag:$0x1] =	stream.indirect.gather [hbm4b:s3+s7], $0x40, s25, s7, $0xb8;
	[tilespmem:$0x1F400] =	vst v63  }
0x186: {  	s4 =	sadd.s32 $0xFFFFFE60, s18;
	s5 =	rddreg [dreg:$0x1f]  }
0x187: {  	[tilespmem:s26], [sflag:$0x1] =	stream.indirect.gather [hbm4b:s3+s7], $0x40, s4, s7, $0xb8;
	[tilespmem:$0x1F400] =	vst v63  }
0x188: {  	s20 =	sld [smem:$0x7D6];
	s19 =	sadd.s32 $0xFFFFFEE0, s18  }
0x189: {  	[tilespmem:s5], [sflag:$0x1] =	stream.indirect.gather [hbm4b:s3+s7], $0x40, s19, s7, $0xb8;
	[tilespmem:$0x1F400] =	vst v63  }
0x18a: {  	s22 =	sld [smem:$0x7D7];
	s21 =	sadd.s32 $0xFFFFFF60, s18  }
0x18b: {  	[tilespmem:s20], [sflag:$0x1] =	stream.indirect.gather [hbm4b:s3+s7], $0x40, s21, s7, $0xb8;
	[tilespmem:$0x1F400] =	vst v63  }
0x18c: {  	s23 =	sadd.s32 $0xFFFFFFE0, s18  }
0x18d: {  	[tilespmem:s22], [sflag:$0x1] =	stream.indirect.gather [hbm4b:s3+s9], $0x40, s23, s9, $0xb8;
	[tilespmem:$0x1F400] =	vst v63  }
0x18e: {  	_ =	swait.ge [sflag:s10], $0x2000  }
0x18f: {  	[sflag:s10] =	ssyncset.done $0x0  }
0x190: {  	[sflag:s10] =	ssyncadd.s32 $0xFFFFE000  }
0x191: {  	_ =	swait.ge [sflag:s10], $0x2000  }
0x192: {  	[sflag:s10] =	ssyncset.done $0x0  }
0x193: {  	[sflag:s10] =	ssyncadd.s32 $0xFFFFE000  }
0x194: {  	_ =	swait.ge [sflag:s10], $0x2000  }
0x195: {  	[sflag:s10] =	ssyncset.done $0x0  }
0x196: {  	[sflag:s10] =	ssyncadd.s32 $0xFFFFE000  }
0x197: {  	_ =	swait.ge [sflag:s10], $0x2000  }
0x198: {  	[sflag:s10] =	ssyncset.done $0x0  }
0x199: {  	[sflag:s10] =	ssyncadd.s32 $0xFFFFE000  }
0x19a: {  	_ =	swait.ge [sflag:s10], $0x2000  }
0x19b: {  	[sflag:s10] =	ssyncset.done $0x0  }
0x19c: {  	[sflag:s10] =	ssyncadd.s32 $0xFFFFE000  }
0x19d: {  	_ =	swait.ge [sflag:s10], $0x2000  }
0x19e: {  	[sflag:s10] =	ssyncset.done $0x0  }
0x19f: {  	[sflag:s10] =	ssyncadd.s32 $0xFFFFE000  }
0x1a0: {  	_ =	swait.ge [sflag:s10], $0x800  }
0x1a1: {  	s0 =	sld [smem:$0x7D9]  }
0x1a2: {  	s1 =	sld [smem:$0x7D8]  }
0x1a3: {  	s20 =	rddreg [dreg:$0x5]  }
0x1a4: {  	s16 =	smov.u32 s2;
	s2 =	rddreg [dreg:$0xa]  }
0x1a5: {  	s21 =	rddreg [dreg:$0x7]  }
0x1a6: {  	s24 =	rddreg [dreg:$0xd]  }
0x1a7: {  	s23 =	rddreg [dreg:$0x9]  }
0x1a8: {  	s4 =	rddreg [dreg:$0xc]  }
0x1a9: {  	s5 =	rddreg [dreg:$0xe]  }
0x1aa: {  	s25 =	sld [smem:$0x7DA]  }
0x1ab: {  	s26 =	sld [smem:$0x7DC]  }
0x1ac: {  	[sflag:s10] =	ssyncset.done $0x0;
	s28 =	sld [smem:$0x7DB]  }
0x1ad: {  	s29 =	sld [smem:$0x7DD];
	[sflag:s10] =	ssyncadd.s32 $0xFFFFF800;
	s19 =	sadd.s32 s16, s5  }
0x1ae: {  	[hbm4b:s19+s11] =	stream.strided.scatter [tilespmem:s8], [sflag:$0x2], $0xC80, s7, s11, $0x38;
	[tilespmem:$0x1F400] =	vst v63  }
0x1af: {  	s31 =	rddreg [dreg:$0xb];
	s22 =	sadd.s32 s16, s24;
	s30 =	sadd.s32 $0x380, s19  }
0x1b0: {  	[hbm4b:s30+s11] =	stream.strided.scatter [tilespmem:s1], [sflag:$0x2], $0xC80, s7, s11, $0x38;
	[tilespmem:$0x1F400] =	vst v63  }
0x1b1: {  	s24 =	sadd.s32 s16, s4;
	s4 =	sadd.s32 $0x700, s19;
	s30 =	sld [smem:$0x7DE]  }
0x1b2: {  	[hbm4b:s4+s11] =	stream.strided.scatter [tilespmem:s0], [sflag:$0x2], $0xC80, s7, s11, $0x38;
	[tilespmem:$0x1F400] =	vst v63  }
0x1b3: {  	s5 =	sadd.s32 $0xA80, s19;
	s1 =	sadd.s32 s16, s31;
	s31 =	sld [smem:$0x7DF]  }
0x1b4: {  	[hbm4b:s5+s11] =	stream.strided.scatter [tilespmem:s25], [sflag:$0x2], $0xC80, s7, s11, $0x38;
	[tilespmem:$0x1F400] =	vst v63  }
0x1b5: {  	s4 =	sadd.s32 $0xE00, s19;
	s0 =	sld [smem:$0x7E0]  }
0x1b6: {  	[hbm4b:s4+s11] =	stream.strided.scatter [tilespmem:s28], [sflag:$0x2], $0xC80, s7, s11, $0x38;
	[tilespmem:$0x1F400] =	vst v63  }
0x1b7: {  	s5 =	rddreg [dreg:$0x8]  }
0x1b8: {  	[hbm4b:s22+s11] =	stream.strided.scatter [tilespmem:s26], [sflag:$0x2], $0xC80, s7, s11, $0x38;
	[tilespmem:$0x1F400] =	vst v63  }
0x1b9: {  	s4 =	rddreg [dreg:$0x6]  }
0x1ba: {  	[hbm4b:s24+s11] =	stream.strided.scatter [tilespmem:s29], [sflag:$0x2], $0xC80, s7, s11, $0x38;
	[tilespmem:$0x1F400] =	vst v63  }
0x1bb: {  	s25 =	sadd.s32 s16, s4;
	s4 =	sld [smem:$0x7E4]  }
0x1bc: {  	[hbm4b:s1+s11] =	stream.strided.scatter [tilespmem:s30], [sflag:$0x2], $0xC80, s7, s11, $0x38;
	[tilespmem:$0x1F400] =	vst v63  }
0x1bd: {  	s2 =	sadd.s32 s16, s2;
	s26 =	sadd.s32 s16, s23;
	s23 =	sld [smem:$0x7E1]  }
0x1be: {  	[hbm4b:s2+s11] =	stream.strided.scatter [tilespmem:s31], [sflag:$0x2], $0xC80, s7, s11, $0x38;
	[tilespmem:$0x1F400] =	vst v63  }
0x1bf: {  	s24 =	sadd.s32 s16, s5;
	s5 =	sadd.s32 s16, s21;
	s21 =	sld [smem:$0x7E3]  }
0x1c0: {  	[hbm4b:s26+s11] =	stream.strided.scatter [tilespmem:s0], [sflag:$0x2], $0xC80, s7, s11, $0x38;
	[tilespmem:$0x1F400] =	vst v63  }
0x1c1: {  	s1 =	sld [smem:$0x7E2]  }
0x1c2: {  	[hbm4b:s24+s11] =	stream.strided.scatter [tilespmem:s23], [sflag:$0x2], $0xC80, s7, s11, $0x38;
	[tilespmem:$0x1F400] =	vst v63  }
0x1c3: {  	s26 =	rddreg [dreg:$0x4]  }
0x1c4: {  	[hbm4b:s5+s11] =	stream.strided.scatter [tilespmem:s1], [sflag:$0x2], $0xC80, s7, s11, $0x38;
	[tilespmem:$0x1F400] =	vst v63  }
0x1c5: {  	s24 =	rddreg [dreg:$0x3]  }
0x1c6: {  	[hbm4b:s25+s11] =	stream.strided.scatter [tilespmem:s21], [sflag:$0x2], $0xC80, s7, s11, $0x38;
	[tilespmem:$0x1F400] =	vst v63  }
0x1c7: {  	s5 =	sadd.s32 s16, s20;
	s20 =	sld [smem:$0x7E5]  }
0x1c8: {  	[hbm4b:s5+s11] =	stream.strided.scatter [tilespmem:s4], [sflag:$0x2], $0xC80, s7, s11, $0x38;
	[tilespmem:$0x1F400] =	vst v63  }
0x1c9: {  	s22 =	sadd.s32 s16, s26;
	s25 =	sld [smem:$0x7E6]  }
0x1ca: {  	[hbm4b:s22+s11] =	stream.strided.scatter [tilespmem:s20], [sflag:$0x2], $0xC80, s7, s11, $0x38;
	[tilespmem:$0x1F400] =	vst v63  }
0x1cb: {  	s26 =	sadd.s32 s16, s24;
	s20 =	simm.s32 @!p1 $0x3  }
0x1cc: {  	[hbm4b:s26+s11] =	stream.strided.scatter [tilespmem:s25], [sflag:$0x2], $0xC80, s7, s11, $0x38;
	[tilespmem:$0x1F400] =	vst v63  }
0x1cd: {  	_ =	swait.ge @!p1 [sflag:s20], $0xC80  }
0x1ce: {  	[sflag:s20] =	ssyncset.done @!p1 $0x0  }
0x1cf: {  	[sflag:s20] =	ssyncadd.s32 @!p1 $0xFFFFF380  }
0x1d0: {  	_ =	swait.ge @!p1 [sflag:s20], $0xC80  }
0x1d1: {  	[sflag:s20] =	ssyncset.done @!p1 $0x0  }
0x1d2: {  	[sflag:s20] =	ssyncadd.s32 @!p1 $0xFFFFF380  }
0x1d3: {  	_ =	swait.ge @!p1 [sflag:s20], $0xC80  }
0x1d4: {  	[sflag:s20] =	ssyncset.done @!p1 $0x0  }
0x1d5: {  	[sflag:s20] =	ssyncadd.s32 @!p1 $0xFFFFF380  }
0x1d6: {  	_ =	swait.ge @!p1 [sflag:s20], $0xC80  }
0x1d7: {  	[sflag:s20] =	ssyncset.done @!p1 $0x0  }
0x1d8: {  	[sflag:s20] =	ssyncadd.s32 @!p1 $0xFFFFF380  }
0x1d9: {  	_ =	swait.ge @!p1 [sflag:s20], $0xC80  }
0x1da: {  	[sflag:s20] =	ssyncset.done @!p1 $0x0  }
0x1db: {  	[sflag:s20] =	ssyncadd.s32 @!p1 $0xFFFFF380  }
0x1dc: {  	_ =	swait.ge @!p1 [sflag:s20], $0xC80  }
0x1dd: {  	[sflag:s20] =	ssyncset.done @!p1 $0x0  }
0x1de: {  	[sflag:s20] =	ssyncadd.s32 @!p1 $0xFFFFF380  }
0x1df: {  	_ =	swait.ge @!p1 [sflag:s20], $0xC80  }
0x1e0: {  	[sflag:s20] =	ssyncset.done @!p1 $0x0  }
0x1e1: {  	[sflag:s20] =	ssyncadd.s32 @!p1 $0xFFFFF380  }
0x1e2: {  	_ =	swait.ge @!p1 [sflag:s20], $0xC80  }
0x1e3: {  	[sflag:s20] =	ssyncset.done @!p1 $0x0  }
0x1e4: {  	[sflag:s20] =	ssyncadd.s32 @!p1 $0xFFFFF380  }
0x1e5: {  	_ =	swait.ge @!p1 [sflag:s20], $0xC80  }
0x1e6: {  	[sflag:s20] =	ssyncset.done @!p1 $0x0  }
0x1e7: {  	[sflag:s20] =	ssyncadd.s32 @!p1 $0xFFFFF380  }
0x1e8: {  	_ =	swait.ge @!p1 [sflag:s20], $0xC80  }
0x1e9: {  	[sflag:s20] =	ssyncset.done @!p1 $0x0  }
0x1ea: {  	[sflag:s20] =	ssyncadd.s32 @!p1 $0xFFFFF380  }
0x1eb: {  	_ =	swait.ge @!p1 [sflag:s20], $0xC80  }
0x1ec: {  	[sflag:s20] =	ssyncset.done @!p1 $0x0  }
0x1ed: {  	[sflag:s20] =	ssyncadd.s32 @!p1 $0xFFFFF380  }
0x1ee: {  	_ =	swait.ge @!p1 [sflag:s20], $0xC80  }
0x1ef: {  	[sflag:s20] =	ssyncset.done @!p1 $0x0  }
0x1f0: {  	[sflag:s20] =	ssyncadd.s32 @!p1 $0xFFFFF380  }
0x1f1: {  	_ =	swait.ge @!p1 [sflag:s20], $0xC80  }
0x1f2: {  	[sflag:s20] =	ssyncset.done @!p1 $0x0  }
0x1f3: {  	[sflag:s20] =	ssyncadd.s32 @!p1 $0xFFFFF380  }
0x1f4: {  	_ =	swait.ge @!p1 [sflag:s20], $0xC80  }
0x1f5: {  	[sflag:s20] =	ssyncset.done @!p1 $0x0  }
0x1f6: {  	[sflag:s20] =	ssyncadd.s32 @!p1 $0xFFFFF380  }
0x1f7: {  	_ =	swait.ge @!p1 [sflag:s20], $0xC80  }
0x1f8: {  	[sflag:s20] =	ssyncset.done @!p1 $0x0  }
0x1f9: {  	[sflag:s20] =	ssyncadd.s32 @!p1 $0xFFFFF380  }
0x1fa: {  	_ =	swait.ge @!p1 [sflag:s20], $0xC80  }
0x1fb: {  	[sflag:s20] =	ssyncset.done @!p1 $0x0  }
0x1fc: {  	s1 =	sld [smem:$0x7E7];
	[sflag:s20] =	ssyncadd.s32 @!p1 $0xFFFFF380  }
0x1fd: {  	[tilespmem:s12], [sflag:$0x1] =	stream.indirect.gather [hbm4b:s3+s7], $0x40, s18, s7, $0xb8;
	[tilespmem:$0x1F400] =	vst v63  }
0x1fe: {  	s2 =	sadd.s32 $0x80, s18;
	s4 =	sld [smem:$0x7E8]  }
0x1ff: {  	[tilespmem:s1], [sflag:$0x1] =	stream.indirect.gather [hbm4b:s3+s7], $0x40, s2, s7, $0xb8;
	[tilespmem:$0x1F400] =	vst v63  }
0x200: {  	s5 =	sadd.s32 $0x100, s18;
	s20 =	sld [smem:$0x7E9]  }
0x201: {  	[tilespmem:s4], [sflag:$0x1] =	stream.indirect.gather [hbm4b:s3+s7], $0x40, s5, s7, $0xb8;
	[tilespmem:$0x1F400] =	vst v63  }
0x202: {  	s21 =	sadd.s32 $0x180, s18;
	s22 =	sld [smem:$0x7EA]  }
0x203: {  	[tilespmem:s20], [sflag:$0x1] =	stream.indirect.gather [hbm4b:s3+s7], $0x40, s21, s7, $0xb8;
	[tilespmem:$0x1F400] =	vst v63  }
0x204: {  	s23 =	sadd.s32 $0x200, s18;
	s24 =	sld [smem:$0x7EB]  }
0x205: {  	[tilespmem:s22], [sflag:$0x1] =	stream.indirect.gather [hbm4b:s3+s7], $0x40, s23, s7, $0xb8;
	[tilespmem:$0x1F400] =	vst v63  }
0x206: {  	s25 =	sadd.s32 $0x280, s18;
	s26 =	sld [smem:$0x7EC]  }
0x207: {  	[tilespmem:s24], [sflag:$0x1] =	stream.indirect.gather [hbm4b:s3+s7], $0x40, s25, s7, $0xb8;
	[tilespmem:$0x1F400] =	vst v63  }
0x208: {  	s1 =	sadd.s32 $0x300, s18  }
0x209: {  	[tilespmem:s26], [sflag:$0x1] =	stream.indirect.gather [hbm4b:s3+s9], $0x40, s1, s9, $0xb8;
	[tilespmem:$0x1F400] =	vst v63  }
0x20a: {  	_ =	swait.ge [sflag:s10], $0x2000  }
0x20b: {  	[sflag:s10] =	ssyncset.done $0x0  }
0x20c: {  	[sflag:s10] =	ssyncadd.s32 $0xFFFFE000  }
0x20d: {  	_ =	swait.ge [sflag:s10], $0x2000  }
0x20e: {  	[sflag:s10] =	ssyncset.done $0x0  }
0x20f: {  	[sflag:s10] =	ssyncadd.s32 $0xFFFFE000  }
0x210: {  	_ =	swait.ge [sflag:s10], $0x2000  }
0x211: {  	[sflag:s10] =	ssyncset.done $0x0  }
0x212: {  	[sflag:s10] =	ssyncadd.s32 $0xFFFFE000  }
0x213: {  	_ =	swait.ge [sflag:s10], $0x2000  }
0x214: {  	[sflag:s10] =	ssyncset.done $0x0  }
0x215: {  	[sflag:s10] =	ssyncadd.s32 $0xFFFFE000  }
0x216: {  	_ =	swait.ge [sflag:s10], $0x2000  }
0x217: {  	[sflag:s10] =	ssyncset.done $0x0  }
0x218: {  	[sflag:s10] =	ssyncadd.s32 $0xFFFFE000  }
0x219: {  	_ =	swait.ge [sflag:s10], $0x2000  }
0x21a: {  	[sflag:s10] =	ssyncset.done $0x0  }
0x21b: {  	[sflag:s10] =	ssyncadd.s32 $0xFFFFE000  }
0x21c: {  	_ =	swait.ge [sflag:s10], $0x800  }
0x21d: {  	s20 =	rddreg [dreg:$0xf]  }
0x21e: {  	s24 =	rddreg [dreg:$0x16]  }
0x21f: {  	s23 =	sld [smem:$0x7F5]  }
0x220: {  	s22 =	rddreg [dreg:$0x13]  }
0x221: {  	s21 =	rddreg [dreg:$0x11]  }
0x222: {  	s0 =	sld [smem:$0x7EF]  }
0x223: {  	s4 =	rddreg [dreg:$0x17]  }
0x224: {  	s28 =	sld [smem:$0x7F0]  }
0x225: {  	s5 =	rddreg [dreg:$0x19]  }
0x226: {  	s25 =	rddreg [dreg:$0x18]  }
0x227: {  	s17 =	sadd.s32 $0x7000, s17;
	s1 =	rddreg [dreg:$0x1a]  }
0x228: {  	p0 =	sne.s32 s17, $0x70000;
	s30 =	sld [smem:$0x7ED]  }
0x229: {  	s29 =	sadd.s32 $0x3800, s19;
	[sflag:s10] =	ssyncset.done $0x0;
	s2 =	sld [smem:$0x7EE]  }
0x22a: {  	[sflag:s10] =	ssyncadd.s32 $0xFFFFF800;
	s26 =	sadd.s32 s16, s4;
	s4 =	rddreg [dreg:$0x1b]  }
0x22b: {  	[hbm4b:s29+s11] =	stream.strided.scatter [tilespmem:s12], [sflag:$0x3], $0xC80, s7, s11, $0x38;
	[tilespmem:$0x1F400] =	vst v63  }
0x22c: {  	s31 =	sadd.s32 s16, s5;
	s5 =	sadd.s32 $0x3B80, s19;
	s29 =	rddreg [dreg:$0x15]  }
0x22d: {  	[hbm4b:s5+s11] =	stream.strided.scatter [tilespmem:s30], [sflag:$0x3], $0xC80, s7, s11, $0x38;
	[tilespmem:$0x1F400] =	vst v63  }
.Ltmp0:
0x22e: {  	s19 =	sadd.s32 $0x3F00, s19;
	s30 =	rddreg [dreg:$0x14];
	(pc) =	sbr.rel @p0 .LBB2_2-.Ltmp0, $4  }
0x22f: {  	[hbm4b:s19+s11] =	stream.strided.scatter [tilespmem:s2], [sflag:$0x3], $0xC80, s7, s11, $0x38;
	[tilespmem:$0x1F400] =	vst v63  }
0x230: {  	s5 =	sadd.s32 s16, s4;
	s19 =	rddreg [dreg:$0x12]  }
0x231: {  	[hbm4b:s5+s11] =	stream.strided.scatter [tilespmem:s0], [sflag:$0x3], $0xC80, s7, s11, $0x38;
	[tilespmem:$0x1F400] =	vst v63  }
0x232: {  	s18 =	sadd.s32 $0x640, s18;
	s0 =	sadd.s32 s16, s1;
	s1 =	sld [smem:$0x7F1]  }
0x233: {  	[hbm4b:s0+s11] =	stream.strided.scatter [tilespmem:s28], [sflag:$0x3], $0xC80, s7, s11, $0x38;
	[tilespmem:$0x1F400] =	vst v63  }
0x234: {  	s18 =	sld [smem:$0x7F2]  }
0x235: {  	[hbm4b:s31+s11] =	stream.strided.scatter [tilespmem:s1], [sflag:$0x3], $0xC80, s7, s11, $0x38;
	[tilespmem:$0x1F400] =	vst v63  }
0x236: {  	s25 =	sadd.s32 s16, s25;
	s2 =	sld [smem:$0x7F3]  }
0x237: {  	[hbm4b:s25+s11] =	stream.strided.scatter [tilespmem:s18], [sflag:$0x3], $0xC80, s7, s11, $0x38;
	[tilespmem:$0x1F400] =	vst v63  }
0x238: {  	s0 =	rddreg [dreg:$0x10]  }
0x239: {  	[hbm4b:s26+s11] =	stream.strided.scatter [tilespmem:s2], [sflag:$0x3], $0xC80, s7, s11, $0x38;
	[tilespmem:$0x1F400] =	vst v63  }
0x23a: {  	s28 =	sadd.s32 s16, s24;
	s31 =	sld [smem:$0x7F7]  }
0x23b: {  	[hbm4b:s28+s11] =	stream.strided.scatter [tilespmem:s23], [sflag:$0x3], $0xC80, s7, s11, $0x38;
	[tilespmem:$0x1F400] =	vst v63  }
0x23c: {  	s5 =	sadd.s32 s16, s29;
	s4 =	sld [smem:$0x7F8]  }
0x23d: {  	[hbm4b:s5+s11] =	stream.strided.scatter [tilespmem:s31], [sflag:$0x3], $0xC80, s7, s11, $0x38;
	[tilespmem:$0x1F400] =	vst v63  }
0x23e: {  	s17 =	sadd.s32 s16, s30;
	s18 =	sld [smem:$0x7F9]  }
0x23f: {  	[hbm4b:s17+s11] =	stream.strided.scatter [tilespmem:s4], [sflag:$0x3], $0xC80, s7, s11, $0x38;
	[tilespmem:$0x1F400] =	vst v63  }
0x240: {  	s22 =	sadd.s32 s16, s22;
	s23 =	sld [smem:$0x7FA]  }
0x241: {  	[hbm4b:s22+s11] =	stream.strided.scatter [tilespmem:s18], [sflag:$0x3], $0xC80, s7, s11, $0x38;
	[tilespmem:$0x1F400] =	vst v63  }
0x242: {  	s24 =	sadd.s32 s16, s19;
	s25 =	sld [smem:$0x7FB]  }
0x243: {  	[hbm4b:s24+s11] =	stream.strided.scatter [tilespmem:s23], [sflag:$0x3], $0xC80, s7, s11, $0x38;
	[tilespmem:$0x1F400] =	vst v63  }
0x244: {  	s26 =	sadd.s32 s16, s21;
	s28 =	sld [smem:$0x7FC]  }
0x245: {  	[hbm4b:s26+s11] =	stream.strided.scatter [tilespmem:s25], [sflag:$0x3], $0xC80, s7, s11, $0x38;
	[tilespmem:$0x1F400] =	vst v63  }
0x246: {  	s29 =	sld [smem:$0x7FD];
	s0 =	sadd.s32 s16, s0  }
0x247: {  	[hbm4b:s0+s11] =	stream.strided.scatter [tilespmem:s28], [sflag:$0x3], $0xC80, s7, s11, $0x38;
	[tilespmem:$0x1F400] =	vst v63  }
0x248: {  	s30 =	sadd.s32 s16, s20  }
0x249: {  	[hbm4b:s30+s11] =	stream.strided.scatter [tilespmem:s29], [sflag:$0x3], $0xC80, s7, s11, $0x38;
	[tilespmem:$0x1F400] =	vst v63  }
0x24a: {  	_ =	swait.ge [sflag:s13], $0xC80  }
0x24b: {  	[sflag:s13] =	ssyncset.done $0x0  }
0x24c: {  	[sflag:s13] =	ssyncadd.s32 $0xFFFFF380  }
0x24d: {  	_ =	swait.ge [sflag:s13], $0xC80  }
0x24e: {  	[sflag:s13] =	ssyncset.done $0x0  }
0x24f: {  	[sflag:s13] =	ssyncadd.s32 $0xFFFFF380  }
0x250: {  	_ =	swait.ge [sflag:s13], $0xC80  }
0x251: {  	[sflag:s13] =	ssyncset.done $0x0  }
0x252: {  	[sflag:s13] =	ssyncadd.s32 $0xFFFFF380  }
0x253: {  	_ =	swait.ge [sflag:s13], $0xC80  }
0x254: {  	[sflag:s13] =	ssyncset.done $0x0  }
0x255: {  	[sflag:s13] =	ssyncadd.s32 $0xFFFFF380  }
0x256: {  	_ =	swait.ge [sflag:s13], $0xC80  }
0x257: {  	[sflag:s13] =	ssyncset.done $0x0  }
0x258: {  	[sflag:s13] =	ssyncadd.s32 $0xFFFFF380  }
0x259: {  	_ =	swait.ge [sflag:s13], $0xC80  }
0x25a: {  	[sflag:s13] =	ssyncset.done $0x0  }
0x25b: {  	[sflag:s13] =	ssyncadd.s32 $0xFFFFF380  }
0x25c: {  	_ =	swait.ge [sflag:s13], $0xC80  }
0x25d: {  	[sflag:s13] =	ssyncset.done $0x0  }
0x25e: {  	[sflag:s13] =	ssyncadd.s32 $0xFFFFF380  }
0x25f: {  	_ =	swait.ge [sflag:s13], $0xC80  }
0x260: {  	[sflag:s13] =	ssyncset.done $0x0  }
0x261: {  	[sflag:s13] =	ssyncadd.s32 $0xFFFFF380  }
0x262: {  	_ =	swait.ge [sflag:s13], $0xC80  }
0x263: {  	[sflag:s13] =	ssyncset.done $0x0  }
0x264: {  	[sflag:s13] =	ssyncadd.s32 $0xFFFFF380  }
0x265: {  	_ =	swait.ge [sflag:s13], $0xC80  }
0x266: {  	[sflag:s13] =	ssyncset.done $0x0  }
0x267: {  	[sflag:s13] =	ssyncadd.s32 $0xFFFFF380  }
0x268: {  	_ =	swait.ge [sflag:s13], $0xC80  }
0x269: {  	[sflag:s13] =	ssyncset.done $0x0  }
0x26a: {  	[sflag:s13] =	ssyncadd.s32 $0xFFFFF380  }
0x26b: {  	_ =	swait.ge [sflag:s13], $0xC80  }
0x26c: {  	[sflag:s13] =	ssyncset.done $0x0  }
0x26d: {  	[sflag:s13] =	ssyncadd.s32 $0xFFFFF380  }
0x26e: {  	_ =	swait.ge [sflag:s13], $0xC80  }
0x26f: {  	[sflag:s13] =	ssyncset.done $0x0  }
0x270: {  	[sflag:s13] =	ssyncadd.s32 $0xFFFFF380  }
0x271: {  	_ =	swait.ge [sflag:s13], $0xC80  }
0x272: {  	[sflag:s13] =	ssyncset.done $0x0  }
0x273: {  	[sflag:s13] =	ssyncadd.s32 $0xFFFFF380  }
0x274: {  	_ =	swait.ge [sflag:s13], $0xC80  }
0x275: {  	[sflag:s13] =	ssyncset.done $0x0  }
0x276: {  	[sflag:s13] =	ssyncadd.s32 $0xFFFFF380  }
0x277: {  	_ =	swait.ge [sflag:s13], $0xC80  }
0x278: {  	[sflag:s13] =	ssyncset.done $0x0  }
0x279: {  	[sflag:s13] =	ssyncadd.s32 $0xFFFFF380  }
0x27a: {  	_ =	swait.ge [sflag:s14], $0xC80  }
0x27b: {  	[sflag:s14] =	ssyncset.done $0x0  }
0x27c: {  	[sflag:s14] =	ssyncadd.s32 $0xFFFFF380  }
0x27d: {  	_ =	swait.ge [sflag:s14], $0xC80  }
0x27e: {  	[sflag:s14] =	ssyncset.done $0x0  }
0x27f: {  	[sflag:s14] =	ssyncadd.s32 $0xFFFFF380  }
0x280: {  	_ =	swait.ge [sflag:s14], $0xC80  }
0x281: {  	[sflag:s14] =	ssyncset.done $0x0  }
0x282: {  	[sflag:s14] =	ssyncadd.s32 $0xFFFFF380  }
0x283: {  	_ =	swait.ge [sflag:s14], $0xC80  }
0x284: {  	[sflag:s14] =	ssyncset.done $0x0  }
0x285: {  	[sflag:s14] =	ssyncadd.s32 $0xFFFFF380  }
0x286: {  	_ =	swait.ge [sflag:s14], $0xC80  }
0x287: {  	[sflag:s14] =	ssyncset.done $0x0  }
0x288: {  	[sflag:s14] =	ssyncadd.s32 $0xFFFFF380  }
0x289: {  	_ =	swait.ge [sflag:s14], $0xC80  }
0x28a: {  	[sflag:s14] =	ssyncset.done $0x0  }
0x28b: {  	[sflag:s14] =	ssyncadd.s32 $0xFFFFF380  }
0x28c: {  	_ =	swait.ge [sflag:s14], $0xC80  }
0x28d: {  	[sflag:s14] =	ssyncset.done $0x0  }
0x28e: {  	[sflag:s14] =	ssyncadd.s32 $0xFFFFF380  }
0x28f: {  	_ =	swait.ge [sflag:s14], $0xC80  }
0x290: {  	[sflag:s14] =	ssyncset.done $0x0  }
0x291: {  	[sflag:s14] =	ssyncadd.s32 $0xFFFFF380  }
0x292: {  	_ =	swait.ge [sflag:s14], $0xC80  }
0x293: {  	[sflag:s14] =	ssyncset.done $0x0  }
0x294: {  	[sflag:s14] =	ssyncadd.s32 $0xFFFFF380  }
0x295: {  	_ =	swait.ge [sflag:s14], $0xC80  }
0x296: {  	[sflag:s14] =	ssyncset.done $0x0  }
0x297: {  	[sflag:s14] =	ssyncadd.s32 $0xFFFFF380  }
0x298: {  	_ =	swait.ge [sflag:s14], $0xC80  }
0x299: {  	[sflag:s14] =	ssyncset.done $0x0  }
0x29a: {  	[sflag:s14] =	ssyncadd.s32 $0xFFFFF380  }
0x29b: {  	_ =	swait.ge [sflag:s14], $0xC80  }
0x29c: {  	[sflag:s14] =	ssyncset.done $0x0  }
0x29d: {  	[sflag:s14] =	ssyncadd.s32 $0xFFFFF380  }
0x29e: {  	_ =	swait.ge [sflag:s14], $0xC80  }
0x29f: {  	[sflag:s14] =	ssyncset.done $0x0  }
0x2a0: {  	[sflag:s14] =	ssyncadd.s32 $0xFFFFF380  }
0x2a1: {  	_ =	swait.ge [sflag:s14], $0xC80  }
0x2a2: {  	[sflag:s14] =	ssyncset.done $0x0  }
0x2a3: {  	[sflag:s14] =	ssyncadd.s32 $0xFFFFF380  }
0x2a4: {  	_ =	swait.ge [sflag:s14], $0xC80  }
0x2a5: {  	[sflag:s14] =	ssyncset.done $0x0  }
0x2a6: {  	[sflag:s14] =	ssyncadd.s32 $0xFFFFF380  }
0x2a7: {  	_ =	swait.ge [sflag:s14], $0xC80  }
0x2a8: {  	s31 =	sld [smem:$0x7F6];
	_ =	sdelay $0x1  }
0x2a9: {  	s15 =	sadd.s32 $0x1, s15  }
0x2aa: {  	p0 =	sne.s32 s15, s31  }
.Ltmp1:
0x2ab: {  	_ = 	snop;
	(pc) =	sbr.rel @p0 .LBB2_1-.Ltmp1, $3  }
0x2ac: {  	_ =	sdelay $0x1  }
0x2ad: {  	[sflag:s14] =	ssyncset.done $0x0  }
0x2ae: {  	[sflag:s14] =	ssyncadd.s32 $0xFFFFF380  }
0x2af: {  	_ =	sfence.sel $0x180000  }
0x2b0: {  	[bflag:$0x0] =	sbarrier.arrive $0xFFFF  }
0x2b1: {  	_ =	strace $0x90000047  }
0x2b2: {  	s0 =	stileid.u32;
	[bflag:$0x2] =	sbarrier.arrive $0xFFFF  }
0x2b3: {  	p0 =	sne.s32 s0, $0x0;
	s0 =	rddreg [dreg:$0x2]  }
0x2b4: {  	s0 =	sadd.s32 @!p0 $0x100000, s0  }
0x2b5: {  	[sflag:s0] =	ssyncadd.tile.s32 @!p0 $0x1;
	_ =	shalt  }
.Lfunc_end2:
_tile_overlayer_lowered:
.L_overlay_start_2:
0x2b6: {  	(tag) =	ssettag $0x2  }
0x2b7: {  	s0 =	rddreg [dreg:$0x0];
	s2 =	stileid.u32  }
0x2b8: {  	s1 =	rddreg [dreg:$0x1];
	p0 =	sne.s32 s2, $0x0  }
0x2b9: {  	s3 =	rddreg [dreg:$0x2];
	[bflag:$0x3] =	sbarrier.arrive $0xFFFF;
	s2 =	simm.s32 @!p0 $0x1C04  }
0x2ba: {  	[timem:s3], [sflag:s2] =	dma.local @!p0 [hbm:s0], s1  }
0x2bb: {  	s0 =	simm.s32 @!p0 $0x4  }
0x2bc: {  	_ =	swait.ge @!p0 [sflag:s0], s1  }
0x2bd: {  	s1 =	ssub.s32 @!p0 $0x0, s1;
	[sflag:s0] =	ssyncset.done @!p0 $0x0  }
0x2be: {  	[sflag:s0] =	ssyncadd.s32 @!p0 s1  }
0x2bf: {  	[bflag:$0x3] =	sbarrier.arrive $0xFFFF  }
0x2c0: {  	_ =	shalt  }

// kernel: sparse-core-data-format-call.cloned.1.call-start
scs
called_computation_lowered:
.L_overlay_start_0:
0x0: {  	s2 =	sld [smem:$0x3FD9]  }
0x1: {  	s3 =	sld [smem:$0x3FFE];
	_ =	sdelay $0x1  }
0x2: {  	s1 =	srdreg.scid  }
0x3: {  	s0 =	sand.u32 $0x1, s1  }
0x4: {  	s18 =	sshll.u32 s0, $0xA;
	s2 =	sadd.s32 s3, s2  }
0x5: {  	s2 =	sadd.s32 s2, s18  }
0x6: {  	[smem:$0x3FC6] =	sst s2  }
0x7: {  	_ = 	snop  }
0x8: {  	s2 =	sld [smem:$0x3FD0];
	(tm) =	ssettm $0x1  }
0x9: {  	s19 =	sld [smem:$0x3FFB];
	_ =	sdelay $0x3  }
0xa: {  	_ =	strace s19  }
0xb: {  	s3 =	sld [smem:$0x3FFC];
	_ =	sdelay $0x3  }
0xc: {  	_ =	strace s3  }
0xd: {  	s3 =	sld [smem:$0x3FFD];
	_ =	sdelay $0x3  }
0xe: {  	_ =	strace s3  }
0xf: {  	_ =	strace $0x8FFFFFFF  }
0x10: {  	s20 =	sld [smem:$0x3FDB];
	_ =	sdelay $0x1  }
0x11: {  	s4 =	simm.s32 $_scs_section_size  }
0x12: {  	s5 =	simm.s32 $_size__tile_overlayer_lowered;
	s6 =	simm.s32 $_tile_overlayer_lowered  }
0x13: {  	s23 =	simm.s32 $0x1BFF;
	s22 =	sshll.u32 s6, $0x1;
	s3 =	sadd.s32 s4, s20  }
0x14: {  	s7 =	simm.s32 $0x0;
	s21 =	sshll.u32 s5, $0x1;
	s5 =	sadd.s32 s22, s3  }
0x15: {  	[timem:s7], [sflag:s23] =	dma.local [hbm:s5], s21  }
0x16: {  	_ =	swait.ge [sflag:s23], s21  }
0x17: {  	s4 =	ssub.s32 $0x0, s21;
	[sflag:s23] =	ssyncset.done $0x0  }
0x18: {  	[sflag:s23] =	ssyncadd.s32 s4;
	_ =	sdelay $0x1  }
0x19: {  	s24 =	simm.s32 $0x1B8B  }
0x1a: {  	_ =	swait.ge [sflag:s24], $0x1  }
0x1b: {  	[sflag:s24] =	ssyncset.done $0x0  }
0x1c: {  	s26 =	simm.s32 $0x1B8E;
	s25 =	sld [smem:$0x3FFE];
	[sflag:s24] =	ssyncadd.s32 $0xFFFFFFFF  }
0x1d: {  	s27 =	simm.s32 $execute0_lowered;
	[smem:$0x3FD2] =	sst s26  }
0x1e: {  	s5 =	sshll.u32 s27, $0x1;
	_ =	strace $0x80000049;
	[dreg:$0x1] =	wrdreg $0xFFFFFFFF  }
0x1f: {  	s28 =	simm.s32 $_size_execute0_lowered;
	s3 =	sadd.s32 s3, s5;
	[dreg:$0x0] =	wrdreg $0x0  }
0x20: {  	s5 =	sshll.u32 s28, $0x1;
	[dreg:$0x2] =	wrdreg s3  }
0x21: {  	[dreg:$0x3] =	wrdreg s5  }
0x22: {  	[dreg:$0x4] =	wrdreg $0xC0  }
0x23: {  	_ =	task [dreg:s7], $0x5FFFF  }
0x24: {  	[dreg:$0x1] =	wrdreg $0xFFFFFFFF  }
0x25: {  	[dreg:$0x0] =	wrdreg $0x60  }
0x26: {  	[dreg:$0x2] =	wrdreg s25  }
0x27: {  	[dreg:$0x3] =	wrdreg s2  }
0x28: {  	[dreg:$0x4] =	wrdreg $0x9  }
0x29: {  	_ =	task.clear_ibuf [dreg:s7], $0x5FFFF;
	_ =	strace $0x90000049  }
0x2a: {  	s29 =	simm.s32 $0x9;
	_ =	strace $0x8000004B  }
0x2b: {  	_ =	swait.ge [sflag:s29], $0x1  }
0x2c: {  	[sflag:s29] =	ssyncadd.s32 $0xFFFFFFFF  }
0x2d: {  	_ =	strace $0x9000004B  }
0x2e: {  	_ =	sfence  }
0x2f: {  	s30 =	sld [smem:$0x0];
	_ =	sdelay $0x2  }
0x30: {  	s31 =	sshll.u32 s1, $0xD;
	s1 =	sshrl.u32 s1, $0x2  }
0x31: {  	s3 =	sand.u32 $0x4000, s31;
	s1 =	sadd.s32 s1, s30  }
0x32: {  	s0 =	sor.u32 s3, s0;
	s1 =	sshll.u32 s1, $0x11  }
0x33: {  	s0 =	sor.u32 s1, s0  }
0x34: {  	s0 =	sadd.s32 $0x8F2B, s0  }
0x35: {  	[sflag:s0] =	ssyncadd.remote.s32 $0x1  }
0x36: {  	_ =	sfence.sel $0xFFFF  }
0x37: {  	[dreg:$0x0] =	wrdreg $0xFFFFFFFF;
	(pc) =	sbr.abs _section_cstart, $3  }
0x38: {  	[dreg:$0x1] =	wrdreg $0xFFFFFFFF  }
0x39: {  	_ =	task.clear_ibuf [dreg:s7], $0x2FFFF;
	_ =	strace $0x9FFFFFFF  }
0x3a: {  	(tm) =	ssettm $0x7FFFFFFF  }
0x3b: {  	_ =	shalt  }
tec
execute0_lowered:
.L_overlay_start_1:
0x0: {  	(tag) =	ssettag $0x1  }
0x1: {  	s0 =	srdreg.scid  }
0x2: {  	s1 =	sshll.u32 s0, $0x4  }
0x3: {  	s0 =	stileid.u32;
	s1 =	sand.u32 $0x10, s1  }
0x4: {  	s1 =	sor.u32 s0, s1  }
0x5: {  	s6 =	rddreg [dreg:$0x0];
	s4 =	simm.s32 $0x1;
	s2 =	sshll.u32 s1, $0x7  }
0x6: {  	s7 =	simm.s32 $0x2;
	s12 =	simm.s32 $0x0;
	s1 =	ssub.s32 $0x4000, s2  }
0x7: {  	s8 =	simm.s32 $0x20000;
	s13 =	simm.s32 $0x0;
	s3 =	sand.u32 $0xF80, s1  }
0x8: {  	s9 =	simm.s32 $0x0;
	s5 =	sshrl.u32 s1, $0xC;
	p0 =	sne.s32 s3, $0x0  }
.Ltmp0:
0x9: {  	s1 =	rddreg [dreg:$0x2];
	s4 =	simm.s32 @!p0 $0x0;
	(pc) =	sbr.rel .LBB1_1-.Ltmp0, $4  }
0xa: {  	s11 =	simm.s32 $0x0;
	s3 =	rddreg [dreg:$0x1];
	s5 =	sadd.s32 s4, s5  }
0xb: {  	_ =	strace $0x8000004A;
	s4 =	simm.s32 $0x1;
	s5 =	smul.u32 $0x32, s5  }
0xc: {  	s6 =	sadd.s32 $0xA00, s6;
	s10 =	smov.u32 s2;
	[sflag:s4] =	ssyncpa.u1 $0x0  }
0xd: {  	p0 =	por $0x0, $0x0;
	[sflag:s7] =	ssyncpa.u1 $0x0;
	s7 =	sor.u32 $0x1, s5  }
.LBB1_4:
0xe: {  	s16 =	sshll.u32 s13, $0x3;
	s17 =	sand.u32 $0x78, s13  }
0xf: {  	s30 =	sand.u32 $0x1F800, s13;
	s12 =	sshll.u32 s12, $0x11;
	s16 =	sand.u32 $0x3C00, s16  }
0x10: {  	[tilespmem:s15+$0x810 ss:$0x81] =	vst.msk $0xffff, v2;
	s31 =	sand.u32 $0x7, s13;
	s16 =	sor.u32 s17, s16;
	s17 =	sadd.s32 s3, s30  }
0x11: {  	[tilespmem:s15+$0x1020 ss:$0x81] =	vst.msk $0xffff, v0;
	s13 =	sshll.u32 s31, $0x12;
	s12 =	sadd.s32 s12, s17;
	s16 =	sshrl.u32 s16, $0x3  }
0x12: {  	[tilespmem:s15+$0x0 ss:$0x81] =	vst.msk $0xffff, v1;
	s13 =	sor.u32 $0x400, s13;
	s12 =	sadd.s32 s16, s12  }
0x13: {  	[hbm4b:s12+s13] =	stream.strided.scatter [tilespmem:s14], [sflag:$0x2], $0x2000, s8, s13, $0x20;
	[tilespmem:$0x8080] =	vst v63  }
.LBB1_5:
0x14: {  	s14 =	sadd.s32 $0x1, s9  }
0x15: {  	s12 =	sadd.s32 $0x1000, s10;
	s16 =	smov.u32 s10;
	p2 =	sgt.s32 s14, $0x31  }
0x16: {  	s16 =	smov.u32 @p2 s12  }
0x17: {  	s14 =	simm.s32 @p2 $0x0;
	p2 =	sgt.s32 s16, $0x3FFF  }
0x18: {  	s16 =	smov.u32 @p2 s2;
	p2 =	sne.s32 s11, s7  }
.Ltmp1:
0x19: {  	p1 =	slt.u32 s11, $0x2;
	(pc) =	sbr.rel @!p2 .LBB1_6-.Ltmp1, $4  }
0x1a: {  	s15 =	simm.s32 @!p1 $0x2  }
0x1b: {  	s13 =	smov.u32 s10;
	p0 =	por !p0, !p0;
	_ =	swait.ge @!p1 [sflag:s15], $0x2000  }
0x1c: {  	s12 =	smov.u32 s9;
	[sflag:s15] =	ssyncset.done @!p1 $0x0;
	s9 =	smov.u32 s14  }
0x1d: {  	s11 =	sadd.s32 $0x1, s11;
	[sflag:s15] =	ssyncadd.s32 @!p1 $0xFFFFE000;
	s10 =	smov.u32 s16  }
.LBB1_1:
0x1e: {  	p1 =	sge.u32 s11, s5  }
0x1f: {  	s14 =	sand.u32 @!p1 $0x1FFFFFF, s9  }
0x20: {  	s15 =	smulhi.u32 @!p1 $0x4924925, s14;
	_ =	sdelay $0x1  }
0x21: {  	s15 =	smul.u32 @!p1 $0x38, s15  }
0x22: {  	s16 =	sxor.u32 @!p1 $0xFFFFFFFF, s11;
	s17 =	smul.u32 @!p1 $0x380, s10  }
0x23: {  	s31 =	sadd.s32 $0xFFFFFFFF, s11;
	s16 =	sshll.u32 @!p1 s16, $0xD;
	s14 =	ssub.s32 @!p1 s14, s15  }
0x24: {  	s15 =	sand.u32 @!p1 $0x2000, s16;
	s16 =	sadd.s32 @!p1 s6, s17;
	s14 =	sshll.u32 @!p1 s14, $0x4  }
0x25: {  	s17 =	simm.s32 @!p1 $0x1C00;
	s14 =	sadd.s32 @!p1 s14, s16;
	s16 =	simm.s32 @!p1 $0x40  }
0x26: {  	[tilespmem:s15], [sflag:$0x1] =	stream.strided.gather @!p1 [hbm4b:s14+s16], $0x2000, s17, s16, $0x38;
	[tilespmem:$0x8080] =	vst v63  }
0x27: {  	p1 =	sge.u32 s31, s5  }
.Ltmp2:
0x28: {  	_ = 	snop;
	(pc) =	sbr.rel @p1 .LBB1_5-.Ltmp2, $1  }
0x29: {  	_ =	sdelay $0x3  }
0x2a: {  	s14 =	simm.s32 $0x1  }
0x2b: {  	_ =	swait.ge [sflag:s4], $0x2000;
	s14 =	simm.s32 @!p0 $0x0  }
0x2c: {  	[sflag:s4] =	ssyncset.done $0x0;
	s15 =	sshll.u32 s14, $0xD  }
0x2d: {  	[sflag:s4] =	ssyncadd.s32 $0xFFFFE000;
	s18 =	sor.u32 $0x20, s15  }
0x2e: {  	s14 =	smul.u32 $0x8100, s14;
	v3 =	vld [tilespmem:s18+$0x10]  }
0x2f: {  	s30 =	sand.u32 $0x1, s11;
	v2 =	vld [tilespmem:s18+$0xFFFFFFF0]  }
0x30: {  	s15 =	smul.u32 $0x8100, s30;
	s14 =	sshrl.u32 s14, $0x2;
	v0 =	vld [tilespmem:s18+$0x0]  }
0x31: {  	v1 =	vld [tilespmem:s18+$0xFFFFFFE0];
	s16 =	sor.u32 $0x4000, s14  }
0x32: {  	s31 =	sshrl.u32 s15, $0x2;
	s15 =	sadd.s32 $0x0, s16  }
0x33: {  	s17 =	simm.s32 $0x4;
	s18 =	sadd.s32 $0x40, s18;
	s14 =	sor.u32 $0x4000, s31;
	[tilespmem:s15+$0x1830 ss:$0x81] =	vst.msk $0xffff, v3  }
.LBB1_3:
0x34: {  	v3 =	vld [tilespmem:s18+$0x10];
	p1 =	sne.s32 s17, $0x1FC;
	[tilespmem:s15+$0x810 ss:$0x81] =	vst.msk $0xffff, v2;
	s19 =	smov.u32 s17;
	s17 =	sadd.s32 $0x4, s17  }
.Ltmp3:
0x35: {  	v2 =	vld [tilespmem:s18+$0xFFFFFFF0];
	[tilespmem:s15+$0x1020 ss:$0x81] =	vst.msk $0xffff, v0;
	(pc) =	sbr.rel @p1 .LBB1_3-.Ltmp3, $4  }
0x36: {  	v0 =	vld [tilespmem:s18+$0x0];
	[tilespmem:s15+$0x0 ss:$0x81] =	vst.msk $0xffff, v1  }
0x37: {  	s15 =	sshra.s32 s19, $0x2;
	v1 =	vld [tilespmem:s18+$0xFFFFFFE0]  }
0x38: {  	s15 =	sadd.s32 s15, s16  }
0x39: {  	s18 =	sadd.s32 $0x40, s18;
	[tilespmem:s15+$0x1830 ss:$0x81] =	vst.msk $0xffff, v3  }
.Ltmp4:
0x3a: {  	_ = 	snop;
	(pc) =	sbr.rel .LBB1_4-.Ltmp4, $1  }
0x3b: {  	_ =	sdelay $0x3  }
.LBB1_6:
0x3c: {  	_ =	sfence.sel $0x180000  }
0x3d: {  	s2 =	simm.s32 $0x1;
	[bflag:$0x0] =	sbarrier.arrive $0xFFFF  }
0x3e: {  	s31 =	simm.s32 $0x2;
	[sflag:s2] =	ssyncpa.u1 $0x1  }
0x3f: {  	[sflag:s31] =	ssyncpa.u1 $0x1  }
0x40: {  	p0 =	sne.s32 s0, $0x0;
	_ =	strace $0x9000004A  }
0x41: {  	s0 =	sadd.s32 @!p0 $0x100000, s1;
	[bflag:$0x2] =	sbarrier.arrive $0xFFFF  }
0x42: {  	[sflag:s0] =	ssyncadd.tile.s32 @!p0 $0x1;
	_ =	shalt  }
.Lfunc_end1:
_tile_overlayer_lowered:
.L_overlay_start_2:
0x43: {  	(tag) =	ssettag $0x2  }
0x44: {  	s0 =	rddreg [dreg:$0x0];
	s2 =	stileid.u32  }
0x45: {  	s1 =	rddreg [dreg:$0x1];
	p0 =	sne.s32 s2, $0x0  }
0x46: {  	s3 =	rddreg [dreg:$0x2];
	[bflag:$0x3] =	sbarrier.arrive $0xFFFF;
	s2 =	simm.s32 @!p0 $0x1C01  }
0x47: {  	[timem:s3], [sflag:s2] =	dma.local @!p0 [hbm:s0], s1  }
0x48: {  	s0 =	simm.s32 @!p0 $0x1  }
0x49: {  	_ =	swait.ge @!p0 [sflag:s0], s1  }
0x4a: {  	s1 =	ssub.s32 @!p0 $0x0, s1;
	[sflag:s0] =	ssyncset.done @!p0 $0x0  }
0x4b: {  	[sflag:s0] =	ssyncadd.s32 @!p0 s1  }
0x4c: {  	[bflag:$0x3] =	sbarrier.arrive $0xFFFF  }
0x4d: {  	_ =	shalt  }

</sc_bundles>
